<compile_context>
chip_gen: v7x
topology: tpu7x:2x2x1
jax: 0.10.2.dev20260603
libtpu: 0.0.44.dev20260713+nightly
codegen_flags: <defaults>
</compile_context>

<pallas_src>
import jax
import jax.numpy as jnp
from jax import lax
from jax.experimental import pallas as pl
from jax.experimental.pallas import tpu as pltpu
from jax.experimental.pallas import tpu_sc as plsc

_B, _N, _C = 2, 1250, 4
_D = 512
_NODES = _B * _N * _C
_E = 160000
_BM = 2000
_TPAD = 256

_NC = 2
_NS = 16
_NW = _NC * _NS
_EPT = _E // _NW
_NCHUNK = _EPT // 16
_NBKT = 10
_BKT = _NODES // _NBKT
_NBLK = 5
_BLK = 2000
_ACCR = 1024
_TRASH = 1016
_ROWS = 64
_CAP = 5120
_L2CAP = 10176
_BIGSRC = 1 << 20
_HISTR = 80



def _k1_body(idx_ref, table_ref, win_ref, bin_ref, w1p_ref, b1p_ref, w1r_ref,
             xp_ref, yr_ref):
    idx = idx_ref[0, 0, :]
    onehot = (idx[:, None] == lax.broadcasted_iota(jnp.int32, (_BM, _TPAD), 1)).astype(jnp.bfloat16)
    embed = jnp.dot(onehot, table_ref[...], preferred_element_type=jnp.float32)
    h = jnp.dot(embed.astype(jnp.bfloat16), win_ref[...],
                preferred_element_type=jnp.float32) + bin_ref[...]
    xp = jax.nn.relu(
        jnp.dot(h.astype(jnp.bfloat16), w1p_ref[...],
                preferred_element_type=jnp.float32) + b1p_ref[...]
    ).astype(jnp.bfloat16)
    xp_ref[...] = xp
    yr_ref[...] = jnp.dot(xp, w1r_ref[...], preferred_element_type=jnp.float32)


def _k1(idx_all, table, win, bin_, w1p, b1p, w1r):
    grid = _NODES // _BM
    idx3 = idx_all.reshape(grid, 1, _BM)
    full = lambda i: (0, 0)
    return pl.pallas_call(
        _k1_body,
        grid=(grid,),
        in_specs=[
            pl.BlockSpec((1, 1, _BM), lambda i: (i, 0, 0)),
            pl.BlockSpec((_TPAD, _D), full),
            pl.BlockSpec((_D, _D), full),
            pl.BlockSpec((1, _D), full),
            pl.BlockSpec((_D, _D), full),
            pl.BlockSpec((1, _D), full),
            pl.BlockSpec((_D, _D), full),
        ],
        out_specs=[
            pl.BlockSpec((_BM, _D), lambda i: (i, 0)),
            pl.BlockSpec((_BM, _D), lambda i: (i, 0)),
        ],
        out_shape=[
            jax.ShapeDtypeStruct((_NODES, _D), jnp.bfloat16),
            jax.ShapeDtypeStruct((_NODES, _D), jnp.float32),
        ],
    )(idx3, table, win, bin_.reshape(1, _D), w1p, b1p.reshape(1, _D), w1r)


def _norm_from(p_ref, cinv_ref, yr_ref, wl_ref, bl_ref):
    mean = (p_ref[...].astype(jnp.float32) * cinv_ref[...]).astype(jnp.bfloat16)
    out = (
        jnp.dot(mean, wl_ref[...], preferred_element_type=jnp.float32)
        + bl_ref[...]
        + yr_ref[...]
    )
    ssq = jnp.sum(out * out, axis=-1, keepdims=True)
    return out / jnp.maximum(jnp.sqrt(ssq), 1e-12)


def _k2_body(p_ref, cinv_ref, yr_ref, wl_ref, bl_ref, wp_ref, bp_ref, wr_ref,
             xp_ref, yr2_ref):
    x1 = _norm_from(p_ref, cinv_ref, yr_ref, wl_ref, bl_ref).astype(jnp.bfloat16)
    xp = jax.nn.relu(
        jnp.dot(x1, wp_ref[...], preferred_element_type=jnp.float32) + bp_ref[...]
    ).astype(jnp.bfloat16)
    xp_ref[...] = xp
    yr2_ref[...] = jnp.dot(xp, wr_ref[...], preferred_element_type=jnp.float32)


def _k2(part, cnt_inv, yr, wl, bl, wp, bp, wr):
    grid = _NODES // _BM
    full = lambda i: (0, 0)
    return pl.pallas_call(
        _k2_body,
        grid=(grid,),
        in_specs=[
            pl.BlockSpec((_BM, _D), lambda i: (i, 0)),
            pl.BlockSpec((_BM, 1), lambda i: (i, 0)),
            pl.BlockSpec((_BM, _D), lambda i: (i, 0)),
            pl.BlockSpec((_D, _D), full),
            pl.BlockSpec((1, _D), full),
            pl.BlockSpec((_D, _D), full),
            pl.BlockSpec((1, _D), full),
            pl.BlockSpec((_D, _D), full),
        ],
        out_specs=[
            pl.BlockSpec((_BM, _D), lambda i: (i, 0)),
            pl.BlockSpec((_BM, _D), lambda i: (i, 0)),
        ],
        out_shape=[
            jax.ShapeDtypeStruct((_NODES, _D), jnp.bfloat16),
            jax.ShapeDtypeStruct((_NODES, _D), jnp.float32),
        ],
    )(part, cnt_inv, yr, wl, bl.reshape(1, _D), wp, bp.reshape(1, _D), wr)


def _k3_body(p_ref, cinv_ref, yr_ref, wl_ref, bl_ref, out_ref):
    out_ref[...] = _norm_from(p_ref, cinv_ref, yr_ref, wl_ref, bl_ref)


def _k3(part, cnt_inv, yr, wl, bl):
    grid = _NODES // _BM
    full = lambda i: (0, 0)
    return pl.pallas_call(
        _k3_body,
        grid=(grid,),
        in_specs=[
            pl.BlockSpec((_BM, _D), lambda i: (i, 0)),
            pl.BlockSpec((_BM, 1), lambda i: (i, 0)),
            pl.BlockSpec((_BM, _D), lambda i: (i, 0)),
            pl.BlockSpec((_D, _D), full),
            pl.BlockSpec((1, _D), full),
        ],
        out_specs=pl.BlockSpec((_BM, _D), lambda i: (i, 0)),
        out_shape=jax.ShapeDtypeStruct((_NODES, _D), jnp.float32),
    )(part, cnt_inv, yr, wl, bl.reshape(1, _D))



_SC_MESH = plsc.VectorSubcoreMesh(core_axis_name="c", subcore_axis_name="s")
_SC_PARAMS = pltpu.CompilerParams(use_tc_tiling_on_sc=False,
                                  needs_layout_passes=False)


def _prep_body(src_hbm, dst_hbm, cnt_hbm, glist_hbm, nch_hbm,
               src_v, dst_v, hist_v, lsrc_v, ldst_v, cnts_v, cnt_sh, sem):
    c = lax.axis_index("c")
    s = lax.axis_index("s")
    wid = s * _NC + c
    pltpu.sync_copy(src_hbm.at[pl.ds(wid * _EPT, _EPT)], src_v.at[pl.ds(0, _EPT)])
    pltpu.sync_copy(dst_hbm.at[pl.ds(wid * _EPT, _EPT)], dst_v.at[pl.ds(0, _EPT)])

    zero16 = jnp.zeros((16,), jnp.float32)
    lanes = lax.iota(jnp.int32, 16)

    def zero_hist(t, carry):
        hist_v[t // 8, pl.ds((t % 8) * 16, 16)] = zero16
        return carry
    lax.fori_loop(0, _HISTR * 8, zero_hist, 0)

    @pl.when(s < 10)
    def _zero_sh():
        pltpu.sync_copy(hist_v.at[pl.ds(s * 8, 8)], cnt_sh.at[pl.ds(s * 8, 8)])
    plsc.subcore_barrier()

    ones = jnp.ones((16,), jnp.float32)

    def count(i, carry):
        nlanes = jnp.where(i == _NCHUNK, 8, 16)
        m = lanes < nlanes
        d = dst_v[pl.ds(i * 16, 16)]
        plsc.addupdate_scatter(hist_v, [lax.shift_right_logical(d, 7), d & 127],
                               ones, mask=m)
        return carry
    lax.fori_loop(0, _NCHUNK + 1, count, 0)

    for k in range(_HISTR // 16):
        idxv = lax.iota(jnp.int32, 16) + k * 16
        pltpu.sync_copy(hist_v.at[pl.ds(k * 16, 16)], cnt_sh.at[idxv], add=True)
    plsc.subcore_barrier()

    @pl.when(s < 10)
    def _writeback():
        pltpu.sync_copy(cnt_sh.at[pl.ds(s * 8, 8)], cnt_hbm.at[c, pl.ds(s * 8, 8)])

    def filt(i, ns):
        nlanes = jnp.where(i == _NCHUNK, 8, 16)
        m = lanes < nlanes
        d = dst_v[pl.ds(i * 16, 16)]
        sv = src_v[pl.ds(i * 16, 16)]
        out = []
        for q in range(_NBKT):
            inb = m & (d >= q * _BKT) & (d < (q + 1) * _BKT)
            plsc.store_compressed(lsrc_v.at[pl.ds(q * _CAP + ns[q], 16)], sv, mask=inb)
            plsc.store_compressed(ldst_v.at[pl.ds(q * _CAP + ns[q], 16)], d - q * _BKT,
                                  mask=inb)
            out.append(ns[q] + jnp.sum(inb.astype(jnp.int32)))
        return tuple(out)
    ns = lax.fori_loop(0, _NCHUNK + 1, filt, (0,) * _NBKT)

    trash16 = jnp.full((16,), _TRASH, jnp.int32)
    big16 = jnp.full((16,), _BIGSRC, jnp.int32)
    for q in range(_NBKT):
        for t in range(2):
            lsrc_v[pl.ds(q * _CAP + ns[q] + t * 16, 16)] = big16
            ldst_v[pl.ds(q * _CAP + ns[q] + t * 16, 16)] = trash16
        n1ch = (ns[q] + 15) // 16
        cnts_v[pl.ds(q * 16, 16)] = jnp.full((16,), n1ch, jnp.int32)
        pltpu.sync_copy(lsrc_v.at[pl.ds(q * _CAP, _CAP)], glist_hbm.at[wid, q, 0])
        pltpu.sync_copy(ldst_v.at[pl.ds(q * _CAP, _CAP)], glist_hbm.at[wid, q, 1])
    pltpu.sync_copy(cnts_v, nch_hbm.at[wid])


def _sc_prep(src, dst):
    return pl.kernel(
        _prep_body,
        out_type=(
            jax.ShapeDtypeStruct((_NC, _HISTR, 128), jnp.float32),
            jax.ShapeDtypeStruct((_NW, _NBKT, 2, _CAP), jnp.int32),
            jax.ShapeDtypeStruct((_NW, _NBKT * 16), jnp.int32),
        ),
        mesh=_SC_MESH,
        compiler_params=_SC_PARAMS,
        scratch_types=[
            pltpu.VMEM((_EPT + 16,), jnp.int32),
            pltpu.VMEM((_EPT + 16,), jnp.int32),
            pltpu.VMEM((_HISTR, 128), jnp.float32),
            pltpu.VMEM((_NBKT * _CAP,), jnp.int32),
            pltpu.VMEM((_NBKT * _CAP,), jnp.int32),
            pltpu.VMEM((_NBKT * 16,), jnp.int32),
            pltpu.VMEM_SHARED((_HISTR, 128), jnp.float32),
            pltpu.SemaphoreType.DMA,
        ],
    )(src, dst)


def _segsum_body(xp_hbm, glist_hbm, nch_hbm, zrows_hbm, out_hbm,
                 l1_v, l2s_v, l2d_v, rows_a, rows_b, didx_a, didx_b,
                 cbuf_v, stage_sh, acc_sh, sem_a, sem_b):
    c = lax.axis_index("c")
    s = lax.axis_index("s")
    pltpu.sync_copy(nch_hbm.at[2 * s], cbuf_v.at[pl.ds(0, _NBKT * 16)])
    pltpu.sync_copy(nch_hbm.at[2 * s + 1], cbuf_v.at[pl.ds(_NBKT * 16, _NBKT * 16)])

    lanes = lax.iota(jnp.int32, 16)
    lane0 = (lanes == 0).astype(jnp.int32)
    trash16 = jnp.full((16,), _TRASH, jnp.int32)
    zero16i = jnp.zeros((16,), jnp.int32)

    def bucket(qq, carry_q):
        q = c * (_NBKT // _NC) + qq
        lo = q * _BKT

        pltpu.sync_copy(glist_hbm.at[2 * s, q], l1_v.at[0])
        pltpu.sync_copy(glist_hbm.at[2 * s + 1, q], l1_v.at[1])

        for t in range(8):
            pltpu.sync_copy(zrows_hbm, acc_sh.at[pl.ds(s * 64 + t * 8, 8)])
        plsc.subcore_barrier()

        def block(b, carry_b):
            @pl.when(s < 15)
            def _stage():
                pltpu.sync_copy(xp_hbm.at[pl.ds(b * _BLK + s * 128, 128)],
                                stage_sh.at[pl.ds(s * 128, 128)])

            @pl.when(s == 15)
            def _stage_tail():
                pltpu.sync_copy(xp_hbm.at[pl.ds(b * _BLK + 1920, 80)],
                                stage_sh.at[pl.ds(1920, 80)])
            plsc.subcore_barrier()

            n2 = 0
            for pi in range(2):
                n1ch = jnp.sum(cbuf_v[pl.ds(pi * _NBKT * 16 + q * 16, 16)] * lane0)

                def filt(i, n):
                    sv = l1_v[pi, 0, pl.ds(i * 16, 16)]
                    dv = l1_v[pi, 1, pl.ds(i * 16, 16)]
                    inb = (sv >= b * _BLK) & (sv < (b + 1) * _BLK)
                    plsc.store_compressed(l2s_v.at[pl.ds(n, 16)], sv - b * _BLK,
                                          mask=inb)
                    plsc.store_compressed(l2d_v.at[pl.ds(n, 16)], dv, mask=inb)
                    return n + jnp.sum(inb.astype(jnp.int32))
                n2 = lax.fori_loop(0, n1ch, filt, n2)

            for t in range(5):
                l2s_v[pl.ds(n2 + t * 16, 16)] = zero16i
                l2d_v[pl.ds(n2 + t * 16, 16)] = trash16
            nch2 = (n2 + _ROWS - 1) // _ROWS

            @pl.when(nch2 > 0)
            def _prime0():
                pltpu.async_copy(stage_sh.at[l2s_v.at[pl.ds(0, _ROWS)]],
                                 rows_a, sem_a)

            @pl.when(nch2 > 1)
            def _prime1():
                pltpu.async_copy(stage_sh.at[l2s_v.at[pl.ds(_ROWS, _ROWS)]],
                                 rows_b, sem_b)

            def chunk(j, carry):
                nxt = j + 2

                @pl.when(j % 2 == 0)
                def _even():
                    pltpu.make_async_copy(
                        stage_sh.at[l2s_v.at[pl.ds(j * _ROWS, _ROWS)]],
                        rows_a, sem_a).wait()
                    for k in range(_ROWS // 16):
                        didx_a[pl.ds(k * 16, 16)] = l2d_v[pl.ds(j * _ROWS + k * 16, 16)]
                    pltpu.sync_copy(rows_a, acc_sh.at[didx_a], add=True)

                    @pl.when(nxt < nch2)
                    def _issue():
                        pltpu.async_copy(
                            stage_sh.at[l2s_v.at[pl.ds(nxt * _ROWS, _ROWS)]],
                            rows_a, sem_a)

                @pl.when(j % 2 == 1)
                def _odd():
                    pltpu.make_async_copy(
                        stage_sh.at[l2s_v.at[pl.ds(j * _ROWS, _ROWS)]],
                        rows_b, sem_b).wait()
                    for k in range(_ROWS // 16):
                        didx_b[pl.ds(k * 16, 16)] = l2d_v[pl.ds(j * _ROWS + k * 16, 16)]
                    pltpu.sync_copy(rows_b, acc_sh.at[didx_b], add=True)

                    @pl.when(nxt < nch2)
                    def _issue():
                        pltpu.async_copy(
                            stage_sh.at[l2s_v.at[pl.ds(nxt * _ROWS, _ROWS)]],
                            rows_b, sem_b)
                return carry
            lax.fori_loop(0, nch2, chunk, 0)
            plsc.subcore_barrier()
            return carry_b
        lax.fori_loop(0, _NBLK, block, 0)

        @pl.when(s < 15)
        def _wb():
            pltpu.sync_copy(acc_sh.at[pl.ds(s * 64, 64)],
                            out_hbm.at[pl.ds(lo + s * 64, 64)])

        @pl.when(s == 15)
        def _wb_tail():
            pltpu.sync_copy(acc_sh.at[pl.ds(960, 40)],
                            out_hbm.at[pl.ds(lo + 960, 40)])
        plsc.subcore_barrier()
        return carry_q
    lax.fori_loop(0, _NBKT // _NC, bucket, 0)


def _sc_segsum(xp, glist, nch, zrows):
    return pl.kernel(
        _segsum_body,
        out_type=jax.ShapeDtypeStruct((_NODES, _D), jnp.bfloat16),
        mesh=_SC_MESH,
        compiler_params=_SC_PARAMS,
        scratch_types=[
            pltpu.VMEM((2, 2, _CAP), jnp.int32),
            pltpu.VMEM((_L2CAP,), jnp.int32),
            pltpu.VMEM((_L2CAP,), jnp.int32),
            pltpu.VMEM((_ROWS, _D), jnp.bfloat16),
            pltpu.VMEM((_ROWS, _D), jnp.bfloat16),
            pltpu.VMEM((_ROWS,), jnp.int32),
            pltpu.VMEM((_ROWS,), jnp.int32),
            pltpu.VMEM((2 * _NBKT * 16,), jnp.int32),
            pltpu.VMEM_SHARED((_BLK, _D), jnp.bfloat16),
            pltpu.VMEM_SHARED((_ACCR, _D), jnp.bfloat16),
            pltpu.SemaphoreType.DMA,
            pltpu.SemaphoreType.DMA,
        ],
    )(xp, glist, nch, zrows)


def kernel(svg_path, svg_path_mask, edge_index, type_embed, coor_embed, W_in, b_in,
           W1p, b1p, W1l, b1l, W1r, W2p, b2p, W2l, b2l, W2r):
    svg = jnp.where(svg_path_mask, svg_path, 0)
    cmd_idx = svg[:, :, 0]
    coor_idx = svg[:, :, 1:] + 3
    idx_all = jnp.concatenate(
        [cmd_idx.reshape(_B, _N), coor_idx.reshape(_B, _N * (_C - 1))], axis=1
    ).reshape(_NODES)
    table = jnp.concatenate(
        [type_embed, coor_embed,
         jnp.zeros((_TPAD - 3 - 200, _D), jnp.float32)], axis=0
    ).astype(jnp.bfloat16)
    W_in_b = W_in.astype(jnp.bfloat16)
    W1p_b, W1l_b, W1r_b = (W1p.astype(jnp.bfloat16), W1l.astype(jnp.bfloat16),
                           W1r.astype(jnp.bfloat16))
    W2p_b, W2l_b, W2r_b = (W2p.astype(jnp.bfloat16), W2l.astype(jnp.bfloat16),
                           W2r.astype(jnp.bfloat16))
    src = edge_index[0]
    dst = edge_index[1]
    zrows = jnp.zeros((8, _D), jnp.bfloat16)

    cntp, glistw, nchw = _sc_prep(src, dst)
    cnt = (cntp[0] + cntp[1]).reshape(_HISTR * 128)[:_NODES]
    cnt_inv = (1.0 / jnp.maximum(cnt, 1.0)).reshape(_NODES, 1)

    xp1, yr1 = _k1(idx_all, table, W_in_b, b_in, W1p_b, b1p, W1r_b)
    part1 = _sc_segsum(xp1, glistw, nchw, zrows)
    xp2, yr2 = _k2(part1, cnt_inv, yr1, W1l_b, b1l, W2p_b, b2p, W2r_b)
    part2 = _sc_segsum(xp2, glistw, nchw, zrows)
    x2 = _k3(part2, cnt_inv, yr2, W2l_b, b2l)
    return x2

# --- scband reference (transcript-rebuilt; emitter-appended) ---
"""Pipeline reference for scband-svgautoencoder-47021301957040 (READ-ONLY COPY).

The authoritative reference and input builder live on the scoring server;
editing this copy changes nothing except your own understanding.
"""

import jax, jax.numpy as jnp
import numpy as np

B, N, C = 2, 1250, 4
D = 512
NUM_NODES = B * N * C  # 10000
E = 160000
NUM_COMMANDS = 3
NUM_COORS = 200


def setup_inputs(seed: int = 0) -> dict:
    key = jax.random.key(seed)
    ks = jax.random.split(key, 20)
    svg_path = jax.random.randint(ks[0], (B, N, C), 0, NUM_COMMANDS, dtype=jnp.int32)
    svg_path_mask = jax.random.randint(ks[1], (B, N, C), 0, 2, dtype=jnp.int32) > 0
    edge_index = jax.random.randint(ks[2], (2, E), 0, NUM_NODES, dtype=jnp.int32)
    s = 0.02
    inp = {
        'svg_path': svg_path,
        'svg_path_mask': svg_path_mask,
        'edge_index': edge_index,
        'type_embed': jax.random.normal(ks[3], (NUM_COMMANDS, D), dtype=jnp.float32) * s,
        'coor_embed': jax.random.normal(ks[4], (NUM_COORS, D), dtype=jnp.float32) * s,
        'W_in': jax.random.normal(ks[5], (D, D), dtype=jnp.float32) / np.sqrt(D),
        'b_in': jnp.zeros((D,), dtype=jnp.float32),
        'W1p': jax.random.normal(ks[6], (D, D), dtype=jnp.float32) / np.sqrt(D),
        'b1p': jnp.zeros((D,), dtype=jnp.float32),
        'W1l': jax.random.normal(ks[7], (D, D), dtype=jnp.float32) / np.sqrt(D),
        'b1l': jnp.zeros((D,), dtype=jnp.float32),
        'W1r': jax.random.normal(ks[8], (D, D), dtype=jnp.float32) / np.sqrt(D),
        'W2p': jax.random.normal(ks[9], (D, D), dtype=jnp.float32) / np.sqrt(D),
        'b2p': jnp.zeros((D,), dtype=jnp.float32),
        'W2l': jax.random.normal(ks[10], (D, D), dtype=jnp.float32) / np.sqrt(D),
        'b2l': jnp.zeros((D,), dtype=jnp.float32),
        'W2r': jax.random.normal(ks[11], (D, D), dtype=jnp.float32) / np.sqrt(D),
    }
    return inp


def _sage_conv(x, edge_index, Wp, bp, Wl, bl, Wr):
    # PyG SAGEConv with project=True, normalize=True, mean aggregation, dropout=0
    xp = jax.nn.relu(x @ Wp + bp)
    src = edge_index[0]
    dst = edge_index[1]
    msgs = jnp.take(xp, src, axis=0)
    summed = jax.ops.segment_sum(msgs, dst, num_segments=x.shape[0])
    cnt = jax.ops.segment_sum(jnp.ones((src.shape[0], 1), x.dtype), dst, num_segments=x.shape[0])
    mean = summed / jnp.maximum(cnt, 1.0)
    out = mean @ Wl + bl + xp @ Wr
    norm = jnp.sqrt(jnp.sum(out * out, axis=-1, keepdims=True))
    return out / jnp.maximum(norm, 1e-12)


def _forward(svg_path, svg_path_mask, edge_index, type_embed, coor_embed, W_in, b_in,
             W1p, b1p, W1l, b1l, W1r, W2p, b2p, W2l, b2l, W2r):
    svg = jnp.where(svg_path_mask, svg_path, 0)
    cmd_embed = jnp.take(type_embed, svg[..., 0], axis=0)          # [B, N, D]
    path_embed = jnp.take(coor_embed, svg[..., 1:], axis=0)        # [B, N, C-1, D]
    path_embed = path_embed.reshape(B, N * (C - 1), D)
    svg_embed = jnp.concatenate([cmd_embed, path_embed], axis=1)    # [B, N*C, D]
    h = svg_embed @ W_in + b_in
    x = h.reshape(-1, D)                                            # [NUM_NODES, D]
    x = _sage_conv(x, edge_index, W1p, b1p, W1l, b1l, W1r)
    x = _sage_conv(x, edge_index, W2p, b2p, W2l, b2l, W2r)
    return x


def reference(svg_path, svg_path_mask, edge_index, type_embed, coor_embed, W_in, b_in,
              W1p, b1p, W1l, b1l, W1r, W2p, b2p, W2l, b2l, W2r):
    return _forward(svg_path, svg_path_mask, edge_index, type_embed, coor_embed, W_in, b_in,
                    W1p, b1p, W1l, b1l, W1r, W2p, b2p, W2l, b2l, W2r)

if __name__ == "__main__":
    import jax
    _d = setup_inputs()
    print(jax.jit(kernel)(*tuple(_d.values())))

</pallas_src>

<mosaic_0001>
#map = affine_map<(d0, d1) -> (0)>
#map1 = affine_map<(d0, d1) -> (0, 0, 0)>
#map2 = affine_map<(d0, d1) -> (0, 0, 0, 0)>
#map3 = affine_map<(d0, d1) -> (0, 0)>
module attributes {stable_mosaic.version = 14 : i64} {
  func.func @_prep_body(%arg0: i32, %arg1: i32, %arg2: memref<160000xi32, #tpu.memory_space<hbm>>, %arg3: memref<160000xi32, #tpu.memory_space<hbm>>, %arg4: memref<2x80x128xf32, #tpu.memory_space<hbm>>, %arg5: memref<32x10x2x5120xi32, #tpu.memory_space<hbm>>, %arg6: memref<32x160xi32, #tpu.memory_space<hbm>>, %arg7: memref<5016xi32, #tpu.memory_space<vmem>>, %arg8: memref<5016xi32, #tpu.memory_space<vmem>>, %arg9: memref<80x128xf32, #tpu.memory_space<vmem>>, %arg10: memref<51200xi32, #tpu.memory_space<vmem>>, %arg11: memref<51200xi32, #tpu.memory_space<vmem>>, %arg12: memref<160xi32, #tpu.memory_space<vmem>>, %arg13: memref<80x128xf32, #tpu.memory_space<vmem_shared>>, %arg14: memref<!tpu.dma_semaphore, #tpu.memory_space<semaphore_mem>>) attributes {dimension_semantics = [#tpu.dimension_semantics<core_parallel>, #tpu.dimension_semantics<subcore_parallel>], iteration_bounds = array<i64: 2, 16>, scalar_prefetch = 0 : i64, scratch_operands = 8 : i64, tpu.core_type = #tpu.core_type<sc_vector_subcore>, window_params = [{transform_indices = #map}, {transform_indices = #map}, {transform_indices = #map1}, {transform_indices = #map2}, {transform_indices = #map3}]} {
    %mul3A = arith.constant 2 : i32
    %mul3A_0 = arith.muli %arg1, %mul3A : i32
    %add3A = arith.addi %mul3A_0, %arg0 : i32
    %mul3A_1 = arith.constant 5000 : i32
    %mul3A_2 = arith.muli %add3A, %mul3A_1 : i32
    "tpu.region"() ({
      %run_scoped3A_627 = tpu.sem_alloc : memref<!tpu.dma_semaphore, #tpu.memory_space<semaphore_mem>>
      %dma_start3A = arith.constant 0 : i32
      %dma_start3A_628 = tpu.memref_slice %arg7[%dma_start3A] : memref<5016xi32, #tpu.memory_space<vmem>> -> memref<5000xi32, #tpu.memory_space<vmem>>
      %dma_start3A_629 = tpu.memref_slice %arg2[%mul3A_2] : memref<160000xi32, #tpu.memory_space<hbm>> -> memref<5000xi32, #tpu.memory_space<hbm>>
      %dma_start3A_630 = arith.constant 0 : i32
      %dma_start3A_631 = tpu.memref_slice %arg7[%dma_start3A_630] : memref<5016xi32, #tpu.memory_space<vmem>> -> memref<5000xi32, #tpu.memory_space<vmem>>
      %dma_start3A_632 = tpu.memref_slice %arg2[%mul3A_2] : memref<160000xi32, #tpu.memory_space<hbm>> -> memref<5000xi32, #tpu.memory_space<hbm>>
      tpu.enqueue_dma source(%dma_start3A_632 : memref<5000xi32, #tpu.memory_space<hbm>>) target(%dma_start3A_631 : memref<5000xi32, #tpu.memory_space<vmem>>) target_semaphore(%run_scoped3A_627 : memref<!tpu.dma_semaphore, #tpu.memory_space<semaphore_mem>>)
      %dma_wait3A = arith.constant 0 : i32
      %dma_wait3A_633 = tpu.memref_slice %arg7[%dma_wait3A] : memref<5016xi32, #tpu.memory_space<vmem>> -> memref<5000xi32, #tpu.memory_space<vmem>>
      %dma_wait3A_634 = tpu.memref_slice %arg2[%mul3A_2] : memref<160000xi32, #tpu.memory_space<hbm>> -> memref<5000xi32, #tpu.memory_space<hbm>>
      %dma_wait3A_635 = arith.constant 0 : i32
      %dma_wait3A_636 = tpu.memref_slice %arg7[%dma_wait3A_635] : memref<5016xi32, #tpu.memory_space<vmem>> -> memref<5000xi32, #tpu.memory_space<vmem>>
      %dma_wait3A_637 = tpu.memref_slice %arg2[%mul3A_2] : memref<160000xi32, #tpu.memory_space<hbm>> -> memref<5000xi32, #tpu.memory_space<hbm>>
      tpu.wait_dma2 semaphore(%run_scoped3A_627 : memref<!tpu.dma_semaphore, #tpu.memory_space<semaphore_mem>>) src(%dma_wait3A_637 : memref<5000xi32, #tpu.memory_space<hbm>>) dst(%dma_wait3A_636 : memref<5000xi32, #tpu.memory_space<vmem>>)
      tpu.yield
    }) : () -> ()
    %mul3A_3 = arith.constant 5000 : i32
    %mul3A_4 = arith.muli %add3A, %mul3A_3 : i32
    "tpu.region"() ({
      %run_scoped3A_627 = tpu.sem_alloc : memref<!tpu.dma_semaphore, #tpu.memory_space<semaphore_mem>>
      %dma_start3A = arith.constant 0 : i32
      %dma_start3A_628 = tpu.memref_slice %arg8[%dma_start3A] : memref<5016xi32, #tpu.memory_space<vmem>> -> memref<5000xi32, #tpu.memory_space<vmem>>
      %dma_start3A_629 = tpu.memref_slice %arg3[%mul3A_4] : memref<160000xi32, #tpu.memory_space<hbm>> -> memref<5000xi32, #tpu.memory_space<hbm>>
      %dma_start3A_630 = arith.constant 0 : i32
      %dma_start3A_631 = tpu.memref_slice %arg8[%dma_start3A_630] : memref<5016xi32, #tpu.memory_space<vmem>> -> memref<5000xi32, #tpu.memory_space<vmem>>
      %dma_start3A_632 = tpu.memref_slice %arg3[%mul3A_4] : memref<160000xi32, #tpu.memory_space<hbm>> -> memref<5000xi32, #tpu.memory_space<hbm>>
      tpu.enqueue_dma source(%dma_start3A_632 : memref<5000xi32, #tpu.memory_space<hbm>>) target(%dma_start3A_631 : memref<5000xi32, #tpu.memory_space<vmem>>) target_semaphore(%run_scoped3A_627 : memref<!tpu.dma_semaphore, #tpu.memory_space<semaphore_mem>>)
      %dma_wait3A = arith.constant 0 : i32
      %dma_wait3A_633 = tpu.memref_slice %arg8[%dma_wait3A] : memref<5016xi32, #tpu.memory_space<vmem>> -> memref<5000xi32, #tpu.memory_space<vmem>>
      %dma_wait3A_634 = tpu.memref_slice %arg3[%mul3A_4] : memref<160000xi32, #tpu.memory_space<hbm>> -> memref<5000xi32, #tpu.memory_space<hbm>>
      %dma_wait3A_635 = arith.constant 0 : i32
      %dma_wait3A_636 = tpu.memref_slice %arg8[%dma_wait3A_635] : memref<5016xi32, #tpu.memory_space<vmem>> -> memref<5000xi32, #tpu.memory_space<vmem>>
      %dma_wait3A_637 = tpu.memref_slice %arg3[%mul3A_4] : memref<160000xi32, #tpu.memory_space<hbm>> -> memref<5000xi32, #tpu.memory_space<hbm>>
      tpu.wait_dma2 semaphore(%run_scoped3A_627 : memref<!tpu.dma_semaphore, #tpu.memory_space<semaphore_mem>>) src(%dma_wait3A_637 : memref<5000xi32, #tpu.memory_space<hbm>>) dst(%dma_wait3A_636 : memref<5000xi32, #tpu.memory_space<vmem>>)
      tpu.yield
    }) : () -> ()
    %broadcast_in_dim3A = arith.constant 0.000000e+00 : f32
    %broadcast_in_dim3A_5 = vector.broadcast %broadcast_in_dim3A : f32 to vector<16xf32>
    %iota3A = tpu.iota {dimensions = array<i32: 0>} : vector<16xi32>
    %scan3A = arith.constant 0 : i32
    %scan3A_6 = arith.constant 0 : i32
    %scan3A_7 = arith.constant 640 : i32
    %scan3A_8 = arith.addi %scan3A_6, %scan3A_7 : i32
    %scan3A_9 = arith.constant 1 : i32
    scf.for %scan3A_627 = %scan3A_6 to %scan3A_8 step %scan3A_9  : i32 {
      %jit3A_628 = arith.constant 8 : i32
      %div3A_629 = arith.divsi %scan3A_627, %jit3A_628 : i32
      %sign3A_630 = arith.constant 0 : i32
      %sign3A_631 = arith.cmpi sgt, %scan3A_627, %sign3A_630 : i32
      %sign3A_632 = arith.extui %sign3A_631 : i1 to i32
      %sign3A_633 = arith.constant 0 : i32
      %sign3A_634 = arith.cmpi slt, %scan3A_627, %sign3A_633 : i32
      %sign3A_635 = arith.extui %sign3A_634 : i1 to i32
      %sign3A_636 = arith.subi %sign3A_632, %sign3A_635 : i32
      %sign3A_637 = arith.constant 0 : i32
      %sign3A_638 = arith.cmpi sgt, %jit3A_628, %sign3A_637 : i32
      %sign3A_639 = arith.extui %sign3A_638 : i1 to i32
      %sign3A_640 = arith.constant 0 : i32
      %sign3A_641 = arith.cmpi slt, %jit3A_628, %sign3A_640 : i32
      %sign3A_642 = arith.extui %sign3A_641 : i1 to i32
      %sign3A_643 = arith.subi %sign3A_639, %sign3A_642 : i32
      %ne3A_644 = arith.cmpi ne, %sign3A_636, %sign3A_643 : i32
      %rem3A_645 = arith.remsi %scan3A_627, %jit3A_628 : i32
      %ne3A_646 = arith.constant 0 : i32
      %ne3A_647 = arith.cmpi ne, %rem3A_645, %ne3A_646 : i32
      %and3A_648 = arith.andi %ne3A_644, %ne3A_647 : i1
      %sub3A_649 = arith.constant 1 : i32
      %sub3A_650 = arith.subi %div3A_629, %sub3A_649 : i32
      %select_n3A_651 = arith.select %and3A_648, %sub3A_650, %div3A_629 : i32
      %jit3A_652 = arith.constant 8 : i32
      %eq3A = arith.constant 0 : i32
      %eq3A_653 = arith.cmpi eq, %jit3A_652, %eq3A : i32
      %jit3A_654 = arith.constant 1 : i32
      %select_n3A_655 = arith.select %eq3A_653, %jit3A_654, %jit3A_652 : i32
      %rem3A_656 = arith.remsi %scan3A_627, %select_n3A_655 : i32
      %ne3A_657 = arith.constant 0 : i32
      %ne3A_658 = arith.cmpi ne, %rem3A_656, %ne3A_657 : i32
      %lt3A_659 = arith.constant 0 : i32
      %lt3A_660 = arith.cmpi slt, %rem3A_656, %lt3A_659 : i32
      %lt3A_661 = arith.constant 0 : i32
      %lt3A_662 = arith.cmpi slt, %select_n3A_655, %lt3A_661 : i32
      %ne3A_663 = arith.xori %lt3A_660, %lt3A_662 : i1
      %and3A_664 = arith.andi %ne3A_663, %ne3A_658 : i1
      %add3A_665 = arith.addi %rem3A_656, %select_n3A_655 : i32
      %select_n3A_666 = arith.select %and3A_664, %add3A_665, %rem3A_656 : i32
      %mul3A_667 = arith.constant 16 : i32
      %mul3A_668 = arith.muli %select_n3A_666, %mul3A_667 : i32
      %swap3A_669 = arith.index_cast %select_n3A_651 : i32 to index
      %swap3A_670 = arith.index_cast %mul3A_668 : i32 to index
      %swap3A_671 = tpu.vector_load %arg9[%swap3A_669, %swap3A_670] {strides = array<i32>} : memref<80x128xf32, #tpu.memory_space<vmem>>, vector<16xf32>,
      tpu.vector_store %arg9[%swap3A_669, %swap3A_670], %broadcast_in_dim3A_5 {strides = array<i32>} : memref<80x128xf32, #tpu.memory_space<vmem>>, vector<16xf32>,
    }
    %scan3A_10 = arith.constant 640 : i32
    %lt3A = arith.constant 10 : i32
    %lt3A_11 = arith.cmpi slt, %arg1, %lt3A : i32
    %convert_element_type3A = arith.extui %lt3A_11 : i1 to i32
    %cond3A = arith.constant 0 : i32
    %cond3A_12 = arith.cmpi ne, %convert_element_type3A, %cond3A : i32
    scf.if %cond3A_12 {
      %mul3A_627 = arith.constant 8 : i32
      %mul3A_628 = arith.muli %arg1, %mul3A_627 : i32
      %mul3A_629 = arith.constant 8 : i32
      %mul3A_630 = arith.muli %arg1, %mul3A_629 : i32
      "tpu.region"() ({
        %run_scoped3A_631 = tpu.sem_alloc : memref<!tpu.dma_semaphore, #tpu.memory_space<semaphore_mem>>
        %dma_start3A = arith.constant 0 : i32
        %dma_start3A_632 = tpu.memref_slice %arg9[%mul3A_628, %dma_start3A] : memref<80x128xf32, #tpu.memory_space<vmem>> -> memref<8x128xf32, #tpu.memory_space<vmem>>
        %dma_start3A_633 = arith.constant 0 : i32
        %dma_start3A_634 = tpu.memref_slice %arg13[%mul3A_630, %dma_start3A_633] : memref<80x128xf32, #tpu.memory_space<vmem_shared>> -> memref<8x128xf32, #tpu.memory_space<vmem_shared>>
        %dma_start3A_635 = arith.constant 0 : i32
        %dma_start3A_636 = tpu.memref_slice %arg13[%mul3A_630, %dma_start3A_635] : memref<80x128xf32, #tpu.memory_space<vmem_shared>> -> memref<8x128xf32, #tpu.memory_space<vmem_shared>>
        %dma_start3A_637 = arith.constant 0 : i32
        %dma_start3A_638 = tpu.memref_slice %arg9[%mul3A_628, %dma_start3A_637] : memref<80x128xf32, #tpu.memory_space<vmem>> -> memref<8x128xf32, #tpu.memory_space<vmem>>
        tpu.enqueue_dma source(%dma_start3A_638 : memref<8x128xf32, #tpu.memory_space<vmem>>) target(%dma_start3A_636 : memref<8x128xf32, #tpu.memory_space<vmem_shared>>) target_semaphore(%run_scoped3A_631 : memref<!tpu.dma_semaphore, #tpu.memory_space<semaphore_mem>>)
        %dma_wait3A = arith.constant 0 : i32
        %dma_wait3A_639 = tpu.memref_slice %arg9[%mul3A_628, %dma_wait3A] : memref<80x128xf32, #tpu.memory_space<vmem>> -> memref<8x128xf32, #tpu.memory_space<vmem>>
        %dma_wait3A_640 = arith.constant 0 : i32
        %dma_wait3A_641 = tpu.memref_slice %arg13[%mul3A_630, %dma_wait3A_640] : memref<80x128xf32, #tpu.memory_space<vmem_shared>> -> memref<8x128xf32, #tpu.memory_space<vmem_shared>>
        %dma_wait3A_642 = arith.constant 0 : i32
        %dma_wait3A_643 = tpu.memref_slice %arg13[%mul3A_630, %dma_wait3A_642] : memref<80x128xf32, #tpu.memory_space<vmem_shared>> -> memref<8x128xf32, #tpu.memory_space<vmem_shared>>
        %dma_wait3A_644 = arith.constant 0 : i32
        %dma_wait3A_645 = tpu.memref_slice %arg9[%mul3A_628, %dma_wait3A_644] : memref<80x128xf32, #tpu.memory_space<vmem>> -> memref<8x128xf32, #tpu.memory_space<vmem>>
        tpu.wait_dma2 semaphore(%run_scoped3A_631 : memref<!tpu.dma_semaphore, #tpu.memory_space<semaphore_mem>>) src(%dma_wait3A_645 : memref<8x128xf32, #tpu.memory_space<vmem>>) dst(%dma_wait3A_643 : memref<8x128xf32, #tpu.memory_space<vmem_shared>>)
        tpu.yield
      }) : () -> ()
    } else {
    }
    %barrier3A = arith.constant 0 : index
    tpu.barrier barrier_id(%barrier3A)
    %broadcast_in_dim3A_13 = arith.constant 1.000000e+00 : f32
    %broadcast_in_dim3A_14 = vector.broadcast %broadcast_in_dim3A_13 : f32 to vector<16xf32>
    %scan3A_15 = arith.constant 0 : i32
    %scan3A_16 = arith.constant 0 : i32
    %scan3A_17 = arith.constant 313 : i32
    %scan3A_18 = arith.addi %scan3A_16, %scan3A_17 : i32
    %scan3A_19 = arith.constant 1 : i32
    scf.for %scan3A_627 = %scan3A_16 to %scan3A_18 step %scan3A_19  : i32 {
      %eq3A = arith.constant 312 : i32
      %eq3A_628 = arith.cmpi eq, %scan3A_627, %eq3A : i32
      %jit3A_629 = arith.constant 8 : i32
      %jit3A_630 = arith.constant 16 : i32
      %select_n3A_631 = arith.select %eq3A_628, %jit3A_629, %jit3A_630 : i32
      %lt3A_632 = vector.broadcast %select_n3A_631 : i32 to vector<16xi32>
      %lt3A_633 = arith.cmpi slt, %iota3A, %lt3A_632 : vector<16xi32>
      %mul3A_634 = arith.constant 16 : i32
      %mul3A_635 = arith.muli %scan3A_627, %mul3A_634 : i32
      %get3A = arith.index_cast %mul3A_635 : i32 to index
      %get3A_636 = tpu.vector_load %arg8[%get3A] {strides = array<i32>} : memref<5016xi32, #tpu.memory_space<vmem>>, vector<16xi32>,
      %shift_right_logical3A = arith.constant 7 : i32
      %shift_right_logical3A_637 = vector.broadcast %shift_right_logical3A : i32 to vector<16xi32>
      %shift_right_logical3A_638 = arith.shrui %get3A_636, %shift_right_logical3A_637 : vector<16xi32>
      %and3A_639 = arith.constant 127 : i32
      %and3A_640 = vector.broadcast %and3A_639 : i32 to vector<16xi32>
      %and3A_641 = arith.andi %get3A_636, %and3A_640 : vector<16xi32>
      tpu.vector_store_idx %arg9[%shift_right_logical3A_638, %and3A_641], %broadcast_in_dim3A_14 masked %lt3A_633 {add = true} : memref<80x128xf32, #tpu.memory_space<vmem>>[vector<16xi32>, vector<16xi32>], vector<16xf32>, vector<16xi1>
    }
    %scan3A_20 = arith.constant 313 : i32
    %iota3A_21 = tpu.iota {dimensions = array<i32: 0>} : vector<16xi32>
    %add3A_22 = arith.constant 0 : i32
    %add3A_23 = vector.broadcast %add3A_22 : i32 to vector<16xi32>
    %add3A_24 = arith.addi %iota3A_21, %add3A_23 : vector<16xi32>
    "tpu.region"() ({
      %run_scoped3A_627 = tpu.sem_alloc : memref<!tpu.dma_semaphore, #tpu.memory_space<semaphore_mem>>
      %dma_start3A = arith.constant 0 : i32
      %dma_start3A_628 = arith.constant 0 : i32
      %dma_start3A_629 = tpu.memref_slice %arg9[%dma_start3A, %dma_start3A_628] : memref<80x128xf32, #tpu.memory_space<vmem>> -> memref<16x128xf32, #tpu.memory_space<vmem>>
      %dma_start3A_630 = arith.constant 0 : i32
      %dma_start3A_631 = arith.constant 0 : i32
      %dma_start3A_632 = tpu.memref_slice %arg13[%dma_start3A_630, %dma_start3A_631] : memref<80x128xf32, #tpu.memory_space<vmem_shared>> -> memref<80x128xf32, #tpu.memory_space<vmem_shared>>
      tpu.enqueue_indirect_dma source(%dma_start3A_629 : memref<16x128xf32, #tpu.memory_space<vmem>>) target(%dma_start3A_632 : memref<80x128xf32, #tpu.memory_space<vmem_shared>>) offsets(%add3A_24 : vector<16xi32>) semaphore(%run_scoped3A_627 : memref<!tpu.dma_semaphore, #tpu.memory_space<semaphore_mem>>) {add = true}
      %dma_wait3A = arith.constant 0 : i32
      %dma_wait3A_633 = arith.constant 0 : i32
      %dma_wait3A_634 = tpu.memref_slice %arg9[%dma_wait3A, %dma_wait3A_633] : memref<80x128xf32, #tpu.memory_space<vmem>> -> memref<16x128xf32, #tpu.memory_space<vmem>>
      %dma_wait3A_635 = arith.constant 0 : i32
      %dma_wait3A_636 = arith.constant 0 : i32
      %dma_wait3A_637 = tpu.memref_slice %arg13[%dma_wait3A_635, %dma_wait3A_636] : memref<80x128xf32, #tpu.memory_space<vmem_shared>> -> memref<80x128xf32, #tpu.memory_space<vmem_shared>>
      tpu.wait_indirect_dma semaphore(%run_scoped3A_627 : memref<!tpu.dma_semaphore, #tpu.memory_space<semaphore_mem>>) src(%dma_wait3A_634 : memref<16x128xf32, #tpu.memory_space<vmem>>) dst(%dma_wait3A_637 : memref<80x128xf32, #tpu.memory_space<vmem_shared>>)
      tpu.yield
    }) : () -> ()
    %iota3A_25 = tpu.iota {dimensions = array<i32: 0>} : vector<16xi32>
    %add3A_26 = arith.constant 16 : i32
    %add3A_27 = vector.broadcast %add3A_26 : i32 to vector<16xi32>
    %add3A_28 = arith.addi %iota3A_25, %add3A_27 : vector<16xi32>
    "tpu.region"() ({
      %run_scoped3A_627 = tpu.sem_alloc : memref<!tpu.dma_semaphore, #tpu.memory_space<semaphore_mem>>
      %dma_start3A = arith.constant 16 : i32
      %dma_start3A_628 = arith.constant 0 : i32
      %dma_start3A_629 = tpu.memref_slice %arg9[%dma_start3A, %dma_start3A_628] : memref<80x128xf32, #tpu.memory_space<vmem>> -> memref<16x128xf32, #tpu.memory_space<vmem>>
      %dma_start3A_630 = arith.constant 0 : i32
      %dma_start3A_631 = arith.constant 0 : i32
      %dma_start3A_632 = tpu.memref_slice %arg13[%dma_start3A_630, %dma_start3A_631] : memref<80x128xf32, #tpu.memory_space<vmem_shared>> -> memref<80x128xf32, #tpu.memory_space<vmem_shared>>
      tpu.enqueue_indirect_dma source(%dma_start3A_629 : memref<16x128xf32, #tpu.memory_space<vmem>>) target(%dma_start3A_632 : memref<80x128xf32, #tpu.memory_space<vmem_shared>>) offsets(%add3A_28 : vector<16xi32>) semaphore(%run_scoped3A_627 : memref<!tpu.dma_semaphore, #tpu.memory_space<semaphore_mem>>) {add = true}
      %dma_wait3A = arith.constant 16 : i32
      %dma_wait3A_633 = arith.constant 0 : i32
      %dma_wait3A_634 = tpu.memref_slice %arg9[%dma_wait3A, %dma_wait3A_633] : memref<80x128xf32, #tpu.memory_space<vmem>> -> memref<16x128xf32, #tpu.memory_space<vmem>>
      %dma_wait3A_635 = arith.constant 0 : i32
      %dma_wait3A_636 = arith.constant 0 : i32
      %dma_wait3A_637 = tpu.memref_slice %arg13[%dma_wait3A_635, %dma_wait3A_636] : memref<80x128xf32, #tpu.memory_space<vmem_shared>> -> memref<80x128xf32, #tpu.memory_space<vmem_shared>>
      tpu.wait_indirect_dma semaphore(%run_scoped3A_627 : memref<!tpu.dma_semaphore, #tpu.memory_space<semaphore_mem>>) src(%dma_wait3A_634 : memref<16x128xf32, #tpu.memory_space<vmem>>) dst(%dma_wait3A_637 : memref<80x128xf32, #tpu.memory_space<vmem_shared>>)
      tpu.yield
    }) : () -> ()
    %iota3A_29 = tpu.iota {dimensions = array<i32: 0>} : vector<16xi32>
    %add3A_30 = arith.constant 32 : i32
    %add3A_31 = vector.broadcast %add3A_30 : i32 to vector<16xi32>
    %add3A_32 = arith.addi %iota3A_29, %add3A_31 : vector<16xi32>
    "tpu.region"() ({
      %run_scoped3A_627 = tpu.sem_alloc : memref<!tpu.dma_semaphore, #tpu.memory_space<semaphore_mem>>
      %dma_start3A = arith.constant 32 : i32
      %dma_start3A_628 = arith.constant 0 : i32
      %dma_start3A_629 = tpu.memref_slice %arg9[%dma_start3A, %dma_start3A_628] : memref<80x128xf32, #tpu.memory_space<vmem>> -> memref<16x128xf32, #tpu.memory_space<vmem>>
      %dma_start3A_630 = arith.constant 0 : i32
      %dma_start3A_631 = arith.constant 0 : i32
      %dma_start3A_632 = tpu.memref_slice %arg13[%dma_start3A_630, %dma_start3A_631] : memref<80x128xf32, #tpu.memory_space<vmem_shared>> -> memref<80x128xf32, #tpu.memory_space<vmem_shared>>
      tpu.enqueue_indirect_dma source(%dma_start3A_629 : memref<16x128xf32, #tpu.memory_space<vmem>>) target(%dma_start3A_632 : memref<80x128xf32, #tpu.memory_space<vmem_shared>>) offsets(%add3A_32 : vector<16xi32>) semaphore(%run_scoped3A_627 : memref<!tpu.dma_semaphore, #tpu.memory_space<semaphore_mem>>) {add = true}
      %dma_wait3A = arith.constant 32 : i32
      %dma_wait3A_633 = arith.constant 0 : i32
      %dma_wait3A_634 = tpu.memref_slice %arg9[%dma_wait3A, %dma_wait3A_633] : memref<80x128xf32, #tpu.memory_space<vmem>> -> memref<16x128xf32, #tpu.memory_space<vmem>>
      %dma_wait3A_635 = arith.constant 0 : i32
      %dma_wait3A_636 = arith.constant 0 : i32
      %dma_wait3A_637 = tpu.memref_slice %arg13[%dma_wait3A_635, %dma_wait3A_636] : memref<80x128xf32, #tpu.memory_space<vmem_shared>> -> memref<80x128xf32, #tpu.memory_space<vmem_shared>>
      tpu.wait_indirect_dma semaphore(%run_scoped3A_627 : memref<!tpu.dma_semaphore, #tpu.memory_space<semaphore_mem>>) src(%dma_wait3A_634 : memref<16x128xf32, #tpu.memory_space<vmem>>) dst(%dma_wait3A_637 : memref<80x128xf32, #tpu.memory_space<vmem_shared>>)
      tpu.yield
    }) : () -> ()
    %iota3A_33 = tpu.iota {dimensions = array<i32: 0>} : vector<16xi32>
    %add3A_34 = arith.constant 48 : i32
    %add3A_35 = vector.broadcast %add3A_34 : i32 to vector<16xi32>
    %add3A_36 = arith.addi %iota3A_33, %add3A_35 : vector<16xi32>
    "tpu.region"() ({
      %run_scoped3A_627 = tpu.sem_alloc : memref<!tpu.dma_semaphore, #tpu.memory_space<semaphore_mem>>
      %dma_start3A = arith.constant 48 : i32
      %dma_start3A_628 = arith.constant 0 : i32
      %dma_start3A_629 = tpu.memref_slice %arg9[%dma_start3A, %dma_start3A_628] : memref<80x128xf32, #tpu.memory_space<vmem>> -> memref<16x128xf32, #tpu.memory_space<vmem>>
      %dma_start3A_630 = arith.constant 0 : i32
      %dma_start3A_631 = arith.constant 0 : i32
      %dma_start3A_632 = tpu.memref_slice %arg13[%dma_start3A_630, %dma_start3A_631] : memref<80x128xf32, #tpu.memory_space<vmem_shared>> -> memref<80x128xf32, #tpu.memory_space<vmem_shared>>
      tpu.enqueue_indirect_dma source(%dma_start3A_629 : memref<16x128xf32, #tpu.memory_space<vmem>>) target(%dma_start3A_632 : memref<80x128xf32, #tpu.memory_space<vmem_shared>>) offsets(%add3A_36 : vector<16xi32>) semaphore(%run_scoped3A_627 : memref<!tpu.dma_semaphore, #tpu.memory_space<semaphore_mem>>) {add = true}
      %dma_wait3A = arith.constant 48 : i32
      %dma_wait3A_633 = arith.constant 0 : i32
      %dma_wait3A_634 = tpu.memref_slice %arg9[%dma_wait3A, %dma_wait3A_633] : memref<80x128xf32, #tpu.memory_space<vmem>> -> memref<16x128xf32, #tpu.memory_space<vmem>>
      %dma_wait3A_635 = arith.constant 0 : i32
      %dma_wait3A_636 = arith.constant 0 : i32
      %dma_wait3A_637 = tpu.memref_slice %arg13[%dma_wait3A_635, %dma_wait3A_636] : memref<80x128xf32, #tpu.memory_space<vmem_shared>> -> memref<80x128xf32, #tpu.memory_space<vmem_shared>>
      tpu.wait_indirect_dma semaphore(%run_scoped3A_627 : memref<!tpu.dma_semaphore, #tpu.memory_space<semaphore_mem>>) src(%dma_wait3A_634 : memref<16x128xf32, #tpu.memory_space<vmem>>) dst(%dma_wait3A_637 : memref<80x128xf32, #tpu.memory_space<vmem_shared>>)
      tpu.yield
    }) : () -> ()
    %iota3A_37 = tpu.iota {dimensions = array<i32: 0>} : vector<16xi32>
    %add3A_38 = arith.constant 64 : i32
    %add3A_39 = vector.broadcast %add3A_38 : i32 to vector<16xi32>
    %add3A_40 = arith.addi %iota3A_37, %add3A_39 : vector<16xi32>
    "tpu.region"() ({
      %run_scoped3A_627 = tpu.sem_alloc : memref<!tpu.dma_semaphore, #tpu.memory_space<semaphore_mem>>
      %dma_start3A = arith.constant 64 : i32
      %dma_start3A_628 = arith.constant 0 : i32
      %dma_start3A_629 = tpu.memref_slice %arg9[%dma_start3A, %dma_start3A_628] : memref<80x128xf32, #tpu.memory_space<vmem>> -> memref<16x128xf32, #tpu.memory_space<vmem>>
      %dma_start3A_630 = arith.constant 0 : i32
      %dma_start3A_631 = arith.constant 0 : i32
      %dma_start3A_632 = tpu.memref_slice %arg13[%dma_start3A_630, %dma_start3A_631] : memref<80x128xf32, #tpu.memory_space<vmem_shared>> -> memref<80x128xf32, #tpu.memory_space<vmem_shared>>
      tpu.enqueue_indirect_dma source(%dma_start3A_629 : memref<16x128xf32, #tpu.memory_space<vmem>>) target(%dma_start3A_632 : memref<80x128xf32, #tpu.memory_space<vmem_shared>>) offsets(%add3A_40 : vector<16xi32>) semaphore(%run_scoped3A_627 : memref<!tpu.dma_semaphore, #tpu.memory_space<semaphore_mem>>) {add = true}
      %dma_wait3A = arith.constant 64 : i32
      %dma_wait3A_633 = arith.constant 0 : i32
      %dma_wait3A_634 = tpu.memref_slice %arg9[%dma_wait3A, %dma_wait3A_633] : memref<80x128xf32, #tpu.memory_space<vmem>> -> memref<16x128xf32, #tpu.memory_space<vmem>>
      %dma_wait3A_635 = arith.constant 0 : i32
      %dma_wait3A_636 = arith.constant 0 : i32
      %dma_wait3A_637 = tpu.memref_slice %arg13[%dma_wait3A_635, %dma_wait3A_636] : memref<80x128xf32, #tpu.memory_space<vmem_shared>> -> memref<80x128xf32, #tpu.memory_space<vmem_shared>>
      tpu.wait_indirect_dma semaphore(%run_scoped3A_627 : memref<!tpu.dma_semaphore, #tpu.memory_space<semaphore_mem>>) src(%dma_wait3A_634 : memref<16x128xf32, #tpu.memory_space<vmem>>) dst(%dma_wait3A_637 : memref<80x128xf32, #tpu.memory_space<vmem_shared>>)
      tpu.yield
    }) : () -> ()
    %barrier3A_41 = arith.constant 0 : index
    tpu.barrier barrier_id(%barrier3A_41)
    %lt3A_42 = arith.constant 10 : i32
    %lt3A_43 = arith.cmpi slt, %arg1, %lt3A_42 : i32
    %convert_element_type3A_44 = arith.extui %lt3A_43 : i1 to i32
    %cond3A_45 = arith.constant 0 : i32
    %cond3A_46 = arith.cmpi ne, %convert_element_type3A_44, %cond3A_45 : i32
    scf.if %cond3A_46 {
      %mul3A_627 = arith.constant 8 : i32
      %mul3A_628 = arith.muli %arg1, %mul3A_627 : i32
      %mul3A_629 = arith.constant 8 : i32
      %mul3A_630 = arith.muli %arg1, %mul3A_629 : i32
      "tpu.region"() ({
        %run_scoped3A_631 = tpu.sem_alloc : memref<!tpu.dma_semaphore, #tpu.memory_space<semaphore_mem>>
        %dma_start3A = arith.constant 0 : i32
        %dma_start3A_632 = tpu.memref_slice %arg4[%arg0, %mul3A_630, %dma_start3A] : memref<2x80x128xf32, #tpu.memory_space<hbm>> -> memref<1x8x128xf32, #tpu.memory_space<hbm>>
        %dma_start3A_633 = tpu.memref_squeeze %dma_start3A_632 : memref<1x8x128xf32, #tpu.memory_space<hbm>> -> memref<8x128xf32, #tpu.memory_space<hbm>>
        %dma_start3A_634 = arith.constant 0 : i32
        %dma_start3A_635 = tpu.memref_slice %arg13[%mul3A_628, %dma_start3A_634] : memref<80x128xf32, #tpu.memory_space<vmem_shared>> -> memref<8x128xf32, #tpu.memory_space<vmem_shared>>
        tpu.enqueue_dma source(%dma_start3A_635 : memref<8x128xf32, #tpu.memory_space<vmem_shared>>) target(%dma_start3A_633 : memref<8x128xf32, #tpu.memory_space<hbm>>) target_semaphore(%run_scoped3A_631 : memref<!tpu.dma_semaphore, #tpu.memory_space<semaphore_mem>>)
        %dma_wait3A = arith.constant 0 : i32
        %dma_wait3A_636 = tpu.memref_slice %arg4[%arg0, %mul3A_630, %dma_wait3A] : memref<2x80x128xf32, #tpu.memory_space<hbm>> -> memref<1x8x128xf32, #tpu.memory_space<hbm>>
        %dma_wait3A_637 = tpu.memref_squeeze %dma_wait3A_636 : memref<1x8x128xf32, #tpu.memory_space<hbm>> -> memref<8x128xf32, #tpu.memory_space<hbm>>
        %dma_wait3A_638 = arith.constant 0 : i32
        %dma_wait3A_639 = tpu.memref_slice %arg13[%mul3A_628, %dma_wait3A_638] : memref<80x128xf32, #tpu.memory_space<vmem_shared>> -> memref<8x128xf32, #tpu.memory_space<vmem_shared>>
        tpu.wait_dma2 semaphore(%run_scoped3A_631 : memref<!tpu.dma_semaphore, #tpu.memory_space<semaphore_mem>>) src(%dma_wait3A_639 : memref<8x128xf32, #tpu.memory_space<vmem_shared>>) dst(%dma_wait3A_637 : memref<8x128xf32, #tpu.memory_space<hbm>>)
        tpu.yield
      }) : () -> ()
    } else {
    }
    %scan3A_47 = arith.constant 0 : i32
    %scan3A_48 = arith.constant 0 : i32
    %scan3A_49 = arith.constant 0 : i32
    %scan3A_50 = arith.constant 0 : i32
    %scan3A_51 = arith.constant 0 : i32
    %scan3A_52 = arith.constant 0 : i32
    %scan3A_53 = arith.constant 0 : i32
    %scan3A_54 = arith.constant 0 : i32
    %scan3A_55 = arith.constant 0 : i32
    %scan3A_56 = arith.constant 0 : i32
    %scan3A_57 = arith.constant 0 : i32
    %scan3A_58 = arith.constant 313 : i32
    %scan3A_59 = arith.addi %scan3A_57, %scan3A_58 : i32
    %scan3A_60 = arith.constant 1 : i32
    %scan3A_61:10 = scf.for %scan3A_627 = %scan3A_57 to %scan3A_59 step %scan3A_60 iter_args(%scan3A_628 = %scan3A_47, %scan3A_629 = %scan3A_48, %scan3A_630 = %scan3A_49, %scan3A_631 = %scan3A_50, %scan3A_632 = %scan3A_51, %scan3A_633 = %scan3A_52, %scan3A_634 = %scan3A_53, %scan3A_635 = %scan3A_54, %scan3A_636 = %scan3A_55, %scan3A_637 = %scan3A_56) -> (i32, i32, i32, i32, i32, i32, i32, i32, i32, i32)  : i32 {
      %eq3A = arith.constant 312 : i32
      %eq3A_638 = arith.cmpi eq, %scan3A_627, %eq3A : i32
      %jit3A_639 = arith.constant 8 : i32
      %jit3A_640 = arith.constant 16 : i32
      %select_n3A_641 = arith.select %eq3A_638, %jit3A_639, %jit3A_640 : i32
      %lt3A_642 = vector.broadcast %select_n3A_641 : i32 to vector<16xi32>
      %lt3A_643 = arith.cmpi slt, %iota3A, %lt3A_642 : vector<16xi32>
      %mul3A_644 = arith.constant 16 : i32
      %mul3A_645 = arith.muli %scan3A_627, %mul3A_644 : i32
      %get3A = arith.index_cast %mul3A_645 : i32 to index
      %get3A_646 = tpu.vector_load %arg8[%get3A] {strides = array<i32>} : memref<5016xi32, #tpu.memory_space<vmem>>, vector<16xi32>,
      %mul3A_647 = arith.constant 16 : i32
      %mul3A_648 = arith.muli %scan3A_627, %mul3A_647 : i32
      %get3A_649 = arith.index_cast %mul3A_648 : i32 to index
      %get3A_650 = tpu.vector_load %arg7[%get3A_649] {strides = array<i32>} : memref<5016xi32, #tpu.memory_space<vmem>>, vector<16xi32>,
      %ge3A = arith.constant 0 : i32
      %ge3A_651 = vector.broadcast %ge3A : i32 to vector<16xi32>
      %ge3A_652 = arith.cmpi sge, %get3A_646, %ge3A_651 : vector<16xi32>
      %and3A_653 = arith.andi %lt3A_643, %ge3A_652 : vector<16xi1>
      %lt3A_654 = arith.constant 1000 : i32
      %lt3A_655 = vector.broadcast %lt3A_654 : i32 to vector<16xi32>
      %lt3A_656 = arith.cmpi slt, %get3A_646, %lt3A_655 : vector<16xi32>
      %and3A_657 = arith.andi %and3A_653, %lt3A_656 : vector<16xi1>
      %add3A_658 = arith.constant 0 : i32
      %add3A_659 = arith.addi %add3A_658, %scan3A_628 : i32
      %swap3A_660 = arith.index_cast %add3A_659 : i32 to index
      %swap3A_661 = tpu.vector_load %arg10[%swap3A_660] masked %and3A_657 {strides = array<i32>} : memref<51200xi32, #tpu.memory_space<vmem>>, vector<16xi32>, vector<16xi1>
      tpu.vector_store %arg10[%swap3A_660], %get3A_650 masked %and3A_657 {strides = array<i32>} : memref<51200xi32, #tpu.memory_space<vmem>>, vector<16xi32>, vector<16xi1>
      %add3A_662 = arith.constant 0 : i32
      %add3A_663 = arith.addi %add3A_662, %scan3A_628 : i32
      %sub3A_664 = arith.constant 0 : i32
      %sub3A_665 = vector.broadcast %sub3A_664 : i32 to vector<16xi32>
      %sub3A_666 = arith.subi %get3A_646, %sub3A_665 : vector<16xi32>
      %swap3A_667 = arith.index_cast %add3A_663 : i32 to index
      %swap3A_668 = tpu.vector_load %arg11[%swap3A_667] masked %and3A_657 {strides = array<i32>} : memref<51200xi32, #tpu.memory_space<vmem>>, vector<16xi32>, vector<16xi1>
      tpu.vector_store %arg11[%swap3A_667], %sub3A_666 masked %and3A_657 {strides = array<i32>} : memref<51200xi32, #tpu.memory_space<vmem>>, vector<16xi32>, vector<16xi1>
      %convert_element_type3A_669 = arith.extui %and3A_657 : vector<16xi1> to vector<16xi32>
      %reduce_sum3A = arith.constant true
      %reduce_sum3A_670 = vector.broadcast %reduce_sum3A : i1 to vector<16xi1>
      %reduce_sum3A_671 = tpu.scan <sum>, %convert_element_type3A_669 masked %reduce_sum3A_670 : vector<16xi32>, vector<16xi1> -> vector<16xi32>
      %reduce_sum3A_672 = vector.extract %reduce_sum3A_671[15] : i32 from vector<16xi32>
      %add3A_673 = arith.addi %scan3A_628, %reduce_sum3A_672 : i32
      %ge3A_674 = arith.constant 1000 : i32
      %ge3A_675 = vector.broadcast %ge3A_674 : i32 to vector<16xi32>
      %ge3A_676 = arith.cmpi sge, %get3A_646, %ge3A_675 : vector<16xi32>
      %and3A_677 = arith.andi %lt3A_643, %ge3A_676 : vector<16xi1>
      %lt3A_678 = arith.constant 2000 : i32
      %lt3A_679 = vector.broadcast %lt3A_678 : i32 to vector<16xi32>
      %lt3A_680 = arith.cmpi slt, %get3A_646, %lt3A_679 : vector<16xi32>
      %and3A_681 = arith.andi %and3A_677, %lt3A_680 : vector<16xi1>
      %add3A_682 = arith.constant 5120 : i32
      %add3A_683 = arith.addi %add3A_682, %scan3A_629 : i32
      %swap3A_684 = arith.index_cast %add3A_683 : i32 to index
      %swap3A_685 = tpu.vector_load %arg10[%swap3A_684] masked %and3A_681 {strides = array<i32>} : memref<51200xi32, #tpu.memory_space<vmem>>, vector<16xi32>, vector<16xi1>
      tpu.vector_store %arg10[%swap3A_684], %get3A_650 masked %and3A_681 {strides = array<i32>} : memref<51200xi32, #tpu.memory_space<vmem>>, vector<16xi32>, vector<16xi1>
      %add3A_686 = arith.constant 5120 : i32
      %add3A_687 = arith.addi %add3A_686, %scan3A_629 : i32
      %sub3A_688 = arith.constant 1000 : i32
      %sub3A_689 = vector.broadcast %sub3A_688 : i32 to vector<16xi32>
      %sub3A_690 = arith.subi %get3A_646, %sub3A_689 : vector<16xi32>
      %swap3A_691 = arith.index_cast %add3A_687 : i32 to index
      %swap3A_692 = tpu.vector_load %arg11[%swap3A_691] masked %and3A_681 {strides = array<i32>} : memref<51200xi32, #tpu.memory_space<vmem>>, vector<16xi32>, vector<16xi1>
      tpu.vector_store %arg11[%swap3A_691], %sub3A_690 masked %and3A_681 {strides = array<i32>} : memref<51200xi32, #tpu.memory_space<vmem>>, vector<16xi32>, vector<16xi1>
      %convert_element_type3A_693 = arith.extui %and3A_681 : vector<16xi1> to vector<16xi32>
      %reduce_sum3A_694 = arith.constant true
      %reduce_sum3A_695 = vector.broadcast %reduce_sum3A_694 : i1 to vector<16xi1>
      %reduce_sum3A_696 = tpu.scan <sum>, %convert_element_type3A_693 masked %reduce_sum3A_695 : vector<16xi32>, vector<16xi1> -> vector<16xi32>
      %reduce_sum3A_697 = vector.extract %reduce_sum3A_696[15] : i32 from vector<16xi32>
      %add3A_698 = arith.addi %scan3A_629, %reduce_sum3A_697 : i32
      %ge3A_699 = arith.constant 2000 : i32
      %ge3A_700 = vector.broadcast %ge3A_699 : i32 to vector<16xi32>
      %ge3A_701 = arith.cmpi sge, %get3A_646, %ge3A_700 : vector<16xi32>
      %and3A_702 = arith.andi %lt3A_643, %ge3A_701 : vector<16xi1>
      %lt3A_703 = arith.constant 3000 : i32
      %lt3A_704 = vector.broadcast %lt3A_703 : i32 to vector<16xi32>
      %lt3A_705 = arith.cmpi slt, %get3A_646, %lt3A_704 : vector<16xi32>
      %and3A_706 = arith.andi %and3A_702, %lt3A_705 : vector<16xi1>
      %add3A_707 = arith.constant 10240 : i32
      %add3A_708 = arith.addi %add3A_707, %scan3A_630 : i32
      %swap3A_709 = arith.index_cast %add3A_708 : i32 to index
      %swap3A_710 = tpu.vector_load %arg10[%swap3A_709] masked %and3A_706 {strides = array<i32>} : memref<51200xi32, #tpu.memory_space<vmem>>, vector<16xi32>, vector<16xi1>
      tpu.vector_store %arg10[%swap3A_709], %get3A_650 masked %and3A_706 {strides = array<i32>} : memref<51200xi32, #tpu.memory_space<vmem>>, vector<16xi32>, vector<16xi1>
      %add3A_711 = arith.constant 10240 : i32
      %add3A_712 = arith.addi %add3A_711, %scan3A_630 : i32
      %sub3A_713 = arith.constant 2000 : i32
      %sub3A_714 = vector.broadcast %sub3A_713 : i32 to vector<16xi32>
      %sub3A_715 = arith.subi %get3A_646, %sub3A_714 : vector<16xi32>
      %swap3A_716 = arith.index_cast %add3A_712 : i32 to index
      %swap3A_717 = tpu.vector_load %arg11[%swap3A_716] masked %and3A_706 {strides = array<i32>} : memref<51200xi32, #tpu.memory_space<vmem>>, vector<16xi32>, vector<16xi1>
      tpu.vector_store %arg11[%swap3A_716], %sub3A_715 masked %and3A_706 {strides = array<i32>} : memref<51200xi32, #tpu.memory_space<vmem>>, vector<16xi32>, vector<16xi1>
      %convert_element_type3A_718 = arith.extui %and3A_706 : vector<16xi1> to vector<16xi32>
      %reduce_sum3A_719 = arith.constant true
      %reduce_sum3A_720 = vector.broadcast %reduce_sum3A_719 : i1 to vector<16xi1>
      %reduce_sum3A_721 = tpu.scan <sum>, %convert_element_type3A_718 masked %reduce_sum3A_720 : vector<16xi32>, vector<16xi1> -> vector<16xi32>
      %reduce_sum3A_722 = vector.extract %reduce_sum3A_721[15] : i32 from vector<16xi32>
      %add3A_723 = arith.addi %scan3A_630, %reduce_sum3A_722 : i32
      %ge3A_724 = arith.constant 3000 : i32
      %ge3A_725 = vector.broadcast %ge3A_724 : i32 to vector<16xi32>
      %ge3A_726 = arith.cmpi sge, %get3A_646, %ge3A_725 : vector<16xi32>
      %and3A_727 = arith.andi %lt3A_643, %ge3A_726 : vector<16xi1>
      %lt3A_728 = arith.constant 4000 : i32
      %lt3A_729 = vector.broadcast %lt3A_728 : i32 to vector<16xi32>
      %lt3A_730 = arith.cmpi slt, %get3A_646, %lt3A_729 : vector<16xi32>
      %and3A_731 = arith.andi %and3A_727, %lt3A_730 : vector<16xi1>
      %add3A_732 = arith.constant 15360 : i32
      %add3A_733 = arith.addi %add3A_732, %scan3A_631 : i32
      %swap3A_734 = arith.index_cast %add3A_733 : i32 to index
      %swap3A_735 = tpu.vector_load %arg10[%swap3A_734] masked %and3A_731 {strides = array<i32>} : memref<51200xi32, #tpu.memory_space<vmem>>, vector<16xi32>, vector<16xi1>
      tpu.vector_store %arg10[%swap3A_734], %get3A_650 masked %and3A_731 {strides = array<i32>} : memref<51200xi32, #tpu.memory_space<vmem>>, vector<16xi32>, vector<16xi1>
      %add3A_736 = arith.constant 15360 : i32
      %add3A_737 = arith.addi %add3A_736, %scan3A_631 : i32
      %sub3A_738 = arith.constant 3000 : i32
      %sub3A_739 = vector.broadcast %sub3A_738 : i32 to vector<16xi32>
      %sub3A_740 = arith.subi %get3A_646, %sub3A_739 : vector<16xi32>
      %swap3A_741 = arith.index_cast %add3A_737 : i32 to index
      %swap3A_742 = tpu.vector_load %arg11[%swap3A_741] masked %and3A_731 {strides = array<i32>} : memref<51200xi32, #tpu.memory_space<vmem>>, vector<16xi32>, vector<16xi1>
      tpu.vector_store %arg11[%swap3A_741], %sub3A_740 masked %and3A_731 {strides = array<i32>} : memref<51200xi32, #tpu.memory_space<vmem>>, vector<16xi32>, vector<16xi1>
      %convert_element_type3A_743 = arith.extui %and3A_731 : vector<16xi1> to vector<16xi32>
      %reduce_sum3A_744 = arith.constant true
      %reduce_sum3A_745 = vector.broadcast %reduce_sum3A_744 : i1 to vector<16xi1>
      %reduce_sum3A_746 = tpu.scan <sum>, %convert_element_type3A_743 masked %reduce_sum3A_745 : vector<16xi32>, vector<16xi1> -> vector<16xi32>
      %reduce_sum3A_747 = vector.extract %reduce_sum3A_746[15] : i32 from vector<16xi32>
      %add3A_748 = arith.addi %scan3A_631, %reduce_sum3A_747 : i32
      %ge3A_749 = arith.constant 4000 : i32
      %ge3A_750 = vector.broadcast %ge3A_749 : i32 to vector<16xi32>
      %ge3A_751 = arith.cmpi sge, %get3A_646, %ge3A_750 : vector<16xi32>
      %and3A_752 = arith.andi %lt3A_643, %ge3A_751 : vector<16xi1>
      %lt3A_753 = arith.constant 5000 : i32
      %lt3A_754 = vector.broadcast %lt3A_753 : i32 to vector<16xi32>
      %lt3A_755 = arith.cmpi slt, %get3A_646, %lt3A_754 : vector<16xi32>
      %and3A_756 = arith.andi %and3A_752, %lt3A_755 : vector<16xi1>
      %add3A_757 = arith.constant 20480 : i32
      %add3A_758 = arith.addi %add3A_757, %scan3A_632 : i32
      %swap3A_759 = arith.index_cast %add3A_758 : i32 to index
      %swap3A_760 = tpu.vector_load %arg10[%swap3A_759] masked %and3A_756 {strides = array<i32>} : memref<51200xi32, #tpu.memory_space<vmem>>, vector<16xi32>, vector<16xi1>
      tpu.vector_store %arg10[%swap3A_759], %get3A_650 masked %and3A_756 {strides = array<i32>} : memref<51200xi32, #tpu.memory_space<vmem>>, vector<16xi32>, vector<16xi1>
      %add3A_761 = arith.constant 20480 : i32
      %add3A_762 = arith.addi %add3A_761, %scan3A_632 : i32
      %sub3A_763 = arith.constant 4000 : i32
      %sub3A_764 = vector.broadcast %sub3A_763 : i32 to vector<16xi32>
      %sub3A_765 = arith.subi %get3A_646, %sub3A_764 : vector<16xi32>
      %swap3A_766 = arith.index_cast %add3A_762 : i32 to index
      %swap3A_767 = tpu.vector_load %arg11[%swap3A_766] masked %and3A_756 {strides = array<i32>} : memref<51200xi32, #tpu.memory_space<vmem>>, vector<16xi32>, vector<16xi1>
      tpu.vector_store %arg11[%swap3A_766], %sub3A_765 masked %and3A_756 {strides = array<i32>} : memref<51200xi32, #tpu.memory_space<vmem>>, vector<16xi32>, vector<16xi1>
      %convert_element_type3A_768 = arith.extui %and3A_756 : vector<16xi1> to vector<16xi32>
      %reduce_sum3A_769 = arith.constant true
      %reduce_sum3A_770 = vector.broadcast %reduce_sum3A_769 : i1 to vector<16xi1>
      %reduce_sum3A_771 = tpu.scan <sum>, %convert_element_type3A_768 masked %reduce_sum3A_770 : vector<16xi32>, vector<16xi1> -> vector<16xi32>
      %reduce_sum3A_772 = vector.extract %reduce_sum3A_771[15] : i32 from vector<16xi32>
      %add3A_773 = arith.addi %scan3A_632, %reduce_sum3A_772 : i32
      %ge3A_774 = arith.constant 5000 : i32
      %ge3A_775 = vector.broadcast %ge3A_774 : i32 to vector<16xi32>
      %ge3A_776 = arith.cmpi sge, %get3A_646, %ge3A_775 : vector<16xi32>
      %and3A_777 = arith.andi %lt3A_643, %ge3A_776 : vector<16xi1>
      %lt3A_778 = arith.constant 6000 : i32
      %lt3A_779 = vector.broadcast %lt3A_778 : i32 to vector<16xi32>
      %lt3A_780 = arith.cmpi slt, %get3A_646, %lt3A_779 : vector<16xi32>
      %and3A_781 = arith.andi %and3A_777, %lt3A_780 : vector<16xi1>
      %add3A_782 = arith.constant 25600 : i32
      %add3A_783 = arith.addi %add3A_782, %scan3A_633 : i32
      %swap3A_784 = arith.index_cast %add3A_783 : i32 to index
      %swap3A_785 = tpu.vector_load %arg10[%swap3A_784] masked %and3A_781 {strides = array<i32>} : memref<51200xi32, #tpu.memory_space<vmem>>, vector<16xi32>, vector<16xi1>
      tpu.vector_store %arg10[%swap3A_784], %get3A_650 masked %and3A_781 {strides = array<i32>} : memref<51200xi32, #tpu.memory_space<vmem>>, vector<16xi32>, vector<16xi1>
      %add3A_786 = arith.constant 25600 : i32
      %add3A_787 = arith.addi %add3A_786, %scan3A_633 : i32
      %sub3A_788 = arith.constant 5000 : i32
      %sub3A_789 = vector.broadcast %sub3A_788 : i32 to vector<16xi32>
      %sub3A_790 = arith.subi %get3A_646, %sub3A_789 : vector<16xi32>
      %swap3A_791 = arith.index_cast %add3A_787 : i32 to index
      %swap3A_792 = tpu.vector_load %arg11[%swap3A_791] masked %and3A_781 {strides = array<i32>} : memref<51200xi32, #tpu.memory_space<vmem>>, vector<16xi32>, vector<16xi1>
      tpu.vector_store %arg11[%swap3A_791], %sub3A_790 masked %and3A_781 {strides = array<i32>} : memref<51200xi32, #tpu.memory_space<vmem>>, vector<16xi32>, vector<16xi1>
      %convert_element_type3A_793 = arith.extui %and3A_781 : vector<16xi1> to vector<16xi32>
      %reduce_sum3A_794 = arith.constant true
      %reduce_sum3A_795 = vector.broadcast %reduce_sum3A_794 : i1 to vector<16xi1>
      %reduce_sum3A_796 = tpu.scan <sum>, %convert_element_type3A_793 masked %reduce_sum3A_795 : vector<16xi32>, vector<16xi1> -> vector<16xi32>
      %reduce_sum3A_797 = vector.extract %reduce_sum3A_796[15] : i32 from vector<16xi32>
      %add3A_798 = arith.addi %scan3A_633, %reduce_sum3A_797 : i32
      %ge3A_799 = arith.constant 6000 : i32
      %ge3A_800 = vector.broadcast %ge3A_799 : i32 to vector<16xi32>
      %ge3A_801 = arith.cmpi sge, %get3A_646, %ge3A_800 : vector<16xi32>
      %and3A_802 = arith.andi %lt3A_643, %ge3A_801 : vector<16xi1>
      %lt3A_803 = arith.constant 7000 : i32
      %lt3A_804 = vector.broadcast %lt3A_803 : i32 to vector<16xi32>
      %lt3A_805 = arith.cmpi slt, %get3A_646, %lt3A_804 : vector<16xi32>
      %and3A_806 = arith.andi %and3A_802, %lt3A_805 : vector<16xi1>
      %add3A_807 = arith.constant 30720 : i32
      %add3A_808 = arith.addi %add3A_807, %scan3A_634 : i32
      %swap3A_809 = arith.index_cast %add3A_808 : i32 to index
      %swap3A_810 = tpu.vector_load %arg10[%swap3A_809] masked %and3A_806 {strides = array<i32>} : memref<51200xi32, #tpu.memory_space<vmem>>, vector<16xi32>, vector<16xi1>
      tpu.vector_store %arg10[%swap3A_809], %get3A_650 masked %and3A_806 {strides = array<i32>} : memref<51200xi32, #tpu.memory_space<vmem>>, vector<16xi32>, vector<16xi1>
      %add3A_811 = arith.constant 30720 : i32
      %add3A_812 = arith.addi %add3A_811, %scan3A_634 : i32
      %sub3A_813 = arith.constant 6000 : i32
      %sub3A_814 = vector.broadcast %sub3A_813 : i32 to vector<16xi32>
      %sub3A_815 = arith.subi %get3A_646, %sub3A_814 : vector<16xi32>
      %swap3A_816 = arith.index_cast %add3A_812 : i32 to index
      %swap3A_817 = tpu.vector_load %arg11[%swap3A_816] masked %and3A_806 {strides = array<i32>} : memref<51200xi32, #tpu.memory_space<vmem>>, vector<16xi32>, vector<16xi1>
      tpu.vector_store %arg11[%swap3A_816], %sub3A_815 masked %and3A_806 {strides = array<i32>} : memref<51200xi32, #tpu.memory_space<vmem>>, vector<16xi32>, vector<16xi1>
      %convert_element_type3A_818 = arith.extui %and3A_806 : vector<16xi1> to vector<16xi32>
      %reduce_sum3A_819 = arith.constant true
      %reduce_sum3A_820 = vector.broadcast %reduce_sum3A_819 : i1 to vector<16xi1>
      %reduce_sum3A_821 = tpu.scan <sum>, %convert_element_type3A_818 masked %reduce_sum3A_820 : vector<16xi32>, vector<16xi1> -> vector<16xi32>
      %reduce_sum3A_822 = vector.extract %reduce_sum3A_821[15] : i32 from vector<16xi32>
      %add3A_823 = arith.addi %scan3A_634, %reduce_sum3A_822 : i32
      %ge3A_824 = arith.constant 7000 : i32
      %ge3A_825 = vector.broadcast %ge3A_824 : i32 to vector<16xi32>
      %ge3A_826 = arith.cmpi sge, %get3A_646, %ge3A_825 : vector<16xi32>
      %and3A_827 = arith.andi %lt3A_643, %ge3A_826 : vector<16xi1>
      %lt3A_828 = arith.constant 8000 : i32
      %lt3A_829 = vector.broadcast %lt3A_828 : i32 to vector<16xi32>
      %lt3A_830 = arith.cmpi slt, %get3A_646, %lt3A_829 : vector<16xi32>
      %and3A_831 = arith.andi %and3A_827, %lt3A_830 : vector<16xi1>
      %add3A_832 = arith.constant 35840 : i32
      %add3A_833 = arith.addi %add3A_832, %scan3A_635 : i32
      %swap3A_834 = arith.index_cast %add3A_833 : i32 to index
      %swap3A_835 = tpu.vector_load %arg10[%swap3A_834] masked %and3A_831 {strides = array<i32>} : memref<51200xi32, #tpu.memory_space<vmem>>, vector<16xi32>, vector<16xi1>
      tpu.vector_store %arg10[%swap3A_834], %get3A_650 masked %and3A_831 {strides = array<i32>} : memref<51200xi32, #tpu.memory_space<vmem>>, vector<16xi32>, vector<16xi1>
      %add3A_836 = arith.constant 35840 : i32
      %add3A_837 = arith.addi %add3A_836, %scan3A_635 : i32
      %sub3A_838 = arith.constant 7000 : i32
      %sub3A_839 = vector.broadcast %sub3A_838 : i32 to vector<16xi32>
      %sub3A_840 = arith.subi %get3A_646, %sub3A_839 : vector<16xi32>
      %swap3A_841 = arith.index_cast %add3A_837 : i32 to index
      %swap3A_842 = tpu.vector_load %arg11[%swap3A_841] masked %and3A_831 {strides = array<i32>} : memref<51200xi32, #tpu.memory_space<vmem>>, vector<16xi32>, vector<16xi1>
      tpu.vector_store %arg11[%swap3A_841], %sub3A_840 masked %and3A_831 {strides = array<i32>} : memref<51200xi32, #tpu.memory_space<vmem>>, vector<16xi32>, vector<16xi1>
      %convert_element_type3A_843 = arith.extui %and3A_831 : vector<16xi1> to vector<16xi32>
      %reduce_sum3A_844 = arith.constant true
      %reduce_sum3A_845 = vector.broadcast %reduce_sum3A_844 : i1 to vector<16xi1>
      %reduce_sum3A_846 = tpu.scan <sum>, %convert_element_type3A_843 masked %reduce_sum3A_845 : vector<16xi32>, vector<16xi1> -> vector<16xi32>
      %reduce_sum3A_847 = vector.extract %reduce_sum3A_846[15] : i32 from vector<16xi32>
      %add3A_848 = arith.addi %scan3A_635, %reduce_sum3A_847 : i32
      %ge3A_849 = arith.constant 8000 : i32
      %ge3A_850 = vector.broadcast %ge3A_849 : i32 to vector<16xi32>
      %ge3A_851 = arith.cmpi sge, %get3A_646, %ge3A_850 : vector<16xi32>
      %and3A_852 = arith.andi %lt3A_643, %ge3A_851 : vector<16xi1>
      %lt3A_853 = arith.constant 9000 : i32
      %lt3A_854 = vector.broadcast %lt3A_853 : i32 to vector<16xi32>
      %lt3A_855 = arith.cmpi slt, %get3A_646, %lt3A_854 : vector<16xi32>
      %and3A_856 = arith.andi %and3A_852, %lt3A_855 : vector<16xi1>
      %add3A_857 = arith.constant 40960 : i32
      %add3A_858 = arith.addi %add3A_857, %scan3A_636 : i32
      %swap3A_859 = arith.index_cast %add3A_858 : i32 to index
      %swap3A_860 = tpu.vector_load %arg10[%swap3A_859] masked %and3A_856 {strides = array<i32>} : memref<51200xi32, #tpu.memory_space<vmem>>, vector<16xi32>, vector<16xi1>
      tpu.vector_store %arg10[%swap3A_859], %get3A_650 masked %and3A_856 {strides = array<i32>} : memref<51200xi32, #tpu.memory_space<vmem>>, vector<16xi32>, vector<16xi1>
      %add3A_861 = arith.constant 40960 : i32
      %add3A_862 = arith.addi %add3A_861, %scan3A_636 : i32
      %sub3A_863 = arith.constant 8000 : i32
      %sub3A_864 = vector.broadcast %sub3A_863 : i32 to vector<16xi32>
      %sub3A_865 = arith.subi %get3A_646, %sub3A_864 : vector<16xi32>
      %swap3A_866 = arith.index_cast %add3A_862 : i32 to index
      %swap3A_867 = tpu.vector_load %arg11[%swap3A_866] masked %and3A_856 {strides = array<i32>} : memref<51200xi32, #tpu.memory_space<vmem>>, vector<16xi32>, vector<16xi1>
      tpu.vector_store %arg11[%swap3A_866], %sub3A_865 masked %and3A_856 {strides = array<i32>} : memref<51200xi32, #tpu.memory_space<vmem>>, vector<16xi32>, vector<16xi1>
      %convert_element_type3A_868 = arith.extui %and3A_856 : vector<16xi1> to vector<16xi32>
      %reduce_sum3A_869 = arith.constant true
      %reduce_sum3A_870 = vector.broadcast %reduce_sum3A_869 : i1 to vector<16xi1>
      %reduce_sum3A_871 = tpu.scan <sum>, %convert_element_type3A_868 masked %reduce_sum3A_870 : vector<16xi32>, vector<16xi1> -> vector<16xi32>
      %reduce_sum3A_872 = vector.extract %reduce_sum3A_871[15] : i32 from vector<16xi32>
      %add3A_873 = arith.addi %scan3A_636, %reduce_sum3A_872 : i32
      %ge3A_874 = arith.constant 9000 : i32
      %ge3A_875 = vector.broadcast %ge3A_874 : i32 to vector<16xi32>
      %ge3A_876 = arith.cmpi sge, %get3A_646, %ge3A_875 : vector<16xi32>
      %and3A_877 = arith.andi %lt3A_643, %ge3A_876 : vector<16xi1>
      %lt3A_878 = arith.constant 10000 : i32
      %lt3A_879 = vector.broadcast %lt3A_878 : i32 to vector<16xi32>
      %lt3A_880 = arith.cmpi slt, %get3A_646, %lt3A_879 : vector<16xi32>
      %and3A_881 = arith.andi %and3A_877, %lt3A_880 : vector<16xi1>
      %add3A_882 = arith.constant 46080 : i32
      %add3A_883 = arith.addi %add3A_882, %scan3A_637 : i32
      %swap3A_884 = arith.index_cast %add3A_883 : i32 to index
      %swap3A_885 = tpu.vector_load %arg10[%swap3A_884] masked %and3A_881 {strides = array<i32>} : memref<51200xi32, #tpu.memory_space<vmem>>, vector<16xi32>, vector<16xi1>
      tpu.vector_store %arg10[%swap3A_884], %get3A_650 masked %and3A_881 {strides = array<i32>} : memref<51200xi32, #tpu.memory_space<vmem>>, vector<16xi32>, vector<16xi1>
      %add3A_886 = arith.constant 46080 : i32
      %add3A_887 = arith.addi %add3A_886, %scan3A_637 : i32
      %sub3A_888 = arith.constant 9000 : i32
      %sub3A_889 = vector.broadcast %sub3A_888 : i32 to vector<16xi32>
      %sub3A_890 = arith.subi %get3A_646, %sub3A_889 : vector<16xi32>
      %swap3A_891 = arith.index_cast %add3A_887 : i32 to index
      %swap3A_892 = tpu.vector_load %arg11[%swap3A_891] masked %and3A_881 {strides = array<i32>} : memref<51200xi32, #tpu.memory_space<vmem>>, vector<16xi32>, vector<16xi1>
      tpu.vector_store %arg11[%swap3A_891], %sub3A_890 masked %and3A_881 {strides = array<i32>} : memref<51200xi32, #tpu.memory_space<vmem>>, vector<16xi32>, vector<16xi1>
      %convert_element_type3A_893 = arith.extui %and3A_881 : vector<16xi1> to vector<16xi32>
      %reduce_sum3A_894 = arith.constant true
      %reduce_sum3A_895 = vector.broadcast %reduce_sum3A_894 : i1 to vector<16xi1>
      %reduce_sum3A_896 = tpu.scan <sum>, %convert_element_type3A_893 masked %reduce_sum3A_895 : vector<16xi32>, vector<16xi1> -> vector<16xi32>
      %reduce_sum3A_897 = vector.extract %reduce_sum3A_896[15] : i32 from vector<16xi32>
      %add3A_898 = arith.addi %scan3A_637, %reduce_sum3A_897 : i32
      scf.yield %add3A_673, %add3A_698, %add3A_723, %add3A_748, %add3A_773, %add3A_798, %add3A_823, %add3A_848, %add3A_873, %add3A_898 : i32, i32, i32, i32, i32, i32, i32, i32, i32, i32
    }
    %scan3A_62 = arith.constant 313 : i32
    %broadcast_in_dim3A_63 = arith.constant 1016 : i32
    %broadcast_in_dim3A_64 = vector.broadcast %broadcast_in_dim3A_63 : i32 to vector<16xi32>
    %broadcast_in_dim3A_65 = arith.constant 1048576 : i32
    %broadcast_in_dim3A_66 = vector.broadcast %broadcast_in_dim3A_65 : i32 to vector<16xi32>
    %add3A_67 = arith.constant 0 : i32
    %add3A_68 = arith.addi %add3A_67, %scan3A_61#0 : i32
    %add3A_69 = arith.constant 0 : i32
    %add3A_70 = arith.addi %add3A_68, %add3A_69 : i32
    %swap3A = arith.index_cast %add3A_70 : i32 to index
    %swap3A_71 = tpu.vector_load %arg10[%swap3A] {strides = array<i32>} : memref<51200xi32, #tpu.memory_space<vmem>>, vector<16xi32>,
    tpu.vector_store %arg10[%swap3A], %broadcast_in_dim3A_66 {strides = array<i32>} : memref<51200xi32, #tpu.memory_space<vmem>>, vector<16xi32>,
    %add3A_72 = arith.constant 0 : i32
    %add3A_73 = arith.addi %add3A_72, %scan3A_61#0 : i32
    %add3A_74 = arith.constant 0 : i32
    %add3A_75 = arith.addi %add3A_73, %add3A_74 : i32
    %swap3A_76 = arith.index_cast %add3A_75 : i32 to index
    %swap3A_77 = tpu.vector_load %arg11[%swap3A_76] {strides = array<i32>} : memref<51200xi32, #tpu.memory_space<vmem>>, vector<16xi32>,
    tpu.vector_store %arg11[%swap3A_76], %broadcast_in_dim3A_64 {strides = array<i32>} : memref<51200xi32, #tpu.memory_space<vmem>>, vector<16xi32>,
    %add3A_78 = arith.constant 0 : i32
    %add3A_79 = arith.addi %add3A_78, %scan3A_61#0 : i32
    %add3A_80 = arith.constant 16 : i32
    %add3A_81 = arith.addi %add3A_79, %add3A_80 : i32
    %swap3A_82 = arith.index_cast %add3A_81 : i32 to index
    %swap3A_83 = tpu.vector_load %arg10[%swap3A_82] {strides = array<i32>} : memref<51200xi32, #tpu.memory_space<vmem>>, vector<16xi32>,
    tpu.vector_store %arg10[%swap3A_82], %broadcast_in_dim3A_66 {strides = array<i32>} : memref<51200xi32, #tpu.memory_space<vmem>>, vector<16xi32>,
    %add3A_84 = arith.constant 0 : i32
    %add3A_85 = arith.addi %add3A_84, %scan3A_61#0 : i32
    %add3A_86 = arith.constant 16 : i32
    %add3A_87 = arith.addi %add3A_85, %add3A_86 : i32
    %swap3A_88 = arith.index_cast %add3A_87 : i32 to index
    %swap3A_89 = tpu.vector_load %arg11[%swap3A_88] {strides = array<i32>} : memref<51200xi32, #tpu.memory_space<vmem>>, vector<16xi32>,
    tpu.vector_store %arg11[%swap3A_88], %broadcast_in_dim3A_64 {strides = array<i32>} : memref<51200xi32, #tpu.memory_space<vmem>>, vector<16xi32>,
    %add3A_90 = arith.constant 15 : i32
    %add3A_91 = arith.addi %scan3A_61#0, %add3A_90 : i32
    %jit3A = arith.constant 16 : i32
    %div3A = arith.divsi %add3A_91, %jit3A : i32
    %sign3A = arith.constant 0 : i32
    %sign3A_92 = arith.cmpi sgt, %add3A_91, %sign3A : i32
    %sign3A_93 = arith.extui %sign3A_92 : i1 to i32
    %sign3A_94 = arith.constant 0 : i32
    %sign3A_95 = arith.cmpi slt, %add3A_91, %sign3A_94 : i32
    %sign3A_96 = arith.extui %sign3A_95 : i1 to i32
    %sign3A_97 = arith.subi %sign3A_93, %sign3A_96 : i32
    %sign3A_98 = arith.constant 0 : i32
    %sign3A_99 = arith.cmpi sgt, %jit3A, %sign3A_98 : i32
    %sign3A_100 = arith.extui %sign3A_99 : i1 to i32
    %sign3A_101 = arith.constant 0 : i32
    %sign3A_102 = arith.cmpi slt, %jit3A, %sign3A_101 : i32
    %sign3A_103 = arith.extui %sign3A_102 : i1 to i32
    %sign3A_104 = arith.subi %sign3A_100, %sign3A_103 : i32
    %ne3A = arith.cmpi ne, %sign3A_97, %sign3A_104 : i32
    %rem3A = arith.remsi %add3A_91, %jit3A : i32
    %ne3A_105 = arith.constant 0 : i32
    %ne3A_106 = arith.cmpi ne, %rem3A, %ne3A_105 : i32
    %and3A = arith.andi %ne3A, %ne3A_106 : i1
    %sub3A = arith.constant 1 : i32
    %sub3A_107 = arith.subi %div3A, %sub3A : i32
    %select_n3A = arith.select %and3A, %sub3A_107, %div3A : i32
    %broadcast_in_dim3A_108 = vector.broadcast %select_n3A : i32 to vector<16xi32>
    %swap3A_109 = arith.constant 0 : index
    %swap3A_110 = tpu.vector_load %arg12[%swap3A_109] {strides = array<i32>} : memref<160xi32, #tpu.memory_space<vmem>>, vector<16xi32>,
    tpu.vector_store %arg12[%swap3A_109], %broadcast_in_dim3A_108 {strides = array<i32>} : memref<160xi32, #tpu.memory_space<vmem>>, vector<16xi32>,
    %run_scoped3A = arith.constant 0 : i32
    %run_scoped3A_111 = arith.constant 0 : i32
    "tpu.region"() ({
      %run_scoped3A_627 = tpu.sem_alloc : memref<!tpu.dma_semaphore, #tpu.memory_space<semaphore_mem>>
      %dma_start3A = arith.constant 0 : i32
      %dma_start3A_628 = tpu.memref_slice %arg10[%dma_start3A] : memref<51200xi32, #tpu.memory_space<vmem>> -> memref<5120xi32, #tpu.memory_space<vmem>>
      %dma_start3A_629 = arith.constant 0 : i32
      %dma_start3A_630 = tpu.memref_slice %arg5[%add3A, %run_scoped3A, %run_scoped3A_111, %dma_start3A_629] : memref<32x10x2x5120xi32, #tpu.memory_space<hbm>> -> memref<1x1x1x5120xi32, #tpu.memory_space<hbm>>
      %dma_start3A_631 = tpu.memref_squeeze %dma_start3A_630 : memref<1x1x1x5120xi32, #tpu.memory_space<hbm>> -> memref<5120xi32, #tpu.memory_space<hbm>>
      %dma_start3A_632 = arith.constant 0 : i32
      %dma_start3A_633 = tpu.memref_slice %arg5[%add3A, %run_scoped3A, %run_scoped3A_111, %dma_start3A_632] : memref<32x10x2x5120xi32, #tpu.memory_space<hbm>> -> memref<1x1x1x5120xi32, #tpu.memory_space<hbm>>
      %dma_start3A_634 = tpu.memref_squeeze %dma_start3A_633 : memref<1x1x1x5120xi32, #tpu.memory_space<hbm>> -> memref<5120xi32, #tpu.memory_space<hbm>>
      %dma_start3A_635 = arith.constant 0 : i32
      %dma_start3A_636 = tpu.memref_slice %arg10[%dma_start3A_635] : memref<51200xi32, #tpu.memory_space<vmem>> -> memref<5120xi32, #tpu.memory_space<vmem>>
      tpu.enqueue_dma source(%dma_start3A_636 : memref<5120xi32, #tpu.memory_space<vmem>>) target(%dma_start3A_634 : memref<5120xi32, #tpu.memory_space<hbm>>) target_semaphore(%run_scoped3A_627 : memref<!tpu.dma_semaphore, #tpu.memory_space<semaphore_mem>>)
      %dma_wait3A = arith.constant 0 : i32
      %dma_wait3A_637 = tpu.memref_slice %arg10[%dma_wait3A] : memref<51200xi32, #tpu.memory_space<vmem>> -> memref<5120xi32, #tpu.memory_space<vmem>>
      %dma_wait3A_638 = arith.constant 0 : i32
      %dma_wait3A_639 = tpu.memref_slice %arg5[%add3A, %run_scoped3A, %run_scoped3A_111, %dma_wait3A_638] : memref<32x10x2x5120xi32, #tpu.memory_space<hbm>> -> memref<1x1x1x5120xi32, #tpu.memory_space<hbm>>
      %dma_wait3A_640 = tpu.memref_squeeze %dma_wait3A_639 : memref<1x1x1x5120xi32, #tpu.memory_space<hbm>> -> memref<5120xi32, #tpu.memory_space<hbm>>
      %dma_wait3A_641 = arith.constant 0 : i32
      %dma_wait3A_642 = tpu.memref_slice %arg5[%add3A, %run_scoped3A, %run_scoped3A_111, %dma_wait3A_641] : memref<32x10x2x5120xi32, #tpu.memory_space<hbm>> -> memref<1x1x1x5120xi32, #tpu.memory_space<hbm>>
      %dma_wait3A_643 = tpu.memref_squeeze %dma_wait3A_642 : memref<1x1x1x5120xi32, #tpu.memory_space<hbm>> -> memref<5120xi32, #tpu.memory_space<hbm>>
      %dma_wait3A_644 = arith.constant 0 : i32
      %dma_wait3A_645 = tpu.memref_slice %arg10[%dma_wait3A_644] : memref<51200xi32, #tpu.memory_space<vmem>> -> memref<5120xi32, #tpu.memory_space<vmem>>
      tpu.wait_dma2 semaphore(%run_scoped3A_627 : memref<!tpu.dma_semaphore, #tpu.memory_space<semaphore_mem>>) src(%dma_wait3A_645 : memref<5120xi32, #tpu.memory_space<vmem>>) dst(%dma_wait3A_643 : memref<5120xi32, #tpu.memory_space<hbm>>)
      tpu.yield
    }) : () -> ()
    %run_scoped3A_112 = arith.constant 0 : i32
    %run_scoped3A_113 = arith.constant 1 : i32
    "tpu.region"() ({
      %run_scoped3A_627 = tpu.sem_alloc : memref<!tpu.dma_semaphore, #tpu.memory_space<semaphore_mem>>
      %dma_start3A = arith.constant 0 : i32
      %dma_start3A_628 = tpu.memref_slice %arg11[%dma_start3A] : memref<51200xi32, #tpu.memory_space<vmem>> -> memref<5120xi32, #tpu.memory_space<vmem>>
      %dma_start3A_629 = arith.constant 0 : i32
      %dma_start3A_630 = tpu.memref_slice %arg5[%add3A, %run_scoped3A_112, %run_scoped3A_113, %dma_start3A_629] : memref<32x10x2x5120xi32, #tpu.memory_space<hbm>> -> memref<1x1x1x5120xi32, #tpu.memory_space<hbm>>
      %dma_start3A_631 = tpu.memref_squeeze %dma_start3A_630 : memref<1x1x1x5120xi32, #tpu.memory_space<hbm>> -> memref<5120xi32, #tpu.memory_space<hbm>>
      %dma_start3A_632 = arith.constant 0 : i32
      %dma_start3A_633 = tpu.memref_slice %arg5[%add3A, %run_scoped3A_112, %run_scoped3A_113, %dma_start3A_632] : memref<32x10x2x5120xi32, #tpu.memory_space<hbm>> -> memref<1x1x1x5120xi32, #tpu.memory_space<hbm>>
      %dma_start3A_634 = tpu.memref_squeeze %dma_start3A_633 : memref<1x1x1x5120xi32, #tpu.memory_space<hbm>> -> memref<5120xi32, #tpu.memory_space<hbm>>
      %dma_start3A_635 = arith.constant 0 : i32
      %dma_start3A_636 = tpu.memref_slice %arg11[%dma_start3A_635] : memref<51200xi32, #tpu.memory_space<vmem>> -> memref<5120xi32, #tpu.memory_space<vmem>>
      tpu.enqueue_dma source(%dma_start3A_636 : memref<5120xi32, #tpu.memory_space<vmem>>) target(%dma_start3A_634 : memref<5120xi32, #tpu.memory_space<hbm>>) target_semaphore(%run_scoped3A_627 : memref<!tpu.dma_semaphore, #tpu.memory_space<semaphore_mem>>)
      %dma_wait3A = arith.constant 0 : i32
      %dma_wait3A_637 = tpu.memref_slice %arg11[%dma_wait3A] : memref<51200xi32, #tpu.memory_space<vmem>> -> memref<5120xi32, #tpu.memory_space<vmem>>
      %dma_wait3A_638 = arith.constant 0 : i32
      %dma_wait3A_639 = tpu.memref_slice %arg5[%add3A, %run_scoped3A_112, %run_scoped3A_113, %dma_wait3A_638] : memref<32x10x2x5120xi32, #tpu.memory_space<hbm>> -> memref<1x1x1x5120xi32, #tpu.memory_space<hbm>>
      %dma_wait3A_640 = tpu.memref_squeeze %dma_wait3A_639 : memref<1x1x1x5120xi32, #tpu.memory_space<hbm>> -> memref<5120xi32, #tpu.memory_space<hbm>>
      %dma_wait3A_641 = arith.constant 0 : i32
      %dma_wait3A_642 = tpu.memref_slice %arg5[%add3A, %run_scoped3A_112, %run_scoped3A_113, %dma_wait3A_641] : memref<32x10x2x5120xi32, #tpu.memory_space<hbm>> -> memref<1x1x1x5120xi32, #tpu.memory_space<hbm>>
      %dma_wait3A_643 = tpu.memref_squeeze %dma_wait3A_642 : memref<1x1x1x5120xi32, #tpu.memory_space<hbm>> -> memref<5120xi32, #tpu.memory_space<hbm>>
      %dma_wait3A_644 = arith.constant 0 : i32
      %dma_wait3A_645 = tpu.memref_slice %arg11[%dma_wait3A_644] : memref<51200xi32, #tpu.memory_space<vmem>> -> memref<5120xi32, #tpu.memory_space<vmem>>
      tpu.wait_dma2 semaphore(%run_scoped3A_627 : memref<!tpu.dma_semaphore, #tpu.memory_space<semaphore_mem>>) src(%dma_wait3A_645 : memref<5120xi32, #tpu.memory_space<vmem>>) dst(%dma_wait3A_643 : memref<5120xi32, #tpu.memory_space<hbm>>)
      tpu.yield
    }) : () -> ()
    %add3A_114 = arith.constant 5120 : i32
    %add3A_115 = arith.addi %add3A_114, %scan3A_61#1 : i32
    %add3A_116 = arith.constant 0 : i32
    %add3A_117 = arith.addi %add3A_115, %add3A_116 : i32
    %swap3A_118 = arith.index_cast %add3A_117 : i32 to index
    %swap3A_119 = tpu.vector_load %arg10[%swap3A_118] {strides = array<i32>} : memref<51200xi32, #tpu.memory_space<vmem>>, vector<16xi32>,
    tpu.vector_store %arg10[%swap3A_118], %broadcast_in_dim3A_66 {strides = array<i32>} : memref<51200xi32, #tpu.memory_space<vmem>>, vector<16xi32>,
    %add3A_120 = arith.constant 5120 : i32
    %add3A_121 = arith.addi %add3A_120, %scan3A_61#1 : i32
    %add3A_122 = arith.constant 0 : i32
    %add3A_123 = arith.addi %add3A_121, %add3A_122 : i32
    %swap3A_124 = arith.index_cast %add3A_123 : i32 to index
    %swap3A_125 = tpu.vector_load %arg11[%swap3A_124] {strides = array<i32>} : memref<51200xi32, #tpu.memory_space<vmem>>, vector<16xi32>,
    tpu.vector_store %arg11[%swap3A_124], %broadcast_in_dim3A_64 {strides = array<i32>} : memref<51200xi32, #tpu.memory_space<vmem>>, vector<16xi32>,
    %add3A_126 = arith.constant 5120 : i32
    %add3A_127 = arith.addi %add3A_126, %scan3A_61#1 : i32
    %add3A_128 = arith.constant 16 : i32
    %add3A_129 = arith.addi %add3A_127, %add3A_128 : i32
    %swap3A_130 = arith.index_cast %add3A_129 : i32 to index
    %swap3A_131 = tpu.vector_load %arg10[%swap3A_130] {strides = array<i32>} : memref<51200xi32, #tpu.memory_space<vmem>>, vector<16xi32>,
    tpu.vector_store %arg10[%swap3A_130], %broadcast_in_dim3A_66 {strides = array<i32>} : memref<51200xi32, #tpu.memory_space<vmem>>, vector<16xi32>,
    %add3A_132 = arith.constant 5120 : i32
    %add3A_133 = arith.addi %add3A_132, %scan3A_61#1 : i32
    %add3A_134 = arith.constant 16 : i32
    %add3A_135 = arith.addi %add3A_133, %add3A_134 : i32
    %swap3A_136 = arith.index_cast %add3A_135 : i32 to index
    %swap3A_137 = tpu.vector_load %arg11[%swap3A_136] {strides = array<i32>} : memref<51200xi32, #tpu.memory_space<vmem>>, vector<16xi32>,
    tpu.vector_store %arg11[%swap3A_136], %broadcast_in_dim3A_64 {strides = array<i32>} : memref<51200xi32, #tpu.memory_space<vmem>>, vector<16xi32>,
    %add3A_138 = arith.constant 15 : i32
    %add3A_139 = arith.addi %scan3A_61#1, %add3A_138 : i32
    %jit3A_140 = arith.constant 16 : i32
    %div3A_141 = arith.divsi %add3A_139, %jit3A_140 : i32
    %sign3A_142 = arith.constant 0 : i32
    %sign3A_143 = arith.cmpi sgt, %add3A_139, %sign3A_142 : i32
    %sign3A_144 = arith.extui %sign3A_143 : i1 to i32
    %sign3A_145 = arith.constant 0 : i32
    %sign3A_146 = arith.cmpi slt, %add3A_139, %sign3A_145 : i32
    %sign3A_147 = arith.extui %sign3A_146 : i1 to i32
    %sign3A_148 = arith.subi %sign3A_144, %sign3A_147 : i32
    %sign3A_149 = arith.constant 0 : i32
    %sign3A_150 = arith.cmpi sgt, %jit3A_140, %sign3A_149 : i32
    %sign3A_151 = arith.extui %sign3A_150 : i1 to i32
    %sign3A_152 = arith.constant 0 : i32
    %sign3A_153 = arith.cmpi slt, %jit3A_140, %sign3A_152 : i32
    %sign3A_154 = arith.extui %sign3A_153 : i1 to i32
    %sign3A_155 = arith.subi %sign3A_151, %sign3A_154 : i32
    %ne3A_156 = arith.cmpi ne, %sign3A_148, %sign3A_155 : i32
    %rem3A_157 = arith.remsi %add3A_139, %jit3A_140 : i32
    %ne3A_158 = arith.constant 0 : i32
    %ne3A_159 = arith.cmpi ne, %rem3A_157, %ne3A_158 : i32
    %and3A_160 = arith.andi %ne3A_156, %ne3A_159 : i1
    %sub3A_161 = arith.constant 1 : i32
    %sub3A_162 = arith.subi %div3A_141, %sub3A_161 : i32
    %select_n3A_163 = arith.select %and3A_160, %sub3A_162, %div3A_141 : i32
    %broadcast_in_dim3A_164 = vector.broadcast %select_n3A_163 : i32 to vector<16xi32>
    %swap3A_165 = arith.constant 16 : index
    %swap3A_166 = tpu.vector_load %arg12[%swap3A_165] {strides = array<i32>} : memref<160xi32, #tpu.memory_space<vmem>>, vector<16xi32>,
    tpu.vector_store %arg12[%swap3A_165], %broadcast_in_dim3A_164 {strides = array<i32>} : memref<160xi32, #tpu.memory_space<vmem>>, vector<16xi32>,
    %run_scoped3A_167 = arith.constant 1 : i32
    %run_scoped3A_168 = arith.constant 0 : i32
    "tpu.region"() ({
      %run_scoped3A_627 = tpu.sem_alloc : memref<!tpu.dma_semaphore, #tpu.memory_space<semaphore_mem>>
      %dma_start3A = arith.constant 5120 : i32
      %dma_start3A_628 = tpu.memref_slice %arg10[%dma_start3A] : memref<51200xi32, #tpu.memory_space<vmem>> -> memref<5120xi32, #tpu.memory_space<vmem>>
      %dma_start3A_629 = arith.constant 0 : i32
      %dma_start3A_630 = tpu.memref_slice %arg5[%add3A, %run_scoped3A_167, %run_scoped3A_168, %dma_start3A_629] : memref<32x10x2x5120xi32, #tpu.memory_space<hbm>> -> memref<1x1x1x5120xi32, #tpu.memory_space<hbm>>
      %dma_start3A_631 = tpu.memref_squeeze %dma_start3A_630 : memref<1x1x1x5120xi32, #tpu.memory_space<hbm>> -> memref<5120xi32, #tpu.memory_space<hbm>>
      %dma_start3A_632 = arith.constant 0 : i32
      %dma_start3A_633 = tpu.memref_slice %arg5[%add3A, %run_scoped3A_167, %run_scoped3A_168, %dma_start3A_632] : memref<32x10x2x5120xi32, #tpu.memory_space<hbm>> -> memref<1x1x1x5120xi32, #tpu.memory_space<hbm>>
      %dma_start3A_634 = tpu.memref_squeeze %dma_start3A_633 : memref<1x1x1x5120xi32, #tpu.memory_space<hbm>> -> memref<5120xi32, #tpu.memory_space<hbm>>
      %dma_start3A_635 = arith.constant 5120 : i32
      %dma_start3A_636 = tpu.memref_slice %arg10[%dma_start3A_635] : memref<51200xi32, #tpu.memory_space<vmem>> -> memref<5120xi32, #tpu.memory_space<vmem>>
      tpu.enqueue_dma source(%dma_start3A_636 : memref<5120xi32, #tpu.memory_space<vmem>>) target(%dma_start3A_634 : memref<5120xi32, #tpu.memory_space<hbm>>) target_semaphore(%run_scoped3A_627 : memref<!tpu.dma_semaphore, #tpu.memory_space<semaphore_mem>>)
      %dma_wait3A = arith.constant 5120 : i32
      %dma_wait3A_637 = tpu.memref_slice %arg10[%dma_wait3A] : memref<51200xi32, #tpu.memory_space<vmem>> -> memref<5120xi32, #tpu.memory_space<vmem>>
      %dma_wait3A_638 = arith.constant 0 : i32
      %dma_wait3A_639 = tpu.memref_slice %arg5[%add3A, %run_scoped3A_167, %run_scoped3A_168, %dma_wait3A_638] : memref<32x10x2x5120xi32, #tpu.memory_space<hbm>> -> memref<1x1x1x5120xi32, #tpu.memory_space<hbm>>
      %dma_wait3A_640 = tpu.memref_squeeze %dma_wait3A_639 : memref<1x1x1x5120xi32, #tpu.memory_space<hbm>> -> memref<5120xi32, #tpu.memory_space<hbm>>
      %dma_wait3A_641 = arith.constant 0 : i32
      %dma_wait3A_642 = tpu.memref_slice %arg5[%add3A, %run_scoped3A_167, %run_scoped3A_168, %dma_wait3A_641] : memref<32x10x2x5120xi32, #tpu.memory_space<hbm>> -> memref<1x1x1x5120xi32, #tpu.memory_space<hbm>>
      %dma_wait3A_643 = tpu.memref_squeeze %dma_wait3A_642 : memref<1x1x1x5120xi32, #tpu.memory_space<hbm>> -> memref<5120xi32, #tpu.memory_space<hbm>>
      %dma_wait3A_644 = arith.constant 5120 : i32
      %dma_wait3A_645 = tpu.memref_slice %arg10[%dma_wait3A_644] : memref<51200xi32, #tpu.memory_space<vmem>> -> memref<5120xi32, #tpu.memory_space<vmem>>
      tpu.wait_dma2 semaphore(%run_scoped3A_627 : memref<!tpu.dma_semaphore, #tpu.memory_space<semaphore_mem>>) src(%dma_wait3A_645 : memref<5120xi32, #tpu.memory_space<vmem>>) dst(%dma_wait3A_643 : memref<5120xi32, #tpu.memory_space<hbm>>)
      tpu.yield
    }) : () -> ()
    %run_scoped3A_169 = arith.constant 1 : i32
    %run_scoped3A_170 = arith.constant 1 : i32
    "tpu.region"() ({
      %run_scoped3A_627 = tpu.sem_alloc : memref<!tpu.dma_semaphore, #tpu.memory_space<semaphore_mem>>
      %dma_start3A = arith.constant 5120 : i32
      %dma_start3A_628 = tpu.memref_slice %arg11[%dma_start3A] : memref<51200xi32, #tpu.memory_space<vmem>> -> memref<5120xi32, #tpu.memory_space<vmem>>
      %dma_start3A_629 = arith.constant 0 : i32
      %dma_start3A_630 = tpu.memref_slice %arg5[%add3A, %run_scoped3A_169, %run_scoped3A_170, %dma_start3A_629] : memref<32x10x2x5120xi32, #tpu.memory_space<hbm>> -> memref<1x1x1x5120xi32, #tpu.memory_space<hbm>>
      %dma_start3A_631 = tpu.memref_squeeze %dma_start3A_630 : memref<1x1x1x5120xi32, #tpu.memory_space<hbm>> -> memref<5120xi32, #tpu.memory_space<hbm>>
      %dma_start3A_632 = arith.constant 0 : i32
      %dma_start3A_633 = tpu.memref_slice %arg5[%add3A, %run_scoped3A_169, %run_scoped3A_170, %dma_start3A_632] : memref<32x10x2x5120xi32, #tpu.memory_space<hbm>> -> memref<1x1x1x5120xi32, #tpu.memory_space<hbm>>
      %dma_start3A_634 = tpu.memref_squeeze %dma_start3A_633 : memref<1x1x1x5120xi32, #tpu.memory_space<hbm>> -> memref<5120xi32, #tpu.memory_space<hbm>>
      %dma_start3A_635 = arith.constant 5120 : i32
      %dma_start3A_636 = tpu.memref_slice %arg11[%dma_start3A_635] : memref<51200xi32, #tpu.memory_space<vmem>> -> memref<5120xi32, #tpu.memory_space<vmem>>
      tpu.enqueue_dma source(%dma_start3A_636 : memref<5120xi32, #tpu.memory_space<vmem>>) target(%dma_start3A_634 : memref<5120xi32, #tpu.memory_space<hbm>>) target_semaphore(%run_scoped3A_627 : memref<!tpu.dma_semaphore, #tpu.memory_space<semaphore_mem>>)
      %dma_wait3A = arith.constant 5120 : i32
      %dma_wait3A_637 = tpu.memref_slice %arg11[%dma_wait3A] : memref<51200xi32, #tpu.memory_space<vmem>> -> memref<5120xi32, #tpu.memory_space<vmem>>
      %dma_wait3A_638 = arith.constant 0 : i32
      %dma_wait3A_639 = tpu.memref_slice %arg5[%add3A, %run_scoped3A_169, %run_scoped3A_170, %dma_wait3A_638] : memref<32x10x2x5120xi32, #tpu.memory_space<hbm>> -> memref<1x1x1x5120xi32, #tpu.memory_space<hbm>>
      %dma_wait3A_640 = tpu.memref_squeeze %dma_wait3A_639 : memref<1x1x1x5120xi32, #tpu.memory_space<hbm>> -> memref<5120xi32, #tpu.memory_space<hbm>>
      %dma_wait3A_641 = arith.constant 0 : i32
      %dma_wait3A_642 = tpu.memref_slice %arg5[%add3A, %run_scoped3A_169, %run_scoped3A_170, %dma_wait3A_641] : memref<32x10x2x5120xi32, #tpu.memory_space<hbm>> -> memref<1x1x1x5120xi32, #tpu.memory_space<hbm>>
      %dma_wait3A_643 = tpu.memref_squeeze %dma_wait3A_642 : memref<1x1x1x5120xi32, #tpu.memory_space<hbm>> -> memref<5120xi32, #tpu.memory_space<hbm>>
      %dma_wait3A_644 = arith.constant 5120 : i32
      %dma_wait3A_645 = tpu.memref_slice %arg11[%dma_wait3A_644] : memref<51200xi32, #tpu.memory_space<vmem>> -> memref<5120xi32, #tpu.memory_space<vmem>>
      tpu.wait_dma2 semaphore(%run_scoped3A_627 : memref<!tpu.dma_semaphore, #tpu.memory_space<semaphore_mem>>) src(%dma_wait3A_645 : memref<5120xi32, #tpu.memory_space<vmem>>) dst(%dma_wait3A_643 : memref<5120xi32, #tpu.memory_space<hbm>>)
      tpu.yield
    }) : () -> ()
    %add3A_171 = arith.constant 10240 : i32
    %add3A_172 = arith.addi %add3A_171, %scan3A_61#2 : i32
    %add3A_173 = arith.constant 0 : i32
    %add3A_174 = arith.addi %add3A_172, %add3A_173 : i32
    %swap3A_175 = arith.index_cast %add3A_174 : i32 to index
    %swap3A_176 = tpu.vector_load %arg10[%swap3A_175] {strides = array<i32>} : memref<51200xi32, #tpu.memory_space<vmem>>, vector<16xi32>,
    tpu.vector_store %arg10[%swap3A_175], %broadcast_in_dim3A_66 {strides = array<i32>} : memref<51200xi32, #tpu.memory_space<vmem>>, vector<16xi32>,
    %add3A_177 = arith.constant 10240 : i32
    %add3A_178 = arith.addi %add3A_177, %scan3A_61#2 : i32
    %add3A_179 = arith.constant 0 : i32
    %add3A_180 = arith.addi %add3A_178, %add3A_179 : i32
    %swap3A_181 = arith.index_cast %add3A_180 : i32 to index
    %swap3A_182 = tpu.vector_load %arg11[%swap3A_181] {strides = array<i32>} : memref<51200xi32, #tpu.memory_space<vmem>>, vector<16xi32>,
    tpu.vector_store %arg11[%swap3A_181], %broadcast_in_dim3A_64 {strides = array<i32>} : memref<51200xi32, #tpu.memory_space<vmem>>, vector<16xi32>,
    %add3A_183 = arith.constant 10240 : i32
    %add3A_184 = arith.addi %add3A_183, %scan3A_61#2 : i32
    %add3A_185 = arith.constant 16 : i32
    %add3A_186 = arith.addi %add3A_184, %add3A_185 : i32
    %swap3A_187 = arith.index_cast %add3A_186 : i32 to index
    %swap3A_188 = tpu.vector_load %arg10[%swap3A_187] {strides = array<i32>} : memref<51200xi32, #tpu.memory_space<vmem>>, vector<16xi32>,
    tpu.vector_store %arg10[%swap3A_187], %broadcast_in_dim3A_66 {strides = array<i32>} : memref<51200xi32, #tpu.memory_space<vmem>>, vector<16xi32>,
    %add3A_189 = arith.constant 10240 : i32
    %add3A_190 = arith.addi %add3A_189, %scan3A_61#2 : i32
    %add3A_191 = arith.constant 16 : i32
    %add3A_192 = arith.addi %add3A_190, %add3A_191 : i32
    %swap3A_193 = arith.index_cast %add3A_192 : i32 to index
    %swap3A_194 = tpu.vector_load %arg11[%swap3A_193] {strides = array<i32>} : memref<51200xi32, #tpu.memory_space<vmem>>, vector<16xi32>,
    tpu.vector_store %arg11[%swap3A_193], %broadcast_in_dim3A_64 {strides = array<i32>} : memref<51200xi32, #tpu.memory_space<vmem>>, vector<16xi32>,
    %add3A_195 = arith.constant 15 : i32
    %add3A_196 = arith.addi %scan3A_61#2, %add3A_195 : i32
    %jit3A_197 = arith.constant 16 : i32
    %div3A_198 = arith.divsi %add3A_196, %jit3A_197 : i32
    %sign3A_199 = arith.constant 0 : i32
    %sign3A_200 = arith.cmpi sgt, %add3A_196, %sign3A_199 : i32
    %sign3A_201 = arith.extui %sign3A_200 : i1 to i32
    %sign3A_202 = arith.constant 0 : i32
    %sign3A_203 = arith.cmpi slt, %add3A_196, %sign3A_202 : i32
    %sign3A_204 = arith.extui %sign3A_203 : i1 to i32
    %sign3A_205 = arith.subi %sign3A_201, %sign3A_204 : i32
    %sign3A_206 = arith.constant 0 : i32
    %sign3A_207 = arith.cmpi sgt, %jit3A_197, %sign3A_206 : i32
    %sign3A_208 = arith.extui %sign3A_207 : i1 to i32
    %sign3A_209 = arith.constant 0 : i32
    %sign3A_210 = arith.cmpi slt, %jit3A_197, %sign3A_209 : i32
    %sign3A_211 = arith.extui %sign3A_210 : i1 to i32
    %sign3A_212 = arith.subi %sign3A_208, %sign3A_211 : i32
    %ne3A_213 = arith.cmpi ne, %sign3A_205, %sign3A_212 : i32
    %rem3A_214 = arith.remsi %add3A_196, %jit3A_197 : i32
    %ne3A_215 = arith.constant 0 : i32
    %ne3A_216 = arith.cmpi ne, %rem3A_214, %ne3A_215 : i32
    %and3A_217 = arith.andi %ne3A_213, %ne3A_216 : i1
    %sub3A_218 = arith.constant 1 : i32
    %sub3A_219 = arith.subi %div3A_198, %sub3A_218 : i32
    %select_n3A_220 = arith.select %and3A_217, %sub3A_219, %div3A_198 : i32
    %broadcast_in_dim3A_221 = vector.broadcast %select_n3A_220 : i32 to vector<16xi32>
    %swap3A_222 = arith.constant 32 : index
    %swap3A_223 = tpu.vector_load %arg12[%swap3A_222] {strides = array<i32>} : memref<160xi32, #tpu.memory_space<vmem>>, vector<16xi32>,
    tpu.vector_store %arg12[%swap3A_222], %broadcast_in_dim3A_221 {strides = array<i32>} : memref<160xi32, #tpu.memory_space<vmem>>, vector<16xi32>,
    %run_scoped3A_224 = arith.constant 2 : i32
    %run_scoped3A_225 = arith.constant 0 : i32
    "tpu.region"() ({
      %run_scoped3A_627 = tpu.sem_alloc : memref<!tpu.dma_semaphore, #tpu.memory_space<semaphore_mem>>
      %dma_start3A = arith.constant 10240 : i32
      %dma_start3A_628 = tpu.memref_slice %arg10[%dma_start3A] : memref<51200xi32, #tpu.memory_space<vmem>> -> memref<5120xi32, #tpu.memory_space<vmem>>
      %dma_start3A_629 = arith.constant 0 : i32
      %dma_start3A_630 = tpu.memref_slice %arg5[%add3A, %run_scoped3A_224, %run_scoped3A_225, %dma_start3A_629] : memref<32x10x2x5120xi32, #tpu.memory_space<hbm>> -> memref<1x1x1x5120xi32, #tpu.memory_space<hbm>>
      %dma_start3A_631 = tpu.memref_squeeze %dma_start3A_630 : memref<1x1x1x5120xi32, #tpu.memory_space<hbm>> -> memref<5120xi32, #tpu.memory_space<hbm>>
      %dma_start3A_632 = arith.constant 0 : i32
      %dma_start3A_633 = tpu.memref_slice %arg5[%add3A, %run_scoped3A_224, %run_scoped3A_225, %dma_start3A_632] : memref<32x10x2x5120xi32, #tpu.memory_space<hbm>> -> memref<1x1x1x5120xi32, #tpu.memory_space<hbm>>
      %dma_start3A_634 = tpu.memref_squeeze %dma_start3A_633 : memref<1x1x1x5120xi32, #tpu.memory_space<hbm>> -> memref<5120xi32, #tpu.memory_space<hbm>>
      %dma_start3A_635 = arith.constant 10240 : i32
      %dma_start3A_636 = tpu.memref_slice %arg10[%dma_start3A_635] : memref<51200xi32, #tpu.memory_space<vmem>> -> memref<5120xi32, #tpu.memory_space<vmem>>
      tpu.enqueue_dma source(%dma_start3A_636 : memref<5120xi32, #tpu.memory_space<vmem>>) target(%dma_start3A_634 : memref<5120xi32, #tpu.memory_space<hbm>>) target_semaphore(%run_scoped3A_627 : memref<!tpu.dma_semaphore, #tpu.memory_space<semaphore_mem>>)
      %dma_wait3A = arith.constant 10240 : i32
      %dma_wait3A_637 = tpu.memref_slice %arg10[%dma_wait3A] : memref<51200xi32, #tpu.memory_space<vmem>> -> memref<5120xi32, #tpu.memory_space<vmem>>
      %dma_wait3A_638 = arith.constant 0 : i32
      %dma_wait3A_639 = tpu.memref_slice %arg5[%add3A, %run_scoped3A_224, %run_scoped3A_225, %dma_wait3A_638] : memref<32x10x2x5120xi32, #tpu.memory_space<hbm>> -> memref<1x1x1x5120xi32, #tpu.memory_space<hbm>>
      %dma_wait3A_640 = tpu.memref_squeeze %dma_wait3A_639 : memref<1x1x1x5120xi32, #tpu.memory_space<hbm>> -> memref<5120xi32, #tpu.memory_space<hbm>>
      %dma_wait3A_641 = arith.constant 0 : i32
      %dma_wait3A_642 = tpu.memref_slice %arg5[%add3A, %run_scoped3A_224, %run_scoped3A_225, %dma_wait3A_641] : memref<32x10x2x5120xi32, #tpu.memory_space<hbm>> -> memref<1x1x1x5120xi32, #tpu.memory_space<hbm>>
      %dma_wait3A_643 = tpu.memref_squeeze %dma_wait3A_642 : memref<1x1x1x5120xi32, #tpu.memory_space<hbm>> -> memref<5120xi32, #tpu.memory_space<hbm>>
      %dma_wait3A_644 = arith.constant 10240 : i32
      %dma_wait3A_645 = tpu.memref_slice %arg10[%dma_wait3A_644] : memref<51200xi32, #tpu.memory_space<vmem>> -> memref<5120xi32, #tpu.memory_space<vmem>>
      tpu.wait_dma2 semaphore(%run_scoped3A_627 : memref<!tpu.dma_semaphore, #tpu.memory_space<semaphore_mem>>) src(%dma_wait3A_645 : memref<5120xi32, #tpu.memory_space<vmem>>) dst(%dma_wait3A_643 : memref<5120xi32, #tpu.memory_space<hbm>>)
      tpu.yield
    }) : () -> ()
    %run_scoped3A_226 = arith.constant 2 : i32
    %run_scoped3A_227 = arith.constant 1 : i32
    "tpu.region"() ({
      %run_scoped3A_627 = tpu.sem_alloc : memref<!tpu.dma_semaphore, #tpu.memory_space<semaphore_mem>>
      %dma_start3A = arith.constant 10240 : i32
      %dma_start3A_628 = tpu.memref_slice %arg11[%dma_start3A] : memref<51200xi32, #tpu.memory_space<vmem>> -> memref<5120xi32, #tpu.memory_space<vmem>>
      %dma_start3A_629 = arith.constant 0 : i32
      %dma_start3A_630 = tpu.memref_slice %arg5[%add3A, %run_scoped3A_226, %run_scoped3A_227, %dma_start3A_629] : memref<32x10x2x5120xi32, #tpu.memory_space<hbm>> -> memref<1x1x1x5120xi32, #tpu.memory_space<hbm>>
      %dma_start3A_631 = tpu.memref_squeeze %dma_start3A_630 : memref<1x1x1x5120xi32, #tpu.memory_space<hbm>> -> memref<5120xi32, #tpu.memory_space<hbm>>
      %dma_start3A_632 = arith.constant 0 : i32
      %dma_start3A_633 = tpu.memref_slice %arg5[%add3A, %run_scoped3A_226, %run_scoped3A_227, %dma_start3A_632] : memref<32x10x2x5120xi32, #tpu.memory_space<hbm>> -> memref<1x1x1x5120xi32, #tpu.memory_space<hbm>>
      %dma_start3A_634 = tpu.memref_squeeze %dma_start3A_633 : memref<1x1x1x5120xi32, #tpu.memory_space<hbm>> -> memref<5120xi32, #tpu.memory_space<hbm>>
      %dma_start3A_635 = arith.constant 10240 : i32
      %dma_start3A_636 = tpu.memref_slice %arg11[%dma_start3A_635] : memref<51200xi32, #tpu.memory_space<vmem>> -> memref<5120xi32, #tpu.memory_space<vmem>>
      tpu.enqueue_dma source(%dma_start3A_636 : memref<5120xi32, #tpu.memory_space<vmem>>) target(%dma_start3A_634 : memref<5120xi32, #tpu.memory_space<hbm>>) target_semaphore(%run_scoped3A_627 : memref<!tpu.dma_semaphore, #tpu.memory_space<semaphore_mem>>)
      %dma_wait3A = arith.constant 10240 : i32
      %dma_wait3A_637 = tpu.memref_slice %arg11[%dma_wait3A] : memref<51200xi32, #tpu.memory_space<vmem>> -> memref<5120xi32, #tpu.memory_space<vmem>>
      %dma_wait3A_638 = arith.constant 0 : i32
      %dma_wait3A_639 = tpu.memref_slice %arg5[%add3A, %run_scoped3A_226, %run_scoped3A_227, %dma_wait3A_638] : memref<32x10x2x5120xi32, #tpu.memory_space<hbm>> -> memref<1x1x1x5120xi32, #tpu.memory_space<hbm>>
      %dma_wait3A_640 = tpu.memref_squeeze %dma_wait3A_639 : memref<1x1x1x5120xi32, #tpu.memory_space<hbm>> -> memref<5120xi32, #tpu.memory_space<hbm>>
      %dma_wait3A_641 = arith.constant 0 : i32
      %dma_wait3A_642 = tpu.memref_slice %arg5[%add3A, %run_scoped3A_226, %run_scoped3A_227, %dma_wait3A_641] : memref<32x10x2x5120xi32, #tpu.memory_space<hbm>> -> memref<1x1x1x5120xi32, #tpu.memory_space<hbm>>
      %dma_wait3A_643 = tpu.memref_squeeze %dma_wait3A_642 : memref<1x1x1x5120xi32, #tpu.memory_space<hbm>> -> memref<5120xi32, #tpu.memory_space<hbm>>
      %dma_wait3A_644 = arith.constant 10240 : i32
      %dma_wait3A_645 = tpu.memref_slice %arg11[%dma_wait3A_644] : memref<51200xi32, #tpu.memory_space<vmem>> -> memref<5120xi32, #tpu.memory_space<vmem>>
      tpu.wait_dma2 semaphore(%run_scoped3A_627 : memref<!tpu.dma_semaphore, #tpu.memory_space<semaphore_mem>>) src(%dma_wait3A_645 : memref<5120xi32, #tpu.memory_space<vmem>>) dst(%dma_wait3A_643 : memref<5120xi32, #tpu.memory_space<hbm>>)
      tpu.yield
    }) : () -> ()
    %add3A_228 = arith.constant 15360 : i32
    %add3A_229 = arith.addi %add3A_228, %scan3A_61#3 : i32
    %add3A_230 = arith.constant 0 : i32
    %add3A_231 = arith.addi %add3A_229, %add3A_230 : i32
    %swap3A_232 = arith.index_cast %add3A_231 : i32 to index
    %swap3A_233 = tpu.vector_load %arg10[%swap3A_232] {strides = array<i32>} : memref<51200xi32, #tpu.memory_space<vmem>>, vector<16xi32>,
    tpu.vector_store %arg10[%swap3A_232], %broadcast_in_dim3A_66 {strides = array<i32>} : memref<51200xi32, #tpu.memory_space<vmem>>, vector<16xi32>,
    %add3A_234 = arith.constant 15360 : i32
    %add3A_235 = arith.addi %add3A_234, %scan3A_61#3 : i32
    %add3A_236 = arith.constant 0 : i32
    %add3A_237 = arith.addi %add3A_235, %add3A_236 : i32
    %swap3A_238 = arith.index_cast %add3A_237 : i32 to index
    %swap3A_239 = tpu.vector_load %arg11[%swap3A_238] {strides = array<i32>} : memref<51200xi32, #tpu.memory_space<vmem>>, vector<16xi32>,
    tpu.vector_store %arg11[%swap3A_238], %broadcast_in_dim3A_64 {strides = array<i32>} : memref<51200xi32, #tpu.memory_space<vmem>>, vector<16xi32>,
    %add3A_240 = arith.constant 15360 : i32
    %add3A_241 = arith.addi %add3A_240, %scan3A_61#3 : i32
    %add3A_242 = arith.constant 16 : i32
    %add3A_243 = arith.addi %add3A_241, %add3A_242 : i32
    %swap3A_244 = arith.index_cast %add3A_243 : i32 to index
    %swap3A_245 = tpu.vector_load %arg10[%swap3A_244] {strides = array<i32>} : memref<51200xi32, #tpu.memory_space<vmem>>, vector<16xi32>,
    tpu.vector_store %arg10[%swap3A_244], %broadcast_in_dim3A_66 {strides = array<i32>} : memref<51200xi32, #tpu.memory_space<vmem>>, vector<16xi32>,
    %add3A_246 = arith.constant 15360 : i32
    %add3A_247 = arith.addi %add3A_246, %scan3A_61#3 : i32
    %add3A_248 = arith.constant 16 : i32
    %add3A_249 = arith.addi %add3A_247, %add3A_248 : i32
    %swap3A_250 = arith.index_cast %add3A_249 : i32 to index
    %swap3A_251 = tpu.vector_load %arg11[%swap3A_250] {strides = array<i32>} : memref<51200xi32, #tpu.memory_space<vmem>>, vector<16xi32>,
    tpu.vector_store %arg11[%swap3A_250], %broadcast_in_dim3A_64 {strides = array<i32>} : memref<51200xi32, #tpu.memory_space<vmem>>, vector<16xi32>,
    %add3A_252 = arith.constant 15 : i32
    %add3A_253 = arith.addi %scan3A_61#3, %add3A_252 : i32
    %jit3A_254 = arith.constant 16 : i32
    %div3A_255 = arith.divsi %add3A_253, %jit3A_254 : i32
    %sign3A_256 = arith.constant 0 : i32
    %sign3A_257 = arith.cmpi sgt, %add3A_253, %sign3A_256 : i32
    %sign3A_258 = arith.extui %sign3A_257 : i1 to i32
    %sign3A_259 = arith.constant 0 : i32
    %sign3A_260 = arith.cmpi slt, %add3A_253, %sign3A_259 : i32
    %sign3A_261 = arith.extui %sign3A_260 : i1 to i32
    %sign3A_262 = arith.subi %sign3A_258, %sign3A_261 : i32
    %sign3A_263 = arith.constant 0 : i32
    %sign3A_264 = arith.cmpi sgt, %jit3A_254, %sign3A_263 : i32
    %sign3A_265 = arith.extui %sign3A_264 : i1 to i32
    %sign3A_266 = arith.constant 0 : i32
    %sign3A_267 = arith.cmpi slt, %jit3A_254, %sign3A_266 : i32
    %sign3A_268 = arith.extui %sign3A_267 : i1 to i32
    %sign3A_269 = arith.subi %sign3A_265, %sign3A_268 : i32
    %ne3A_270 = arith.cmpi ne, %sign3A_262, %sign3A_269 : i32
    %rem3A_271 = arith.remsi %add3A_253, %jit3A_254 : i32
    %ne3A_272 = arith.constant 0 : i32
    %ne3A_273 = arith.cmpi ne, %rem3A_271, %ne3A_272 : i32
    %and3A_274 = arith.andi %ne3A_270, %ne3A_273 : i1
    %sub3A_275 = arith.constant 1 : i32
    %sub3A_276 = arith.subi %div3A_255, %sub3A_275 : i32
    %select_n3A_277 = arith.select %and3A_274, %sub3A_276, %div3A_255 : i32
    %broadcast_in_dim3A_278 = vector.broadcast %select_n3A_277 : i32 to vector<16xi32>
    %swap3A_279 = arith.constant 48 : index
    %swap3A_280 = tpu.vector_load %arg12[%swap3A_279] {strides = array<i32>} : memref<160xi32, #tpu.memory_space<vmem>>, vector<16xi32>,
    tpu.vector_store %arg12[%swap3A_279], %broadcast_in_dim3A_278 {strides = array<i32>} : memref<160xi32, #tpu.memory_space<vmem>>, vector<16xi32>,
    %run_scoped3A_281 = arith.constant 3 : i32
    %run_scoped3A_282 = arith.constant 0 : i32
    "tpu.region"() ({
      %run_scoped3A_627 = tpu.sem_alloc : memref<!tpu.dma_semaphore, #tpu.memory_space<semaphore_mem>>
      %dma_start3A = arith.constant 15360 : i32
      %dma_start3A_628 = tpu.memref_slice %arg10[%dma_start3A] : memref<51200xi32, #tpu.memory_space<vmem>> -> memref<5120xi32, #tpu.memory_space<vmem>>
      %dma_start3A_629 = arith.constant 0 : i32
      %dma_start3A_630 = tpu.memref_slice %arg5[%add3A, %run_scoped3A_281, %run_scoped3A_282, %dma_start3A_629] : memref<32x10x2x5120xi32, #tpu.memory_space<hbm>> -> memref<1x1x1x5120xi32, #tpu.memory_space<hbm>>
      %dma_start3A_631 = tpu.memref_squeeze %dma_start3A_630 : memref<1x1x1x5120xi32, #tpu.memory_space<hbm>> -> memref<5120xi32, #tpu.memory_space<hbm>>
      %dma_start3A_632 = arith.constant 0 : i32
      %dma_start3A_633 = tpu.memref_slice %arg5[%add3A, %run_scoped3A_281, %run_scoped3A_282, %dma_start3A_632] : memref<32x10x2x5120xi32, #tpu.memory_space<hbm>> -> memref<1x1x1x5120xi32, #tpu.memory_space<hbm>>
      %dma_start3A_634 = tpu.memref_squeeze %dma_start3A_633 : memref<1x1x1x5120xi32, #tpu.memory_space<hbm>> -> memref<5120xi32, #tpu.memory_space<hbm>>
      %dma_start3A_635 = arith.constant 15360 : i32
      %dma_start3A_636 = tpu.memref_slice %arg10[%dma_start3A_635] : memref<51200xi32, #tpu.memory_space<vmem>> -> memref<5120xi32, #tpu.memory_space<vmem>>
      tpu.enqueue_dma source(%dma_start3A_636 : memref<5120xi32, #tpu.memory_space<vmem>>) target(%dma_start3A_634 : memref<5120xi32, #tpu.memory_space<hbm>>) target_semaphore(%run_scoped3A_627 : memref<!tpu.dma_semaphore, #tpu.memory_space<semaphore_mem>>)
      %dma_wait3A = arith.constant 15360 : i32
      %dma_wait3A_637 = tpu.memref_slice %arg10[%dma_wait3A] : memref<51200xi32, #tpu.memory_space<vmem>> -> memref<5120xi32, #tpu.memory_space<vmem>>
      %dma_wait3A_638 = arith.constant 0 : i32
      %dma_wait3A_639 = tpu.memref_slice %arg5[%add3A, %run_scoped3A_281, %run_scoped3A_282, %dma_wait3A_638] : memref<32x10x2x5120xi32, #tpu.memory_space<hbm>> -> memref<1x1x1x5120xi32, #tpu.memory_space<hbm>>
      %dma_wait3A_640 = tpu.memref_squeeze %dma_wait3A_639 : memref<1x1x1x5120xi32, #tpu.memory_space<hbm>> -> memref<5120xi32, #tpu.memory_space<hbm>>
      %dma_wait3A_641 = arith.constant 0 : i32
      %dma_wait3A_642 = tpu.memref_slice %arg5[%add3A, %run_scoped3A_281, %run_scoped3A_282, %dma_wait3A_641] : memref<32x10x2x5120xi32, #tpu.memory_space<hbm>> -> memref<1x1x1x5120xi32, #tpu.memory_space<hbm>>
      %dma_wait3A_643 = tpu.memref_squeeze %dma_wait3A_642 : memref<1x1x1x5120xi32, #tpu.memory_space<hbm>> -> memref<5120xi32, #tpu.memory_space<hbm>>
      %dma_wait3A_644 = arith.constant 15360 : i32
      %dma_wait3A_645 = tpu.memref_slice %arg10[%dma_wait3A_644] : memref<51200xi32, #tpu.memory_space<vmem>> -> memref<5120xi32, #tpu.memory_space<vmem>>
      tpu.wait_dma2 semaphore(%run_scoped3A_627 : memref<!tpu.dma_semaphore, #tpu.memory_space<semaphore_mem>>) src(%dma_wait3A_645 : memref<5120xi32, #tpu.memory_space<vmem>>) dst(%dma_wait3A_643 : memref<5120xi32, #tpu.memory_space<hbm>>)
      tpu.yield
    }) : () -> ()
    %run_scoped3A_283 = arith.constant 3 : i32
    %run_scoped3A_284 = arith.constant 1 : i32
    "tpu.region"() ({
      %run_scoped3A_627 = tpu.sem_alloc : memref<!tpu.dma_semaphore, #tpu.memory_space<semaphore_mem>>
      %dma_start3A = arith.constant 15360 : i32
      %dma_start3A_628 = tpu.memref_slice %arg11[%dma_start3A] : memref<51200xi32, #tpu.memory_space<vmem>> -> memref<5120xi32, #tpu.memory_space<vmem>>
      %dma_start3A_629 = arith.constant 0 : i32
      %dma_start3A_630 = tpu.memref_slice %arg5[%add3A, %run_scoped3A_283, %run_scoped3A_284, %dma_start3A_629] : memref<32x10x2x5120xi32, #tpu.memory_space<hbm>> -> memref<1x1x1x5120xi32, #tpu.memory_space<hbm>>
      %dma_start3A_631 = tpu.memref_squeeze %dma_start3A_630 : memref<1x1x1x5120xi32, #tpu.memory_space<hbm>> -> memref<5120xi32, #tpu.memory_space<hbm>>
      %dma_start3A_632 = arith.constant 0 : i32
      %dma_start3A_633 = tpu.memref_slice %arg5[%add3A, %run_scoped3A_283, %run_scoped3A_284, %dma_start3A_632] : memref<32x10x2x5120xi32, #tpu.memory_space<hbm>> -> memref<1x1x1x5120xi32, #tpu.memory_space<hbm>>
      %dma_start3A_634 = tpu.memref_squeeze %dma_start3A_633 : memref<1x1x1x5120xi32, #tpu.memory_space<hbm>> -> memref<5120xi32, #tpu.memory_space<hbm>>
      %dma_start3A_635 = arith.constant 15360 : i32
      %dma_start3A_636 = tpu.memref_slice %arg11[%dma_start3A_635] : memref<51200xi32, #tpu.memory_space<vmem>> -> memref<5120xi32, #tpu.memory_space<vmem>>
      tpu.enqueue_dma source(%dma_start3A_636 : memref<5120xi32, #tpu.memory_space<vmem>>) target(%dma_start3A_634 : memref<5120xi32, #tpu.memory_space<hbm>>) target_semaphore(%run_scoped3A_627 : memref<!tpu.dma_semaphore, #tpu.memory_space<semaphore_mem>>)
      %dma_wait3A = arith.constant 15360 : i32
      %dma_wait3A_637 = tpu.memref_slice %arg11[%dma_wait3A] : memref<51200xi32, #tpu.memory_space<vmem>> -> memref<5120xi32, #tpu.memory_space<vmem>>
      %dma_wait3A_638 = arith.constant 0 : i32
      %dma_wait3A_639 = tpu.memref_slice %arg5[%add3A, %run_scoped3A_283, %run_scoped3A_284, %dma_wait3A_638] : memref<32x10x2x5120xi32, #tpu.memory_space<hbm>> -> memref<1x1x1x5120xi32, #tpu.memory_space<hbm>>
      %dma_wait3A_640 = tpu.memref_squeeze %dma_wait3A_639 : memref<1x1x1x5120xi32, #tpu.memory_space<hbm>> -> memref<5120xi32, #tpu.memory_space<hbm>>
      %dma_wait3A_641 = arith.constant 0 : i32
      %dma_wait3A_642 = tpu.memref_slice %arg5[%add3A, %run_scoped3A_283, %run_scoped3A_284, %dma_wait3A_641] : memref<32x10x2x5120xi32, #tpu.memory_space<hbm>> -> memref<1x1x1x5120xi32, #tpu.memory_space<hbm>>
      %dma_wait3A_643 = tpu.memref_squeeze %dma_wait3A_642 : memref<1x1x1x5120xi32, #tpu.memory_space<hbm>> -> memref<5120xi32, #tpu.memory_space<hbm>>
      %dma_wait3A_644 = arith.constant 15360 : i32
      %dma_wait3A_645 = tpu.memref_slice %arg11[%dma_wait3A_644] : memref<51200xi32, #tpu.memory_space<vmem>> -> memref<5120xi32, #tpu.memory_space<vmem>>
      tpu.wait_dma2 semaphore(%run_scoped3A_627 : memref<!tpu.dma_semaphore, #tpu.memory_space<semaphore_mem>>) src(%dma_wait3A_645 : memref<5120xi32, #tpu.memory_space<vmem>>) dst(%dma_wait3A_643 : memref<5120xi32, #tpu.memory_space<hbm>>)
      tpu.yield
    }) : () -> ()
    %add3A_285 = arith.constant 20480 : i32
    %add3A_286 = arith.addi %add3A_285, %scan3A_61#4 : i32
    %add3A_287 = arith.constant 0 : i32
    %add3A_288 = arith.addi %add3A_286, %add3A_287 : i32
    %swap3A_289 = arith.index_cast %add3A_288 : i32 to index
    %swap3A_290 = tpu.vector_load %arg10[%swap3A_289] {strides = array<i32>} : memref<51200xi32, #tpu.memory_space<vmem>>, vector<16xi32>,
    tpu.vector_store %arg10[%swap3A_289], %broadcast_in_dim3A_66 {strides = array<i32>} : memref<51200xi32, #tpu.memory_space<vmem>>, vector<16xi32>,
    %add3A_291 = arith.constant 20480 : i32
    %add3A_292 = arith.addi %add3A_291, %scan3A_61#4 : i32
    %add3A_293 = arith.constant 0 : i32
    %add3A_294 = arith.addi %add3A_292, %add3A_293 : i32
    %swap3A_295 = arith.index_cast %add3A_294 : i32 to index
    %swap3A_296 = tpu.vector_load %arg11[%swap3A_295] {strides = array<i32>} : memref<51200xi32, #tpu.memory_space<vmem>>, vector<16xi32>,
    tpu.vector_store %arg11[%swap3A_295], %broadcast_in_dim3A_64 {strides = array<i32>} : memref<51200xi32, #tpu.memory_space<vmem>>, vector<16xi32>,
    %add3A_297 = arith.constant 20480 : i32
    %add3A_298 = arith.addi %add3A_297, %scan3A_61#4 : i32
    %add3A_299 = arith.constant 16 : i32
    %add3A_300 = arith.addi %add3A_298, %add3A_299 : i32
    %swap3A_301 = arith.index_cast %add3A_300 : i32 to index
    %swap3A_302 = tpu.vector_load %arg10[%swap3A_301] {strides = array<i32>} : memref<51200xi32, #tpu.memory_space<vmem>>, vector<16xi32>,
    tpu.vector_store %arg10[%swap3A_301], %broadcast_in_dim3A_66 {strides = array<i32>} : memref<51200xi32, #tpu.memory_space<vmem>>, vector<16xi32>,
    %add3A_303 = arith.constant 20480 : i32
    %add3A_304 = arith.addi %add3A_303, %scan3A_61#4 : i32
    %add3A_305 = arith.constant 16 : i32
    %add3A_306 = arith.addi %add3A_304, %add3A_305 : i32
    %swap3A_307 = arith.index_cast %add3A_306 : i32 to index
    %swap3A_308 = tpu.vector_load %arg11[%swap3A_307] {strides = array<i32>} : memref<51200xi32, #tpu.memory_space<vmem>>, vector<16xi32>,
    tpu.vector_store %arg11[%swap3A_307], %broadcast_in_dim3A_64 {strides = array<i32>} : memref<51200xi32, #tpu.memory_space<vmem>>, vector<16xi32>,
    %add3A_309 = arith.constant 15 : i32
    %add3A_310 = arith.addi %scan3A_61#4, %add3A_309 : i32
    %jit3A_311 = arith.constant 16 : i32
    %div3A_312 = arith.divsi %add3A_310, %jit3A_311 : i32
    %sign3A_313 = arith.constant 0 : i32
    %sign3A_314 = arith.cmpi sgt, %add3A_310, %sign3A_313 : i32
    %sign3A_315 = arith.extui %sign3A_314 : i1 to i32
    %sign3A_316 = arith.constant 0 : i32
    %sign3A_317 = arith.cmpi slt, %add3A_310, %sign3A_316 : i32
    %sign3A_318 = arith.extui %sign3A_317 : i1 to i32
    %sign3A_319 = arith.subi %sign3A_315, %sign3A_318 : i32
    %sign3A_320 = arith.constant 0 : i32
    %sign3A_321 = arith.cmpi sgt, %jit3A_311, %sign3A_320 : i32
    %sign3A_322 = arith.extui %sign3A_321 : i1 to i32
    %sign3A_323 = arith.constant 0 : i32
    %sign3A_324 = arith.cmpi slt, %jit3A_311, %sign3A_323 : i32
    %sign3A_325 = arith.extui %sign3A_324 : i1 to i32
    %sign3A_326 = arith.subi %sign3A_322, %sign3A_325 : i32
    %ne3A_327 = arith.cmpi ne, %sign3A_319, %sign3A_326 : i32
    %rem3A_328 = arith.remsi %add3A_310, %jit3A_311 : i32
    %ne3A_329 = arith.constant 0 : i32
    %ne3A_330 = arith.cmpi ne, %rem3A_328, %ne3A_329 : i32
    %and3A_331 = arith.andi %ne3A_327, %ne3A_330 : i1
    %sub3A_332 = arith.constant 1 : i32
    %sub3A_333 = arith.subi %div3A_312, %sub3A_332 : i32
    %select_n3A_334 = arith.select %and3A_331, %sub3A_333, %div3A_312 : i32
    %broadcast_in_dim3A_335 = vector.broadcast %select_n3A_334 : i32 to vector<16xi32>
    %swap3A_336 = arith.constant 64 : index
    %swap3A_337 = tpu.vector_load %arg12[%swap3A_336] {strides = array<i32>} : memref<160xi32, #tpu.memory_space<vmem>>, vector<16xi32>,
    tpu.vector_store %arg12[%swap3A_336], %broadcast_in_dim3A_335 {strides = array<i32>} : memref<160xi32, #tpu.memory_space<vmem>>, vector<16xi32>,
    %run_scoped3A_338 = arith.constant 4 : i32
    %run_scoped3A_339 = arith.constant 0 : i32
    "tpu.region"() ({
      %run_scoped3A_627 = tpu.sem_alloc : memref<!tpu.dma_semaphore, #tpu.memory_space<semaphore_mem>>
      %dma_start3A = arith.constant 20480 : i32
      %dma_start3A_628 = tpu.memref_slice %arg10[%dma_start3A] : memref<51200xi32, #tpu.memory_space<vmem>> -> memref<5120xi32, #tpu.memory_space<vmem>>
      %dma_start3A_629 = arith.constant 0 : i32
      %dma_start3A_630 = tpu.memref_slice %arg5[%add3A, %run_scoped3A_338, %run_scoped3A_339, %dma_start3A_629] : memref<32x10x2x5120xi32, #tpu.memory_space<hbm>> -> memref<1x1x1x5120xi32, #tpu.memory_space<hbm>>
      %dma_start3A_631 = tpu.memref_squeeze %dma_start3A_630 : memref<1x1x1x5120xi32, #tpu.memory_space<hbm>> -> memref<5120xi32, #tpu.memory_space<hbm>>
      %dma_start3A_632 = arith.constant 0 : i32
      %dma_start3A_633 = tpu.memref_slice %arg5[%add3A, %run_scoped3A_338, %run_scoped3A_339, %dma_start3A_632] : memref<32x10x2x5120xi32, #tpu.memory_space<hbm>> -> memref<1x1x1x5120xi32, #tpu.memory_space<hbm>>
      %dma_start3A_634 = tpu.memref_squeeze %dma_start3A_633 : memref<1x1x1x5120xi32, #tpu.memory_space<hbm>> -> memref<5120xi32, #tpu.memory_space<hbm>>
      %dma_start3A_635 = arith.constant 20480 : i32
      %dma_start3A_636 = tpu.memref_slice %arg10[%dma_start3A_635] : memref<51200xi32, #tpu.memory_space<vmem>> -> memref<5120xi32, #tpu.memory_space<vmem>>
      tpu.enqueue_dma source(%dma_start3A_636 : memref<5120xi32, #tpu.memory_space<vmem>>) target(%dma_start3A_634 : memref<5120xi32, #tpu.memory_space<hbm>>) target_semaphore(%run_scoped3A_627 : memref<!tpu.dma_semaphore, #tpu.memory_space<semaphore_mem>>)
      %dma_wait3A = arith.constant 20480 : i32
      %dma_wait3A_637 = tpu.memref_slice %arg10[%dma_wait3A] : memref<51200xi32, #tpu.memory_space<vmem>> -> memref<5120xi32, #tpu.memory_space<vmem>>
      %dma_wait3A_638 = arith.constant 0 : i32
      %dma_wait3A_639 = tpu.memref_slice %arg5[%add3A, %run_scoped3A_338, %run_scoped3A_339, %dma_wait3A_638] : memref<32x10x2x5120xi32, #tpu.memory_space<hbm>> -> memref<1x1x1x5120xi32, #tpu.memory_space<hbm>>
      %dma_wait3A_640 = tpu.memref_squeeze %dma_wait3A_639 : memref<1x1x1x5120xi32, #tpu.memory_space<hbm>> -> memref<5120xi32, #tpu.memory_space<hbm>>
      %dma_wait3A_641 = arith.constant 0 : i32
      %dma_wait3A_642 = tpu.memref_slice %arg5[%add3A, %run_scoped3A_338, %run_scoped3A_339, %dma_wait3A_641] : memref<32x10x2x5120xi32, #tpu.memory_space<hbm>> -> memref<1x1x1x5120xi32, #tpu.memory_space<hbm>>
      %dma_wait3A_643 = tpu.memref_squeeze %dma_wait3A_642 : memref<1x1x1x5120xi32, #tpu.memory_space<hbm>> -> memref<5120xi32, #tpu.memory_space<hbm>>
      %dma_wait3A_644 = arith.constant 20480 : i32
      %dma_wait3A_645 = tpu.memref_slice %arg10[%dma_wait3A_644] : memref<51200xi32, #tpu.memory_space<vmem>> -> memref<5120xi32, #tpu.memory_space<vmem>>
      tpu.wait_dma2 semaphore(%run_scoped3A_627 : memref<!tpu.dma_semaphore, #tpu.memory_space<semaphore_mem>>) src(%dma_wait3A_645 : memref<5120xi32, #tpu.memory_space<vmem>>) dst(%dma_wait3A_643 : memref<5120xi32, #tpu.memory_space<hbm>>)
      tpu.yield
    }) : () -> ()
    %run_scoped3A_340 = arith.constant 4 : i32
    %run_scoped3A_341 = arith.constant 1 : i32
    "tpu.region"() ({
      %run_scoped3A_627 = tpu.sem_alloc : memref<!tpu.dma_semaphore, #tpu.memory_space<semaphore_mem>>
      %dma_start3A = arith.constant 20480 : i32
      %dma_start3A_628 = tpu.memref_slice %arg11[%dma_start3A] : memref<51200xi32, #tpu.memory_space<vmem>> -> memref<5120xi32, #tpu.memory_space<vmem>>
      %dma_start3A_629 = arith.constant 0 : i32
      %dma_start3A_630 = tpu.memref_slice %arg5[%add3A, %run_scoped3A_340, %run_scoped3A_341, %dma_start3A_629] : memref<32x10x2x5120xi32, #tpu.memory_space<hbm>> -> memref<1x1x1x5120xi32, #tpu.memory_space<hbm>>
      %dma_start3A_631 = tpu.memref_squeeze %dma_start3A_630 : memref<1x1x1x5120xi32, #tpu.memory_space<hbm>> -> memref<5120xi32, #tpu.memory_space<hbm>>
      %dma_start3A_632 = arith.constant 0 : i32
      %dma_start3A_633 = tpu.memref_slice %arg5[%add3A, %run_scoped3A_340, %run_scoped3A_341, %dma_start3A_632] : memref<32x10x2x5120xi32, #tpu.memory_space<hbm>> -> memref<1x1x1x5120xi32, #tpu.memory_space<hbm>>
      %dma_start3A_634 = tpu.memref_squeeze %dma_start3A_633 : memref<1x1x1x5120xi32, #tpu.memory_space<hbm>> -> memref<5120xi32, #tpu.memory_space<hbm>>
      %dma_start3A_635 = arith.constant 20480 : i32
      %dma_start3A_636 = tpu.memref_slice %arg11[%dma_start3A_635] : memref<51200xi32, #tpu.memory_space<vmem>> -> memref<5120xi32, #tpu.memory_space<vmem>>
      tpu.enqueue_dma source(%dma_start3A_636 : memref<5120xi32, #tpu.memory_space<vmem>>) target(%dma_start3A_634 : memref<5120xi32, #tpu.memory_space<hbm>>) target_semaphore(%run_scoped3A_627 : memref<!tpu.dma_semaphore, #tpu.memory_space<semaphore_mem>>)
      %dma_wait3A = arith.constant 20480 : i32
      %dma_wait3A_637 = tpu.memref_slice %arg11[%dma_wait3A] : memref<51200xi32, #tpu.memory_space<vmem>> -> memref<5120xi32, #tpu.memory_space<vmem>>
      %dma_wait3A_638 = arith.constant 0 : i32
      %dma_wait3A_639 = tpu.memref_slice %arg5[%add3A, %run_scoped3A_340, %run_scoped3A_341, %dma_wait3A_638] : memref<32x10x2x5120xi32, #tpu.memory_space<hbm>> -> memref<1x1x1x5120xi32, #tpu.memory_space<hbm>>
      %dma_wait3A_640 = tpu.memref_squeeze %dma_wait3A_639 : memref<1x1x1x5120xi32, #tpu.memory_space<hbm>> -> memref<5120xi32, #tpu.memory_space<hbm>>
      %dma_wait3A_641 = arith.constant 0 : i32
      %dma_wait3A_642 = tpu.memref_slice %arg5[%add3A, %run_scoped3A_340, %run_scoped3A_341, %dma_wait3A_641] : memref<32x10x2x5120xi32, #tpu.memory_space<hbm>> -> memref<1x1x1x5120xi32, #tpu.memory_space<hbm>>
      %dma_wait3A_643 = tpu.memref_squeeze %dma_wait3A_642 : memref<1x1x1x5120xi32, #tpu.memory_space<hbm>> -> memref<5120xi32, #tpu.memory_space<hbm>>
      %dma_wait3A_644 = arith.constant 20480 : i32
      %dma_wait3A_645 = tpu.memref_slice %arg11[%dma_wait3A_644] : memref<51200xi32, #tpu.memory_space<vmem>> -> memref<5120xi32, #tpu.memory_space<vmem>>
      tpu.wait_dma2 semaphore(%run_scoped3A_627 : memref<!tpu.dma_semaphore, #tpu.memory_space<semaphore_mem>>) src(%dma_wait3A_645 : memref<5120xi32, #tpu.memory_space<vmem>>) dst(%dma_wait3A_643 : memref<5120xi32, #tpu.memory_space<hbm>>)
      tpu.yield
    }) : () -> ()
    %add3A_342 = arith.constant 25600 : i32
    %add3A_343 = arith.addi %add3A_342, %scan3A_61#5 : i32
    %add3A_344 = arith.constant 0 : i32
    %add3A_345 = arith.addi %add3A_343, %add3A_344 : i32
    %swap3A_346 = arith.index_cast %add3A_345 : i32 to index
    %swap3A_347 = tpu.vector_load %arg10[%swap3A_346] {strides = array<i32>} : memref<51200xi32, #tpu.memory_space<vmem>>, vector<16xi32>,
    tpu.vector_store %arg10[%swap3A_346], %broadcast_in_dim3A_66 {strides = array<i32>} : memref<51200xi32, #tpu.memory_space<vmem>>, vector<16xi32>,
    %add3A_348 = arith.constant 25600 : i32
    %add3A_349 = arith.addi %add3A_348, %scan3A_61#5 : i32
    %add3A_350 = arith.constant 0 : i32
    %add3A_351 = arith.addi %add3A_349, %add3A_350 : i32
    %swap3A_352 = arith.index_cast %add3A_351 : i32 to index
    %swap3A_353 = tpu.vector_load %arg11[%swap3A_352] {strides = array<i32>} : memref<51200xi32, #tpu.memory_space<vmem>>, vector<16xi32>,
    tpu.vector_store %arg11[%swap3A_352], %broadcast_in_dim3A_64 {strides = array<i32>} : memref<51200xi32, #tpu.memory_space<vmem>>, vector<16xi32>,
    %add3A_354 = arith.constant 25600 : i32
    %add3A_355 = arith.addi %add3A_354, %scan3A_61#5 : i32
    %add3A_356 = arith.constant 16 : i32
    %add3A_357 = arith.addi %add3A_355, %add3A_356 : i32
    %swap3A_358 = arith.index_cast %add3A_357 : i32 to index
    %swap3A_359 = tpu.vector_load %arg10[%swap3A_358] {strides = array<i32>} : memref<51200xi32, #tpu.memory_space<vmem>>, vector<16xi32>,
    tpu.vector_store %arg10[%swap3A_358], %broadcast_in_dim3A_66 {strides = array<i32>} : memref<51200xi32, #tpu.memory_space<vmem>>, vector<16xi32>,
    %add3A_360 = arith.constant 25600 : i32
    %add3A_361 = arith.addi %add3A_360, %scan3A_61#5 : i32
    %add3A_362 = arith.constant 16 : i32
    %add3A_363 = arith.addi %add3A_361, %add3A_362 : i32
    %swap3A_364 = arith.index_cast %add3A_363 : i32 to index
    %swap3A_365 = tpu.vector_load %arg11[%swap3A_364] {strides = array<i32>} : memref<51200xi32, #tpu.memory_space<vmem>>, vector<16xi32>,
    tpu.vector_store %arg11[%swap3A_364], %broadcast_in_dim3A_64 {strides = array<i32>} : memref<51200xi32, #tpu.memory_space<vmem>>, vector<16xi32>,
    %add3A_366 = arith.constant 15 : i32
    %add3A_367 = arith.addi %scan3A_61#5, %add3A_366 : i32
    %jit3A_368 = arith.constant 16 : i32
    %div3A_369 = arith.divsi %add3A_367, %jit3A_368 : i32
    %sign3A_370 = arith.constant 0 : i32
    %sign3A_371 = arith.cmpi sgt, %add3A_367, %sign3A_370 : i32
    %sign3A_372 = arith.extui %sign3A_371 : i1 to i32
    %sign3A_373 = arith.constant 0 : i32
    %sign3A_374 = arith.cmpi slt, %add3A_367, %sign3A_373 : i32
    %sign3A_375 = arith.extui %sign3A_374 : i1 to i32
    %sign3A_376 = arith.subi %sign3A_372, %sign3A_375 : i32
    %sign3A_377 = arith.constant 0 : i32
    %sign3A_378 = arith.cmpi sgt, %jit3A_368, %sign3A_377 : i32
    %sign3A_379 = arith.extui %sign3A_378 : i1 to i32
    %sign3A_380 = arith.constant 0 : i32
    %sign3A_381 = arith.cmpi slt, %jit3A_368, %sign3A_380 : i32
    %sign3A_382 = arith.extui %sign3A_381 : i1 to i32
    %sign3A_383 = arith.subi %sign3A_379, %sign3A_382 : i32
    %ne3A_384 = arith.cmpi ne, %sign3A_376, %sign3A_383 : i32
    %rem3A_385 = arith.remsi %add3A_367, %jit3A_368 : i32
    %ne3A_386 = arith.constant 0 : i32
    %ne3A_387 = arith.cmpi ne, %rem3A_385, %ne3A_386 : i32
    %and3A_388 = arith.andi %ne3A_384, %ne3A_387 : i1
    %sub3A_389 = arith.constant 1 : i32
    %sub3A_390 = arith.subi %div3A_369, %sub3A_389 : i32
    %select_n3A_391 = arith.select %and3A_388, %sub3A_390, %div3A_369 : i32
    %broadcast_in_dim3A_392 = vector.broadcast %select_n3A_391 : i32 to vector<16xi32>
    %swap3A_393 = arith.constant 80 : index
    %swap3A_394 = tpu.vector_load %arg12[%swap3A_393] {strides = array<i32>} : memref<160xi32, #tpu.memory_space<vmem>>, vector<16xi32>,
    tpu.vector_store %arg12[%swap3A_393], %broadcast_in_dim3A_392 {strides = array<i32>} : memref<160xi32, #tpu.memory_space<vmem>>, vector<16xi32>,
    %run_scoped3A_395 = arith.constant 5 : i32
    %run_scoped3A_396 = arith.constant 0 : i32
    "tpu.region"() ({
      %run_scoped3A_627 = tpu.sem_alloc : memref<!tpu.dma_semaphore, #tpu.memory_space<semaphore_mem>>
      %dma_start3A = arith.constant 25600 : i32
      %dma_start3A_628 = tpu.memref_slice %arg10[%dma_start3A] : memref<51200xi32, #tpu.memory_space<vmem>> -> memref<5120xi32, #tpu.memory_space<vmem>>
      %dma_start3A_629 = arith.constant 0 : i32
      %dma_start3A_630 = tpu.memref_slice %arg5[%add3A, %run_scoped3A_395, %run_scoped3A_396, %dma_start3A_629] : memref<32x10x2x5120xi32, #tpu.memory_space<hbm>> -> memref<1x1x1x5120xi32, #tpu.memory_space<hbm>>
      %dma_start3A_631 = tpu.memref_squeeze %dma_start3A_630 : memref<1x1x1x5120xi32, #tpu.memory_space<hbm>> -> memref<5120xi32, #tpu.memory_space<hbm>>
      %dma_start3A_632 = arith.constant 0 : i32
      %dma_start3A_633 = tpu.memref_slice %arg5[%add3A, %run_scoped3A_395, %run_scoped3A_396, %dma_start3A_632] : memref<32x10x2x5120xi32, #tpu.memory_space<hbm>> -> memref<1x1x1x5120xi32, #tpu.memory_space<hbm>>
      %dma_start3A_634 = tpu.memref_squeeze %dma_start3A_633 : memref<1x1x1x5120xi32, #tpu.memory_space<hbm>> -> memref<5120xi32, #tpu.memory_space<hbm>>
      %dma_start3A_635 = arith.constant 25600 : i32
      %dma_start3A_636 = tpu.memref_slice %arg10[%dma_start3A_635] : memref<51200xi32, #tpu.memory_space<vmem>> -> memref<5120xi32, #tpu.memory_space<vmem>>
      tpu.enqueue_dma source(%dma_start3A_636 : memref<5120xi32, #tpu.memory_space<vmem>>) target(%dma_start3A_634 : memref<5120xi32, #tpu.memory_space<hbm>>) target_semaphore(%run_scoped3A_627 : memref<!tpu.dma_semaphore, #tpu.memory_space<semaphore_mem>>)
      %dma_wait3A = arith.constant 25600 : i32
      %dma_wait3A_637 = tpu.memref_slice %arg10[%dma_wait3A] : memref<51200xi32, #tpu.memory_space<vmem>> -> memref<5120xi32, #tpu.memory_space<vmem>>
      %dma_wait3A_638 = arith.constant 0 : i32
      %dma_wait3A_639 = tpu.memref_slice %arg5[%add3A, %run_scoped3A_395, %run_scoped3A_396, %dma_wait3A_638] : memref<32x10x2x5120xi32, #tpu.memory_space<hbm>> -> memref<1x1x1x5120xi32, #tpu.memory_space<hbm>>
      %dma_wait3A_640 = tpu.memref_squeeze %dma_wait3A_639 : memref<1x1x1x5120xi32, #tpu.memory_space<hbm>> -> memref<5120xi32, #tpu.memory_space<hbm>>
      %dma_wait3A_641 = arith.constant 0 : i32
      %dma_wait3A_642 = tpu.memref_slice %arg5[%add3A, %run_scoped3A_395, %run_scoped3A_396, %dma_wait3A_641] : memref<32x10x2x5120xi32, #tpu.memory_space<hbm>> -> memref<1x1x1x5120xi32, #tpu.memory_space<hbm>>
      %dma_wait3A_643 = tpu.memref_squeeze %dma_wait3A_642 : memref<1x1x1x5120xi32, #tpu.memory_space<hbm>> -> memref<5120xi32, #tpu.memory_space<hbm>>
      %dma_wait3A_644 = arith.constant 25600 : i32
      %dma_wait3A_645 = tpu.memref_slice %arg10[%dma_wait3A_644] : memref<51200xi32, #tpu.memory_space<vmem>> -> memref<5120xi32, #tpu.memory_space<vmem>>
      tpu.wait_dma2 semaphore(%run_scoped3A_627 : memref<!tpu.dma_semaphore, #tpu.memory_space<semaphore_mem>>) src(%dma_wait3A_645 : memref<5120xi32, #tpu.memory_space<vmem>>) dst(%dma_wait3A_643 : memref<5120xi32, #tpu.memory_space<hbm>>)
      tpu.yield
    }) : () -> ()
    %run_scoped3A_397 = arith.constant 5 : i32
    %run_scoped3A_398 = arith.constant 1 : i32
    "tpu.region"() ({
      %run_scoped3A_627 = tpu.sem_alloc : memref<!tpu.dma_semaphore, #tpu.memory_space<semaphore_mem>>
      %dma_start3A = arith.constant 25600 : i32
      %dma_start3A_628 = tpu.memref_slice %arg11[%dma_start3A] : memref<51200xi32, #tpu.memory_space<vmem>> -> memref<5120xi32, #tpu.memory_space<vmem>>
      %dma_start3A_629 = arith.constant 0 : i32
      %dma_start3A_630 = tpu.memref_slice %arg5[%add3A, %run_scoped3A_397, %run_scoped3A_398, %dma_start3A_629] : memref<32x10x2x5120xi32, #tpu.memory_space<hbm>> -> memref<1x1x1x5120xi32, #tpu.memory_space<hbm>>
      %dma_start3A_631 = tpu.memref_squeeze %dma_start3A_630 : memref<1x1x1x5120xi32, #tpu.memory_space<hbm>> -> memref<5120xi32, #tpu.memory_space<hbm>>
      %dma_start3A_632 = arith.constant 0 : i32
      %dma_start3A_633 = tpu.memref_slice %arg5[%add3A, %run_scoped3A_397, %run_scoped3A_398, %dma_start3A_632] : memref<32x10x2x5120xi32, #tpu.memory_space<hbm>> -> memref<1x1x1x5120xi32, #tpu.memory_space<hbm>>
      %dma_start3A_634 = tpu.memref_squeeze %dma_start3A_633 : memref<1x1x1x5120xi32, #tpu.memory_space<hbm>> -> memref<5120xi32, #tpu.memory_space<hbm>>
      %dma_start3A_635 = arith.constant 25600 : i32
      %dma_start3A_636 = tpu.memref_slice %arg11[%dma_start3A_635] : memref<51200xi32, #tpu.memory_space<vmem>> -> memref<5120xi32, #tpu.memory_space<vmem>>
      tpu.enqueue_dma source(%dma_start3A_636 : memref<5120xi32, #tpu.memory_space<vmem>>) target(%dma_start3A_634 : memref<5120xi32, #tpu.memory_space<hbm>>) target_semaphore(%run_scoped3A_627 : memref<!tpu.dma_semaphore, #tpu.memory_space<semaphore_mem>>)
      %dma_wait3A = arith.constant 25600 : i32
      %dma_wait3A_637 = tpu.memref_slice %arg11[%dma_wait3A] : memref<51200xi32, #tpu.memory_space<vmem>> -> memref<5120xi32, #tpu.memory_space<vmem>>
      %dma_wait3A_638 = arith.constant 0 : i32
      %dma_wait3A_639 = tpu.memref_slice %arg5[%add3A, %run_scoped3A_397, %run_scoped3A_398, %dma_wait3A_638] : memref<32x10x2x5120xi32, #tpu.memory_space<hbm>> -> memref<1x1x1x5120xi32, #tpu.memory_space<hbm>>
      %dma_wait3A_640 = tpu.memref_squeeze %dma_wait3A_639 : memref<1x1x1x5120xi32, #tpu.memory_space<hbm>> -> memref<5120xi32, #tpu.memory_space<hbm>>
      %dma_wait3A_641 = arith.constant 0 : i32
      %dma_wait3A_642 = tpu.memref_slice %arg5[%add3A, %run_scoped3A_397, %run_scoped3A_398, %dma_wait3A_641] : memref<32x10x2x5120xi32, #tpu.memory_space<hbm>> -> memref<1x1x1x5120xi32, #tpu.memory_space<hbm>>
      %dma_wait3A_643 = tpu.memref_squeeze %dma_wait3A_642 : memref<1x1x1x5120xi32, #tpu.memory_space<hbm>> -> memref<5120xi32, #tpu.memory_space<hbm>>
      %dma_wait3A_644 = arith.constant 25600 : i32
      %dma_wait3A_645 = tpu.memref_slice %arg11[%dma_wait3A_644] : memref<51200xi32, #tpu.memory_space<vmem>> -> memref<5120xi32, #tpu.memory_space<vmem>>
      tpu.wait_dma2 semaphore(%run_scoped3A_627 : memref<!tpu.dma_semaphore, #tpu.memory_space<semaphore_mem>>) src(%dma_wait3A_645 : memref<5120xi32, #tpu.memory_space<vmem>>) dst(%dma_wait3A_643 : memref<5120xi32, #tpu.memory_space<hbm>>)
      tpu.yield
    }) : () -> ()
    %add3A_399 = arith.constant 30720 : i32
    %add3A_400 = arith.addi %add3A_399, %scan3A_61#6 : i32
    %add3A_401 = arith.constant 0 : i32
    %add3A_402 = arith.addi %add3A_400, %add3A_401 : i32
    %swap3A_403 = arith.index_cast %add3A_402 : i32 to index
    %swap3A_404 = tpu.vector_load %arg10[%swap3A_403] {strides = array<i32>} : memref<51200xi32, #tpu.memory_space<vmem>>, vector<16xi32>,
    tpu.vector_store %arg10[%swap3A_403], %broadcast_in_dim3A_66 {strides = array<i32>} : memref<51200xi32, #tpu.memory_space<vmem>>, vector<16xi32>,
    %add3A_405 = arith.constant 30720 : i32
    %add3A_406 = arith.addi %add3A_405, %scan3A_61#6 : i32
    %add3A_407 = arith.constant 0 : i32
    %add3A_408 = arith.addi %add3A_406, %add3A_407 : i32
    %swap3A_409 = arith.index_cast %add3A_408 : i32 to index
    %swap3A_410 = tpu.vector_load %arg11[%swap3A_409] {strides = array<i32>} : memref<51200xi32, #tpu.memory_space<vmem>>, vector<16xi32>,
    tpu.vector_store %arg11[%swap3A_409], %broadcast_in_dim3A_64 {strides = array<i32>} : memref<51200xi32, #tpu.memory_space<vmem>>, vector<16xi32>,
    %add3A_411 = arith.constant 30720 : i32
    %add3A_412 = arith.addi %add3A_411, %scan3A_61#6 : i32
    %add3A_413 = arith.constant 16 : i32
    %add3A_414 = arith.addi %add3A_412, %add3A_413 : i32
    %swap3A_415 = arith.index_cast %add3A_414 : i32 to index
    %swap3A_416 = tpu.vector_load %arg10[%swap3A_415] {strides = array<i32>} : memref<51200xi32, #tpu.memory_space<vmem>>, vector<16xi32>,
    tpu.vector_store %arg10[%swap3A_415], %broadcast_in_dim3A_66 {strides = array<i32>} : memref<51200xi32, #tpu.memory_space<vmem>>, vector<16xi32>,
    %add3A_417 = arith.constant 30720 : i32
    %add3A_418 = arith.addi %add3A_417, %scan3A_61#6 : i32
    %add3A_419 = arith.constant 16 : i32
    %add3A_420 = arith.addi %add3A_418, %add3A_419 : i32
    %swap3A_421 = arith.index_cast %add3A_420 : i32 to index
    %swap3A_422 = tpu.vector_load %arg11[%swap3A_421] {strides = array<i32>} : memref<51200xi32, #tpu.memory_space<vmem>>, vector<16xi32>,
    tpu.vector_store %arg11[%swap3A_421], %broadcast_in_dim3A_64 {strides = array<i32>} : memref<51200xi32, #tpu.memory_space<vmem>>, vector<16xi32>,
    %add3A_423 = arith.constant 15 : i32
    %add3A_424 = arith.addi %scan3A_61#6, %add3A_423 : i32
    %jit3A_425 = arith.constant 16 : i32
    %div3A_426 = arith.divsi %add3A_424, %jit3A_425 : i32
    %sign3A_427 = arith.constant 0 : i32
    %sign3A_428 = arith.cmpi sgt, %add3A_424, %sign3A_427 : i32
    %sign3A_429 = arith.extui %sign3A_428 : i1 to i32
    %sign3A_430 = arith.constant 0 : i32
    %sign3A_431 = arith.cmpi slt, %add3A_424, %sign3A_430 : i32
    %sign3A_432 = arith.extui %sign3A_431 : i1 to i32
    %sign3A_433 = arith.subi %sign3A_429, %sign3A_432 : i32
    %sign3A_434 = arith.constant 0 : i32
    %sign3A_435 = arith.cmpi sgt, %jit3A_425, %sign3A_434 : i32
    %sign3A_436 = arith.extui %sign3A_435 : i1 to i32
    %sign3A_437 = arith.constant 0 : i32
    %sign3A_438 = arith.cmpi slt, %jit3A_425, %sign3A_437 : i32
    %sign3A_439 = arith.extui %sign3A_438 : i1 to i32
    %sign3A_440 = arith.subi %sign3A_436, %sign3A_439 : i32
    %ne3A_441 = arith.cmpi ne, %sign3A_433, %sign3A_440 : i32
    %rem3A_442 = arith.remsi %add3A_424, %jit3A_425 : i32
    %ne3A_443 = arith.constant 0 : i32
    %ne3A_444 = arith.cmpi ne, %rem3A_442, %ne3A_443 : i32
    %and3A_445 = arith.andi %ne3A_441, %ne3A_444 : i1
    %sub3A_446 = arith.constant 1 : i32
    %sub3A_447 = arith.subi %div3A_426, %sub3A_446 : i32
    %select_n3A_448 = arith.select %and3A_445, %sub3A_447, %div3A_426 : i32
    %broadcast_in_dim3A_449 = vector.broadcast %select_n3A_448 : i32 to vector<16xi32>
    %swap3A_450 = arith.constant 96 : index
    %swap3A_451 = tpu.vector_load %arg12[%swap3A_450] {strides = array<i32>} : memref<160xi32, #tpu.memory_space<vmem>>, vector<16xi32>,
    tpu.vector_store %arg12[%swap3A_450], %broadcast_in_dim3A_449 {strides = array<i32>} : memref<160xi32, #tpu.memory_space<vmem>>, vector<16xi32>,
    %run_scoped3A_452 = arith.constant 6 : i32
    %run_scoped3A_453 = arith.constant 0 : i32
    "tpu.region"() ({
      %run_scoped3A_627 = tpu.sem_alloc : memref<!tpu.dma_semaphore, #tpu.memory_space<semaphore_mem>>
      %dma_start3A = arith.constant 30720 : i32
      %dma_start3A_628 = tpu.memref_slice %arg10[%dma_start3A] : memref<51200xi32, #tpu.memory_space<vmem>> -> memref<5120xi32, #tpu.memory_space<vmem>>
      %dma_start3A_629 = arith.constant 0 : i32
      %dma_start3A_630 = tpu.memref_slice %arg5[%add3A, %run_scoped3A_452, %run_scoped3A_453, %dma_start3A_629] : memref<32x10x2x5120xi32, #tpu.memory_space<hbm>> -> memref<1x1x1x5120xi32, #tpu.memory_space<hbm>>
      %dma_start3A_631 = tpu.memref_squeeze %dma_start3A_630 : memref<1x1x1x5120xi32, #tpu.memory_space<hbm>> -> memref<5120xi32, #tpu.memory_space<hbm>>
      %dma_start3A_632 = arith.constant 0 : i32
      %dma_start3A_633 = tpu.memref_slice %arg5[%add3A, %run_scoped3A_452, %run_scoped3A_453, %dma_start3A_632] : memref<32x10x2x5120xi32, #tpu.memory_space<hbm>> -> memref<1x1x1x5120xi32, #tpu.memory_space<hbm>>
      %dma_start3A_634 = tpu.memref_squeeze %dma_start3A_633 : memref<1x1x1x5120xi32, #tpu.memory_space<hbm>> -> memref<5120xi32, #tpu.memory_space<hbm>>
      %dma_start3A_635 = arith.constant 30720 : i32
      %dma_start3A_636 = tpu.memref_slice %arg10[%dma_start3A_635] : memref<51200xi32, #tpu.memory_space<vmem>> -> memref<5120xi32, #tpu.memory_space<vmem>>
      tpu.enqueue_dma source(%dma_start3A_636 : memref<5120xi32, #tpu.memory_space<vmem>>) target(%dma_start3A_634 : memref<5120xi32, #tpu.memory_space<hbm>>) target_semaphore(%run_scoped3A_627 : memref<!tpu.dma_semaphore, #tpu.memory_space<semaphore_mem>>)
      %dma_wait3A = arith.constant 30720 : i32
      %dma_wait3A_637 = tpu.memref_slice %arg10[%dma_wait3A] : memref<51200xi32, #tpu.memory_space<vmem>> -> memref<5120xi32, #tpu.memory_space<vmem>>
      %dma_wait3A_638 = arith.constant 0 : i32
      %dma_wait3A_639 = tpu.memref_slice %arg5[%add3A, %run_scoped3A_452, %run_scoped3A_453, %dma_wait3A_638] : memref<32x10x2x5120xi32, #tpu.memory_space<hbm>> -> memref<1x1x1x5120xi32, #tpu.memory_space<hbm>>
      %dma_wait3A_640 = tpu.memref_squeeze %dma_wait3A_639 : memref<1x1x1x5120xi32, #tpu.memory_space<hbm>> -> memref<5120xi32, #tpu.memory_space<hbm>>
      %dma_wait3A_641 = arith.constant 0 : i32
      %dma_wait3A_642 = tpu.memref_slice %arg5[%add3A, %run_scoped3A_452, %run_scoped3A_453, %dma_wait3A_641] : memref<32x10x2x5120xi32, #tpu.memory_space<hbm>> -> memref<1x1x1x5120xi32, #tpu.memory_space<hbm>>
      %dma_wait3A_643 = tpu.memref_squeeze %dma_wait3A_642 : memref<1x1x1x5120xi32, #tpu.memory_space<hbm>> -> memref<5120xi32, #tpu.memory_space<hbm>>
      %dma_wait3A_644 = arith.constant 30720 : i32
      %dma_wait3A_645 = tpu.memref_slice %arg10[%dma_wait3A_644] : memref<51200xi32, #tpu.memory_space<vmem>> -> memref<5120xi32, #tpu.memory_space<vmem>>
      tpu.wait_dma2 semaphore(%run_scoped3A_627 : memref<!tpu.dma_semaphore, #tpu.memory_space<semaphore_mem>>) src(%dma_wait3A_645 : memref<5120xi32, #tpu.memory_space<vmem>>) dst(%dma_wait3A_643 : memref<5120xi32, #tpu.memory_space<hbm>>)
      tpu.yield
    }) : () -> ()
    %run_scoped3A_454 = arith.constant 6 : i32
    %run_scoped3A_455 = arith.constant 1 : i32
    "tpu.region"() ({
      %run_scoped3A_627 = tpu.sem_alloc : memref<!tpu.dma_semaphore, #tpu.memory_space<semaphore_mem>>
      %dma_start3A = arith.constant 30720 : i32
      %dma_start3A_628 = tpu.memref_slice %arg11[%dma_start3A] : memref<51200xi32, #tpu.memory_space<vmem>> -> memref<5120xi32, #tpu.memory_space<vmem>>
      %dma_start3A_629 = arith.constant 0 : i32
      %dma_start3A_630 = tpu.memref_slice %arg5[%add3A, %run_scoped3A_454, %run_scoped3A_455, %dma_start3A_629] : memref<32x10x2x5120xi32, #tpu.memory_space<hbm>> -> memref<1x1x1x5120xi32, #tpu.memory_space<hbm>>
      %dma_start3A_631 = tpu.memref_squeeze %dma_start3A_630 : memref<1x1x1x5120xi32, #tpu.memory_space<hbm>> -> memref<5120xi32, #tpu.memory_space<hbm>>
      %dma_start3A_632 = arith.constant 0 : i32
      %dma_start3A_633 = tpu.memref_slice %arg5[%add3A, %run_scoped3A_454, %run_scoped3A_455, %dma_start3A_632] : memref<32x10x2x5120xi32, #tpu.memory_space<hbm>> -> memref<1x1x1x5120xi32, #tpu.memory_space<hbm>>
      %dma_start3A_634 = tpu.memref_squeeze %dma_start3A_633 : memref<1x1x1x5120xi32, #tpu.memory_space<hbm>> -> memref<5120xi32, #tpu.memory_space<hbm>>
      %dma_start3A_635 = arith.constant 30720 : i32
      %dma_start3A_636 = tpu.memref_slice %arg11[%dma_start3A_635] : memref<51200xi32, #tpu.memory_space<vmem>> -> memref<5120xi32, #tpu.memory_space<vmem>>
      tpu.enqueue_dma source(%dma_start3A_636 : memref<5120xi32, #tpu.memory_space<vmem>>) target(%dma_start3A_634 : memref<5120xi32, #tpu.memory_space<hbm>>) target_semaphore(%run_scoped3A_627 : memref<!tpu.dma_semaphore, #tpu.memory_space<semaphore_mem>>)
      %dma_wait3A = arith.constant 30720 : i32
      %dma_wait3A_637 = tpu.memref_slice %arg11[%dma_wait3A] : memref<51200xi32, #tpu.memory_space<vmem>> -> memref<5120xi32, #tpu.memory_space<vmem>>
      %dma_wait3A_638 = arith.constant 0 : i32
      %dma_wait3A_639 = tpu.memref_slice %arg5[%add3A, %run_scoped3A_454, %run_scoped3A_455, %dma_wait3A_638] : memref<32x10x2x5120xi32, #tpu.memory_space<hbm>> -> memref<1x1x1x5120xi32, #tpu.memory_space<hbm>>
      %dma_wait3A_640 = tpu.memref_squeeze %dma_wait3A_639 : memref<1x1x1x5120xi32, #tpu.memory_space<hbm>> -> memref<5120xi32, #tpu.memory_space<hbm>>
      %dma_wait3A_641 = arith.constant 0 : i32
      %dma_wait3A_642 = tpu.memref_slice %arg5[%add3A, %run_scoped3A_454, %run_scoped3A_455, %dma_wait3A_641] : memref<32x10x2x5120xi32, #tpu.memory_space<hbm>> -> memref<1x1x1x5120xi32, #tpu.memory_space<hbm>>
      %dma_wait3A_643 = tpu.memref_squeeze %dma_wait3A_642 : memref<1x1x1x5120xi32, #tpu.memory_space<hbm>> -> memref<5120xi32, #tpu.memory_space<hbm>>
      %dma_wait3A_644 = arith.constant 30720 : i32
      %dma_wait3A_645 = tpu.memref_slice %arg11[%dma_wait3A_644] : memref<51200xi32, #tpu.memory_space<vmem>> -> memref<5120xi32, #tpu.memory_space<vmem>>
      tpu.wait_dma2 semaphore(%run_scoped3A_627 : memref<!tpu.dma_semaphore, #tpu.memory_space<semaphore_mem>>) src(%dma_wait3A_645 : memref<5120xi32, #tpu.memory_space<vmem>>) dst(%dma_wait3A_643 : memref<5120xi32, #tpu.memory_space<hbm>>)
      tpu.yield
    }) : () -> ()
    %add3A_456 = arith.constant 35840 : i32
    %add3A_457 = arith.addi %add3A_456, %scan3A_61#7 : i32
    %add3A_458 = arith.constant 0 : i32
    %add3A_459 = arith.addi %add3A_457, %add3A_458 : i32
    %swap3A_460 = arith.index_cast %add3A_459 : i32 to index
    %swap3A_461 = tpu.vector_load %arg10[%swap3A_460] {strides = array<i32>} : memref<51200xi32, #tpu.memory_space<vmem>>, vector<16xi32>,
    tpu.vector_store %arg10[%swap3A_460], %broadcast_in_dim3A_66 {strides = array<i32>} : memref<51200xi32, #tpu.memory_space<vmem>>, vector<16xi32>,
    %add3A_462 = arith.constant 35840 : i32
    %add3A_463 = arith.addi %add3A_462, %scan3A_61#7 : i32
    %add3A_464 = arith.constant 0 : i32
    %add3A_465 = arith.addi %add3A_463, %add3A_464 : i32
    %swap3A_466 = arith.index_cast %add3A_465 : i32 to index
    %swap3A_467 = tpu.vector_load %arg11[%swap3A_466] {strides = array<i32>} : memref<51200xi32, #tpu.memory_space<vmem>>, vector<16xi32>,
    tpu.vector_store %arg11[%swap3A_466], %broadcast_in_dim3A_64 {strides = array<i32>} : memref<51200xi32, #tpu.memory_space<vmem>>, vector<16xi32>,
    %add3A_468 = arith.constant 35840 : i32
    %add3A_469 = arith.addi %add3A_468, %scan3A_61#7 : i32
    %add3A_470 = arith.constant 16 : i32
    %add3A_471 = arith.addi %add3A_469, %add3A_470 : i32
    %swap3A_472 = arith.index_cast %add3A_471 : i32 to index
    %swap3A_473 = tpu.vector_load %arg10[%swap3A_472] {strides = array<i32>} : memref<51200xi32, #tpu.memory_space<vmem>>, vector<16xi32>,
    tpu.vector_store %arg10[%swap3A_472], %broadcast_in_dim3A_66 {strides = array<i32>} : memref<51200xi32, #tpu.memory_space<vmem>>, vector<16xi32>,
    %add3A_474 = arith.constant 35840 : i32
    %add3A_475 = arith.addi %add3A_474, %scan3A_61#7 : i32
    %add3A_476 = arith.constant 16 : i32
    %add3A_477 = arith.addi %add3A_475, %add3A_476 : i32
    %swap3A_478 = arith.index_cast %add3A_477 : i32 to index
    %swap3A_479 = tpu.vector_load %arg11[%swap3A_478] {strides = array<i32>} : memref<51200xi32, #tpu.memory_space<vmem>>, vector<16xi32>,
    tpu.vector_store %arg11[%swap3A_478], %broadcast_in_dim3A_64 {strides = array<i32>} : memref<51200xi32, #tpu.memory_space<vmem>>, vector<16xi32>,
    %add3A_480 = arith.constant 15 : i32
    %add3A_481 = arith.addi %scan3A_61#7, %add3A_480 : i32
    %jit3A_482 = arith.constant 16 : i32
    %div3A_483 = arith.divsi %add3A_481, %jit3A_482 : i32
    %sign3A_484 = arith.constant 0 : i32
    %sign3A_485 = arith.cmpi sgt, %add3A_481, %sign3A_484 : i32
    %sign3A_486 = arith.extui %sign3A_485 : i1 to i32
    %sign3A_487 = arith.constant 0 : i32
    %sign3A_488 = arith.cmpi slt, %add3A_481, %sign3A_487 : i32
    %sign3A_489 = arith.extui %sign3A_488 : i1 to i32
    %sign3A_490 = arith.subi %sign3A_486, %sign3A_489 : i32
    %sign3A_491 = arith.constant 0 : i32
    %sign3A_492 = arith.cmpi sgt, %jit3A_482, %sign3A_491 : i32
    %sign3A_493 = arith.extui %sign3A_492 : i1 to i32
    %sign3A_494 = arith.constant 0 : i32
    %sign3A_495 = arith.cmpi slt, %jit3A_482, %sign3A_494 : i32
    %sign3A_496 = arith.extui %sign3A_495 : i1 to i32
    %sign3A_497 = arith.subi %sign3A_493, %sign3A_496 : i32
    %ne3A_498 = arith.cmpi ne, %sign3A_490, %sign3A_497 : i32
    %rem3A_499 = arith.remsi %add3A_481, %jit3A_482 : i32
    %ne3A_500 = arith.constant 0 : i32
    %ne3A_501 = arith.cmpi ne, %rem3A_499, %ne3A_500 : i32
    %and3A_502 = arith.andi %ne3A_498, %ne3A_501 : i1
    %sub3A_503 = arith.constant 1 : i32
    %sub3A_504 = arith.subi %div3A_483, %sub3A_503 : i32
    %select_n3A_505 = arith.select %and3A_502, %sub3A_504, %div3A_483 : i32
    %broadcast_in_dim3A_506 = vector.broadcast %select_n3A_505 : i32 to vector<16xi32>
    %swap3A_507 = arith.constant 112 : index
    %swap3A_508 = tpu.vector_load %arg12[%swap3A_507] {strides = array<i32>} : memref<160xi32, #tpu.memory_space<vmem>>, vector<16xi32>,
    tpu.vector_store %arg12[%swap3A_507], %broadcast_in_dim3A_506 {strides = array<i32>} : memref<160xi32, #tpu.memory_space<vmem>>, vector<16xi32>,
    %run_scoped3A_509 = arith.constant 7 : i32
    %run_scoped3A_510 = arith.constant 0 : i32
    "tpu.region"() ({
      %run_scoped3A_627 = tpu.sem_alloc : memref<!tpu.dma_semaphore, #tpu.memory_space<semaphore_mem>>
      %dma_start3A = arith.constant 35840 : i32
      %dma_start3A_628 = tpu.memref_slice %arg10[%dma_start3A] : memref<51200xi32, #tpu.memory_space<vmem>> -> memref<5120xi32, #tpu.memory_space<vmem>>
      %dma_start3A_629 = arith.constant 0 : i32
      %dma_start3A_630 = tpu.memref_slice %arg5[%add3A, %run_scoped3A_509, %run_scoped3A_510, %dma_start3A_629] : memref<32x10x2x5120xi32, #tpu.memory_space<hbm>> -> memref<1x1x1x5120xi32, #tpu.memory_space<hbm>>
      %dma_start3A_631 = tpu.memref_squeeze %dma_start3A_630 : memref<1x1x1x5120xi32, #tpu.memory_space<hbm>> -> memref<5120xi32, #tpu.memory_space<hbm>>
      %dma_start3A_632 = arith.constant 0 : i32
      %dma_start3A_633 = tpu.memref_slice %arg5[%add3A, %run_scoped3A_509, %run_scoped3A_510, %dma_start3A_632] : memref<32x10x2x5120xi32, #tpu.memory_space<hbm>> -> memref<1x1x1x5120xi32, #tpu.memory_space<hbm>>
      %dma_start3A_634 = tpu.memref_squeeze %dma_start3A_633 : memref<1x1x1x5120xi32, #tpu.memory_space<hbm>> -> memref<5120xi32, #tpu.memory_space<hbm>>
      %dma_start3A_635 = arith.constant 35840 : i32
      %dma_start3A_636 = tpu.memref_slice %arg10[%dma_start3A_635] : memref<51200xi32, #tpu.memory_space<vmem>> -> memref<5120xi32, #tpu.memory_space<vmem>>
      tpu.enqueue_dma source(%dma_start3A_636 : memref<5120xi32, #tpu.memory_space<vmem>>) target(%dma_start3A_634 : memref<5120xi32, #tpu.memory_space<hbm>>) target_semaphore(%run_scoped3A_627 : memref<!tpu.dma_semaphore, #tpu.memory_space<semaphore_mem>>)
      %dma_wait3A = arith.constant 35840 : i32
      %dma_wait3A_637 = tpu.memref_slice %arg10[%dma_wait3A] : memref<51200xi32, #tpu.memory_space<vmem>> -> memref<5120xi32, #tpu.memory_space<vmem>>
      %dma_wait3A_638 = arith.constant 0 : i32
      %dma_wait3A_639 = tpu.memref_slice %arg5[%add3A, %run_scoped3A_509, %run_scoped3A_510, %dma_wait3A_638] : memref<32x10x2x5120xi32, #tpu.memory_space<hbm>> -> memref<1x1x1x5120xi32, #tpu.memory_space<hbm>>
      %dma_wait3A_640 = tpu.memref_squeeze %dma_wait3A_639 : memref<1x1x1x5120xi32, #tpu.memory_space<hbm>> -> memref<5120xi32, #tpu.memory_space<hbm>>
      %dma_wait3A_641 = arith.constant 0 : i32
      %dma_wait3A_642 = tpu.memref_slice %arg5[%add3A, %run_scoped3A_509, %run_scoped3A_510, %dma_wait3A_641] : memref<32x10x2x5120xi32, #tpu.memory_space<hbm>> -> memref<1x1x1x5120xi32, #tpu.memory_space<hbm>>
      %dma_wait3A_643 = tpu.memref_squeeze %dma_wait3A_642 : memref<1x1x1x5120xi32, #tpu.memory_space<hbm>> -> memref<5120xi32, #tpu.memory_space<hbm>>
      %dma_wait3A_644 = arith.constant 35840 : i32
      %dma_wait3A_645 = tpu.memref_slice %arg10[%dma_wait3A_644] : memref<51200xi32, #tpu.memory_space<vmem>> -> memref<5120xi32, #tpu.memory_space<vmem>>
      tpu.wait_dma2 semaphore(%run_scoped3A_627 : memref<!tpu.dma_semaphore, #tpu.memory_space<semaphore_mem>>) src(%dma_wait3A_645 : memref<5120xi32, #tpu.memory_space<vmem>>) dst(%dma_wait3A_643 : memref<5120xi32, #tpu.memory_space<hbm>>)
      tpu.yield
    }) : () -> ()
    %run_scoped3A_511 = arith.constant 7 : i32
    %run_scoped3A_512 = arith.constant 1 : i32
    "tpu.region"() ({
      %run_scoped3A_627 = tpu.sem_alloc : memref<!tpu.dma_semaphore, #tpu.memory_space<semaphore_mem>>
      %dma_start3A = arith.constant 35840 : i32
      %dma_start3A_628 = tpu.memref_slice %arg11[%dma_start3A] : memref<51200xi32, #tpu.memory_space<vmem>> -> memref<5120xi32, #tpu.memory_space<vmem>>
      %dma_start3A_629 = arith.constant 0 : i32
      %dma_start3A_630 = tpu.memref_slice %arg5[%add3A, %run_scoped3A_511, %run_scoped3A_512, %dma_start3A_629] : memref<32x10x2x5120xi32, #tpu.memory_space<hbm>> -> memref<1x1x1x5120xi32, #tpu.memory_space<hbm>>
      %dma_start3A_631 = tpu.memref_squeeze %dma_start3A_630 : memref<1x1x1x5120xi32, #tpu.memory_space<hbm>> -> memref<5120xi32, #tpu.memory_space<hbm>>
      %dma_start3A_632 = arith.constant 0 : i32
      %dma_start3A_633 = tpu.memref_slice %arg5[%add3A, %run_scoped3A_511, %run_scoped3A_512, %dma_start3A_632] : memref<32x10x2x5120xi32, #tpu.memory_space<hbm>> -> memref<1x1x1x5120xi32, #tpu.memory_space<hbm>>
      %dma_start3A_634 = tpu.memref_squeeze %dma_start3A_633 : memref<1x1x1x5120xi32, #tpu.memory_space<hbm>> -> memref<5120xi32, #tpu.memory_space<hbm>>
      %dma_start3A_635 = arith.constant 35840 : i32
      %dma_start3A_636 = tpu.memref_slice %arg11[%dma_start3A_635] : memref<51200xi32, #tpu.memory_space<vmem>> -> memref<5120xi32, #tpu.memory_space<vmem>>
      tpu.enqueue_dma source(%dma_start3A_636 : memref<5120xi32, #tpu.memory_space<vmem>>) target(%dma_start3A_634 : memref<5120xi32, #tpu.memory_space<hbm>>) target_semaphore(%run_scoped3A_627 : memref<!tpu.dma_semaphore, #tpu.memory_space<semaphore_mem>>)
      %dma_wait3A = arith.constant 35840 : i32
      %dma_wait3A_637 = tpu.memref_slice %arg11[%dma_wait3A] : memref<51200xi32, #tpu.memory_space<vmem>> -> memref<5120xi32, #tpu.memory_space<vmem>>
      %dma_wait3A_638 = arith.constant 0 : i32
      %dma_wait3A_639 = tpu.memref_slice %arg5[%add3A, %run_scoped3A_511, %run_scoped3A_512, %dma_wait3A_638] : memref<32x10x2x5120xi32, #tpu.memory_space<hbm>> -> memref<1x1x1x5120xi32, #tpu.memory_space<hbm>>
      %dma_wait3A_640 = tpu.memref_squeeze %dma_wait3A_639 : memref<1x1x1x5120xi32, #tpu.memory_space<hbm>> -> memref<5120xi32, #tpu.memory_space<hbm>>
      %dma_wait3A_641 = arith.constant 0 : i32
      %dma_wait3A_642 = tpu.memref_slice %arg5[%add3A, %run_scoped3A_511, %run_scoped3A_512, %dma_wait3A_641] : memref<32x10x2x5120xi32, #tpu.memory_space<hbm>> -> memref<1x1x1x5120xi32, #tpu.memory_space<hbm>>
      %dma_wait3A_643 = tpu.memref_squeeze %dma_wait3A_642 : memref<1x1x1x5120xi32, #tpu.memory_space<hbm>> -> memref<5120xi32, #tpu.memory_space<hbm>>
      %dma_wait3A_644 = arith.constant 35840 : i32
      %dma_wait3A_645 = tpu.memref_slice %arg11[%dma_wait3A_644] : memref<51200xi32, #tpu.memory_space<vmem>> -> memref<5120xi32, #tpu.memory_space<vmem>>
      tpu.wait_dma2 semaphore(%run_scoped3A_627 : memref<!tpu.dma_semaphore, #tpu.memory_space<semaphore_mem>>) src(%dma_wait3A_645 : memref<5120xi32, #tpu.memory_space<vmem>>) dst(%dma_wait3A_643 : memref<5120xi32, #tpu.memory_space<hbm>>)
      tpu.yield
    }) : () -> ()
    %add3A_513 = arith.constant 40960 : i32
    %add3A_514 = arith.addi %add3A_513, %scan3A_61#8 : i32
    %add3A_515 = arith.constant 0 : i32
    %add3A_516 = arith.addi %add3A_514, %add3A_515 : i32
    %swap3A_517 = arith.index_cast %add3A_516 : i32 to index
    %swap3A_518 = tpu.vector_load %arg10[%swap3A_517] {strides = array<i32>} : memref<51200xi32, #tpu.memory_space<vmem>>, vector<16xi32>,
    tpu.vector_store %arg10[%swap3A_517], %broadcast_in_dim3A_66 {strides = array<i32>} : memref<51200xi32, #tpu.memory_space<vmem>>, vector<16xi32>,
    %add3A_519 = arith.constant 40960 : i32
    %add3A_520 = arith.addi %add3A_519, %scan3A_61#8 : i32
    %add3A_521 = arith.constant 0 : i32
    %add3A_522 = arith.addi %add3A_520, %add3A_521 : i32
    %swap3A_523 = arith.index_cast %add3A_522 : i32 to index
    %swap3A_524 = tpu.vector_load %arg11[%swap3A_523] {strides = array<i32>} : memref<51200xi32, #tpu.memory_space<vmem>>, vector<16xi32>,
    tpu.vector_store %arg11[%swap3A_523], %broadcast_in_dim3A_64 {strides = array<i32>} : memref<51200xi32, #tpu.memory_space<vmem>>, vector<16xi32>,
    %add3A_525 = arith.constant 40960 : i32
    %add3A_526 = arith.addi %add3A_525, %scan3A_61#8 : i32
    %add3A_527 = arith.constant 16 : i32
    %add3A_528 = arith.addi %add3A_526, %add3A_527 : i32
    %swap3A_529 = arith.index_cast %add3A_528 : i32 to index
    %swap3A_530 = tpu.vector_load %arg10[%swap3A_529] {strides = array<i32>} : memref<51200xi32, #tpu.memory_space<vmem>>, vector<16xi32>,
    tpu.vector_store %arg10[%swap3A_529], %broadcast_in_dim3A_66 {strides = array<i32>} : memref<51200xi32, #tpu.memory_space<vmem>>, vector<16xi32>,
    %add3A_531 = arith.constant 40960 : i32
    %add3A_532 = arith.addi %add3A_531, %scan3A_61#8 : i32
    %add3A_533 = arith.constant 16 : i32
    %add3A_534 = arith.addi %add3A_532, %add3A_533 : i32
    %swap3A_535 = arith.index_cast %add3A_534 : i32 to index
    %swap3A_536 = tpu.vector_load %arg11[%swap3A_535] {strides = array<i32>} : memref<51200xi32, #tpu.memory_space<vmem>>, vector<16xi32>,
    tpu.vector_store %arg11[%swap3A_535], %broadcast_in_dim3A_64 {strides = array<i32>} : memref<51200xi32, #tpu.memory_space<vmem>>, vector<16xi32>,
    %add3A_537 = arith.constant 15 : i32
    %add3A_538 = arith.addi %scan3A_61#8, %add3A_537 : i32
    %jit3A_539 = arith.constant 16 : i32
    %div3A_540 = arith.divsi %add3A_538, %jit3A_539 : i32
    %sign3A_541 = arith.constant 0 : i32
    %sign3A_542 = arith.cmpi sgt, %add3A_538, %sign3A_541 : i32
    %sign3A_543 = arith.extui %sign3A_542 : i1 to i32
    %sign3A_544 = arith.constant 0 : i32
    %sign3A_545 = arith.cmpi slt, %add3A_538, %sign3A_544 : i32
    %sign3A_546 = arith.extui %sign3A_545 : i1 to i32
    %sign3A_547 = arith.subi %sign3A_543, %sign3A_546 : i32
    %sign3A_548 = arith.constant 0 : i32
    %sign3A_549 = arith.cmpi sgt, %jit3A_539, %sign3A_548 : i32
    %sign3A_550 = arith.extui %sign3A_549 : i1 to i32
    %sign3A_551 = arith.constant 0 : i32
    %sign3A_552 = arith.cmpi slt, %jit3A_539, %sign3A_551 : i32
    %sign3A_553 = arith.extui %sign3A_552 : i1 to i32
    %sign3A_554 = arith.subi %sign3A_550, %sign3A_553 : i32
    %ne3A_555 = arith.cmpi ne, %sign3A_547, %sign3A_554 : i32
    %rem3A_556 = arith.remsi %add3A_538, %jit3A_539 : i32
    %ne3A_557 = arith.constant 0 : i32
    %ne3A_558 = arith.cmpi ne, %rem3A_556, %ne3A_557 : i32
    %and3A_559 = arith.andi %ne3A_555, %ne3A_558 : i1
    %sub3A_560 = arith.constant 1 : i32
    %sub3A_561 = arith.subi %div3A_540, %sub3A_560 : i32
    %select_n3A_562 = arith.select %and3A_559, %sub3A_561, %div3A_540 : i32
    %broadcast_in_dim3A_563 = vector.broadcast %select_n3A_562 : i32 to vector<16xi32>
    %swap3A_564 = arith.constant 128 : index
    %swap3A_565 = tpu.vector_load %arg12[%swap3A_564] {strides = array<i32>} : memref<160xi32, #tpu.memory_space<vmem>>, vector<16xi32>,
    tpu.vector_store %arg12[%swap3A_564], %broadcast_in_dim3A_563 {strides = array<i32>} : memref<160xi32, #tpu.memory_space<vmem>>, vector<16xi32>,
    %run_scoped3A_566 = arith.constant 8 : i32
    %run_scoped3A_567 = arith.constant 0 : i32
    "tpu.region"() ({
      %run_scoped3A_627 = tpu.sem_alloc : memref<!tpu.dma_semaphore, #tpu.memory_space<semaphore_mem>>
      %dma_start3A = arith.constant 40960 : i32
      %dma_start3A_628 = tpu.memref_slice %arg10[%dma_start3A] : memref<51200xi32, #tpu.memory_space<vmem>> -> memref<5120xi32, #tpu.memory_space<vmem>>
      %dma_start3A_629 = arith.constant 0 : i32
      %dma_start3A_630 = tpu.memref_slice %arg5[%add3A, %run_scoped3A_566, %run_scoped3A_567, %dma_start3A_629] : memref<32x10x2x5120xi32, #tpu.memory_space<hbm>> -> memref<1x1x1x5120xi32, #tpu.memory_space<hbm>>
      %dma_start3A_631 = tpu.memref_squeeze %dma_start3A_630 : memref<1x1x1x5120xi32, #tpu.memory_space<hbm>> -> memref<5120xi32, #tpu.memory_space<hbm>>
      %dma_start3A_632 = arith.constant 0 : i32
      %dma_start3A_633 = tpu.memref_slice %arg5[%add3A, %run_scoped3A_566, %run_scoped3A_567, %dma_start3A_632] : memref<32x10x2x5120xi32, #tpu.memory_space<hbm>> -> memref<1x1x1x5120xi32, #tpu.memory_space<hbm>>
      %dma_start3A_634 = tpu.memref_squeeze %dma_start3A_633 : memref<1x1x1x5120xi32, #tpu.memory_space<hbm>> -> memref<5120xi32, #tpu.memory_space<hbm>>
      %dma_start3A_635 = arith.constant 40960 : i32
      %dma_start3A_636 = tpu.memref_slice %arg10[%dma_start3A_635] : memref<51200xi32, #tpu.memory_space<vmem>> -> memref<5120xi32, #tpu.memory_space<vmem>>
      tpu.enqueue_dma source(%dma_start3A_636 : memref<5120xi32, #tpu.memory_space<vmem>>) target(%dma_start3A_634 : memref<5120xi32, #tpu.memory_space<hbm>>) target_semaphore(%run_scoped3A_627 : memref<!tpu.dma_semaphore, #tpu.memory_space<semaphore_mem>>)
      %dma_wait3A = arith.constant 40960 : i32
      %dma_wait3A_637 = tpu.memref_slice %arg10[%dma_wait3A] : memref<51200xi32, #tpu.memory_space<vmem>> -> memref<5120xi32, #tpu.memory_space<vmem>>
      %dma_wait3A_638 = arith.constant 0 : i32
      %dma_wait3A_639 = tpu.memref_slice %arg5[%add3A, %run_scoped3A_566, %run_scoped3A_567, %dma_wait3A_638] : memref<32x10x2x5120xi32, #tpu.memory_space<hbm>> -> memref<1x1x1x5120xi32, #tpu.memory_space<hbm>>
      %dma_wait3A_640 = tpu.memref_squeeze %dma_wait3A_639 : memref<1x1x1x5120xi32, #tpu.memory_space<hbm>> -> memref<5120xi32, #tpu.memory_space<hbm>>
      %dma_wait3A_641 = arith.constant 0 : i32
      %dma_wait3A_642 = tpu.memref_slice %arg5[%add3A, %run_scoped3A_566, %run_scoped3A_567, %dma_wait3A_641] : memref<32x10x2x5120xi32, #tpu.memory_space<hbm>> -> memref<1x1x1x5120xi32, #tpu.memory_space<hbm>>
      %dma_wait3A_643 = tpu.memref_squeeze %dma_wait3A_642 : memref<1x1x1x5120xi32, #tpu.memory_space<hbm>> -> memref<5120xi32, #tpu.memory_space<hbm>>
      %dma_wait3A_644 = arith.constant 40960 : i32
      %dma_wait3A_645 = tpu.memref_slice %arg10[%dma_wait3A_644] : memref<51200xi32, #tpu.memory_space<vmem>> -> memref<5120xi32, #tpu.memory_space<vmem>>
      tpu.wait_dma2 semaphore(%run_scoped3A_627 : memref<!tpu.dma_semaphore, #tpu.memory_space<semaphore_mem>>) src(%dma_wait3A_645 : memref<5120xi32, #tpu.memory_space<vmem>>) dst(%dma_wait3A_643 : memref<5120xi32, #tpu.memory_space<hbm>>)
      tpu.yield
    }) : () -> ()
    %run_scoped3A_568 = arith.constant 8 : i32
    %run_scoped3A_569 = arith.constant 1 : i32
    "tpu.region"() ({
      %run_scoped3A_627 = tpu.sem_alloc : memref<!tpu.dma_semaphore, #tpu.memory_space<semaphore_mem>>
      %dma_start3A = arith.constant 40960 : i32
      %dma_start3A_628 = tpu.memref_slice %arg11[%dma_start3A] : memref<51200xi32, #tpu.memory_space<vmem>> -> memref<5120xi32, #tpu.memory_space<vmem>>
      %dma_start3A_629 = arith.constant 0 : i32
      %dma_start3A_630 = tpu.memref_slice %arg5[%add3A, %run_scoped3A_568, %run_scoped3A_569, %dma_start3A_629] : memref<32x10x2x5120xi32, #tpu.memory_space<hbm>> -> memref<1x1x1x5120xi32, #tpu.memory_space<hbm>>
      %dma_start3A_631 = tpu.memref_squeeze %dma_start3A_630 : memref<1x1x1x5120xi32, #tpu.memory_space<hbm>> -> memref<5120xi32, #tpu.memory_space<hbm>>
      %dma_start3A_632 = arith.constant 0 : i32
      %dma_start3A_633 = tpu.memref_slice %arg5[%add3A, %run_scoped3A_568, %run_scoped3A_569, %dma_start3A_632] : memref<32x10x2x5120xi32, #tpu.memory_space<hbm>> -> memref<1x1x1x5120xi32, #tpu.memory_space<hbm>>
      %dma_start3A_634 = tpu.memref_squeeze %dma_start3A_633 : memref<1x1x1x5120xi32, #tpu.memory_space<hbm>> -> memref<5120xi32, #tpu.memory_space<hbm>>
      %dma_start3A_635 = arith.constant 40960 : i32
      %dma_start3A_636 = tpu.memref_slice %arg11[%dma_start3A_635] : memref<51200xi32, #tpu.memory_space<vmem>> -> memref<5120xi32, #tpu.memory_space<vmem>>
      tpu.enqueue_dma source(%dma_start3A_636 : memref<5120xi32, #tpu.memory_space<vmem>>) target(%dma_start3A_634 : memref<5120xi32, #tpu.memory_space<hbm>>) target_semaphore(%run_scoped3A_627 : memref<!tpu.dma_semaphore, #tpu.memory_space<semaphore_mem>>)
      %dma_wait3A = arith.constant 40960 : i32
      %dma_wait3A_637 = tpu.memref_slice %arg11[%dma_wait3A] : memref<51200xi32, #tpu.memory_space<vmem>> -> memref<5120xi32, #tpu.memory_space<vmem>>
      %dma_wait3A_638 = arith.constant 0 : i32
      %dma_wait3A_639 = tpu.memref_slice %arg5[%add3A, %run_scoped3A_568, %run_scoped3A_569, %dma_wait3A_638] : memref<32x10x2x5120xi32, #tpu.memory_space<hbm>> -> memref<1x1x1x5120xi32, #tpu.memory_space<hbm>>
      %dma_wait3A_640 = tpu.memref_squeeze %dma_wait3A_639 : memref<1x1x1x5120xi32, #tpu.memory_space<hbm>> -> memref<5120xi32, #tpu.memory_space<hbm>>
      %dma_wait3A_641 = arith.constant 0 : i32
      %dma_wait3A_642 = tpu.memref_slice %arg5[%add3A, %run_scoped3A_568, %run_scoped3A_569, %dma_wait3A_641] : memref<32x10x2x5120xi32, #tpu.memory_space<hbm>> -> memref<1x1x1x5120xi32, #tpu.memory_space<hbm>>
      %dma_wait3A_643 = tpu.memref_squeeze %dma_wait3A_642 : memref<1x1x1x5120xi32, #tpu.memory_space<hbm>> -> memref<5120xi32, #tpu.memory_space<hbm>>
      %dma_wait3A_644 = arith.constant 40960 : i32
      %dma_wait3A_645 = tpu.memref_slice %arg11[%dma_wait3A_644] : memref<51200xi32, #tpu.memory_space<vmem>> -> memref<5120xi32, #tpu.memory_space<vmem>>
      tpu.wait_dma2 semaphore(%run_scoped3A_627 : memref<!tpu.dma_semaphore, #tpu.memory_space<semaphore_mem>>) src(%dma_wait3A_645 : memref<5120xi32, #tpu.memory_space<vmem>>) dst(%dma_wait3A_643 : memref<5120xi32, #tpu.memory_space<hbm>>)
      tpu.yield
    }) : () -> ()
    %add3A_570 = arith.constant 46080 : i32
    %add3A_571 = arith.addi %add3A_570, %scan3A_61#9 : i32
    %add3A_572 = arith.constant 0 : i32
    %add3A_573 = arith.addi %add3A_571, %add3A_572 : i32
    %swap3A_574 = arith.index_cast %add3A_573 : i32 to index
    %swap3A_575 = tpu.vector_load %arg10[%swap3A_574] {strides = array<i32>} : memref<51200xi32, #tpu.memory_space<vmem>>, vector<16xi32>,
    tpu.vector_store %arg10[%swap3A_574], %broadcast_in_dim3A_66 {strides = array<i32>} : memref<51200xi32, #tpu.memory_space<vmem>>, vector<16xi32>,
    %add3A_576 = arith.constant 46080 : i32
    %add3A_577 = arith.addi %add3A_576, %scan3A_61#9 : i32
    %add3A_578 = arith.constant 0 : i32
    %add3A_579 = arith.addi %add3A_577, %add3A_578 : i32
    %swap3A_580 = arith.index_cast %add3A_579 : i32 to index
    %swap3A_581 = tpu.vector_load %arg11[%swap3A_580] {strides = array<i32>} : memref<51200xi32, #tpu.memory_space<vmem>>, vector<16xi32>,
    tpu.vector_store %arg11[%swap3A_580], %broadcast_in_dim3A_64 {strides = array<i32>} : memref<51200xi32, #tpu.memory_space<vmem>>, vector<16xi32>,
    %add3A_582 = arith.constant 46080 : i32
    %add3A_583 = arith.addi %add3A_582, %scan3A_61#9 : i32
    %add3A_584 = arith.constant 16 : i32
    %add3A_585 = arith.addi %add3A_583, %add3A_584 : i32
    %swap3A_586 = arith.index_cast %add3A_585 : i32 to index
    %swap3A_587 = tpu.vector_load %arg10[%swap3A_586] {strides = array<i32>} : memref<51200xi32, #tpu.memory_space<vmem>>, vector<16xi32>,
    tpu.vector_store %arg10[%swap3A_586], %broadcast_in_dim3A_66 {strides = array<i32>} : memref<51200xi32, #tpu.memory_space<vmem>>, vector<16xi32>,
    %add3A_588 = arith.constant 46080 : i32
    %add3A_589 = arith.addi %add3A_588, %scan3A_61#9 : i32
    %add3A_590 = arith.constant 16 : i32
    %add3A_591 = arith.addi %add3A_589, %add3A_590 : i32
    %swap3A_592 = arith.index_cast %add3A_591 : i32 to index
    %swap3A_593 = tpu.vector_load %arg11[%swap3A_592] {strides = array<i32>} : memref<51200xi32, #tpu.memory_space<vmem>>, vector<16xi32>,
    tpu.vector_store %arg11[%swap3A_592], %broadcast_in_dim3A_64 {strides = array<i32>} : memref<51200xi32, #tpu.memory_space<vmem>>, vector<16xi32>,
    %add3A_594 = arith.constant 15 : i32
    %add3A_595 = arith.addi %scan3A_61#9, %add3A_594 : i32
    %jit3A_596 = arith.constant 16 : i32
    %div3A_597 = arith.divsi %add3A_595, %jit3A_596 : i32
    %sign3A_598 = arith.constant 0 : i32
    %sign3A_599 = arith.cmpi sgt, %add3A_595, %sign3A_598 : i32
    %sign3A_600 = arith.extui %sign3A_599 : i1 to i32
    %sign3A_601 = arith.constant 0 : i32
    %sign3A_602 = arith.cmpi slt, %add3A_595, %sign3A_601 : i32
    %sign3A_603 = arith.extui %sign3A_602 : i1 to i32
    %sign3A_604 = arith.subi %sign3A_600, %sign3A_603 : i32
    %sign3A_605 = arith.constant 0 : i32
    %sign3A_606 = arith.cmpi sgt, %jit3A_596, %sign3A_605 : i32
    %sign3A_607 = arith.extui %sign3A_606 : i1 to i32
    %sign3A_608 = arith.constant 0 : i32
    %sign3A_609 = arith.cmpi slt, %jit3A_596, %sign3A_608 : i32
    %sign3A_610 = arith.extui %sign3A_609 : i1 to i32
    %sign3A_611 = arith.subi %sign3A_607, %sign3A_610 : i32
    %ne3A_612 = arith.cmpi ne, %sign3A_604, %sign3A_611 : i32
    %rem3A_613 = arith.remsi %add3A_595, %jit3A_596 : i32
    %ne3A_614 = arith.constant 0 : i32
    %ne3A_615 = arith.cmpi ne, %rem3A_613, %ne3A_614 : i32
    %and3A_616 = arith.andi %ne3A_612, %ne3A_615 : i1
    %sub3A_617 = arith.constant 1 : i32
    %sub3A_618 = arith.subi %div3A_597, %sub3A_617 : i32
    %select_n3A_619 = arith.select %and3A_616, %sub3A_618, %div3A_597 : i32
    %broadcast_in_dim3A_620 = vector.broadcast %select_n3A_619 : i32 to vector<16xi32>
    %swap3A_621 = arith.constant 144 : index
    %swap3A_622 = tpu.vector_load %arg12[%swap3A_621] {strides = array<i32>} : memref<160xi32, #tpu.memory_space<vmem>>, vector<16xi32>,
    tpu.vector_store %arg12[%swap3A_621], %broadcast_in_dim3A_620 {strides = array<i32>} : memref<160xi32, #tpu.memory_space<vmem>>, vector<16xi32>,
    %run_scoped3A_623 = arith.constant 9 : i32
    %run_scoped3A_624 = arith.constant 0 : i32
    "tpu.region"() ({
      %run_scoped3A_627 = tpu.sem_alloc : memref<!tpu.dma_semaphore, #tpu.memory_space<semaphore_mem>>
      %dma_start3A = arith.constant 46080 : i32
      %dma_start3A_628 = tpu.memref_slice %arg10[%dma_start3A] : memref<51200xi32, #tpu.memory_space<vmem>> -> memref<5120xi32, #tpu.memory_space<vmem>>
      %dma_start3A_629 = arith.constant 0 : i32
      %dma_start3A_630 = tpu.memref_slice %arg5[%add3A, %run_scoped3A_623, %run_scoped3A_624, %dma_start3A_629] : memref<32x10x2x5120xi32, #tpu.memory_space<hbm>> -> memref<1x1x1x5120xi32, #tpu.memory_space<hbm>>
      %dma_start3A_631 = tpu.memref_squeeze %dma_start3A_630 : memref<1x1x1x5120xi32, #tpu.memory_space<hbm>> -> memref<5120xi32, #tpu.memory_space<hbm>>
      %dma_start3A_632 = arith.constant 0 : i32
      %dma_start3A_633 = tpu.memref_slice %arg5[%add3A, %run_scoped3A_623, %run_scoped3A_624, %dma_start3A_632] : memref<32x10x2x5120xi32, #tpu.memory_space<hbm>> -> memref<1x1x1x5120xi32, #tpu.memory_space<hbm>>
      %dma_start3A_634 = tpu.memref_squeeze %dma_start3A_633 : memref<1x1x1x5120xi32, #tpu.memory_space<hbm>> -> memref<5120xi32, #tpu.memory_space<hbm>>
      %dma_start3A_635 = arith.constant 46080 : i32
      %dma_start3A_636 = tpu.memref_slice %arg10[%dma_start3A_635] : memref<51200xi32, #tpu.memory_space<vmem>> -> memref<5120xi32, #tpu.memory_space<vmem>>
      tpu.enqueue_dma source(%dma_start3A_636 : memref<5120xi32, #tpu.memory_space<vmem>>) target(%dma_start3A_634 : memref<5120xi32, #tpu.memory_space<hbm>>) target_semaphore(%run_scoped3A_627 : memref<!tpu.dma_semaphore, #tpu.memory_space<semaphore_mem>>)
      %dma_wait3A = arith.constant 46080 : i32
      %dma_wait3A_637 = tpu.memref_slice %arg10[%dma_wait3A] : memref<51200xi32, #tpu.memory_space<vmem>> -> memref<5120xi32, #tpu.memory_space<vmem>>
      %dma_wait3A_638 = arith.constant 0 : i32
      %dma_wait3A_639 = tpu.memref_slice %arg5[%add3A, %run_scoped3A_623, %run_scoped3A_624, %dma_wait3A_638] : memref<32x10x2x5120xi32, #tpu.memory_space<hbm>> -> memref<1x1x1x5120xi32, #tpu.memory_space<hbm>>
      %dma_wait3A_640 = tpu.memref_squeeze %dma_wait3A_639 : memref<1x1x1x5120xi32, #tpu.memory_space<hbm>> -> memref<5120xi32, #tpu.memory_space<hbm>>
      %dma_wait3A_641 = arith.constant 0 : i32
      %dma_wait3A_642 = tpu.memref_slice %arg5[%add3A, %run_scoped3A_623, %run_scoped3A_624, %dma_wait3A_641] : memref<32x10x2x5120xi32, #tpu.memory_space<hbm>> -> memref<1x1x1x5120xi32, #tpu.memory_space<hbm>>
      %dma_wait3A_643 = tpu.memref_squeeze %dma_wait3A_642 : memref<1x1x1x5120xi32, #tpu.memory_space<hbm>> -> memref<5120xi32, #tpu.memory_space<hbm>>
      %dma_wait3A_644 = arith.constant 46080 : i32
      %dma_wait3A_645 = tpu.memref_slice %arg10[%dma_wait3A_644] : memref<51200xi32, #tpu.memory_space<vmem>> -> memref<5120xi32, #tpu.memory_space<vmem>>
      tpu.wait_dma2 semaphore(%run_scoped3A_627 : memref<!tpu.dma_semaphore, #tpu.memory_space<semaphore_mem>>) src(%dma_wait3A_645 : memref<5120xi32, #tpu.memory_space<vmem>>) dst(%dma_wait3A_643 : memref<5120xi32, #tpu.memory_space<hbm>>)
      tpu.yield
    }) : () -> ()
    %run_scoped3A_625 = arith.constant 9 : i32
    %run_scoped3A_626 = arith.constant 1 : i32
    "tpu.region"() ({
      %run_scoped3A_627 = tpu.sem_alloc : memref<!tpu.dma_semaphore, #tpu.memory_space<semaphore_mem>>
      %dma_start3A = arith.constant 46080 : i32
      %dma_start3A_628 = tpu.memref_slice %arg11[%dma_start3A] : memref<51200xi32, #tpu.memory_space<vmem>> -> memref<5120xi32, #tpu.memory_space<vmem>>
      %dma_start3A_629 = arith.constant 0 : i32
      %dma_start3A_630 = tpu.memref_slice %arg5[%add3A, %run_scoped3A_625, %run_scoped3A_626, %dma_start3A_629] : memref<32x10x2x5120xi32, #tpu.memory_space<hbm>> -> memref<1x1x1x5120xi32, #tpu.memory_space<hbm>>
      %dma_start3A_631 = tpu.memref_squeeze %dma_start3A_630 : memref<1x1x1x5120xi32, #tpu.memory_space<hbm>> -> memref<5120xi32, #tpu.memory_space<hbm>>
      %dma_start3A_632 = arith.constant 0 : i32
      %dma_start3A_633 = tpu.memref_slice %arg5[%add3A, %run_scoped3A_625, %run_scoped3A_626, %dma_start3A_632] : memref<32x10x2x5120xi32, #tpu.memory_space<hbm>> -> memref<1x1x1x5120xi32, #tpu.memory_space<hbm>>
      %dma_start3A_634 = tpu.memref_squeeze %dma_start3A_633 : memref<1x1x1x5120xi32, #tpu.memory_space<hbm>> -> memref<5120xi32, #tpu.memory_space<hbm>>
      %dma_start3A_635 = arith.constant 46080 : i32
      %dma_start3A_636 = tpu.memref_slice %arg11[%dma_start3A_635] : memref<51200xi32, #tpu.memory_space<vmem>> -> memref<5120xi32, #tpu.memory_space<vmem>>
      tpu.enqueue_dma source(%dma_start3A_636 : memref<5120xi32, #tpu.memory_space<vmem>>) target(%dma_start3A_634 : memref<5120xi32, #tpu.memory_space<hbm>>) target_semaphore(%run_scoped3A_627 : memref<!tpu.dma_semaphore, #tpu.memory_space<semaphore_mem>>)
      %dma_wait3A = arith.constant 46080 : i32
      %dma_wait3A_637 = tpu.memref_slice %arg11[%dma_wait3A] : memref<51200xi32, #tpu.memory_space<vmem>> -> memref<5120xi32, #tpu.memory_space<vmem>>
      %dma_wait3A_638 = arith.constant 0 : i32
      %dma_wait3A_639 = tpu.memref_slice %arg5[%add3A, %run_scoped3A_625, %run_scoped3A_626, %dma_wait3A_638] : memref<32x10x2x5120xi32, #tpu.memory_space<hbm>> -> memref<1x1x1x5120xi32, #tpu.memory_space<hbm>>
      %dma_wait3A_640 = tpu.memref_squeeze %dma_wait3A_639 : memref<1x1x1x5120xi32, #tpu.memory_space<hbm>> -> memref<5120xi32, #tpu.memory_space<hbm>>
      %dma_wait3A_641 = arith.constant 0 : i32
      %dma_wait3A_642 = tpu.memref_slice %arg5[%add3A, %run_scoped3A_625, %run_scoped3A_626, %dma_wait3A_641] : memref<32x10x2x5120xi32, #tpu.memory_space<hbm>> -> memref<1x1x1x5120xi32, #tpu.memory_space<hbm>>
      %dma_wait3A_643 = tpu.memref_squeeze %dma_wait3A_642 : memref<1x1x1x5120xi32, #tpu.memory_space<hbm>> -> memref<5120xi32, #tpu.memory_space<hbm>>
      %dma_wait3A_644 = arith.constant 46080 : i32
      %dma_wait3A_645 = tpu.memref_slice %arg11[%dma_wait3A_644] : memref<51200xi32, #tpu.memory_space<vmem>> -> memref<5120xi32, #tpu.memory_space<vmem>>
      tpu.wait_dma2 semaphore(%run_scoped3A_627 : memref<!tpu.dma_semaphore, #tpu.memory_space<semaphore_mem>>) src(%dma_wait3A_645 : memref<5120xi32, #tpu.memory_space<vmem>>) dst(%dma_wait3A_643 : memref<5120xi32, #tpu.memory_space<hbm>>)
      tpu.yield
    }) : () -> ()
    "tpu.region"() ({
      %run_scoped3A_627 = tpu.sem_alloc : memref<!tpu.dma_semaphore, #tpu.memory_space<semaphore_mem>>
      %dma_start3A = arith.constant 0 : i32
      %dma_start3A_628 = tpu.memref_slice %arg6[%add3A, %dma_start3A] : memref<32x160xi32, #tpu.memory_space<hbm>> -> memref<1x160xi32, #tpu.memory_space<hbm>>
      %dma_start3A_629 = tpu.memref_squeeze %dma_start3A_628 : memref<1x160xi32, #tpu.memory_space<hbm>> -> memref<160xi32, #tpu.memory_space<hbm>>
      %dma_start3A_630 = arith.constant 0 : i32
      %dma_start3A_631 = tpu.memref_slice %arg6[%add3A, %dma_start3A_630] : memref<32x160xi32, #tpu.memory_space<hbm>> -> memref<1x160xi32, #tpu.memory_space<hbm>>
      %dma_start3A_632 = tpu.memref_squeeze %dma_start3A_631 : memref<1x160xi32, #tpu.memory_space<hbm>> -> memref<160xi32, #tpu.memory_space<hbm>>
      tpu.enqueue_dma source(%arg12 : memref<160xi32, #tpu.memory_space<vmem>>) target(%dma_start3A_632 : memref<160xi32, #tpu.memory_space<hbm>>) target_semaphore(%run_scoped3A_627 : memref<!tpu.dma_semaphore, #tpu.memory_space<semaphore_mem>>)
      %dma_wait3A = arith.constant 0 : i32
      %dma_wait3A_633 = tpu.memref_slice %arg6[%add3A, %dma_wait3A] : memref<32x160xi32, #tpu.memory_space<hbm>> -> memref<1x160xi32, #tpu.memory_space<hbm>>
      %dma_wait3A_634 = tpu.memref_squeeze %dma_wait3A_633 : memref<1x160xi32, #tpu.memory_space<hbm>> -> memref<160xi32, #tpu.memory_space<hbm>>
      %dma_wait3A_635 = arith.constant 0 : i32
      %dma_wait3A_636 = tpu.memref_slice %arg6[%add3A, %dma_wait3A_635] : memref<32x160xi32, #tpu.memory_space<hbm>> -> memref<1x160xi32, #tpu.memory_space<hbm>>
      %dma_wait3A_637 = tpu.memref_squeeze %dma_wait3A_636 : memref<1x160xi32, #tpu.memory_space<hbm>> -> memref<160xi32, #tpu.memory_space<hbm>>
      tpu.wait_dma2 semaphore(%run_scoped3A_627 : memref<!tpu.dma_semaphore, #tpu.memory_space<semaphore_mem>>) src(%arg12 : memref<160xi32, #tpu.memory_space<vmem>>) dst(%dma_wait3A_637 : memref<160xi32, #tpu.memory_space<hbm>>)
      tpu.yield
    }) : () -> ()
    return
  }
}

#map = affine_map<(d0, d1) -> (0, 0)>
#map1 = affine_map<(d0, d1) -> (0, 0, 0, 0)>
module attributes {stable_mosaic.version = 14 : i64} {
  func.func @_segsum_body(%arg0: i32, %arg1: i32, %arg2: memref<10000x512xbf16, #tpu.memory_space<hbm>>, %arg3: memref<32x10x2x5120xi32, #tpu.memory_space<hbm>>, %arg4: memref<32x160xi32, #tpu.memory_space<hbm>>, %arg5: memref<8x512xbf16, #tpu.memory_space<hbm>>, %arg6: memref<10000x512xbf16, #tpu.memory_space<hbm>>, %arg7: memref<2x2x5120xi32, #tpu.memory_space<vmem>>, %arg8: memref<10176xi32, #tpu.memory_space<vmem>>, %arg9: memref<10176xi32, #tpu.memory_space<vmem>>, %arg10: memref<64x512xbf16, #tpu.memory_space<vmem>>, %arg11: memref<64x512xbf16, #tpu.memory_space<vmem>>, %arg12: memref<64xi32, #tpu.memory_space<vmem>>, %arg13: memref<64xi32, #tpu.memory_space<vmem>>, %arg14: memref<320xi32, #tpu.memory_space<vmem>>, %arg15: memref<2000x512xbf16, #tpu.memory_space<vmem_shared>>, %arg16: memref<1024x512xbf16, #tpu.memory_space<vmem_shared>>, %arg17: memref<!tpu.dma_semaphore, #tpu.memory_space<semaphore_mem>>, %arg18: memref<!tpu.dma_semaphore, #tpu.memory_space<semaphore_mem>>) attributes {dimension_semantics = [#tpu.dimension_semantics<core_parallel>, #tpu.dimension_semantics<subcore_parallel>], iteration_bounds = array<i64: 2, 16>, scalar_prefetch = 0 : i64, scratch_operands = 12 : i64, tpu.core_type = #tpu.core_type<sc_vector_subcore>, window_params = [{transform_indices = #map}, {transform_indices = #map1}, {transform_indices = #map}, {transform_indices = #map}, {transform_indices = #map}]} {
    %mul3A = arith.constant 2 : i32
    %mul3A_0 = arith.muli %mul3A, %arg1 : i32
    "tpu.region"() ({
      %run_scoped3A = tpu.sem_alloc : memref<!tpu.dma_semaphore, #tpu.memory_space<semaphore_mem>>
      %dma_start3A = arith.constant 0 : i32
      %dma_start3A_14 = tpu.memref_slice %arg14[%dma_start3A] : memref<320xi32, #tpu.memory_space<vmem>> -> memref<160xi32, #tpu.memory_space<vmem>>
      %dma_start3A_15 = arith.constant 0 : i32
      %dma_start3A_16 = tpu.memref_slice %arg4[%mul3A_0, %dma_start3A_15] : memref<32x160xi32, #tpu.memory_space<hbm>> -> memref<1x160xi32, #tpu.memory_space<hbm>>
      %dma_start3A_17 = tpu.memref_squeeze %dma_start3A_16 : memref<1x160xi32, #tpu.memory_space<hbm>> -> memref<160xi32, #tpu.memory_space<hbm>>
      %dma_start3A_18 = arith.constant 0 : i32
      %dma_start3A_19 = tpu.memref_slice %arg14[%dma_start3A_18] : memref<320xi32, #tpu.memory_space<vmem>> -> memref<160xi32, #tpu.memory_space<vmem>>
      %dma_start3A_20 = arith.constant 0 : i32
      %dma_start3A_21 = tpu.memref_slice %arg4[%mul3A_0, %dma_start3A_20] : memref<32x160xi32, #tpu.memory_space<hbm>> -> memref<1x160xi32, #tpu.memory_space<hbm>>
      %dma_start3A_22 = tpu.memref_squeeze %dma_start3A_21 : memref<1x160xi32, #tpu.memory_space<hbm>> -> memref<160xi32, #tpu.memory_space<hbm>>
      tpu.enqueue_dma source(%dma_start3A_22 : memref<160xi32, #tpu.memory_space<hbm>>) target(%dma_start3A_19 : memref<160xi32, #tpu.memory_space<vmem>>) target_semaphore(%run_scoped3A : memref<!tpu.dma_semaphore, #tpu.memory_space<semaphore_mem>>)
      %dma_wait3A = arith.constant 0 : i32
      %dma_wait3A_23 = tpu.memref_slice %arg14[%dma_wait3A] : memref<320xi32, #tpu.memory_space<vmem>> -> memref<160xi32, #tpu.memory_space<vmem>>
      %dma_wait3A_24 = arith.constant 0 : i32
      %dma_wait3A_25 = tpu.memref_slice %arg4[%mul3A_0, %dma_wait3A_24] : memref<32x160xi32, #tpu.memory_space<hbm>> -> memref<1x160xi32, #tpu.memory_space<hbm>>
      %dma_wait3A_26 = tpu.memref_squeeze %dma_wait3A_25 : memref<1x160xi32, #tpu.memory_space<hbm>> -> memref<160xi32, #tpu.memory_space<hbm>>
      %dma_wait3A_27 = arith.constant 0 : i32
      %dma_wait3A_28 = tpu.memref_slice %arg14[%dma_wait3A_27] : memref<320xi32, #tpu.memory_space<vmem>> -> memref<160xi32, #tpu.memory_space<vmem>>
      %dma_wait3A_29 = arith.constant 0 : i32
      %dma_wait3A_30 = tpu.memref_slice %arg4[%mul3A_0, %dma_wait3A_29] : memref<32x160xi32, #tpu.memory_space<hbm>> -> memref<1x160xi32, #tpu.memory_space<hbm>>
      %dma_wait3A_31 = tpu.memref_squeeze %dma_wait3A_30 : memref<1x160xi32, #tpu.memory_space<hbm>> -> memref<160xi32, #tpu.memory_space<hbm>>
      tpu.wait_dma2 semaphore(%run_scoped3A : memref<!tpu.dma_semaphore, #tpu.memory_space<semaphore_mem>>) src(%dma_wait3A_31 : memref<160xi32, #tpu.memory_space<hbm>>) dst(%dma_wait3A_28 : memref<160xi32, #tpu.memory_space<vmem>>)
      tpu.yield
    }) : () -> ()
    %mul3A_1 = arith.constant 2 : i32
    %mul3A_2 = arith.muli %mul3A_1, %arg1 : i32
    %add3A = arith.constant 1 : i32
    %add3A_3 = arith.addi %mul3A_2, %add3A : i32
    "tpu.region"() ({
      %run_scoped3A = tpu.sem_alloc : memref<!tpu.dma_semaphore, #tpu.memory_space<semaphore_mem>>
      %dma_start3A = arith.constant 160 : i32
      %dma_start3A_14 = tpu.memref_slice %arg14[%dma_start3A] : memref<320xi32, #tpu.memory_space<vmem>> -> memref<160xi32, #tpu.memory_space<vmem>>
      %dma_start3A_15 = arith.constant 0 : i32
      %dma_start3A_16 = tpu.memref_slice %arg4[%add3A_3, %dma_start3A_15] : memref<32x160xi32, #tpu.memory_space<hbm>> -> memref<1x160xi32, #tpu.memory_space<hbm>>
      %dma_start3A_17 = tpu.memref_squeeze %dma_start3A_16 : memref<1x160xi32, #tpu.memory_space<hbm>> -> memref<160xi32, #tpu.memory_space<hbm>>
      %dma_start3A_18 = arith.constant 160 : i32
      %dma_start3A_19 = tpu.memref_slice %arg14[%dma_start3A_18] : memref<320xi32, #tpu.memory_space<vmem>> -> memref<160xi32, #tpu.memory_space<vmem>>
      %dma_start3A_20 = arith.constant 0 : i32
      %dma_start3A_21 = tpu.memref_slice %arg4[%add3A_3, %dma_start3A_20] : memref<32x160xi32, #tpu.memory_space<hbm>> -> memref<1x160xi32, #tpu.memory_space<hbm>>
      %dma_start3A_22 = tpu.memref_squeeze %dma_start3A_21 : memref<1x160xi32, #tpu.memory_space<hbm>> -> memref<160xi32, #tpu.memory_space<hbm>>
      tpu.enqueue_dma source(%dma_start3A_22 : memref<160xi32, #tpu.memory_space<hbm>>) target(%dma_start3A_19 : memref<160xi32, #tpu.memory_space<vmem>>) target_semaphore(%run_scoped3A : memref<!tpu.dma_semaphore, #tpu.memory_space<semaphore_mem>>)
      %dma_wait3A = arith.constant 160 : i32
      %dma_wait3A_23 = tpu.memref_slice %arg14[%dma_wait3A] : memref<320xi32, #tpu.memory_space<vmem>> -> memref<160xi32, #tpu.memory_space<vmem>>
      %dma_wait3A_24 = arith.constant 0 : i32
      %dma_wait3A_25 = tpu.memref_slice %arg4[%add3A_3, %dma_wait3A_24] : memref<32x160xi32, #tpu.memory_space<hbm>> -> memref<1x160xi32, #tpu.memory_space<hbm>>
      %dma_wait3A_26 = tpu.memref_squeeze %dma_wait3A_25 : memref<1x160xi32, #tpu.memory_space<hbm>> -> memref<160xi32, #tpu.memory_space<hbm>>
      %dma_wait3A_27 = arith.constant 160 : i32
      %dma_wait3A_28 = tpu.memref_slice %arg14[%dma_wait3A_27] : memref<320xi32, #tpu.memory_space<vmem>> -> memref<160xi32, #tpu.memory_space<vmem>>
      %dma_wait3A_29 = arith.constant 0 : i32
      %dma_wait3A_30 = tpu.memref_slice %arg4[%add3A_3, %dma_wait3A_29] : memref<32x160xi32, #tpu.memory_space<hbm>> -> memref<1x160xi32, #tpu.memory_space<hbm>>
      %dma_wait3A_31 = tpu.memref_squeeze %dma_wait3A_30 : memref<1x160xi32, #tpu.memory_space<hbm>> -> memref<160xi32, #tpu.memory_space<hbm>>
      tpu.wait_dma2 semaphore(%run_scoped3A : memref<!tpu.dma_semaphore, #tpu.memory_space<semaphore_mem>>) src(%dma_wait3A_31 : memref<160xi32, #tpu.memory_space<hbm>>) dst(%dma_wait3A_28 : memref<160xi32, #tpu.memory_space<vmem>>)
      tpu.yield
    }) : () -> ()
    %iota3A = tpu.iota {dimensions = array<i32: 0>} : vector<16xi32>
    %eq3A = arith.constant 0 : i32
    %eq3A_4 = vector.broadcast %eq3A : i32 to vector<16xi32>
    %eq3A_5 = arith.cmpi eq, %iota3A, %eq3A_4 : vector<16xi32>
    %convert_element_type3A = arith.extui %eq3A_5 : vector<16xi1> to vector<16xi32>
    %broadcast_in_dim3A = arith.constant 1016 : i32
    %broadcast_in_dim3A_6 = vector.broadcast %broadcast_in_dim3A : i32 to vector<16xi32>
    %broadcast_in_dim3A_7 = arith.constant 0 : i32
    %broadcast_in_dim3A_8 = vector.broadcast %broadcast_in_dim3A_7 : i32 to vector<16xi32>
    %scan3A = arith.constant 0 : i32
    %scan3A_9 = arith.constant 0 : i32
    %scan3A_10 = arith.constant 5 : i32
    %scan3A_11 = arith.addi %scan3A_9, %scan3A_10 : i32
    %scan3A_12 = arith.constant 1 : i32
    scf.for %scan3A_14 = %scan3A_9 to %scan3A_11 step %scan3A_12  : i32 {
      %mul3A_15 = arith.constant 5 : i32
      %mul3A_16 = arith.muli %arg0, %mul3A_15 : i32
      %add3A_17 = arith.addi %mul3A_16, %scan3A_14 : i32
      %mul3A_18 = arith.constant 1000 : i32
      %mul3A_19 = arith.muli %add3A_17, %mul3A_18 : i32
      %mul3A_20 = arith.constant 2 : i32
      %mul3A_21 = arith.muli %mul3A_20, %arg1 : i32
      %run_scoped3A = arith.constant 0 : i32
      "tpu.region"() ({
        %run_scoped3A_74 = tpu.sem_alloc : memref<!tpu.dma_semaphore, #tpu.memory_space<semaphore_mem>>
        %dma_start3A = arith.constant 0 : i32
        %dma_start3A_75 = arith.constant 0 : i32
        %dma_start3A_76 = tpu.memref_slice %arg7[%run_scoped3A, %dma_start3A, %dma_start3A_75] : memref<2x2x5120xi32, #tpu.memory_space<vmem>> -> memref<1x2x5120xi32, #tpu.memory_space<vmem>>
        %dma_start3A_77 = tpu.memref_squeeze %dma_start3A_76 : memref<1x2x5120xi32, #tpu.memory_space<vmem>> -> memref<2x5120xi32, #tpu.memory_space<vmem>>
        %dma_start3A_78 = arith.constant 0 : i32
        %dma_start3A_79 = arith.constant 0 : i32
        %dma_start3A_80 = tpu.memref_slice %arg3[%mul3A_21, %add3A_17, %dma_start3A_78, %dma_start3A_79] : memref<32x10x2x5120xi32, #tpu.memory_space<hbm>> -> memref<1x1x2x5120xi32, #tpu.memory_space<hbm>>
        %dma_start3A_81 = tpu.memref_squeeze %dma_start3A_80 : memref<1x1x2x5120xi32, #tpu.memory_space<hbm>> -> memref<2x5120xi32, #tpu.memory_space<hbm>>
        %dma_start3A_82 = arith.constant 0 : i32
        %dma_start3A_83 = arith.constant 0 : i32
        %dma_start3A_84 = tpu.memref_slice %arg7[%run_scoped3A, %dma_start3A_82, %dma_start3A_83] : memref<2x2x5120xi32, #tpu.memory_space<vmem>> -> memref<1x2x5120xi32, #tpu.memory_space<vmem>>
        %dma_start3A_85 = tpu.memref_squeeze %dma_start3A_84 : memref<1x2x5120xi32, #tpu.memory_space<vmem>> -> memref<2x5120xi32, #tpu.memory_space<vmem>>
        %dma_start3A_86 = arith.constant 0 : i32
        %dma_start3A_87 = arith.constant 0 : i32
        %dma_start3A_88 = tpu.memref_slice %arg3[%mul3A_21, %add3A_17, %dma_start3A_86, %dma_start3A_87] : memref<32x10x2x5120xi32, #tpu.memory_space<hbm>> -> memref<1x1x2x5120xi32, #tpu.memory_space<hbm>>
        %dma_start3A_89 = tpu.memref_squeeze %dma_start3A_88 : memref<1x1x2x5120xi32, #tpu.memory_space<hbm>> -> memref<2x5120xi32, #tpu.memory_space<hbm>>
        tpu.enqueue_dma source(%dma_start3A_89 : memref<2x5120xi32, #tpu.memory_space<hbm>>) target(%dma_start3A_85 : memref<2x5120xi32, #tpu.memory_space<vmem>>) target_semaphore(%run_scoped3A_74 : memref<!tpu.dma_semaphore, #tpu.memory_space<semaphore_mem>>)
        %dma_wait3A = arith.constant 0 : i32
        %dma_wait3A_90 = arith.constant 0 : i32
        %dma_wait3A_91 = tpu.memref_slice %arg7[%run_scoped3A, %dma_wait3A, %dma_wait3A_90] : memref<2x2x5120xi32, #tpu.memory_space<vmem>> -> memref<1x2x5120xi32, #tpu.memory_space<vmem>>
        %dma_wait3A_92 = tpu.memref_squeeze %dma_wait3A_91 : memref<1x2x5120xi32, #tpu.memory_space<vmem>> -> memref<2x5120xi32, #tpu.memory_space<vmem>>
        %dma_wait3A_93 = arith.constant 0 : i32
        %dma_wait3A_94 = arith.constant 0 : i32
        %dma_wait3A_95 = tpu.memref_slice %arg3[%mul3A_21, %add3A_17, %dma_wait3A_93, %dma_wait3A_94] : memref<32x10x2x5120xi32, #tpu.memory_space<hbm>> -> memref<1x1x2x5120xi32, #tpu.memory_space<hbm>>
        %dma_wait3A_96 = tpu.memref_squeeze %dma_wait3A_95 : memref<1x1x2x5120xi32, #tpu.memory_space<hbm>> -> memref<2x5120xi32, #tpu.memory_space<hbm>>
        %dma_wait3A_97 = arith.constant 0 : i32
        %dma_wait3A_98 = arith.constant 0 : i32
        %dma_wait3A_99 = tpu.memref_slice %arg7[%run_scoped3A, %dma_wait3A_97, %dma_wait3A_98] : memref<2x2x5120xi32, #tpu.memory_space<vmem>> -> memref<1x2x5120xi32, #tpu.memory_space<vmem>>
        %dma_wait3A_100 = tpu.memref_squeeze %dma_wait3A_99 : memref<1x2x5120xi32, #tpu.memory_space<vmem>> -> memref<2x5120xi32, #tpu.memory_space<vmem>>
        %dma_wait3A_101 = arith.constant 0 : i32
        %dma_wait3A_102 = arith.constant 0 : i32
        %dma_wait3A_103 = tpu.memref_slice %arg3[%mul3A_21, %add3A_17, %dma_wait3A_101, %dma_wait3A_102] : memref<32x10x2x5120xi32, #tpu.memory_space<hbm>> -> memref<1x1x2x5120xi32, #tpu.memory_space<hbm>>
        %dma_wait3A_104 = tpu.memref_squeeze %dma_wait3A_103 : memref<1x1x2x5120xi32, #tpu.memory_space<hbm>> -> memref<2x5120xi32, #tpu.memory_space<hbm>>
        tpu.wait_dma2 semaphore(%run_scoped3A_74 : memref<!tpu.dma_semaphore, #tpu.memory_space<semaphore_mem>>) src(%dma_wait3A_104 : memref<2x5120xi32, #tpu.memory_space<hbm>>) dst(%dma_wait3A_100 : memref<2x5120xi32, #tpu.memory_space<vmem>>)
        tpu.yield
      }) : () -> ()
      %mul3A_22 = arith.constant 2 : i32
      %mul3A_23 = arith.muli %mul3A_22, %arg1 : i32
      %add3A_24 = arith.constant 1 : i32
      %add3A_25 = arith.addi %mul3A_23, %add3A_24 : i32
      %run_scoped3A_26 = arith.constant 1 : i32
      "tpu.region"() ({
        %run_scoped3A_74 = tpu.sem_alloc : memref<!tpu.dma_semaphore, #tpu.memory_space<semaphore_mem>>
        %dma_start3A = arith.constant 0 : i32
        %dma_start3A_75 = arith.constant 0 : i32
        %dma_start3A_76 = tpu.memref_slice %arg7[%run_scoped3A_26, %dma_start3A, %dma_start3A_75] : memref<2x2x5120xi32, #tpu.memory_space<vmem>> -> memref<1x2x5120xi32, #tpu.memory_space<vmem>>
        %dma_start3A_77 = tpu.memref_squeeze %dma_start3A_76 : memref<1x2x5120xi32, #tpu.memory_space<vmem>> -> memref<2x5120xi32, #tpu.memory_space<vmem>>
        %dma_start3A_78 = arith.constant 0 : i32
        %dma_start3A_79 = arith.constant 0 : i32
        %dma_start3A_80 = tpu.memref_slice %arg3[%add3A_25, %add3A_17, %dma_start3A_78, %dma_start3A_79] : memref<32x10x2x5120xi32, #tpu.memory_space<hbm>> -> memref<1x1x2x5120xi32, #tpu.memory_space<hbm>>
        %dma_start3A_81 = tpu.memref_squeeze %dma_start3A_80 : memref<1x1x2x5120xi32, #tpu.memory_space<hbm>> -> memref<2x5120xi32, #tpu.memory_space<hbm>>
        %dma_start3A_82 = arith.constant 0 : i32
        %dma_start3A_83 = arith.constant 0 : i32
        %dma_start3A_84 = tpu.memref_slice %arg7[%run_scoped3A_26, %dma_start3A_82, %dma_start3A_83] : memref<2x2x5120xi32, #tpu.memory_space<vmem>> -> memref<1x2x5120xi32, #tpu.memory_space<vmem>>
        %dma_start3A_85 = tpu.memref_squeeze %dma_start3A_84 : memref<1x2x5120xi32, #tpu.memory_space<vmem>> -> memref<2x5120xi32, #tpu.memory_space<vmem>>
        %dma_start3A_86 = arith.constant 0 : i32
        %dma_start3A_87 = arith.constant 0 : i32
        %dma_start3A_88 = tpu.memref_slice %arg3[%add3A_25, %add3A_17, %dma_start3A_86, %dma_start3A_87] : memref<32x10x2x5120xi32, #tpu.memory_space<hbm>> -> memref<1x1x2x5120xi32, #tpu.memory_space<hbm>>
        %dma_start3A_89 = tpu.memref_squeeze %dma_start3A_88 : memref<1x1x2x5120xi32, #tpu.memory_space<hbm>> -> memref<2x5120xi32, #tpu.memory_space<hbm>>
        tpu.enqueue_dma source(%dma_start3A_89 : memref<2x5120xi32, #tpu.memory_space<hbm>>) target(%dma_start3A_85 : memref<2x5120xi32, #tpu.memory_space<vmem>>) target_semaphore(%run_scoped3A_74 : memref<!tpu.dma_semaphore, #tpu.memory_space<semaphore_mem>>)
        %dma_wait3A = arith.constant 0 : i32
        %dma_wait3A_90 = arith.constant 0 : i32
        %dma_wait3A_91 = tpu.memref_slice %arg7[%run_scoped3A_26, %dma_wait3A, %dma_wait3A_90] : memref<2x2x5120xi32, #tpu.memory_space<vmem>> -> memref<1x2x5120xi32, #tpu.memory_space<vmem>>
        %dma_wait3A_92 = tpu.memref_squeeze %dma_wait3A_91 : memref<1x2x5120xi32, #tpu.memory_space<vmem>> -> memref<2x5120xi32, #tpu.memory_space<vmem>>
        %dma_wait3A_93 = arith.constant 0 : i32
        %dma_wait3A_94 = arith.constant 0 : i32
        %dma_wait3A_95 = tpu.memref_slice %arg3[%add3A_25, %add3A_17, %dma_wait3A_93, %dma_wait3A_94] : memref<32x10x2x5120xi32, #tpu.memory_space<hbm>> -> memref<1x1x2x5120xi32, #tpu.memory_space<hbm>>
        %dma_wait3A_96 = tpu.memref_squeeze %dma_wait3A_95 : memref<1x1x2x5120xi32, #tpu.memory_space<hbm>> -> memref<2x5120xi32, #tpu.memory_space<hbm>>
        %dma_wait3A_97 = arith.constant 0 : i32
        %dma_wait3A_98 = arith.constant 0 : i32
        %dma_wait3A_99 = tpu.memref_slice %arg7[%run_scoped3A_26, %dma_wait3A_97, %dma_wait3A_98] : memref<2x2x5120xi32, #tpu.memory_space<vmem>> -> memref<1x2x5120xi32, #tpu.memory_space<vmem>>
        %dma_wait3A_100 = tpu.memref_squeeze %dma_wait3A_99 : memref<1x2x5120xi32, #tpu.memory_space<vmem>> -> memref<2x5120xi32, #tpu.memory_space<vmem>>
        %dma_wait3A_101 = arith.constant 0 : i32
        %dma_wait3A_102 = arith.constant 0 : i32
        %dma_wait3A_103 = tpu.memref_slice %arg3[%add3A_25, %add3A_17, %dma_wait3A_101, %dma_wait3A_102] : memref<32x10x2x5120xi32, #tpu.memory_space<hbm>> -> memref<1x1x2x5120xi32, #tpu.memory_space<hbm>>
        %dma_wait3A_104 = tpu.memref_squeeze %dma_wait3A_103 : memref<1x1x2x5120xi32, #tpu.memory_space<hbm>> -> memref<2x5120xi32, #tpu.memory_space<hbm>>
        tpu.wait_dma2 semaphore(%run_scoped3A_74 : memref<!tpu.dma_semaphore, #tpu.memory_space<semaphore_mem>>) src(%dma_wait3A_104 : memref<2x5120xi32, #tpu.memory_space<hbm>>) dst(%dma_wait3A_100 : memref<2x5120xi32, #tpu.memory_space<vmem>>)
        tpu.yield
      }) : () -> ()
      %mul3A_27 = arith.constant 64 : i32
      %mul3A_28 = arith.muli %arg1, %mul3A_27 : i32
      %add3A_29 = arith.constant 0 : i32
      %add3A_30 = arith.addi %mul3A_28, %add3A_29 : i32
      "tpu.region"() ({
        %run_scoped3A_74 = tpu.sem_alloc : memref<!tpu.dma_semaphore, #tpu.memory_space<semaphore_mem>>
        %dma_start3A = arith.constant 0 : i32
        %dma_start3A_75 = tpu.memref_slice %arg16[%add3A_30, %dma_start3A] : memref<1024x512xbf16, #tpu.memory_space<vmem_shared>> -> memref<8x512xbf16, #tpu.memory_space<vmem_shared>>
        tpu.enqueue_dma source(%arg5 : memref<8x512xbf16, #tpu.memory_space<hbm>>) target(%dma_start3A_75 : memref<8x512xbf16, #tpu.memory_space<vmem_shared>>) target_semaphore(%run_scoped3A_74 : memref<!tpu.dma_semaphore, #tpu.memory_space<semaphore_mem>>)
        %dma_wait3A = arith.constant 0 : i32
        %dma_wait3A_76 = tpu.memref_slice %arg16[%add3A_30, %dma_wait3A] : memref<1024x512xbf16, #tpu.memory_space<vmem_shared>> -> memref<8x512xbf16, #tpu.memory_space<vmem_shared>>
        tpu.wait_dma2 semaphore(%run_scoped3A_74 : memref<!tpu.dma_semaphore, #tpu.memory_space<semaphore_mem>>) src(%arg5 : memref<8x512xbf16, #tpu.memory_space<hbm>>) dst(%dma_wait3A_76 : memref<8x512xbf16, #tpu.memory_space<vmem_shared>>)
        tpu.yield
      }) : () -> ()
      %mul3A_31 = arith.constant 64 : i32
      %mul3A_32 = arith.muli %arg1, %mul3A_31 : i32
      %add3A_33 = arith.constant 8 : i32
      %add3A_34 = arith.addi %mul3A_32, %add3A_33 : i32
      "tpu.region"() ({
        %run_scoped3A_74 = tpu.sem_alloc : memref<!tpu.dma_semaphore, #tpu.memory_space<semaphore_mem>>
        %dma_start3A = arith.constant 0 : i32
        %dma_start3A_75 = tpu.memref_slice %arg16[%add3A_34, %dma_start3A] : memref<1024x512xbf16, #tpu.memory_space<vmem_shared>> -> memref<8x512xbf16, #tpu.memory_space<vmem_shared>>
        tpu.enqueue_dma source(%arg5 : memref<8x512xbf16, #tpu.memory_space<hbm>>) target(%dma_start3A_75 : memref<8x512xbf16, #tpu.memory_space<vmem_shared>>) target_semaphore(%run_scoped3A_74 : memref<!tpu.dma_semaphore, #tpu.memory_space<semaphore_mem>>)
        %dma_wait3A = arith.constant 0 : i32
        %dma_wait3A_76 = tpu.memref_slice %arg16[%add3A_34, %dma_wait3A] : memref<1024x512xbf16, #tpu.memory_space<vmem_shared>> -> memref<8x512xbf16, #tpu.memory_space<vmem_shared>>
        tpu.wait_dma2 semaphore(%run_scoped3A_74 : memref<!tpu.dma_semaphore, #tpu.memory_space<semaphore_mem>>) src(%arg5 : memref<8x512xbf16, #tpu.memory_space<hbm>>) dst(%dma_wait3A_76 : memref<8x512xbf16, #tpu.memory_space<vmem_shared>>)
        tpu.yield
      }) : () -> ()
      %mul3A_35 = arith.constant 64 : i32
      %mul3A_36 = arith.muli %arg1, %mul3A_35 : i32
      %add3A_37 = arith.constant 16 : i32
      %add3A_38 = arith.addi %mul3A_36, %add3A_37 : i32
      "tpu.region"() ({
        %run_scoped3A_74 = tpu.sem_alloc : memref<!tpu.dma_semaphore, #tpu.memory_space<semaphore_mem>>
        %dma_start3A = arith.constant 0 : i32
        %dma_start3A_75 = tpu.memref_slice %arg16[%add3A_38, %dma_start3A] : memref<1024x512xbf16, #tpu.memory_space<vmem_shared>> -> memref<8x512xbf16, #tpu.memory_space<vmem_shared>>
        tpu.enqueue_dma source(%arg5 : memref<8x512xbf16, #tpu.memory_space<hbm>>) target(%dma_start3A_75 : memref<8x512xbf16, #tpu.memory_space<vmem_shared>>) target_semaphore(%run_scoped3A_74 : memref<!tpu.dma_semaphore, #tpu.memory_space<semaphore_mem>>)
        %dma_wait3A = arith.constant 0 : i32
        %dma_wait3A_76 = tpu.memref_slice %arg16[%add3A_38, %dma_wait3A] : memref<1024x512xbf16, #tpu.memory_space<vmem_shared>> -> memref<8x512xbf16, #tpu.memory_space<vmem_shared>>
        tpu.wait_dma2 semaphore(%run_scoped3A_74 : memref<!tpu.dma_semaphore, #tpu.memory_space<semaphore_mem>>) src(%arg5 : memref<8x512xbf16, #tpu.memory_space<hbm>>) dst(%dma_wait3A_76 : memref<8x512xbf16, #tpu.memory_space<vmem_shared>>)
        tpu.yield
      }) : () -> ()
      %mul3A_39 = arith.constant 64 : i32
      %mul3A_40 = arith.muli %arg1, %mul3A_39 : i32
      %add3A_41 = arith.constant 24 : i32
      %add3A_42 = arith.addi %mul3A_40, %add3A_41 : i32
      "tpu.region"() ({
        %run_scoped3A_74 = tpu.sem_alloc : memref<!tpu.dma_semaphore, #tpu.memory_space<semaphore_mem>>
        %dma_start3A = arith.constant 0 : i32
        %dma_start3A_75 = tpu.memref_slice %arg16[%add3A_42, %dma_start3A] : memref<1024x512xbf16, #tpu.memory_space<vmem_shared>> -> memref<8x512xbf16, #tpu.memory_space<vmem_shared>>
        tpu.enqueue_dma source(%arg5 : memref<8x512xbf16, #tpu.memory_space<hbm>>) target(%dma_start3A_75 : memref<8x512xbf16, #tpu.memory_space<vmem_shared>>) target_semaphore(%run_scoped3A_74 : memref<!tpu.dma_semaphore, #tpu.memory_space<semaphore_mem>>)
        %dma_wait3A = arith.constant 0 : i32
        %dma_wait3A_76 = tpu.memref_slice %arg16[%add3A_42, %dma_wait3A] : memref<1024x512xbf16, #tpu.memory_space<vmem_shared>> -> memref<8x512xbf16, #tpu.memory_space<vmem_shared>>
        tpu.wait_dma2 semaphore(%run_scoped3A_74 : memref<!tpu.dma_semaphore, #tpu.memory_space<semaphore_mem>>) src(%arg5 : memref<8x512xbf16, #tpu.memory_space<hbm>>) dst(%dma_wait3A_76 : memref<8x512xbf16, #tpu.memory_space<vmem_shared>>)
        tpu.yield
      }) : () -> ()
      %mul3A_43 = arith.constant 64 : i32
      %mul3A_44 = arith.muli %arg1, %mul3A_43 : i32
      %add3A_45 = arith.constant 32 : i32
      %add3A_46 = arith.addi %mul3A_44, %add3A_45 : i32
      "tpu.region"() ({
        %run_scoped3A_74 = tpu.sem_alloc : memref<!tpu.dma_semaphore, #tpu.memory_space<semaphore_mem>>
        %dma_start3A = arith.constant 0 : i32
        %dma_start3A_75 = tpu.memref_slice %arg16[%add3A_46, %dma_start3A] : memref<1024x512xbf16, #tpu.memory_space<vmem_shared>> -> memref<8x512xbf16, #tpu.memory_space<vmem_shared>>
        tpu.enqueue_dma source(%arg5 : memref<8x512xbf16, #tpu.memory_space<hbm>>) target(%dma_start3A_75 : memref<8x512xbf16, #tpu.memory_space<vmem_shared>>) target_semaphore(%run_scoped3A_74 : memref<!tpu.dma_semaphore, #tpu.memory_space<semaphore_mem>>)
        %dma_wait3A = arith.constant 0 : i32
        %dma_wait3A_76 = tpu.memref_slice %arg16[%add3A_46, %dma_wait3A] : memref<1024x512xbf16, #tpu.memory_space<vmem_shared>> -> memref<8x512xbf16, #tpu.memory_space<vmem_shared>>
        tpu.wait_dma2 semaphore(%run_scoped3A_74 : memref<!tpu.dma_semaphore, #tpu.memory_space<semaphore_mem>>) src(%arg5 : memref<8x512xbf16, #tpu.memory_space<hbm>>) dst(%dma_wait3A_76 : memref<8x512xbf16, #tpu.memory_space<vmem_shared>>)
        tpu.yield
      }) : () -> ()
      %mul3A_47 = arith.constant 64 : i32
      %mul3A_48 = arith.muli %arg1, %mul3A_47 : i32
      %add3A_49 = arith.constant 40 : i32
      %add3A_50 = arith.addi %mul3A_48, %add3A_49 : i32
      "tpu.region"() ({
        %run_scoped3A_74 = tpu.sem_alloc : memref<!tpu.dma_semaphore, #tpu.memory_space<semaphore_mem>>
        %dma_start3A = arith.constant 0 : i32
        %dma_start3A_75 = tpu.memref_slice %arg16[%add3A_50, %dma_start3A] : memref<1024x512xbf16, #tpu.memory_space<vmem_shared>> -> memref<8x512xbf16, #tpu.memory_space<vmem_shared>>
        tpu.enqueue_dma source(%arg5 : memref<8x512xbf16, #tpu.memory_space<hbm>>) target(%dma_start3A_75 : memref<8x512xbf16, #tpu.memory_space<vmem_shared>>) target_semaphore(%run_scoped3A_74 : memref<!tpu.dma_semaphore, #tpu.memory_space<semaphore_mem>>)
        %dma_wait3A = arith.constant 0 : i32
        %dma_wait3A_76 = tpu.memref_slice %arg16[%add3A_50, %dma_wait3A] : memref<1024x512xbf16, #tpu.memory_space<vmem_shared>> -> memref<8x512xbf16, #tpu.memory_space<vmem_shared>>
        tpu.wait_dma2 semaphore(%run_scoped3A_74 : memref<!tpu.dma_semaphore, #tpu.memory_space<semaphore_mem>>) src(%arg5 : memref<8x512xbf16, #tpu.memory_space<hbm>>) dst(%dma_wait3A_76 : memref<8x512xbf16, #tpu.memory_space<vmem_shared>>)
        tpu.yield
      }) : () -> ()
      %mul3A_51 = arith.constant 64 : i32
      %mul3A_52 = arith.muli %arg1, %mul3A_51 : i32
      %add3A_53 = arith.constant 48 : i32
      %add3A_54 = arith.addi %mul3A_52, %add3A_53 : i32
      "tpu.region"() ({
        %run_scoped3A_74 = tpu.sem_alloc : memref<!tpu.dma_semaphore, #tpu.memory_space<semaphore_mem>>
        %dma_start3A = arith.constant 0 : i32
        %dma_start3A_75 = tpu.memref_slice %arg16[%add3A_54, %dma_start3A] : memref<1024x512xbf16, #tpu.memory_space<vmem_shared>> -> memref<8x512xbf16, #tpu.memory_space<vmem_shared>>
        tpu.enqueue_dma source(%arg5 : memref<8x512xbf16, #tpu.memory_space<hbm>>) target(%dma_start3A_75 : memref<8x512xbf16, #tpu.memory_space<vmem_shared>>) target_semaphore(%run_scoped3A_74 : memref<!tpu.dma_semaphore, #tpu.memory_space<semaphore_mem>>)
        %dma_wait3A = arith.constant 0 : i32
        %dma_wait3A_76 = tpu.memref_slice %arg16[%add3A_54, %dma_wait3A] : memref<1024x512xbf16, #tpu.memory_space<vmem_shared>> -> memref<8x512xbf16, #tpu.memory_space<vmem_shared>>
        tpu.wait_dma2 semaphore(%run_scoped3A_74 : memref<!tpu.dma_semaphore, #tpu.memory_space<semaphore_mem>>) src(%arg5 : memref<8x512xbf16, #tpu.memory_space<hbm>>) dst(%dma_wait3A_76 : memref<8x512xbf16, #tpu.memory_space<vmem_shared>>)
        tpu.yield
      }) : () -> ()
      %mul3A_55 = arith.constant 64 : i32
      %mul3A_56 = arith.muli %arg1, %mul3A_55 : i32
      %add3A_57 = arith.constant 56 : i32
      %add3A_58 = arith.addi %mul3A_56, %add3A_57 : i32
      "tpu.region"() ({
        %run_scoped3A_74 = tpu.sem_alloc : memref<!tpu.dma_semaphore, #tpu.memory_space<semaphore_mem>>
        %dma_start3A = arith.constant 0 : i32
        %dma_start3A_75 = tpu.memref_slice %arg16[%add3A_58, %dma_start3A] : memref<1024x512xbf16, #tpu.memory_space<vmem_shared>> -> memref<8x512xbf16, #tpu.memory_space<vmem_shared>>
        tpu.enqueue_dma source(%arg5 : memref<8x512xbf16, #tpu.memory_space<hbm>>) target(%dma_start3A_75 : memref<8x512xbf16, #tpu.memory_space<vmem_shared>>) target_semaphore(%run_scoped3A_74 : memref<!tpu.dma_semaphore, #tpu.memory_space<semaphore_mem>>)
        %dma_wait3A = arith.constant 0 : i32
        %dma_wait3A_76 = tpu.memref_slice %arg16[%add3A_58, %dma_wait3A] : memref<1024x512xbf16, #tpu.memory_space<vmem_shared>> -> memref<8x512xbf16, #tpu.memory_space<vmem_shared>>
        tpu.wait_dma2 semaphore(%run_scoped3A_74 : memref<!tpu.dma_semaphore, #tpu.memory_space<semaphore_mem>>) src(%arg5 : memref<8x512xbf16, #tpu.memory_space<hbm>>) dst(%dma_wait3A_76 : memref<8x512xbf16, #tpu.memory_space<vmem_shared>>)
        tpu.yield
      }) : () -> ()
      %barrier3A = arith.constant 0 : index
      tpu.barrier barrier_id(%barrier3A)
      %scan3A_59 = arith.constant 0 : i32
      %scan3A_60 = arith.constant 0 : i32
      %scan3A_61 = arith.constant 5 : i32
      %scan3A_62 = arith.addi %scan3A_60, %scan3A_61 : i32
      %scan3A_63 = arith.constant 1 : i32
      scf.for %scan3A_74 = %scan3A_60 to %scan3A_62 step %scan3A_63  : i32 {
        %lt3A_75 = arith.constant 15 : i32
        %lt3A_76 = arith.cmpi slt, %arg1, %lt3A_75 : i32
        %convert_element_type3A_77 = arith.extui %lt3A_76 : i1 to i32
        %cond3A_78 = arith.constant 0 : i32
        %cond3A_79 = arith.cmpi ne, %convert_element_type3A_77, %cond3A_78 : i32
        scf.if %cond3A_79 {
          %mul3A_207 = arith.constant 2000 : i32
          %mul3A_208 = arith.muli %scan3A_74, %mul3A_207 : i32
          %mul3A_209 = arith.constant 128 : i32
          %mul3A_210 = arith.muli %arg1, %mul3A_209 : i32
          %add3A_211 = arith.addi %mul3A_208, %mul3A_210 : i32
          %mul3A_212 = arith.constant 128 : i32
          %mul3A_213 = arith.muli %arg1, %mul3A_212 : i32
          "tpu.region"() ({
            %run_scoped3A_214 = tpu.sem_alloc : memref<!tpu.dma_semaphore, #tpu.memory_space<semaphore_mem>>
            %dma_start3A = arith.constant 0 : i32
            %dma_start3A_215 = tpu.memref_slice %arg15[%mul3A_213, %dma_start3A] : memref<2000x512xbf16, #tpu.memory_space<vmem_shared>> -> memref<128x512xbf16, #tpu.memory_space<vmem_shared>>
            %dma_start3A_216 = arith.constant 0 : i32
            %dma_start3A_217 = tpu.memref_slice %arg2[%add3A_211, %dma_start3A_216] : memref<10000x512xbf16, #tpu.memory_space<hbm>> -> memref<128x512xbf16, #tpu.memory_space<hbm>>
            tpu.enqueue_dma source(%dma_start3A_217 : memref<128x512xbf16, #tpu.memory_space<hbm>>) target(%dma_start3A_215 : memref<128x512xbf16, #tpu.memory_space<vmem_shared>>) target_semaphore(%run_scoped3A_214 : memref<!tpu.dma_semaphore, #tpu.memory_space<semaphore_mem>>)
            %dma_wait3A = arith.constant 0 : i32
            %dma_wait3A_218 = tpu.memref_slice %arg15[%mul3A_213, %dma_wait3A] : memref<2000x512xbf16, #tpu.memory_space<vmem_shared>> -> memref<128x512xbf16, #tpu.memory_space<vmem_shared>>
            %dma_wait3A_219 = arith.constant 0 : i32
            %dma_wait3A_220 = tpu.memref_slice %arg2[%add3A_211, %dma_wait3A_219] : memref<10000x512xbf16, #tpu.memory_space<hbm>> -> memref<128x512xbf16, #tpu.memory_space<hbm>>
            tpu.wait_dma2 semaphore(%run_scoped3A_214 : memref<!tpu.dma_semaphore, #tpu.memory_space<semaphore_mem>>) src(%dma_wait3A_220 : memref<128x512xbf16, #tpu.memory_space<hbm>>) dst(%dma_wait3A_218 : memref<128x512xbf16, #tpu.memory_space<vmem_shared>>)
            tpu.yield
          }) : () -> ()
        } else {
        }
        %eq3A_80 = arith.constant 15 : i32
        %eq3A_81 = arith.cmpi eq, %arg1, %eq3A_80 : i32
        %convert_element_type3A_82 = arith.extui %eq3A_81 : i1 to i32
        %cond3A_83 = arith.constant 0 : i32
        %cond3A_84 = arith.cmpi ne, %convert_element_type3A_82, %cond3A_83 : i32
        scf.if %cond3A_84 {
          %mul3A_207 = arith.constant 2000 : i32
          %mul3A_208 = arith.muli %scan3A_74, %mul3A_207 : i32
          %add3A_209 = arith.constant 1920 : i32
          %add3A_210 = arith.addi %mul3A_208, %add3A_209 : i32
          "tpu.region"() ({
            %run_scoped3A_211 = tpu.sem_alloc : memref<!tpu.dma_semaphore, #tpu.memory_space<semaphore_mem>>
            %dma_start3A = arith.constant 1920 : i32
            %dma_start3A_212 = arith.constant 0 : i32
            %dma_start3A_213 = tpu.memref_slice %arg15[%dma_start3A, %dma_start3A_212] : memref<2000x512xbf16, #tpu.memory_space<vmem_shared>> -> memref<80x512xbf16, #tpu.memory_space<vmem_shared>>
            %dma_start3A_214 = arith.constant 0 : i32
            %dma_start3A_215 = tpu.memref_slice %arg2[%add3A_210, %dma_start3A_214] : memref<10000x512xbf16, #tpu.memory_space<hbm>> -> memref<80x512xbf16, #tpu.memory_space<hbm>>
            tpu.enqueue_dma source(%dma_start3A_215 : memref<80x512xbf16, #tpu.memory_space<hbm>>) target(%dma_start3A_213 : memref<80x512xbf16, #tpu.memory_space<vmem_shared>>) target_semaphore(%run_scoped3A_211 : memref<!tpu.dma_semaphore, #tpu.memory_space<semaphore_mem>>)
            %dma_wait3A = arith.constant 1920 : i32
            %dma_wait3A_216 = arith.constant 0 : i32
            %dma_wait3A_217 = tpu.memref_slice %arg15[%dma_wait3A, %dma_wait3A_216] : memref<2000x512xbf16, #tpu.memory_space<vmem_shared>> -> memref<80x512xbf16, #tpu.memory_space<vmem_shared>>
            %dma_wait3A_218 = arith.constant 0 : i32
            %dma_wait3A_219 = tpu.memref_slice %arg2[%add3A_210, %dma_wait3A_218] : memref<10000x512xbf16, #tpu.memory_space<hbm>> -> memref<80x512xbf16, #tpu.memory_space<hbm>>
            tpu.wait_dma2 semaphore(%run_scoped3A_211 : memref<!tpu.dma_semaphore, #tpu.memory_space<semaphore_mem>>) src(%dma_wait3A_219 : memref<80x512xbf16, #tpu.memory_space<hbm>>) dst(%dma_wait3A_217 : memref<80x512xbf16, #tpu.memory_space<vmem_shared>>)
            tpu.yield
          }) : () -> ()
        } else {
        }
        %barrier3A_85 = arith.constant 0 : index
        tpu.barrier barrier_id(%barrier3A_85)
        %mul3A_86 = arith.constant 16 : i32
        %mul3A_87 = arith.muli %add3A_17, %mul3A_86 : i32
        %add3A_88 = arith.constant 0 : i32
        %add3A_89 = arith.addi %add3A_88, %mul3A_87 : i32
        %get3A = arith.index_cast %add3A_89 : i32 to index
        %get3A_90 = tpu.vector_load %arg14[%get3A] {strides = array<i32>} : memref<320xi32, #tpu.memory_space<vmem>>, vector<16xi32>,
        %mul3A_91 = arith.muli %get3A_90, %convert_element_type3A : vector<16xi32>
        %reduce_sum3A = arith.constant true
        %reduce_sum3A_92 = vector.broadcast %reduce_sum3A : i1 to vector<16xi1>
        %reduce_sum3A_93 = tpu.scan <sum>, %mul3A_91 masked %reduce_sum3A_92 : vector<16xi32>, vector<16xi1> -> vector<16xi32>
        %reduce_sum3A_94 = vector.extract %reduce_sum3A_93[15] : i32 from vector<16xi32>
        %while3A = arith.constant 0 : i32
        %while3A_95 = arith.constant 0 : i32
        %while3A_96 = arith.subi %reduce_sum3A_94, %while3A : i32
        %while3A_97 = arith.addi %while3A, %while3A_96 : i32
        %while3A_98 = arith.constant 1 : i32
        %while3A_99 = arith.divsi %while3A_96, %while3A_98 : i32
        %while3A_100 = arith.muli %while3A_99, %while3A_98 : i32
        %while3A_101 = arith.addi %while3A, %while3A_100 : i32
        %while3A_102 = arith.constant 1 : i32
        %while3A_103 = scf.for %while3A_207 = %while3A to %while3A_101 step %while3A_102 iter_args(%while3A_208 = %while3A_95) -> (i32)  : i32 {
          %mul3A_209 = arith.constant 16 : i32
          %mul3A_210 = arith.muli %while3A_207, %mul3A_209 : i32
          %get3A_211 = arith.constant 0 : i32
          %get3A_212 = arith.constant 0 : i32
          %get3A_213 = arith.index_cast %get3A_211 : i32 to index
          %get3A_214 = arith.index_cast %get3A_212 : i32 to index
          %get3A_215 = arith.index_cast %mul3A_210 : i32 to index
          %get3A_216 = tpu.vector_load %arg7[%get3A_213, %get3A_214, %get3A_215] {strides = array<i32>} : memref<2x2x5120xi32, #tpu.memory_space<vmem>>, vector<16xi32>,
          %mul3A_217 = arith.constant 16 : i32
          %mul3A_218 = arith.muli %while3A_207, %mul3A_217 : i32
          %get3A_219 = arith.constant 0 : i32
          %get3A_220 = arith.constant 1 : i32
          %get3A_221 = arith.index_cast %get3A_219 : i32 to index
          %get3A_222 = arith.index_cast %get3A_220 : i32 to index
          %get3A_223 = arith.index_cast %mul3A_218 : i32 to index
          %get3A_224 = tpu.vector_load %arg7[%get3A_221, %get3A_222, %get3A_223] {strides = array<i32>} : memref<2x2x5120xi32, #tpu.memory_space<vmem>>, vector<16xi32>,
          %mul3A_225 = arith.constant 2000 : i32
          %mul3A_226 = arith.muli %scan3A_74, %mul3A_225 : i32
          %ge3A = vector.broadcast %mul3A_226 : i32 to vector<16xi32>
          %ge3A_227 = arith.cmpi sge, %get3A_216, %ge3A : vector<16xi32>
          %add3A_228 = arith.constant 1 : i32
          %add3A_229 = arith.addi %scan3A_74, %add3A_228 : i32
          %mul3A_230 = arith.constant 2000 : i32
          %mul3A_231 = arith.muli %add3A_229, %mul3A_230 : i32
          %lt3A_232 = vector.broadcast %mul3A_231 : i32 to vector<16xi32>
          %lt3A_233 = arith.cmpi slt, %get3A_216, %lt3A_232 : vector<16xi32>
          %and3A_234 = arith.andi %ge3A_227, %lt3A_233 : vector<16xi1>
          %mul3A_235 = arith.constant 2000 : i32
          %mul3A_236 = arith.muli %scan3A_74, %mul3A_235 : i32
          %sub3A_237 = vector.broadcast %mul3A_236 : i32 to vector<16xi32>
          %sub3A_238 = arith.subi %get3A_216, %sub3A_237 : vector<16xi32>
          %swap3A_239 = arith.index_cast %while3A_208 : i32 to index
          %swap3A_240 = tpu.vector_load %arg8[%swap3A_239] masked %and3A_234 {strides = array<i32>} : memref<10176xi32, #tpu.memory_space<vmem>>, vector<16xi32>, vector<16xi1>
          tpu.vector_store %arg8[%swap3A_239], %sub3A_238 masked %and3A_234 {strides = array<i32>} : memref<10176xi32, #tpu.memory_space<vmem>>, vector<16xi32>, vector<16xi1>
          %swap3A_241 = arith.index_cast %while3A_208 : i32 to index
          %swap3A_242 = tpu.vector_load %arg9[%swap3A_241] masked %and3A_234 {strides = array<i32>} : memref<10176xi32, #tpu.memory_space<vmem>>, vector<16xi32>, vector<16xi1>
          tpu.vector_store %arg9[%swap3A_241], %get3A_224 masked %and3A_234 {strides = array<i32>} : memref<10176xi32, #tpu.memory_space<vmem>>, vector<16xi32>, vector<16xi1>
          %convert_element_type3A_243 = arith.extui %and3A_234 : vector<16xi1> to vector<16xi32>
          %reduce_sum3A_244 = arith.constant true
          %reduce_sum3A_245 = vector.broadcast %reduce_sum3A_244 : i1 to vector<16xi1>
          %reduce_sum3A_246 = tpu.scan <sum>, %convert_element_type3A_243 masked %reduce_sum3A_245 : vector<16xi32>, vector<16xi1> -> vector<16xi32>
          %reduce_sum3A_247 = vector.extract %reduce_sum3A_246[15] : i32 from vector<16xi32>
          %add3A_248 = arith.addi %while3A_208, %reduce_sum3A_247 : i32
          scf.yield %add3A_248 : i32
        }
        %while3A_104 = arith.constant 1 : i32
        %while3A_105 = scf.for %while3A_207 = %while3A_101 to %while3A_97 step %while3A_104 iter_args(%while3A_208 = %while3A_103) -> (i32)  : i32 {
          %mul3A_209 = arith.constant 16 : i32
          %mul3A_210 = arith.muli %while3A_207, %mul3A_209 : i32
          %get3A_211 = arith.constant 0 : i32
          %get3A_212 = arith.constant 0 : i32
          %get3A_213 = arith.index_cast %get3A_211 : i32 to index
          %get3A_214 = arith.index_cast %get3A_212 : i32 to index
          %get3A_215 = arith.index_cast %mul3A_210 : i32 to index
          %get3A_216 = tpu.vector_load %arg7[%get3A_213, %get3A_214, %get3A_215] {strides = array<i32>} : memref<2x2x5120xi32, #tpu.memory_space<vmem>>, vector<16xi32>,
          %mul3A_217 = arith.constant 16 : i32
          %mul3A_218 = arith.muli %while3A_207, %mul3A_217 : i32
          %get3A_219 = arith.constant 0 : i32
          %get3A_220 = arith.constant 1 : i32
          %get3A_221 = arith.index_cast %get3A_219 : i32 to index
          %get3A_222 = arith.index_cast %get3A_220 : i32 to index
          %get3A_223 = arith.index_cast %mul3A_218 : i32 to index
          %get3A_224 = tpu.vector_load %arg7[%get3A_221, %get3A_222, %get3A_223] {strides = array<i32>} : memref<2x2x5120xi32, #tpu.memory_space<vmem>>, vector<16xi32>,
          %mul3A_225 = arith.constant 2000 : i32
          %mul3A_226 = arith.muli %scan3A_74, %mul3A_225 : i32
          %ge3A = vector.broadcast %mul3A_226 : i32 to vector<16xi32>
          %ge3A_227 = arith.cmpi sge, %get3A_216, %ge3A : vector<16xi32>
          %add3A_228 = arith.constant 1 : i32
          %add3A_229 = arith.addi %scan3A_74, %add3A_228 : i32
          %mul3A_230 = arith.constant 2000 : i32
          %mul3A_231 = arith.muli %add3A_229, %mul3A_230 : i32
          %lt3A_232 = vector.broadcast %mul3A_231 : i32 to vector<16xi32>
          %lt3A_233 = arith.cmpi slt, %get3A_216, %lt3A_232 : vector<16xi32>
          %and3A_234 = arith.andi %ge3A_227, %lt3A_233 : vector<16xi1>
          %mul3A_235 = arith.constant 2000 : i32
          %mul3A_236 = arith.muli %scan3A_74, %mul3A_235 : i32
          %sub3A_237 = vector.broadcast %mul3A_236 : i32 to vector<16xi32>
          %sub3A_238 = arith.subi %get3A_216, %sub3A_237 : vector<16xi32>
          %swap3A_239 = arith.index_cast %while3A_208 : i32 to index
          %swap3A_240 = tpu.vector_load %arg8[%swap3A_239] masked %and3A_234 {strides = array<i32>} : memref<10176xi32, #tpu.memory_space<vmem>>, vector<16xi32>, vector<16xi1>
          tpu.vector_store %arg8[%swap3A_239], %sub3A_238 masked %and3A_234 {strides = array<i32>} : memref<10176xi32, #tpu.memory_space<vmem>>, vector<16xi32>, vector<16xi1>
          %swap3A_241 = arith.index_cast %while3A_208 : i32 to index
          %swap3A_242 = tpu.vector_load %arg9[%swap3A_241] masked %and3A_234 {strides = array<i32>} : memref<10176xi32, #tpu.memory_space<vmem>>, vector<16xi32>, vector<16xi1>
          tpu.vector_store %arg9[%swap3A_241], %get3A_224 masked %and3A_234 {strides = array<i32>} : memref<10176xi32, #tpu.memory_space<vmem>>, vector<16xi32>, vector<16xi1>
          %convert_element_type3A_243 = arith.extui %and3A_234 : vector<16xi1> to vector<16xi32>
          %reduce_sum3A_244 = arith.constant true
          %reduce_sum3A_245 = vector.broadcast %reduce_sum3A_244 : i1 to vector<16xi1>
          %reduce_sum3A_246 = tpu.scan <sum>, %convert_element_type3A_243 masked %reduce_sum3A_245 : vector<16xi32>, vector<16xi1> -> vector<16xi32>
          %reduce_sum3A_247 = vector.extract %reduce_sum3A_246[15] : i32 from vector<16xi32>
          %add3A_248 = arith.addi %while3A_208, %reduce_sum3A_247 : i32
          scf.yield %add3A_248 : i32
        }
        %mul3A_106 = arith.constant 16 : i32
        %mul3A_107 = arith.muli %add3A_17, %mul3A_106 : i32
        %add3A_108 = arith.constant 160 : i32
        %add3A_109 = arith.addi %add3A_108, %mul3A_107 : i32
        %get3A_110 = arith.index_cast %add3A_109 : i32 to index
        %get3A_111 = tpu.vector_load %arg14[%get3A_110] {strides = array<i32>} : memref<320xi32, #tpu.memory_space<vmem>>, vector<16xi32>,
        %mul3A_112 = arith.muli %get3A_111, %convert_element_type3A : vector<16xi32>
        %reduce_sum3A_113 = arith.constant true
        %reduce_sum3A_114 = vector.broadcast %reduce_sum3A_113 : i1 to vector<16xi1>
        %reduce_sum3A_115 = tpu.scan <sum>, %mul3A_112 masked %reduce_sum3A_114 : vector<16xi32>, vector<16xi1> -> vector<16xi32>
        %reduce_sum3A_116 = vector.extract %reduce_sum3A_115[15] : i32 from vector<16xi32>
        %while3A_117 = arith.constant 0 : i32
        %while3A_118 = arith.subi %reduce_sum3A_116, %while3A_117 : i32
        %while3A_119 = arith.addi %while3A_117, %while3A_118 : i32
        %while3A_120 = arith.constant 1 : i32
        %while3A_121 = arith.divsi %while3A_118, %while3A_120 : i32
        %while3A_122 = arith.muli %while3A_121, %while3A_120 : i32
        %while3A_123 = arith.addi %while3A_117, %while3A_122 : i32
        %while3A_124 = arith.constant 1 : i32
        %while3A_125 = scf.for %while3A_207 = %while3A_117 to %while3A_123 step %while3A_124 iter_args(%while3A_208 = %while3A_105) -> (i32)  : i32 {
          %mul3A_209 = arith.constant 16 : i32
          %mul3A_210 = arith.muli %while3A_207, %mul3A_209 : i32
          %get3A_211 = arith.constant 1 : i32
          %get3A_212 = arith.constant 0 : i32
          %get3A_213 = arith.index_cast %get3A_211 : i32 to index
          %get3A_214 = arith.index_cast %get3A_212 : i32 to index
          %get3A_215 = arith.index_cast %mul3A_210 : i32 to index
          %get3A_216 = tpu.vector_load %arg7[%get3A_213, %get3A_214, %get3A_215] {strides = array<i32>} : memref<2x2x5120xi32, #tpu.memory_space<vmem>>, vector<16xi32>,
          %mul3A_217 = arith.constant 16 : i32
          %mul3A_218 = arith.muli %while3A_207, %mul3A_217 : i32
          %get3A_219 = arith.constant 1 : i32
          %get3A_220 = arith.constant 1 : i32
          %get3A_221 = arith.index_cast %get3A_219 : i32 to index
          %get3A_222 = arith.index_cast %get3A_220 : i32 to index
          %get3A_223 = arith.index_cast %mul3A_218 : i32 to index
          %get3A_224 = tpu.vector_load %arg7[%get3A_221, %get3A_222, %get3A_223] {strides = array<i32>} : memref<2x2x5120xi32, #tpu.memory_space<vmem>>, vector<16xi32>,
          %mul3A_225 = arith.constant 2000 : i32
          %mul3A_226 = arith.muli %scan3A_74, %mul3A_225 : i32
          %ge3A = vector.broadcast %mul3A_226 : i32 to vector<16xi32>
          %ge3A_227 = arith.cmpi sge, %get3A_216, %ge3A : vector<16xi32>
          %add3A_228 = arith.constant 1 : i32
          %add3A_229 = arith.addi %scan3A_74, %add3A_228 : i32
          %mul3A_230 = arith.constant 2000 : i32
          %mul3A_231 = arith.muli %add3A_229, %mul3A_230 : i32
          %lt3A_232 = vector.broadcast %mul3A_231 : i32 to vector<16xi32>
          %lt3A_233 = arith.cmpi slt, %get3A_216, %lt3A_232 : vector<16xi32>
          %and3A_234 = arith.andi %ge3A_227, %lt3A_233 : vector<16xi1>
          %mul3A_235 = arith.constant 2000 : i32
          %mul3A_236 = arith.muli %scan3A_74, %mul3A_235 : i32
          %sub3A_237 = vector.broadcast %mul3A_236 : i32 to vector<16xi32>
          %sub3A_238 = arith.subi %get3A_216, %sub3A_237 : vector<16xi32>
          %swap3A_239 = arith.index_cast %while3A_208 : i32 to index
          %swap3A_240 = tpu.vector_load %arg8[%swap3A_239] masked %and3A_234 {strides = array<i32>} : memref<10176xi32, #tpu.memory_space<vmem>>, vector<16xi32>, vector<16xi1>
          tpu.vector_store %arg8[%swap3A_239], %sub3A_238 masked %and3A_234 {strides = array<i32>} : memref<10176xi32, #tpu.memory_space<vmem>>, vector<16xi32>, vector<16xi1>
          %swap3A_241 = arith.index_cast %while3A_208 : i32 to index
          %swap3A_242 = tpu.vector_load %arg9[%swap3A_241] masked %and3A_234 {strides = array<i32>} : memref<10176xi32, #tpu.memory_space<vmem>>, vector<16xi32>, vector<16xi1>
          tpu.vector_store %arg9[%swap3A_241], %get3A_224 masked %and3A_234 {strides = array<i32>} : memref<10176xi32, #tpu.memory_space<vmem>>, vector<16xi32>, vector<16xi1>
          %convert_element_type3A_243 = arith.extui %and3A_234 : vector<16xi1> to vector<16xi32>
          %reduce_sum3A_244 = arith.constant true
          %reduce_sum3A_245 = vector.broadcast %reduce_sum3A_244 : i1 to vector<16xi1>
          %reduce_sum3A_246 = tpu.scan <sum>, %convert_element_type3A_243 masked %reduce_sum3A_245 : vector<16xi32>, vector<16xi1> -> vector<16xi32>
          %reduce_sum3A_247 = vector.extract %reduce_sum3A_246[15] : i32 from vector<16xi32>
          %add3A_248 = arith.addi %while3A_208, %reduce_sum3A_247 : i32
          scf.yield %add3A_248 : i32
        }
        %while3A_126 = arith.constant 1 : i32
        %while3A_127 = scf.for %while3A_207 = %while3A_123 to %while3A_119 step %while3A_126 iter_args(%while3A_208 = %while3A_125) -> (i32)  : i32 {
          %mul3A_209 = arith.constant 16 : i32
          %mul3A_210 = arith.muli %while3A_207, %mul3A_209 : i32
          %get3A_211 = arith.constant 1 : i32
          %get3A_212 = arith.constant 0 : i32
          %get3A_213 = arith.index_cast %get3A_211 : i32 to index
          %get3A_214 = arith.index_cast %get3A_212 : i32 to index
          %get3A_215 = arith.index_cast %mul3A_210 : i32 to index
          %get3A_216 = tpu.vector_load %arg7[%get3A_213, %get3A_214, %get3A_215] {strides = array<i32>} : memref<2x2x5120xi32, #tpu.memory_space<vmem>>, vector<16xi32>,
          %mul3A_217 = arith.constant 16 : i32
          %mul3A_218 = arith.muli %while3A_207, %mul3A_217 : i32
          %get3A_219 = arith.constant 1 : i32
          %get3A_220 = arith.constant 1 : i32
          %get3A_221 = arith.index_cast %get3A_219 : i32 to index
          %get3A_222 = arith.index_cast %get3A_220 : i32 to index
          %get3A_223 = arith.index_cast %mul3A_218 : i32 to index
          %get3A_224 = tpu.vector_load %arg7[%get3A_221, %get3A_222, %get3A_223] {strides = array<i32>} : memref<2x2x5120xi32, #tpu.memory_space<vmem>>, vector<16xi32>,
          %mul3A_225 = arith.constant 2000 : i32
          %mul3A_226 = arith.muli %scan3A_74, %mul3A_225 : i32
          %ge3A = vector.broadcast %mul3A_226 : i32 to vector<16xi32>
          %ge3A_227 = arith.cmpi sge, %get3A_216, %ge3A : vector<16xi32>
          %add3A_228 = arith.constant 1 : i32
          %add3A_229 = arith.addi %scan3A_74, %add3A_228 : i32
          %mul3A_230 = arith.constant 2000 : i32
          %mul3A_231 = arith.muli %add3A_229, %mul3A_230 : i32
          %lt3A_232 = vector.broadcast %mul3A_231 : i32 to vector<16xi32>
          %lt3A_233 = arith.cmpi slt, %get3A_216, %lt3A_232 : vector<16xi32>
          %and3A_234 = arith.andi %ge3A_227, %lt3A_233 : vector<16xi1>
          %mul3A_235 = arith.constant 2000 : i32
          %mul3A_236 = arith.muli %scan3A_74, %mul3A_235 : i32
          %sub3A_237 = vector.broadcast %mul3A_236 : i32 to vector<16xi32>
          %sub3A_238 = arith.subi %get3A_216, %sub3A_237 : vector<16xi32>
          %swap3A_239 = arith.index_cast %while3A_208 : i32 to index
          %swap3A_240 = tpu.vector_load %arg8[%swap3A_239] masked %and3A_234 {strides = array<i32>} : memref<10176xi32, #tpu.memory_space<vmem>>, vector<16xi32>, vector<16xi1>
          tpu.vector_store %arg8[%swap3A_239], %sub3A_238 masked %and3A_234 {strides = array<i32>} : memref<10176xi32, #tpu.memory_space<vmem>>, vector<16xi32>, vector<16xi1>
          %swap3A_241 = arith.index_cast %while3A_208 : i32 to index
          %swap3A_242 = tpu.vector_load %arg9[%swap3A_241] masked %and3A_234 {strides = array<i32>} : memref<10176xi32, #tpu.memory_space<vmem>>, vector<16xi32>, vector<16xi1>
          tpu.vector_store %arg9[%swap3A_241], %get3A_224 masked %and3A_234 {strides = array<i32>} : memref<10176xi32, #tpu.memory_space<vmem>>, vector<16xi32>, vector<16xi1>
          %convert_element_type3A_243 = arith.extui %and3A_234 : vector<16xi1> to vector<16xi32>
          %reduce_sum3A_244 = arith.constant true
          %reduce_sum3A_245 = vector.broadcast %reduce_sum3A_244 : i1 to vector<16xi1>
          %reduce_sum3A_246 = tpu.scan <sum>, %convert_element_type3A_243 masked %reduce_sum3A_245 : vector<16xi32>, vector<16xi1> -> vector<16xi32>
          %reduce_sum3A_247 = vector.extract %reduce_sum3A_246[15] : i32 from vector<16xi32>
          %add3A_248 = arith.addi %while3A_208, %reduce_sum3A_247 : i32
          scf.yield %add3A_248 : i32
        }
        %add3A_128 = arith.constant 0 : i32
        %add3A_129 = arith.addi %while3A_127, %add3A_128 : i32
        %swap3A = arith.index_cast %add3A_129 : i32 to index
        %swap3A_130 = tpu.vector_load %arg8[%swap3A] {strides = array<i32>} : memref<10176xi32, #tpu.memory_space<vmem>>, vector<16xi32>,
        tpu.vector_store %arg8[%swap3A], %broadcast_in_dim3A_8 {strides = array<i32>} : memref<10176xi32, #tpu.memory_space<vmem>>, vector<16xi32>,
        %add3A_131 = arith.constant 0 : i32
        %add3A_132 = arith.addi %while3A_127, %add3A_131 : i32
        %swap3A_133 = arith.index_cast %add3A_132 : i32 to index
        %swap3A_134 = tpu.vector_load %arg9[%swap3A_133] {strides = array<i32>} : memref<10176xi32, #tpu.memory_space<vmem>>, vector<16xi32>,
        tpu.vector_store %arg9[%swap3A_133], %broadcast_in_dim3A_6 {strides = array<i32>} : memref<10176xi32, #tpu.memory_space<vmem>>, vector<16xi32>,
        %add3A_135 = arith.constant 16 : i32
        %add3A_136 = arith.addi %while3A_127, %add3A_135 : i32
        %swap3A_137 = arith.index_cast %add3A_136 : i32 to index
        %swap3A_138 = tpu.vector_load %arg8[%swap3A_137] {strides = array<i32>} : memref<10176xi32, #tpu.memory_space<vmem>>, vector<16xi32>,
        tpu.vector_store %arg8[%swap3A_137], %broadcast_in_dim3A_8 {strides = array<i32>} : memref<10176xi32, #tpu.memory_space<vmem>>, vector<16xi32>,
        %add3A_139 = arith.constant 16 : i32
        %add3A_140 = arith.addi %while3A_127, %add3A_139 : i32
        %swap3A_141 = arith.index_cast %add3A_140 : i32 to index
        %swap3A_142 = tpu.vector_load %arg9[%swap3A_141] {strides = array<i32>} : memref<10176xi32, #tpu.memory_space<vmem>>, vector<16xi32>,
        tpu.vector_store %arg9[%swap3A_141], %broadcast_in_dim3A_6 {strides = array<i32>} : memref<10176xi32, #tpu.memory_space<vmem>>, vector<16xi32>,
        %add3A_143 = arith.constant 32 : i32
        %add3A_144 = arith.addi %while3A_127, %add3A_143 : i32
        %swap3A_145 = arith.index_cast %add3A_144 : i32 to index
        %swap3A_146 = tpu.vector_load %arg8[%swap3A_145] {strides = array<i32>} : memref<10176xi32, #tpu.memory_space<vmem>>, vector<16xi32>,
        tpu.vector_store %arg8[%swap3A_145], %broadcast_in_dim3A_8 {strides = array<i32>} : memref<10176xi32, #tpu.memory_space<vmem>>, vector<16xi32>,
        %add3A_147 = arith.constant 32 : i32
        %add3A_148 = arith.addi %while3A_127, %add3A_147 : i32
        %swap3A_149 = arith.index_cast %add3A_148 : i32 to index
        %swap3A_150 = tpu.vector_load %arg9[%swap3A_149] {strides = array<i32>} : memref<10176xi32, #tpu.memory_space<vmem>>, vector<16xi32>,
        tpu.vector_store %arg9[%swap3A_149], %broadcast_in_dim3A_6 {strides = array<i32>} : memref<10176xi32, #tpu.memory_space<vmem>>, vector<16xi32>,
        %add3A_151 = arith.constant 48 : i32
        %add3A_152 = arith.addi %while3A_127, %add3A_151 : i32
        %swap3A_153 = arith.index_cast %add3A_152 : i32 to index
        %swap3A_154 = tpu.vector_load %arg8[%swap3A_153] {strides = array<i32>} : memref<10176xi32, #tpu.memory_space<vmem>>, vector<16xi32>,
        tpu.vector_store %arg8[%swap3A_153], %broadcast_in_dim3A_8 {strides = array<i32>} : memref<10176xi32, #tpu.memory_space<vmem>>, vector<16xi32>,
        %add3A_155 = arith.constant 48 : i32
        %add3A_156 = arith.addi %while3A_127, %add3A_155 : i32
        %swap3A_157 = arith.index_cast %add3A_156 : i32 to index
        %swap3A_158 = tpu.vector_load %arg9[%swap3A_157] {strides = array<i32>} : memref<10176xi32, #tpu.memory_space<vmem>>, vector<16xi32>,
        tpu.vector_store %arg9[%swap3A_157], %broadcast_in_dim3A_6 {strides = array<i32>} : memref<10176xi32, #tpu.memory_space<vmem>>, vector<16xi32>,
        %add3A_159 = arith.constant 64 : i32
        %add3A_160 = arith.addi %while3A_127, %add3A_159 : i32
        %swap3A_161 = arith.index_cast %add3A_160 : i32 to index
        %swap3A_162 = tpu.vector_load %arg8[%swap3A_161] {strides = array<i32>} : memref<10176xi32, #tpu.memory_space<vmem>>, vector<16xi32>,
        tpu.vector_store %arg8[%swap3A_161], %broadcast_in_dim3A_8 {strides = array<i32>} : memref<10176xi32, #tpu.memory_space<vmem>>, vector<16xi32>,
        %add3A_163 = arith.constant 64 : i32
        %add3A_164 = arith.addi %while3A_127, %add3A_163 : i32
        %swap3A_165 = arith.index_cast %add3A_164 : i32 to index
        %swap3A_166 = tpu.vector_load %arg9[%swap3A_165] {strides = array<i32>} : memref<10176xi32, #tpu.memory_space<vmem>>, vector<16xi32>,
        tpu.vector_store %arg9[%swap3A_165], %broadcast_in_dim3A_6 {strides = array<i32>} : memref<10176xi32, #tpu.memory_space<vmem>>, vector<16xi32>,
        %add3A_167 = arith.constant 64 : i32
        %add3A_168 = arith.addi %while3A_127, %add3A_167 : i32
        %sub3A = arith.constant 1 : i32
        %sub3A_169 = arith.subi %add3A_168, %sub3A : i32
        %jit3A = arith.constant 64 : i32
        %div3A = arith.divsi %sub3A_169, %jit3A : i32
        %sign3A = arith.constant 0 : i32
        %sign3A_170 = arith.cmpi sgt, %sub3A_169, %sign3A : i32
        %sign3A_171 = arith.extui %sign3A_170 : i1 to i32
        %sign3A_172 = arith.constant 0 : i32
        %sign3A_173 = arith.cmpi slt, %sub3A_169, %sign3A_172 : i32
        %sign3A_174 = arith.extui %sign3A_173 : i1 to i32
        %sign3A_175 = arith.subi %sign3A_171, %sign3A_174 : i32
        %sign3A_176 = arith.constant 0 : i32
        %sign3A_177 = arith.cmpi sgt, %jit3A, %sign3A_176 : i32
        %sign3A_178 = arith.extui %sign3A_177 : i1 to i32
        %sign3A_179 = arith.constant 0 : i32
        %sign3A_180 = arith.cmpi slt, %jit3A, %sign3A_179 : i32
        %sign3A_181 = arith.extui %sign3A_180 : i1 to i32
        %sign3A_182 = arith.subi %sign3A_178, %sign3A_181 : i32
        %ne3A = arith.cmpi ne, %sign3A_175, %sign3A_182 : i32
        %rem3A = arith.remsi %sub3A_169, %jit3A : i32
        %ne3A_183 = arith.constant 0 : i32
        %ne3A_184 = arith.cmpi ne, %rem3A, %ne3A_183 : i32
        %and3A = arith.andi %ne3A, %ne3A_184 : i1
        %sub3A_185 = arith.constant 1 : i32
        %sub3A_186 = arith.subi %div3A, %sub3A_185 : i32
        %select_n3A = arith.select %and3A, %sub3A_186, %div3A : i32
        %gt3A = arith.constant 0 : i32
        %gt3A_187 = arith.cmpi sgt, %select_n3A, %gt3A : i32
        %convert_element_type3A_188 = arith.extui %gt3A_187 : i1 to i32
        %cond3A_189 = arith.constant 0 : i32
        %cond3A_190 = arith.cmpi ne, %convert_element_type3A_188, %cond3A_189 : i32
        scf.if %cond3A_190 {
          %dma_start3A = arith.constant 0 : i32
          %dma_start3A_207 = tpu.memref_slice %arg8[%dma_start3A] : memref<10176xi32, #tpu.memory_space<vmem>> -> memref<64xi32, #tpu.memory_space<vmem>>
          %dma_start3A_208 = arith.constant 0 : i32
          %dma_start3A_209 = arith.constant 0 : i32
          %dma_start3A_210 = tpu.memref_slice %arg15[%dma_start3A_208, %dma_start3A_209] : memref<2000x512xbf16, #tpu.memory_space<vmem_shared>> -> memref<2000x512xbf16, #tpu.memory_space<vmem_shared>>
          tpu.enqueue_indirect_dma source(%dma_start3A_210 : memref<2000x512xbf16, #tpu.memory_space<vmem_shared>>) target(%arg10 : memref<64x512xbf16, #tpu.memory_space<vmem>>) offsets(%dma_start3A_207 : memref<64xi32, #tpu.memory_space<vmem>>) semaphore(%arg17 : memref<!tpu.dma_semaphore, #tpu.memory_space<semaphore_mem>>)
        } else {
        }
        %gt3A_191 = arith.constant 1 : i32
        %gt3A_192 = arith.cmpi sgt, %select_n3A, %gt3A_191 : i32
        %convert_element_type3A_193 = arith.extui %gt3A_192 : i1 to i32
        %cond3A_194 = arith.constant 0 : i32
        %cond3A_195 = arith.cmpi ne, %convert_element_type3A_193, %cond3A_194 : i32
        scf.if %cond3A_195 {
          %dma_start3A = arith.constant 64 : i32
          %dma_start3A_207 = tpu.memref_slice %arg8[%dma_start3A] : memref<10176xi32, #tpu.memory_space<vmem>> -> memref<64xi32, #tpu.memory_space<vmem>>
          %dma_start3A_208 = arith.constant 0 : i32
          %dma_start3A_209 = arith.constant 0 : i32
          %dma_start3A_210 = tpu.memref_slice %arg15[%dma_start3A_208, %dma_start3A_209] : memref<2000x512xbf16, #tpu.memory_space<vmem_shared>> -> memref<2000x512xbf16, #tpu.memory_space<vmem_shared>>
          tpu.enqueue_indirect_dma source(%dma_start3A_210 : memref<2000x512xbf16, #tpu.memory_space<vmem_shared>>) target(%arg11 : memref<64x512xbf16, #tpu.memory_space<vmem>>) offsets(%dma_start3A_207 : memref<64xi32, #tpu.memory_space<vmem>>) semaphore(%arg18 : memref<!tpu.dma_semaphore, #tpu.memory_space<semaphore_mem>>)
        } else {
        }
        %while3A_196 = arith.constant 0 : i32
        %while3A_197 = arith.constant 0 : i32
        %while3A_198 = arith.subi %select_n3A, %while3A_197 : i32
        %while3A_199 = arith.addi %while3A_197, %while3A_198 : i32
        %while3A_200 = arith.constant 1 : i32
        %while3A_201 = arith.divsi %while3A_198, %while3A_200 : i32
        %while3A_202 = arith.muli %while3A_201, %while3A_200 : i32
        %while3A_203 = arith.addi %while3A_197, %while3A_202 : i32
        %while3A_204 = arith.constant 1 : i32
        scf.for %while3A_207 = %while3A_197 to %while3A_203 step %while3A_204  : i32 {
          %add3A_208 = arith.constant 2 : i32
          %add3A_209 = arith.addi %while3A_207, %add3A_208 : i32
          %jit3A_210 = arith.constant 2 : i32
          %eq3A_211 = arith.constant 0 : i32
          %eq3A_212 = arith.cmpi eq, %jit3A_210, %eq3A_211 : i32
          %jit3A_213 = arith.constant 1 : i32
          %select_n3A_214 = arith.select %eq3A_212, %jit3A_213, %jit3A_210 : i32
          %rem3A_215 = arith.remsi %while3A_207, %select_n3A_214 : i32
          %ne3A_216 = arith.constant 0 : i32
          %ne3A_217 = arith.cmpi ne, %rem3A_215, %ne3A_216 : i32
          %lt3A_218 = arith.constant 0 : i32
          %lt3A_219 = arith.cmpi slt, %rem3A_215, %lt3A_218 : i32
          %lt3A_220 = arith.constant 0 : i32
          %lt3A_221 = arith.cmpi slt, %select_n3A_214, %lt3A_220 : i32
          %ne3A_222 = arith.xori %lt3A_219, %lt3A_221 : i1
          %and3A_223 = arith.andi %ne3A_222, %ne3A_217 : i1
          %add3A_224 = arith.addi %rem3A_215, %select_n3A_214 : i32
          %select_n3A_225 = arith.select %and3A_223, %add3A_224, %rem3A_215 : i32
          %eq3A_226 = arith.constant 0 : i32
          %eq3A_227 = arith.cmpi eq, %select_n3A_225, %eq3A_226 : i32
          %convert_element_type3A_228 = arith.extui %eq3A_227 : i1 to i32
          %cond3A_229 = arith.constant 0 : i32
          %cond3A_230 = arith.cmpi ne, %convert_element_type3A_228, %cond3A_229 : i32
          scf.if %cond3A_230 {
            %mul3A_252 = arith.constant 64 : i32
            %mul3A_253 = arith.muli %while3A_207, %mul3A_252 : i32
            %dma_wait3A = tpu.memref_slice %arg8[%mul3A_253] : memref<10176xi32, #tpu.memory_space<vmem>> -> memref<64xi32, #tpu.memory_space<vmem>>
            %dma_wait3A_254 = arith.constant 0 : i32
            %dma_wait3A_255 = arith.constant 0 : i32
            %dma_wait3A_256 = tpu.memref_slice %arg15[%dma_wait3A_254, %dma_wait3A_255] : memref<2000x512xbf16, #tpu.memory_space<vmem_shared>> -> memref<2000x512xbf16, #tpu.memory_space<vmem_shared>>
            tpu.wait_indirect_dma semaphore(%arg17 : memref<!tpu.dma_semaphore, #tpu.memory_space<semaphore_mem>>) src(%dma_wait3A_256 : memref<2000x512xbf16, #tpu.memory_space<vmem_shared>>) dst(%arg10 : memref<64x512xbf16, #tpu.memory_space<vmem>>)
            %mul3A_257 = arith.constant 64 : i32
            %mul3A_258 = arith.muli %while3A_207, %mul3A_257 : i32
            %add3A_259 = arith.constant 0 : i32
            %add3A_260 = arith.addi %mul3A_258, %add3A_259 : i32
            %get3A_261 = arith.index_cast %add3A_260 : i32 to index
            %get3A_262 = tpu.vector_load %arg9[%get3A_261] {strides = array<i32>} : memref<10176xi32, #tpu.memory_space<vmem>>, vector<16xi32>,
            %swap3A_263 = arith.constant 0 : index
            %swap3A_264 = tpu.vector_load %arg12[%swap3A_263] {strides = array<i32>} : memref<64xi32, #tpu.memory_space<vmem>>, vector<16xi32>,
            tpu.vector_store %arg12[%swap3A_263], %get3A_262 {strides = array<i32>} : memref<64xi32, #tpu.memory_space<vmem>>, vector<16xi32>,
            %mul3A_265 = arith.constant 64 : i32
            %mul3A_266 = arith.muli %while3A_207, %mul3A_265 : i32
            %add3A_267 = arith.constant 16 : i32
            %add3A_268 = arith.addi %mul3A_266, %add3A_267 : i32
            %get3A_269 = arith.index_cast %add3A_268 : i32 to index
            %get3A_270 = tpu.vector_load %arg9[%get3A_269] {strides = array<i32>} : memref<10176xi32, #tpu.memory_space<vmem>>, vector<16xi32>,
            %swap3A_271 = arith.constant 16 : index
            %swap3A_272 = tpu.vector_load %arg12[%swap3A_271] {strides = array<i32>} : memref<64xi32, #tpu.memory_space<vmem>>, vector<16xi32>,
            tpu.vector_store %arg12[%swap3A_271], %get3A_270 {strides = array<i32>} : memref<64xi32, #tpu.memory_space<vmem>>, vector<16xi32>,
            %mul3A_273 = arith.constant 64 : i32
            %mul3A_274 = arith.muli %while3A_207, %mul3A_273 : i32
            %add3A_275 = arith.constant 32 : i32
            %add3A_276 = arith.addi %mul3A_274, %add3A_275 : i32
            %get3A_277 = arith.index_cast %add3A_276 : i32 to index
            %get3A_278 = tpu.vector_load %arg9[%get3A_277] {strides = array<i32>} : memref<10176xi32, #tpu.memory_space<vmem>>, vector<16xi32>,
            %swap3A_279 = arith.constant 32 : index
            %swap3A_280 = tpu.vector_load %arg12[%swap3A_279] {strides = array<i32>} : memref<64xi32, #tpu.memory_space<vmem>>, vector<16xi32>,
            tpu.vector_store %arg12[%swap3A_279], %get3A_278 {strides = array<i32>} : memref<64xi32, #tpu.memory_space<vmem>>, vector<16xi32>,
            %mul3A_281 = arith.constant 64 : i32
            %mul3A_282 = arith.muli %while3A_207, %mul3A_281 : i32
            %add3A_283 = arith.constant 48 : i32
            %add3A_284 = arith.addi %mul3A_282, %add3A_283 : i32
            %get3A_285 = arith.index_cast %add3A_284 : i32 to index
            %get3A_286 = tpu.vector_load %arg9[%get3A_285] {strides = array<i32>} : memref<10176xi32, #tpu.memory_space<vmem>>, vector<16xi32>,
            %swap3A_287 = arith.constant 48 : index
            %swap3A_288 = tpu.vector_load %arg12[%swap3A_287] {strides = array<i32>} : memref<64xi32, #tpu.memory_space<vmem>>, vector<16xi32>,
            tpu.vector_store %arg12[%swap3A_287], %get3A_286 {strides = array<i32>} : memref<64xi32, #tpu.memory_space<vmem>>, vector<16xi32>,
            "tpu.region"() ({
              %run_scoped3A_293 = tpu.sem_alloc : memref<!tpu.dma_semaphore, #tpu.memory_space<semaphore_mem>>
              %dma_start3A = arith.constant 0 : i32
              %dma_start3A_294 = arith.constant 0 : i32
              %dma_start3A_295 = tpu.memref_slice %arg16[%dma_start3A, %dma_start3A_294] : memref<1024x512xbf16, #tpu.memory_space<vmem_shared>> -> memref<1024x512xbf16, #tpu.memory_space<vmem_shared>>
              tpu.enqueue_indirect_dma source(%arg10 : memref<64x512xbf16, #tpu.memory_space<vmem>>) target(%dma_start3A_295 : memref<1024x512xbf16, #tpu.memory_space<vmem_shared>>) offsets(%arg12 : memref<64xi32, #tpu.memory_space<vmem>>) semaphore(%run_scoped3A_293 : memref<!tpu.dma_semaphore, #tpu.memory_space<semaphore_mem>>) {add = true}
              %dma_wait3A_296 = arith.constant 0 : i32
              %dma_wait3A_297 = arith.constant 0 : i32
              %dma_wait3A_298 = tpu.memref_slice %arg16[%dma_wait3A_296, %dma_wait3A_297] : memref<1024x512xbf16, #tpu.memory_space<vmem_shared>> -> memref<1024x512xbf16, #tpu.memory_space<vmem_shared>>
              tpu.wait_indirect_dma semaphore(%run_scoped3A_293 : memref<!tpu.dma_semaphore, #tpu.memory_space<semaphore_mem>>) src(%arg10 : memref<64x512xbf16, #tpu.memory_space<vmem>>) dst(%dma_wait3A_298 : memref<1024x512xbf16, #tpu.memory_space<vmem_shared>>)
              tpu.yield
            }) : () -> ()
            %lt3A_289 = arith.cmpi slt, %add3A_209, %select_n3A : i32
            %convert_element_type3A_290 = arith.extui %lt3A_289 : i1 to i32
            %cond3A_291 = arith.constant 0 : i32
            %cond3A_292 = arith.cmpi ne, %convert_element_type3A_290, %cond3A_291 : i32
            scf.if %cond3A_292 {
              %mul3A_293 = arith.constant 64 : i32
              %mul3A_294 = arith.muli %add3A_209, %mul3A_293 : i32
              %dma_start3A = tpu.memref_slice %arg8[%mul3A_294] : memref<10176xi32, #tpu.memory_space<vmem>> -> memref<64xi32, #tpu.memory_space<vmem>>
              %dma_start3A_295 = arith.constant 0 : i32
              %dma_start3A_296 = arith.constant 0 : i32
              %dma_start3A_297 = tpu.memref_slice %arg15[%dma_start3A_295, %dma_start3A_296] : memref<2000x512xbf16, #tpu.memory_space<vmem_shared>> -> memref<2000x512xbf16, #tpu.memory_space<vmem_shared>>
              tpu.enqueue_indirect_dma source(%dma_start3A_297 : memref<2000x512xbf16, #tpu.memory_space<vmem_shared>>) target(%arg10 : memref<64x512xbf16, #tpu.memory_space<vmem>>) offsets(%dma_start3A : memref<64xi32, #tpu.memory_space<vmem>>) semaphore(%arg17 : memref<!tpu.dma_semaphore, #tpu.memory_space<semaphore_mem>>)
            } else {
            }
          } else {
          }
          %jit3A_231 = arith.constant 2 : i32
          %eq3A_232 = arith.constant 0 : i32
          %eq3A_233 = arith.cmpi eq, %jit3A_231, %eq3A_232 : i32
          %jit3A_234 = arith.constant 1 : i32
          %select_n3A_235 = arith.select %eq3A_233, %jit3A_234, %jit3A_231 : i32
          %rem3A_236 = arith.remsi %while3A_207, %select_n3A_235 : i32
          %ne3A_237 = arith.constant 0 : i32
          %ne3A_238 = arith.cmpi ne, %rem3A_236, %ne3A_237 : i32
          %lt3A_239 = arith.constant 0 : i32
          %lt3A_240 = arith.cmpi slt, %rem3A_236, %lt3A_239 : i32
          %lt3A_241 = arith.constant 0 : i32
          %lt3A_242 = arith.cmpi slt, %select_n3A_235, %lt3A_241 : i32
          %ne3A_243 = arith.xori %lt3A_240, %lt3A_242 : i1
          %and3A_244 = arith.andi %ne3A_243, %ne3A_238 : i1
          %add3A_245 = arith.addi %rem3A_236, %select_n3A_235 : i32
          %select_n3A_246 = arith.select %and3A_244, %add3A_245, %rem3A_236 : i32
          %eq3A_247 = arith.constant 1 : i32
          %eq3A_248 = arith.cmpi eq, %select_n3A_246, %eq3A_247 : i32
          %convert_element_type3A_249 = arith.extui %eq3A_248 : i1 to i32
          %cond3A_250 = arith.constant 0 : i32
          %cond3A_251 = arith.cmpi ne, %convert_element_type3A_249, %cond3A_250 : i32
          scf.if %cond3A_251 {
            %mul3A_252 = arith.constant 64 : i32
            %mul3A_253 = arith.muli %while3A_207, %mul3A_252 : i32
            %dma_wait3A = tpu.memref_slice %arg8[%mul3A_253] : memref<10176xi32, #tpu.memory_space<vmem>> -> memref<64xi32, #tpu.memory_space<vmem>>
            %dma_wait3A_254 = arith.constant 0 : i32
            %dma_wait3A_255 = arith.constant 0 : i32
            %dma_wait3A_256 = tpu.memref_slice %arg15[%dma_wait3A_254, %dma_wait3A_255] : memref<2000x512xbf16, #tpu.memory_space<vmem_shared>> -> memref<2000x512xbf16, #tpu.memory_space<vmem_shared>>
            tpu.wait_indirect_dma semaphore(%arg18 : memref<!tpu.dma_semaphore, #tpu.memory_space<semaphore_mem>>) src(%dma_wait3A_256 : memref<2000x512xbf16, #tpu.memory_space<vmem_shared>>) dst(%arg11 : memref<64x512xbf16, #tpu.memory_space<vmem>>)
            %mul3A_257 = arith.constant 64 : i32
            %mul3A_258 = arith.muli %while3A_207, %mul3A_257 : i32
            %add3A_259 = arith.constant 0 : i32
            %add3A_260 = arith.addi %mul3A_258, %add3A_259 : i32
            %get3A_261 = arith.index_cast %add3A_260 : i32 to index
            %get3A_262 = tpu.vector_load %arg9[%get3A_261] {strides = array<i32>} : memref<10176xi32, #tpu.memory_space<vmem>>, vector<16xi32>,
            %swap3A_263 = arith.constant 0 : index
            %swap3A_264 = tpu.vector_load %arg13[%swap3A_263] {strides = array<i32>} : memref<64xi32, #tpu.memory_space<vmem>>, vector<16xi32>,
            tpu.vector_store %arg13[%swap3A_263], %get3A_262 {strides = array<i32>} : memref<64xi32, #tpu.memory_space<vmem>>, vector<16xi32>,
            %mul3A_265 = arith.constant 64 : i32
            %mul3A_266 = arith.muli %while3A_207, %mul3A_265 : i32
            %add3A_267 = arith.constant 16 : i32
            %add3A_268 = arith.addi %mul3A_266, %add3A_267 : i32
            %get3A_269 = arith.index_cast %add3A_268 : i32 to index
            %get3A_270 = tpu.vector_load %arg9[%get3A_269] {strides = array<i32>} : memref<10176xi32, #tpu.memory_space<vmem>>, vector<16xi32>,
            %swap3A_271 = arith.constant 16 : index
            %swap3A_272 = tpu.vector_load %arg13[%swap3A_271] {strides = array<i32>} : memref<64xi32, #tpu.memory_space<vmem>>, vector<16xi32>,
            tpu.vector_store %arg13[%swap3A_271], %get3A_270 {strides = array<i32>} : memref<64xi32, #tpu.memory_space<vmem>>, vector<16xi32>,
            %mul3A_273 = arith.constant 64 : i32
            %mul3A_274 = arith.muli %while3A_207, %mul3A_273 : i32
            %add3A_275 = arith.constant 32 : i32
            %add3A_276 = arith.addi %mul3A_274, %add3A_275 : i32
            %get3A_277 = arith.index_cast %add3A_276 : i32 to index
            %get3A_278 = tpu.vector_load %arg9[%get3A_277] {strides = array<i32>} : memref<10176xi32, #tpu.memory_space<vmem>>, vector<16xi32>,
            %swap3A_279 = arith.constant 32 : index
            %swap3A_280 = tpu.vector_load %arg13[%swap3A_279] {strides = array<i32>} : memref<64xi32, #tpu.memory_space<vmem>>, vector<16xi32>,
            tpu.vector_store %arg13[%swap3A_279], %get3A_278 {strides = array<i32>} : memref<64xi32, #tpu.memory_space<vmem>>, vector<16xi32>,
            %mul3A_281 = arith.constant 64 : i32
            %mul3A_282 = arith.muli %while3A_207, %mul3A_281 : i32
            %add3A_283 = arith.constant 48 : i32
            %add3A_284 = arith.addi %mul3A_282, %add3A_283 : i32
            %get3A_285 = arith.index_cast %add3A_284 : i32 to index
            %get3A_286 = tpu.vector_load %arg9[%get3A_285] {strides = array<i32>} : memref<10176xi32, #tpu.memory_space<vmem>>, vector<16xi32>,
            %swap3A_287 = arith.constant 48 : index
            %swap3A_288 = tpu.vector_load %arg13[%swap3A_287] {strides = array<i32>} : memref<64xi32, #tpu.memory_space<vmem>>, vector<16xi32>,
            tpu.vector_store %arg13[%swap3A_287], %get3A_286 {strides = array<i32>} : memref<64xi32, #tpu.memory_space<vmem>>, vector<16xi32>,
            "tpu.region"() ({
              %run_scoped3A_293 = tpu.sem_alloc : memref<!tpu.dma_semaphore, #tpu.memory_space<semaphore_mem>>
              %dma_start3A = arith.constant 0 : i32
              %dma_start3A_294 = arith.constant 0 : i32
              %dma_start3A_295 = tpu.memref_slice %arg16[%dma_start3A, %dma_start3A_294] : memref<1024x512xbf16, #tpu.memory_space<vmem_shared>> -> memref<1024x512xbf16, #tpu.memory_space<vmem_shared>>
              tpu.enqueue_indirect_dma source(%arg11 : memref<64x512xbf16, #tpu.memory_space<vmem>>) target(%dma_start3A_295 : memref<1024x512xbf16, #tpu.memory_space<vmem_shared>>) offsets(%arg13 : memref<64xi32, #tpu.memory_space<vmem>>) semaphore(%run_scoped3A_293 : memref<!tpu.dma_semaphore, #tpu.memory_space<semaphore_mem>>) {add = true}
              %dma_wait3A_296 = arith.constant 0 : i32
              %dma_wait3A_297 = arith.constant 0 : i32
              %dma_wait3A_298 = tpu.memref_slice %arg16[%dma_wait3A_296, %dma_wait3A_297] : memref<1024x512xbf16, #tpu.memory_space<vmem_shared>> -> memref<1024x512xbf16, #tpu.memory_space<vmem_shared>>
              tpu.wait_indirect_dma semaphore(%run_scoped3A_293 : memref<!tpu.dma_semaphore, #tpu.memory_space<semaphore_mem>>) src(%arg11 : memref<64x512xbf16, #tpu.memory_space<vmem>>) dst(%dma_wait3A_298 : memref<1024x512xbf16, #tpu.memory_space<vmem_shared>>)
              tpu.yield
            }) : () -> ()
            %lt3A_289 = arith.cmpi slt, %add3A_209, %select_n3A : i32
            %convert_element_type3A_290 = arith.extui %lt3A_289 : i1 to i32
            %cond3A_291 = arith.constant 0 : i32
            %cond3A_292 = arith.cmpi ne, %convert_element_type3A_290, %cond3A_291 : i32
            scf.if %cond3A_292 {
              %mul3A_293 = arith.constant 64 : i32
              %mul3A_294 = arith.muli %add3A_209, %mul3A_293 : i32
              %dma_start3A = tpu.memref_slice %arg8[%mul3A_294] : memref<10176xi32, #tpu.memory_space<vmem>> -> memref<64xi32, #tpu.memory_space<vmem>>
              %dma_start3A_295 = arith.constant 0 : i32
              %dma_start3A_296 = arith.constant 0 : i32
              %dma_start3A_297 = tpu.memref_slice %arg15[%dma_start3A_295, %dma_start3A_296] : memref<2000x512xbf16, #tpu.memory_space<vmem_shared>> -> memref<2000x512xbf16, #tpu.memory_space<vmem_shared>>
              tpu.enqueue_indirect_dma source(%dma_start3A_297 : memref<2000x512xbf16, #tpu.memory_space<vmem_shared>>) target(%arg11 : memref<64x512xbf16, #tpu.memory_space<vmem>>) offsets(%dma_start3A : memref<64xi32, #tpu.memory_space<vmem>>) semaphore(%arg18 : memref<!tpu.dma_semaphore, #tpu.memory_space<semaphore_mem>>)
            } else {
            }
          } else {
          }
        }
        %while3A_205 = arith.constant 1 : i32
        scf.for %while3A_207 = %while3A_203 to %while3A_199 step %while3A_205  : i32 {
          %add3A_208 = arith.constant 2 : i32
          %add3A_209 = arith.addi %while3A_207, %add3A_208 : i32
          %jit3A_210 = arith.constant 2 : i32
          %eq3A_211 = arith.constant 0 : i32
          %eq3A_212 = arith.cmpi eq, %jit3A_210, %eq3A_211 : i32
          %jit3A_213 = arith.constant 1 : i32
          %select_n3A_214 = arith.select %eq3A_212, %jit3A_213, %jit3A_210 : i32
          %rem3A_215 = arith.remsi %while3A_207, %select_n3A_214 : i32
          %ne3A_216 = arith.constant 0 : i32
          %ne3A_217 = arith.cmpi ne, %rem3A_215, %ne3A_216 : i32
          %lt3A_218 = arith.constant 0 : i32
          %lt3A_219 = arith.cmpi slt, %rem3A_215, %lt3A_218 : i32
          %lt3A_220 = arith.constant 0 : i32
          %lt3A_221 = arith.cmpi slt, %select_n3A_214, %lt3A_220 : i32
          %ne3A_222 = arith.xori %lt3A_219, %lt3A_221 : i1
          %and3A_223 = arith.andi %ne3A_222, %ne3A_217 : i1
          %add3A_224 = arith.addi %rem3A_215, %select_n3A_214 : i32
          %select_n3A_225 = arith.select %and3A_223, %add3A_224, %rem3A_215 : i32
          %eq3A_226 = arith.constant 0 : i32
          %eq3A_227 = arith.cmpi eq, %select_n3A_225, %eq3A_226 : i32
          %convert_element_type3A_228 = arith.extui %eq3A_227 : i1 to i32
          %cond3A_229 = arith.constant 0 : i32
          %cond3A_230 = arith.cmpi ne, %convert_element_type3A_228, %cond3A_229 : i32
          scf.if %cond3A_230 {
            %mul3A_252 = arith.constant 64 : i32
            %mul3A_253 = arith.muli %while3A_207, %mul3A_252 : i32
            %dma_wait3A = tpu.memref_slice %arg8[%mul3A_253] : memref<10176xi32, #tpu.memory_space<vmem>> -> memref<64xi32, #tpu.memory_space<vmem>>
            %dma_wait3A_254 = arith.constant 0 : i32
            %dma_wait3A_255 = arith.constant 0 : i32
            %dma_wait3A_256 = tpu.memref_slice %arg15[%dma_wait3A_254, %dma_wait3A_255] : memref<2000x512xbf16, #tpu.memory_space<vmem_shared>> -> memref<2000x512xbf16, #tpu.memory_space<vmem_shared>>
            tpu.wait_indirect_dma semaphore(%arg17 : memref<!tpu.dma_semaphore, #tpu.memory_space<semaphore_mem>>) src(%dma_wait3A_256 : memref<2000x512xbf16, #tpu.memory_space<vmem_shared>>) dst(%arg10 : memref<64x512xbf16, #tpu.memory_space<vmem>>)
            %mul3A_257 = arith.constant 64 : i32
            %mul3A_258 = arith.muli %while3A_207, %mul3A_257 : i32
            %add3A_259 = arith.constant 0 : i32
            %add3A_260 = arith.addi %mul3A_258, %add3A_259 : i32
            %get3A_261 = arith.index_cast %add3A_260 : i32 to index
            %get3A_262 = tpu.vector_load %arg9[%get3A_261] {strides = array<i32>} : memref<10176xi32, #tpu.memory_space<vmem>>, vector<16xi32>,
            %swap3A_263 = arith.constant 0 : index
            %swap3A_264 = tpu.vector_load %arg12[%swap3A_263] {strides = array<i32>} : memref<64xi32, #tpu.memory_space<vmem>>, vector<16xi32>,
            tpu.vector_store %arg12[%swap3A_263], %get3A_262 {strides = array<i32>} : memref<64xi32, #tpu.memory_space<vmem>>, vector<16xi32>,
            %mul3A_265 = arith.constant 64 : i32
            %mul3A_266 = arith.muli %while3A_207, %mul3A_265 : i32
            %add3A_267 = arith.constant 16 : i32
            %add3A_268 = arith.addi %mul3A_266, %add3A_267 : i32
            %get3A_269 = arith.index_cast %add3A_268 : i32 to index
            %get3A_270 = tpu.vector_load %arg9[%get3A_269] {strides = array<i32>} : memref<10176xi32, #tpu.memory_space<vmem>>, vector<16xi32>,
            %swap3A_271 = arith.constant 16 : index
            %swap3A_272 = tpu.vector_load %arg12[%swap3A_271] {strides = array<i32>} : memref<64xi32, #tpu.memory_space<vmem>>, vector<16xi32>,
            tpu.vector_store %arg12[%swap3A_271], %get3A_270 {strides = array<i32>} : memref<64xi32, #tpu.memory_space<vmem>>, vector<16xi32>,
            %mul3A_273 = arith.constant 64 : i32
            %mul3A_274 = arith.muli %while3A_207, %mul3A_273 : i32
            %add3A_275 = arith.constant 32 : i32
            %add3A_276 = arith.addi %mul3A_274, %add3A_275 : i32
            %get3A_277 = arith.index_cast %add3A_276 : i32 to index
            %get3A_278 = tpu.vector_load %arg9[%get3A_277] {strides = array<i32>} : memref<10176xi32, #tpu.memory_space<vmem>>, vector<16xi32>,
            %swap3A_279 = arith.constant 32 : index
            %swap3A_280 = tpu.vector_load %arg12[%swap3A_279] {strides = array<i32>} : memref<64xi32, #tpu.memory_space<vmem>>, vector<16xi32>,
            tpu.vector_store %arg12[%swap3A_279], %get3A_278 {strides = array<i32>} : memref<64xi32, #tpu.memory_space<vmem>>, vector<16xi32>,
            %mul3A_281 = arith.constant 64 : i32
            %mul3A_282 = arith.muli %while3A_207, %mul3A_281 : i32
            %add3A_283 = arith.constant 48 : i32
            %add3A_284 = arith.addi %mul3A_282, %add3A_283 : i32
            %get3A_285 = arith.index_cast %add3A_284 : i32 to index
            %get3A_286 = tpu.vector_load %arg9[%get3A_285] {strides = array<i32>} : memref<10176xi32, #tpu.memory_space<vmem>>, vector<16xi32>,
            %swap3A_287 = arith.constant 48 : index
            %swap3A_288 = tpu.vector_load %arg12[%swap3A_287] {strides = array<i32>} : memref<64xi32, #tpu.memory_space<vmem>>, vector<16xi32>,
            tpu.vector_store %arg12[%swap3A_287], %get3A_286 {strides = array<i32>} : memref<64xi32, #tpu.memory_space<vmem>>, vector<16xi32>,
            "tpu.region"() ({
              %run_scoped3A_293 = tpu.sem_alloc : memref<!tpu.dma_semaphore, #tpu.memory_space<semaphore_mem>>
              %dma_start3A = arith.constant 0 : i32
              %dma_start3A_294 = arith.constant 0 : i32
              %dma_start3A_295 = tpu.memref_slice %arg16[%dma_start3A, %dma_start3A_294] : memref<1024x512xbf16, #tpu.memory_space<vmem_shared>> -> memref<1024x512xbf16, #tpu.memory_space<vmem_shared>>
              tpu.enqueue_indirect_dma source(%arg10 : memref<64x512xbf16, #tpu.memory_space<vmem>>) target(%dma_start3A_295 : memref<1024x512xbf16, #tpu.memory_space<vmem_shared>>) offsets(%arg12 : memref<64xi32, #tpu.memory_space<vmem>>) semaphore(%run_scoped3A_293 : memref<!tpu.dma_semaphore, #tpu.memory_space<semaphore_mem>>) {add = true}
              %dma_wait3A_296 = arith.constant 0 : i32
              %dma_wait3A_297 = arith.constant 0 : i32
              %dma_wait3A_298 = tpu.memref_slice %arg16[%dma_wait3A_296, %dma_wait3A_297] : memref<1024x512xbf16, #tpu.memory_space<vmem_shared>> -> memref<1024x512xbf16, #tpu.memory_space<vmem_shared>>
              tpu.wait_indirect_dma semaphore(%run_scoped3A_293 : memref<!tpu.dma_semaphore, #tpu.memory_space<semaphore_mem>>) src(%arg10 : memref<64x512xbf16, #tpu.memory_space<vmem>>) dst(%dma_wait3A_298 : memref<1024x512xbf16, #tpu.memory_space<vmem_shared>>)
              tpu.yield
            }) : () -> ()
            %lt3A_289 = arith.cmpi slt, %add3A_209, %select_n3A : i32
            %convert_element_type3A_290 = arith.extui %lt3A_289 : i1 to i32
            %cond3A_291 = arith.constant 0 : i32
            %cond3A_292 = arith.cmpi ne, %convert_element_type3A_290, %cond3A_291 : i32
            scf.if %cond3A_292 {
              %mul3A_293 = arith.constant 64 : i32
              %mul3A_294 = arith.muli %add3A_209, %mul3A_293 : i32
              %dma_start3A = tpu.memref_slice %arg8[%mul3A_294] : memref<10176xi32, #tpu.memory_space<vmem>> -> memref<64xi32, #tpu.memory_space<vmem>>
              %dma_start3A_295 = arith.constant 0 : i32
              %dma_start3A_296 = arith.constant 0 : i32
              %dma_start3A_297 = tpu.memref_slice %arg15[%dma_start3A_295, %dma_start3A_296] : memref<2000x512xbf16, #tpu.memory_space<vmem_shared>> -> memref<2000x512xbf16, #tpu.memory_space<vmem_shared>>
              tpu.enqueue_indirect_dma source(%dma_start3A_297 : memref<2000x512xbf16, #tpu.memory_space<vmem_shared>>) target(%arg10 : memref<64x512xbf16, #tpu.memory_space<vmem>>) offsets(%dma_start3A : memref<64xi32, #tpu.memory_space<vmem>>) semaphore(%arg17 : memref<!tpu.dma_semaphore, #tpu.memory_space<semaphore_mem>>)
            } else {
            }
          } else {
          }
          %jit3A_231 = arith.constant 2 : i32
          %eq3A_232 = arith.constant 0 : i32
          %eq3A_233 = arith.cmpi eq, %jit3A_231, %eq3A_232 : i32
          %jit3A_234 = arith.constant 1 : i32
          %select_n3A_235 = arith.select %eq3A_233, %jit3A_234, %jit3A_231 : i32
          %rem3A_236 = arith.remsi %while3A_207, %select_n3A_235 : i32
          %ne3A_237 = arith.constant 0 : i32
          %ne3A_238 = arith.cmpi ne, %rem3A_236, %ne3A_237 : i32
          %lt3A_239 = arith.constant 0 : i32
          %lt3A_240 = arith.cmpi slt, %rem3A_236, %lt3A_239 : i32
          %lt3A_241 = arith.constant 0 : i32
          %lt3A_242 = arith.cmpi slt, %select_n3A_235, %lt3A_241 : i32
          %ne3A_243 = arith.xori %lt3A_240, %lt3A_242 : i1
          %and3A_244 = arith.andi %ne3A_243, %ne3A_238 : i1
          %add3A_245 = arith.addi %rem3A_236, %select_n3A_235 : i32
          %select_n3A_246 = arith.select %and3A_244, %add3A_245, %rem3A_236 : i32
          %eq3A_247 = arith.constant 1 : i32
          %eq3A_248 = arith.cmpi eq, %select_n3A_246, %eq3A_247 : i32
          %convert_element_type3A_249 = arith.extui %eq3A_248 : i1 to i32
          %cond3A_250 = arith.constant 0 : i32
          %cond3A_251 = arith.cmpi ne, %convert_element_type3A_249, %cond3A_250 : i32
          scf.if %cond3A_251 {
            %mul3A_252 = arith.constant 64 : i32
            %mul3A_253 = arith.muli %while3A_207, %mul3A_252 : i32
            %dma_wait3A = tpu.memref_slice %arg8[%mul3A_253] : memref<10176xi32, #tpu.memory_space<vmem>> -> memref<64xi32, #tpu.memory_space<vmem>>
            %dma_wait3A_254 = arith.constant 0 : i32
            %dma_wait3A_255 = arith.constant 0 : i32
            %dma_wait3A_256 = tpu.memref_slice %arg15[%dma_wait3A_254, %dma_wait3A_255] : memref<2000x512xbf16, #tpu.memory_space<vmem_shared>> -> memref<2000x512xbf16, #tpu.memory_space<vmem_shared>>
            tpu.wait_indirect_dma semaphore(%arg18 : memref<!tpu.dma_semaphore, #tpu.memory_space<semaphore_mem>>) src(%dma_wait3A_256 : memref<2000x512xbf16, #tpu.memory_space<vmem_shared>>) dst(%arg11 : memref<64x512xbf16, #tpu.memory_space<vmem>>)
            %mul3A_257 = arith.constant 64 : i32
            %mul3A_258 = arith.muli %while3A_207, %mul3A_257 : i32
            %add3A_259 = arith.constant 0 : i32
            %add3A_260 = arith.addi %mul3A_258, %add3A_259 : i32
            %get3A_261 = arith.index_cast %add3A_260 : i32 to index
            %get3A_262 = tpu.vector_load %arg9[%get3A_261] {strides = array<i32>} : memref<10176xi32, #tpu.memory_space<vmem>>, vector<16xi32>,
            %swap3A_263 = arith.constant 0 : index
            %swap3A_264 = tpu.vector_load %arg13[%swap3A_263] {strides = array<i32>} : memref<64xi32, #tpu.memory_space<vmem>>, vector<16xi32>,
            tpu.vector_store %arg13[%swap3A_263], %get3A_262 {strides = array<i32>} : memref<64xi32, #tpu.memory_space<vmem>>, vector<16xi32>,
            %mul3A_265 = arith.constant 64 : i32
            %mul3A_266 = arith.muli %while3A_207, %mul3A_265 : i32
            %add3A_267 = arith.constant 16 : i32
            %add3A_268 = arith.addi %mul3A_266, %add3A_267 : i32
            %get3A_269 = arith.index_cast %add3A_268 : i32 to index
            %get3A_270 = tpu.vector_load %arg9[%get3A_269] {strides = array<i32>} : memref<10176xi32, #tpu.memory_space<vmem>>, vector<16xi32>,
            %swap3A_271 = arith.constant 16 : index
            %swap3A_272 = tpu.vector_load %arg13[%swap3A_271] {strides = array<i32>} : memref<64xi32, #tpu.memory_space<vmem>>, vector<16xi32>,
            tpu.vector_store %arg13[%swap3A_271], %get3A_270 {strides = array<i32>} : memref<64xi32, #tpu.memory_space<vmem>>, vector<16xi32>,
            %mul3A_273 = arith.constant 64 : i32
            %mul3A_274 = arith.muli %while3A_207, %mul3A_273 : i32
            %add3A_275 = arith.constant 32 : i32
            %add3A_276 = arith.addi %mul3A_274, %add3A_275 : i32
            %get3A_277 = arith.index_cast %add3A_276 : i32 to index
            %get3A_278 = tpu.vector_load %arg9[%get3A_277] {strides = array<i32>} : memref<10176xi32, #tpu.memory_space<vmem>>, vector<16xi32>,
            %swap3A_279 = arith.constant 32 : index
            %swap3A_280 = tpu.vector_load %arg13[%swap3A_279] {strides = array<i32>} : memref<64xi32, #tpu.memory_space<vmem>>, vector<16xi32>,
            tpu.vector_store %arg13[%swap3A_279], %get3A_278 {strides = array<i32>} : memref<64xi32, #tpu.memory_space<vmem>>, vector<16xi32>,
            %mul3A_281 = arith.constant 64 : i32
            %mul3A_282 = arith.muli %while3A_207, %mul3A_281 : i32
            %add3A_283 = arith.constant 48 : i32
            %add3A_284 = arith.addi %mul3A_282, %add3A_283 : i32
            %get3A_285 = arith.index_cast %add3A_284 : i32 to index
            %get3A_286 = tpu.vector_load %arg9[%get3A_285] {strides = array<i32>} : memref<10176xi32, #tpu.memory_space<vmem>>, vector<16xi32>,
            %swap3A_287 = arith.constant 48 : index
            %swap3A_288 = tpu.vector_load %arg13[%swap3A_287] {strides = array<i32>} : memref<64xi32, #tpu.memory_space<vmem>>, vector<16xi32>,
            tpu.vector_store %arg13[%swap3A_287], %get3A_286 {strides = array<i32>} : memref<64xi32, #tpu.memory_space<vmem>>, vector<16xi32>,
            "tpu.region"() ({
              %run_scoped3A_293 = tpu.sem_alloc : memref<!tpu.dma_semaphore, #tpu.memory_space<semaphore_mem>>
              %dma_start3A = arith.constant 0 : i32
              %dma_start3A_294 = arith.constant 0 : i32
              %dma_start3A_295 = tpu.memref_slice %arg16[%dma_start3A, %dma_start3A_294] : memref<1024x512xbf16, #tpu.memory_space<vmem_shared>> -> memref<1024x512xbf16, #tpu.memory_space<vmem_shared>>
              tpu.enqueue_indirect_dma source(%arg11 : memref<64x512xbf16, #tpu.memory_space<vmem>>) target(%dma_start3A_295 : memref<1024x512xbf16, #tpu.memory_space<vmem_shared>>) offsets(%arg13 : memref<64xi32, #tpu.memory_space<vmem>>) semaphore(%run_scoped3A_293 : memref<!tpu.dma_semaphore, #tpu.memory_space<semaphore_mem>>) {add = true}
              %dma_wait3A_296 = arith.constant 0 : i32
              %dma_wait3A_297 = arith.constant 0 : i32
              %dma_wait3A_298 = tpu.memref_slice %arg16[%dma_wait3A_296, %dma_wait3A_297] : memref<1024x512xbf16, #tpu.memory_space<vmem_shared>> -> memref<1024x512xbf16, #tpu.memory_space<vmem_shared>>
              tpu.wait_indirect_dma semaphore(%run_scoped3A_293 : memref<!tpu.dma_semaphore, #tpu.memory_space<semaphore_mem>>) src(%arg11 : memref<64x512xbf16, #tpu.memory_space<vmem>>) dst(%dma_wait3A_298 : memref<1024x512xbf16, #tpu.memory_space<vmem_shared>>)
              tpu.yield
            }) : () -> ()
            %lt3A_289 = arith.cmpi slt, %add3A_209, %select_n3A : i32
            %convert_element_type3A_290 = arith.extui %lt3A_289 : i1 to i32
            %cond3A_291 = arith.constant 0 : i32
            %cond3A_292 = arith.cmpi ne, %convert_element_type3A_290, %cond3A_291 : i32
            scf.if %cond3A_292 {
              %mul3A_293 = arith.constant 64 : i32
              %mul3A_294 = arith.muli %add3A_209, %mul3A_293 : i32
              %dma_start3A = tpu.memref_slice %arg8[%mul3A_294] : memref<10176xi32, #tpu.memory_space<vmem>> -> memref<64xi32, #tpu.memory_space<vmem>>
              %dma_start3A_295 = arith.constant 0 : i32
              %dma_start3A_296 = arith.constant 0 : i32
              %dma_start3A_297 = tpu.memref_slice %arg15[%dma_start3A_295, %dma_start3A_296] : memref<2000x512xbf16, #tpu.memory_space<vmem_shared>> -> memref<2000x512xbf16, #tpu.memory_space<vmem_shared>>
              tpu.enqueue_indirect_dma source(%dma_start3A_297 : memref<2000x512xbf16, #tpu.memory_space<vmem_shared>>) target(%arg11 : memref<64x512xbf16, #tpu.memory_space<vmem>>) offsets(%dma_start3A : memref<64xi32, #tpu.memory_space<vmem>>) semaphore(%arg18 : memref<!tpu.dma_semaphore, #tpu.memory_space<semaphore_mem>>)
            } else {
            }
          } else {
          }
        }
        %barrier3A_206 = arith.constant 0 : index
        tpu.barrier barrier_id(%barrier3A_206)
      }
      %scan3A_64 = arith.constant 5 : i32
      %lt3A = arith.constant 15 : i32
      %lt3A_65 = arith.cmpi slt, %arg1, %lt3A : i32
      %convert_element_type3A_66 = arith.extui %lt3A_65 : i1 to i32
      %cond3A = arith.constant 0 : i32
      %cond3A_67 = arith.cmpi ne, %convert_element_type3A_66, %cond3A : i32
      scf.if %cond3A_67 {
        %mul3A_74 = arith.constant 64 : i32
        %mul3A_75 = arith.muli %arg1, %mul3A_74 : i32
        %mul3A_76 = arith.constant 64 : i32
        %mul3A_77 = arith.muli %arg1, %mul3A_76 : i32
        %add3A_78 = arith.addi %mul3A_19, %mul3A_77 : i32
        "tpu.region"() ({
          %run_scoped3A_79 = tpu.sem_alloc : memref<!tpu.dma_semaphore, #tpu.memory_space<semaphore_mem>>
          %dma_start3A = arith.constant 0 : i32
          %dma_start3A_80 = tpu.memref_slice %arg6[%add3A_78, %dma_start3A] : memref<10000x512xbf16, #tpu.memory_space<hbm>> -> memref<64x512xbf16, #tpu.memory_space<hbm>>
          %dma_start3A_81 = arith.constant 0 : i32
          %dma_start3A_82 = tpu.memref_slice %arg16[%mul3A_75, %dma_start3A_81] : memref<1024x512xbf16, #tpu.memory_space<vmem_shared>> -> memref<64x512xbf16, #tpu.memory_space<vmem_shared>>
          tpu.enqueue_dma source(%dma_start3A_82 : memref<64x512xbf16, #tpu.memory_space<vmem_shared>>) target(%dma_start3A_80 : memref<64x512xbf16, #tpu.memory_space<hbm>>) target_semaphore(%run_scoped3A_79 : memref<!tpu.dma_semaphore, #tpu.memory_space<semaphore_mem>>)
          %dma_wait3A = arith.constant 0 : i32
          %dma_wait3A_83 = tpu.memref_slice %arg6[%add3A_78, %dma_wait3A] : memref<10000x512xbf16, #tpu.memory_space<hbm>> -> memref<64x512xbf16, #tpu.memory_space<hbm>>
          %dma_wait3A_84 = arith.constant 0 : i32
          %dma_wait3A_85 = tpu.memref_slice %arg16[%mul3A_75, %dma_wait3A_84] : memref<1024x512xbf16, #tpu.memory_space<vmem_shared>> -> memref<64x512xbf16, #tpu.memory_space<vmem_shared>>
          tpu.wait_dma2 semaphore(%run_scoped3A_79 : memref<!tpu.dma_semaphore, #tpu.memory_space<semaphore_mem>>) src(%dma_wait3A_85 : memref<64x512xbf16, #tpu.memory_space<vmem_shared>>) dst(%dma_wait3A_83 : memref<64x512xbf16, #tpu.memory_space<hbm>>)
          tpu.yield
        }) : () -> ()
      } else {
      }
      %eq3A_68 = arith.constant 15 : i32
      %eq3A_69 = arith.cmpi eq, %arg1, %eq3A_68 : i32
      %convert_element_type3A_70 = arith.extui %eq3A_69 : i1 to i32
      %cond3A_71 = arith.constant 0 : i32
      %cond3A_72 = arith.cmpi ne, %convert_element_type3A_70, %cond3A_71 : i32
      scf.if %cond3A_72 {
        %add3A_74 = arith.constant 960 : i32
        %add3A_75 = arith.addi %mul3A_19, %add3A_74 : i32
        "tpu.region"() ({
          %run_scoped3A_76 = tpu.sem_alloc : memref<!tpu.dma_semaphore, #tpu.memory_space<semaphore_mem>>
          %dma_start3A = arith.constant 0 : i32
          %dma_start3A_77 = tpu.memref_slice %arg6[%add3A_75, %dma_start3A] : memref<10000x512xbf16, #tpu.memory_space<hbm>> -> memref<40x512xbf16, #tpu.memory_space<hbm>>
          %dma_start3A_78 = arith.constant 960 : i32
          %dma_start3A_79 = arith.constant 0 : i32
          %dma_start3A_80 = tpu.memref_slice %arg16[%dma_start3A_78, %dma_start3A_79] : memref<1024x512xbf16, #tpu.memory_space<vmem_shared>> -> memref<40x512xbf16, #tpu.memory_space<vmem_shared>>
          tpu.enqueue_dma source(%dma_start3A_80 : memref<40x512xbf16, #tpu.memory_space<vmem_shared>>) target(%dma_start3A_77 : memref<40x512xbf16, #tpu.memory_space<hbm>>) target_semaphore(%run_scoped3A_76 : memref<!tpu.dma_semaphore, #tpu.memory_space<semaphore_mem>>)
          %dma_wait3A = arith.constant 0 : i32
          %dma_wait3A_81 = tpu.memref_slice %arg6[%add3A_75, %dma_wait3A] : memref<10000x512xbf16, #tpu.memory_space<hbm>> -> memref<40x512xbf16, #tpu.memory_space<hbm>>
          %dma_wait3A_82 = arith.constant 960 : i32
          %dma_wait3A_83 = arith.constant 0 : i32
          %dma_wait3A_84 = tpu.memref_slice %arg16[%dma_wait3A_82, %dma_wait3A_83] : memref<1024x512xbf16, #tpu.memory_space<vmem_shared>> -> memref<40x512xbf16, #tpu.memory_space<vmem_shared>>
          tpu.wait_dma2 semaphore(%run_scoped3A_76 : memref<!tpu.dma_semaphore, #tpu.memory_space<semaphore_mem>>) src(%dma_wait3A_84 : memref<40x512xbf16, #tpu.memory_space<vmem_shared>>) dst(%dma_wait3A_81 : memref<40x512xbf16, #tpu.memory_space<hbm>>)
          tpu.yield
        }) : () -> ()
      } else {
      }
      %barrier3A_73 = arith.constant 0 : index
      tpu.barrier barrier_id(%barrier3A_73)
    }
    %scan3A_13 = arith.constant 5 : i32
    return
  }
}

#map = affine_map<(d0, d1) -> (0, 0)>
#map1 = affine_map<(d0, d1) -> (0, 0, 0, 0)>
module attributes {stable_mosaic.version = 14 : i64} {
  func.func @_segsum_body(%arg0: i32, %arg1: i32, %arg2: memref<10000x512xbf16, #tpu.memory_space<hbm>>, %arg3: memref<32x10x2x5120xi32, #tpu.memory_space<hbm>>, %arg4: memref<32x160xi32, #tpu.memory_space<hbm>>, %arg5: memref<8x512xbf16, #tpu.memory_space<hbm>>, %arg6: memref<10000x512xbf16, #tpu.memory_space<hbm>>, %arg7: memref<2x2x5120xi32, #tpu.memory_space<vmem>>, %arg8: memref<10176xi32, #tpu.memory_space<vmem>>, %arg9: memref<10176xi32, #tpu.memory_space<vmem>>, %arg10: memref<64x512xbf16, #tpu.memory_space<vmem>>, %arg11: memref<64x512xbf16, #tpu.memory_space<vmem>>, %arg12: memref<64xi32, #tpu.memory_space<vmem>>, %arg13: memref<64xi32, #tpu.memory_space<vmem>>, %arg14: memref<320xi32, #tpu.memory_space<vmem>>, %arg15: memref<2000x512xbf16, #tpu.memory_space<vmem_shared>>, %arg16: memref<1024x512xbf16, #tpu.memory_space<vmem_shared>>, %arg17: memref<!tpu.dma_semaphore, #tpu.memory_space<semaphore_mem>>, %arg18: memref<!tpu.dma_semaphore, #tpu.memory_space<semaphore_mem>>) attributes {dimension_semantics = [#tpu.dimension_semantics<core_parallel>, #tpu.dimension_semantics<subcore_parallel>], iteration_bounds = array<i64: 2, 16>, scalar_prefetch = 0 : i64, scratch_operands = 12 : i64, tpu.core_type = #tpu.core_type<sc_vector_subcore>, window_params = [{transform_indices = #map}, {transform_indices = #map1}, {transform_indices = #map}, {transform_indices = #map}, {transform_indices = #map}]} {
    %mul3A = arith.constant 2 : i32
    %mul3A_0 = arith.muli %mul3A, %arg1 : i32
    "tpu.region"() ({
      %run_scoped3A = tpu.sem_alloc : memref<!tpu.dma_semaphore, #tpu.memory_space<semaphore_mem>>
      %dma_start3A = arith.constant 0 : i32
      %dma_start3A_14 = tpu.memref_slice %arg14[%dma_start3A] : memref<320xi32, #tpu.memory_space<vmem>> -> memref<160xi32, #tpu.memory_space<vmem>>
      %dma_start3A_15 = arith.constant 0 : i32
      %dma_start3A_16 = tpu.memref_slice %arg4[%mul3A_0, %dma_start3A_15] : memref<32x160xi32, #tpu.memory_space<hbm>> -> memref<1x160xi32, #tpu.memory_space<hbm>>
      %dma_start3A_17 = tpu.memref_squeeze %dma_start3A_16 : memref<1x160xi32, #tpu.memory_space<hbm>> -> memref<160xi32, #tpu.memory_space<hbm>>
      %dma_start3A_18 = arith.constant 0 : i32
      %dma_start3A_19 = tpu.memref_slice %arg14[%dma_start3A_18] : memref<320xi32, #tpu.memory_space<vmem>> -> memref<160xi32, #tpu.memory_space<vmem>>
      %dma_start3A_20 = arith.constant 0 : i32
      %dma_start3A_21 = tpu.memref_slice %arg4[%mul3A_0, %dma_start3A_20] : memref<32x160xi32, #tpu.memory_space<hbm>> -> memref<1x160xi32, #tpu.memory_space<hbm>>
      %dma_start3A_22 = tpu.memref_squeeze %dma_start3A_21 : memref<1x160xi32, #tpu.memory_space<hbm>> -> memref<160xi32, #tpu.memory_space<hbm>>
      tpu.enqueue_dma source(%dma_start3A_22 : memref<160xi32, #tpu.memory_space<hbm>>) target(%dma_start3A_19 : memref<160xi32, #tpu.memory_space<vmem>>) target_semaphore(%run_scoped3A : memref<!tpu.dma_semaphore, #tpu.memory_space<semaphore_mem>>)
      %dma_wait3A = arith.constant 0 : i32
      %dma_wait3A_23 = tpu.memref_slice %arg14[%dma_wait3A] : memref<320xi32, #tpu.memory_space<vmem>> -> memref<160xi32, #tpu.memory_space<vmem>>
      %dma_wait3A_24 = arith.constant 0 : i32
      %dma_wait3A_25 = tpu.memref_slice %arg4[%mul3A_0, %dma_wait3A_24] : memref<32x160xi32, #tpu.memory_space<hbm>> -> memref<1x160xi32, #tpu.memory_space<hbm>>
      %dma_wait3A_26 = tpu.memref_squeeze %dma_wait3A_25 : memref<1x160xi32, #tpu.memory_space<hbm>> -> memref<160xi32, #tpu.memory_space<hbm>>
      %dma_wait3A_27 = arith.constant 0 : i32
      %dma_wait3A_28 = tpu.memref_slice %arg14[%dma_wait3A_27] : memref<320xi32, #tpu.memory_space<vmem>> -> memref<160xi32, #tpu.memory_space<vmem>>
      %dma_wait3A_29 = arith.constant 0 : i32
      %dma_wait3A_30 = tpu.memref_slice %arg4[%mul3A_0, %dma_wait3A_29] : memref<32x160xi32, #tpu.memory_space<hbm>> -> memref<1x160xi32, #tpu.memory_space<hbm>>
      %dma_wait3A_31 = tpu.memref_squeeze %dma_wait3A_30 : memref<1x160xi32, #tpu.memory_space<hbm>> -> memref<160xi32, #tpu.memory_space<hbm>>
      tpu.wait_dma2 semaphore(%run_scoped3A : memref<!tpu.dma_semaphore, #tpu.memory_space<semaphore_mem>>) src(%dma_wait3A_31 : memref<160xi32, #tpu.memory_space<hbm>>) dst(%dma_wait3A_28 : memref<160xi32, #tpu.memory_space<vmem>>)
      tpu.yield
    }) : () -> ()
    %mul3A_1 = arith.constant 2 : i32
    %mul3A_2 = arith.muli %mul3A_1, %arg1 : i32
    %add3A = arith.constant 1 : i32
    %add3A_3 = arith.addi %mul3A_2, %add3A : i32
    "tpu.region"() ({
      %run_scoped3A = tpu.sem_alloc : memref<!tpu.dma_semaphore, #tpu.memory_space<semaphore_mem>>
      %dma_start3A = arith.constant 160 : i32
      %dma_start3A_14 = tpu.memref_slice %arg14[%dma_start3A] : memref<320xi32, #tpu.memory_space<vmem>> -> memref<160xi32, #tpu.memory_space<vmem>>
      %dma_start3A_15 = arith.constant 0 : i32
      %dma_start3A_16 = tpu.memref_slice %arg4[%add3A_3, %dma_start3A_15] : memref<32x160xi32, #tpu.memory_space<hbm>> -> memref<1x160xi32, #tpu.memory_space<hbm>>
      %dma_start3A_17 = tpu.memref_squeeze %dma_start3A_16 : memref<1x160xi32, #tpu.memory_space<hbm>> -> memref<160xi32, #tpu.memory_space<hbm>>
      %dma_start3A_18 = arith.constant 160 : i32
      %dma_start3A_19 = tpu.memref_slice %arg14[%dma_start3A_18] : memref<320xi32, #tpu.memory_space<vmem>> -> memref<160xi32, #tpu.memory_space<vmem>>
      %dma_start3A_20 = arith.constant 0 : i32
      %dma_start3A_21 = tpu.memref_slice %arg4[%add3A_3, %dma_start3A_20] : memref<32x160xi32, #tpu.memory_space<hbm>> -> memref<1x160xi32, #tpu.memory_space<hbm>>
      %dma_start3A_22 = tpu.memref_squeeze %dma_start3A_21 : memref<1x160xi32, #tpu.memory_space<hbm>> -> memref<160xi32, #tpu.memory_space<hbm>>
      tpu.enqueue_dma source(%dma_start3A_22 : memref<160xi32, #tpu.memory_space<hbm>>) target(%dma_start3A_19 : memref<160xi32, #tpu.memory_space<vmem>>) target_semaphore(%run_scoped3A : memref<!tpu.dma_semaphore, #tpu.memory_space<semaphore_mem>>)
      %dma_wait3A = arith.constant 160 : i32
      %dma_wait3A_23 = tpu.memref_slice %arg14[%dma_wait3A] : memref<320xi32, #tpu.memory_space<vmem>> -> memref<160xi32, #tpu.memory_space<vmem>>
      %dma_wait3A_24 = arith.constant 0 : i32
      %dma_wait3A_25 = tpu.memref_slice %arg4[%add3A_3, %dma_wait3A_24] : memref<32x160xi32, #tpu.memory_space<hbm>> -> memref<1x160xi32, #tpu.memory_space<hbm>>
      %dma_wait3A_26 = tpu.memref_squeeze %dma_wait3A_25 : memref<1x160xi32, #tpu.memory_space<hbm>> -> memref<160xi32, #tpu.memory_space<hbm>>
      %dma_wait3A_27 = arith.constant 160 : i32
      %dma_wait3A_28 = tpu.memref_slice %arg14[%dma_wait3A_27] : memref<320xi32, #tpu.memory_space<vmem>> -> memref<160xi32, #tpu.memory_space<vmem>>
      %dma_wait3A_29 = arith.constant 0 : i32
      %dma_wait3A_30 = tpu.memref_slice %arg4[%add3A_3, %dma_wait3A_29] : memref<32x160xi32, #tpu.memory_space<hbm>> -> memref<1x160xi32, #tpu.memory_space<hbm>>
      %dma_wait3A_31 = tpu.memref_squeeze %dma_wait3A_30 : memref<1x160xi32, #tpu.memory_space<hbm>> -> memref<160xi32, #tpu.memory_space<hbm>>
      tpu.wait_dma2 semaphore(%run_scoped3A : memref<!tpu.dma_semaphore, #tpu.memory_space<semaphore_mem>>) src(%dma_wait3A_31 : memref<160xi32, #tpu.memory_space<hbm>>) dst(%dma_wait3A_28 : memref<160xi32, #tpu.memory_space<vmem>>)
      tpu.yield
    }) : () -> ()
    %iota3A = tpu.iota {dimensions = array<i32: 0>} : vector<16xi32>
    %eq3A = arith.constant 0 : i32
    %eq3A_4 = vector.broadcast %eq3A : i32 to vector<16xi32>
    %eq3A_5 = arith.cmpi eq, %iota3A, %eq3A_4 : vector<16xi32>
    %convert_element_type3A = arith.extui %eq3A_5 : vector<16xi1> to vector<16xi32>
    %broadcast_in_dim3A = arith.constant 1016 : i32
    %broadcast_in_dim3A_6 = vector.broadcast %broadcast_in_dim3A : i32 to vector<16xi32>
    %broadcast_in_dim3A_7 = arith.constant 0 : i32
    %broadcast_in_dim3A_8 = vector.broadcast %broadcast_in_dim3A_7 : i32 to vector<16xi32>
    %scan3A = arith.constant 0 : i32
    %scan3A_9 = arith.constant 0 : i32
    %scan3A_10 = arith.constant 5 : i32
    %scan3A_11 = arith.addi %scan3A_9, %scan3A_10 : i32
    %scan3A_12 = arith.constant 1 : i32
    scf.for %scan3A_14 = %scan3A_9 to %scan3A_11 step %scan3A_12  : i32 {
      %mul3A_15 = arith.constant 5 : i32
      %mul3A_16 = arith.muli %arg0, %mul3A_15 : i32
      %add3A_17 = arith.addi %mul3A_16, %scan3A_14 : i32
      %mul3A_18 = arith.constant 1000 : i32
      %mul3A_19 = arith.muli %add3A_17, %mul3A_18 : i32
      %mul3A_20 = arith.constant 2 : i32
      %mul3A_21 = arith.muli %mul3A_20, %arg1 : i32
      %run_scoped3A = arith.constant 0 : i32
      "tpu.region"() ({
        %run_scoped3A_74 = tpu.sem_alloc : memref<!tpu.dma_semaphore, #tpu.memory_space<semaphore_mem>>
        %dma_start3A = arith.constant 0 : i32
        %dma_start3A_75 = arith.constant 0 : i32
        %dma_start3A_76 = tpu.memref_slice %arg7[%run_scoped3A, %dma_start3A, %dma_start3A_75] : memref<2x2x5120xi32, #tpu.memory_space<vmem>> -> memref<1x2x5120xi32, #tpu.memory_space<vmem>>
        %dma_start3A_77 = tpu.memref_squeeze %dma_start3A_76 : memref<1x2x5120xi32, #tpu.memory_space<vmem>> -> memref<2x5120xi32, #tpu.memory_space<vmem>>
        %dma_start3A_78 = arith.constant 0 : i32
        %dma_start3A_79 = arith.constant 0 : i32
        %dma_start3A_80 = tpu.memref_slice %arg3[%mul3A_21, %add3A_17, %dma_start3A_78, %dma_start3A_79] : memref<32x10x2x5120xi32, #tpu.memory_space<hbm>> -> memref<1x1x2x5120xi32, #tpu.memory_space<hbm>>
        %dma_start3A_81 = tpu.memref_squeeze %dma_start3A_80 : memref<1x1x2x5120xi32, #tpu.memory_space<hbm>> -> memref<2x5120xi32, #tpu.memory_space<hbm>>
        %dma_start3A_82 = arith.constant 0 : i32
        %dma_start3A_83 = arith.constant 0 : i32
        %dma_start3A_84 = tpu.memref_slice %arg7[%run_scoped3A, %dma_start3A_82, %dma_start3A_83] : memref<2x2x5120xi32, #tpu.memory_space<vmem>> -> memref<1x2x5120xi32, #tpu.memory_space<vmem>>
        %dma_start3A_85 = tpu.memref_squeeze %dma_start3A_84 : memref<1x2x5120xi32, #tpu.memory_space<vmem>> -> memref<2x5120xi32, #tpu.memory_space<vmem>>
        %dma_start3A_86 = arith.constant 0 : i32
        %dma_start3A_87 = arith.constant 0 : i32
        %dma_start3A_88 = tpu.memref_slice %arg3[%mul3A_21, %add3A_17, %dma_start3A_86, %dma_start3A_87] : memref<32x10x2x5120xi32, #tpu.memory_space<hbm>> -> memref<1x1x2x5120xi32, #tpu.memory_space<hbm>>
        %dma_start3A_89 = tpu.memref_squeeze %dma_start3A_88 : memref<1x1x2x5120xi32, #tpu.memory_space<hbm>> -> memref<2x5120xi32, #tpu.memory_space<hbm>>
        tpu.enqueue_dma source(%dma_start3A_89 : memref<2x5120xi32, #tpu.memory_space<hbm>>) target(%dma_start3A_85 : memref<2x5120xi32, #tpu.memory_space<vmem>>) target_semaphore(%run_scoped3A_74 : memref<!tpu.dma_semaphore, #tpu.memory_space<semaphore_mem>>)
        %dma_wait3A = arith.constant 0 : i32
        %dma_wait3A_90 = arith.constant 0 : i32
        %dma_wait3A_91 = tpu.memref_slice %arg7[%run_scoped3A, %dma_wait3A, %dma_wait3A_90] : memref<2x2x5120xi32, #tpu.memory_space<vmem>> -> memref<1x2x5120xi32, #tpu.memory_space<vmem>>
        %dma_wait3A_92 = tpu.memref_squeeze %dma_wait3A_91 : memref<1x2x5120xi32, #tpu.memory_space<vmem>> -> memref<2x5120xi32, #tpu.memory_space<vmem>>
        %dma_wait3A_93 = arith.constant 0 : i32
        %dma_wait3A_94 = arith.constant 0 : i32
        %dma_wait3A_95 = tpu.memref_slice %arg3[%mul3A_21, %add3A_17, %dma_wait3A_93, %dma_wait3A_94] : memref<32x10x2x5120xi32, #tpu.memory_space<hbm>> -> memref<1x1x2x5120xi32, #tpu.memory_space<hbm>>
        %dma_wait3A_96 = tpu.memref_squeeze %dma_wait3A_95 : memref<1x1x2x5120xi32, #tpu.memory_space<hbm>> -> memref<2x5120xi32, #tpu.memory_space<hbm>>
        %dma_wait3A_97 = arith.constant 0 : i32
        %dma_wait3A_98 = arith.constant 0 : i32
        %dma_wait3A_99 = tpu.memref_slice %arg7[%run_scoped3A, %dma_wait3A_97, %dma_wait3A_98] : memref<2x2x5120xi32, #tpu.memory_space<vmem>> -> memref<1x2x5120xi32, #tpu.memory_space<vmem>>
        %dma_wait3A_100 = tpu.memref_squeeze %dma_wait3A_99 : memref<1x2x5120xi32, #tpu.memory_space<vmem>> -> memref<2x5120xi32, #tpu.memory_space<vmem>>
        %dma_wait3A_101 = arith.constant 0 : i32
        %dma_wait3A_102 = arith.constant 0 : i32
        %dma_wait3A_103 = tpu.memref_slice %arg3[%mul3A_21, %add3A_17, %dma_wait3A_101, %dma_wait3A_102] : memref<32x10x2x5120xi32, #tpu.memory_space<hbm>> -> memref<1x1x2x5120xi32, #tpu.memory_space<hbm>>
        %dma_wait3A_104 = tpu.memref_squeeze %dma_wait3A_103 : memref<1x1x2x5120xi32, #tpu.memory_space<hbm>> -> memref<2x5120xi32, #tpu.memory_space<hbm>>
        tpu.wait_dma2 semaphore(%run_scoped3A_74 : memref<!tpu.dma_semaphore, #tpu.memory_space<semaphore_mem>>) src(%dma_wait3A_104 : memref<2x5120xi32, #tpu.memory_space<hbm>>) dst(%dma_wait3A_100 : memref<2x5120xi32, #tpu.memory_space<vmem>>)
        tpu.yield
      }) : () -> ()
      %mul3A_22 = arith.constant 2 : i32
      %mul3A_23 = arith.muli %mul3A_22, %arg1 : i32
      %add3A_24 = arith.constant 1 : i32
      %add3A_25 = arith.addi %mul3A_23, %add3A_24 : i32
      %run_scoped3A_26 = arith.constant 1 : i32
      "tpu.region"() ({
        %run_scoped3A_74 = tpu.sem_alloc : memref<!tpu.dma_semaphore, #tpu.memory_space<semaphore_mem>>
        %dma_start3A = arith.constant 0 : i32
        %dma_start3A_75 = arith.constant 0 : i32
        %dma_start3A_76 = tpu.memref_slice %arg7[%run_scoped3A_26, %dma_start3A, %dma_start3A_75] : memref<2x2x5120xi32, #tpu.memory_space<vmem>> -> memref<1x2x5120xi32, #tpu.memory_space<vmem>>
        %dma_start3A_77 = tpu.memref_squeeze %dma_start3A_76 : memref<1x2x5120xi32, #tpu.memory_space<vmem>> -> memref<2x5120xi32, #tpu.memory_space<vmem>>
        %dma_start3A_78 = arith.constant 0 : i32
        %dma_start3A_79 = arith.constant 0 : i32
        %dma_start3A_80 = tpu.memref_slice %arg3[%add3A_25, %add3A_17, %dma_start3A_78, %dma_start3A_79] : memref<32x10x2x5120xi32, #tpu.memory_space<hbm>> -> memref<1x1x2x5120xi32, #tpu.memory_space<hbm>>
        %dma_start3A_81 = tpu.memref_squeeze %dma_start3A_80 : memref<1x1x2x5120xi32, #tpu.memory_space<hbm>> -> memref<2x5120xi32, #tpu.memory_space<hbm>>
        %dma_start3A_82 = arith.constant 0 : i32
        %dma_start3A_83 = arith.constant 0 : i32
        %dma_start3A_84 = tpu.memref_slice %arg7[%run_scoped3A_26, %dma_start3A_82, %dma_start3A_83] : memref<2x2x5120xi32, #tpu.memory_space<vmem>> -> memref<1x2x5120xi32, #tpu.memory_space<vmem>>
        %dma_start3A_85 = tpu.memref_squeeze %dma_start3A_84 : memref<1x2x5120xi32, #tpu.memory_space<vmem>> -> memref<2x5120xi32, #tpu.memory_space<vmem>>
        %dma_start3A_86 = arith.constant 0 : i32
        %dma_start3A_87 = arith.constant 0 : i32
        %dma_start3A_88 = tpu.memref_slice %arg3[%add3A_25, %add3A_17, %dma_start3A_86, %dma_start3A_87] : memref<32x10x2x5120xi32, #tpu.memory_space<hbm>> -> memref<1x1x2x5120xi32, #tpu.memory_space<hbm>>
        %dma_start3A_89 = tpu.memref_squeeze %dma_start3A_88 : memref<1x1x2x5120xi32, #tpu.memory_space<hbm>> -> memref<2x5120xi32, #tpu.memory_space<hbm>>
        tpu.enqueue_dma source(%dma_start3A_89 : memref<2x5120xi32, #tpu.memory_space<hbm>>) target(%dma_start3A_85 : memref<2x5120xi32, #tpu.memory_space<vmem>>) target_semaphore(%run_scoped3A_74 : memref<!tpu.dma_semaphore, #tpu.memory_space<semaphore_mem>>)
        %dma_wait3A = arith.constant 0 : i32
        %dma_wait3A_90 = arith.constant 0 : i32
        %dma_wait3A_91 = tpu.memref_slice %arg7[%run_scoped3A_26, %dma_wait3A, %dma_wait3A_90] : memref<2x2x5120xi32, #tpu.memory_space<vmem>> -> memref<1x2x5120xi32, #tpu.memory_space<vmem>>
        %dma_wait3A_92 = tpu.memref_squeeze %dma_wait3A_91 : memref<1x2x5120xi32, #tpu.memory_space<vmem>> -> memref<2x5120xi32, #tpu.memory_space<vmem>>
        %dma_wait3A_93 = arith.constant 0 : i32
        %dma_wait3A_94 = arith.constant 0 : i32
        %dma_wait3A_95 = tpu.memref_slice %arg3[%add3A_25, %add3A_17, %dma_wait3A_93, %dma_wait3A_94] : memref<32x10x2x5120xi32, #tpu.memory_space<hbm>> -> memref<1x1x2x5120xi32, #tpu.memory_space<hbm>>
        %dma_wait3A_96 = tpu.memref_squeeze %dma_wait3A_95 : memref<1x1x2x5120xi32, #tpu.memory_space<hbm>> -> memref<2x5120xi32, #tpu.memory_space<hbm>>
        %dma_wait3A_97 = arith.constant 0 : i32
        %dma_wait3A_98 = arith.constant 0 : i32
        %dma_wait3A_99 = tpu.memref_slice %arg7[%run_scoped3A_26, %dma_wait3A_97, %dma_wait3A_98] : memref<2x2x5120xi32, #tpu.memory_space<vmem>> -> memref<1x2x5120xi32, #tpu.memory_space<vmem>>
        %dma_wait3A_100 = tpu.memref_squeeze %dma_wait3A_99 : memref<1x2x5120xi32, #tpu.memory_space<vmem>> -> memref<2x5120xi32, #tpu.memory_space<vmem>>
        %dma_wait3A_101 = arith.constant 0 : i32
        %dma_wait3A_102 = arith.constant 0 : i32
        %dma_wait3A_103 = tpu.memref_slice %arg3[%add3A_25, %add3A_17, %dma_wait3A_101, %dma_wait3A_102] : memref<32x10x2x5120xi32, #tpu.memory_space<hbm>> -> memref<1x1x2x5120xi32, #tpu.memory_space<hbm>>
        %dma_wait3A_104 = tpu.memref_squeeze %dma_wait3A_103 : memref<1x1x2x5120xi32, #tpu.memory_space<hbm>> -> memref<2x5120xi32, #tpu.memory_space<hbm>>
        tpu.wait_dma2 semaphore(%run_scoped3A_74 : memref<!tpu.dma_semaphore, #tpu.memory_space<semaphore_mem>>) src(%dma_wait3A_104 : memref<2x5120xi32, #tpu.memory_space<hbm>>) dst(%dma_wait3A_100 : memref<2x5120xi32, #tpu.memory_space<vmem>>)
        tpu.yield
      }) : () -> ()
      %mul3A_27 = arith.constant 64 : i32
      %mul3A_28 = arith.muli %arg1, %mul3A_27 : i32
      %add3A_29 = arith.constant 0 : i32
      %add3A_30 = arith.addi %mul3A_28, %add3A_29 : i32
      "tpu.region"() ({
        %run_scoped3A_74 = tpu.sem_alloc : memref<!tpu.dma_semaphore, #tpu.memory_space<semaphore_mem>>
        %dma_start3A = arith.constant 0 : i32
        %dma_start3A_75 = tpu.memref_slice %arg16[%add3A_30, %dma_start3A] : memref<1024x512xbf16, #tpu.memory_space<vmem_shared>> -> memref<8x512xbf16, #tpu.memory_space<vmem_shared>>
        tpu.enqueue_dma source(%arg5 : memref<8x512xbf16, #tpu.memory_space<hbm>>) target(%dma_start3A_75 : memref<8x512xbf16, #tpu.memory_space<vmem_shared>>) target_semaphore(%run_scoped3A_74 : memref<!tpu.dma_semaphore, #tpu.memory_space<semaphore_mem>>)
        %dma_wait3A = arith.constant 0 : i32
        %dma_wait3A_76 = tpu.memref_slice %arg16[%add3A_30, %dma_wait3A] : memref<1024x512xbf16, #tpu.memory_space<vmem_shared>> -> memref<8x512xbf16, #tpu.memory_space<vmem_shared>>
        tpu.wait_dma2 semaphore(%run_scoped3A_74 : memref<!tpu.dma_semaphore, #tpu.memory_space<semaphore_mem>>) src(%arg5 : memref<8x512xbf16, #tpu.memory_space<hbm>>) dst(%dma_wait3A_76 : memref<8x512xbf16, #tpu.memory_space<vmem_shared>>)
        tpu.yield
      }) : () -> ()
      %mul3A_31 = arith.constant 64 : i32
      %mul3A_32 = arith.muli %arg1, %mul3A_31 : i32
      %add3A_33 = arith.constant 8 : i32
      %add3A_34 = arith.addi %mul3A_32, %add3A_33 : i32
      "tpu.region"() ({
        %run_scoped3A_74 = tpu.sem_alloc : memref<!tpu.dma_semaphore, #tpu.memory_space<semaphore_mem>>
        %dma_start3A = arith.constant 0 : i32
        %dma_start3A_75 = tpu.memref_slice %arg16[%add3A_34, %dma_start3A] : memref<1024x512xbf16, #tpu.memory_space<vmem_shared>> -> memref<8x512xbf16, #tpu.memory_space<vmem_shared>>
        tpu.enqueue_dma source(%arg5 : memref<8x512xbf16, #tpu.memory_space<hbm>>) target(%dma_start3A_75 : memref<8x512xbf16, #tpu.memory_space<vmem_shared>>) target_semaphore(%run_scoped3A_74 : memref<!tpu.dma_semaphore, #tpu.memory_space<semaphore_mem>>)
        %dma_wait3A = arith.constant 0 : i32
        %dma_wait3A_76 = tpu.memref_slice %arg16[%add3A_34, %dma_wait3A] : memref<1024x512xbf16, #tpu.memory_space<vmem_shared>> -> memref<8x512xbf16, #tpu.memory_space<vmem_shared>>
        tpu.wait_dma2 semaphore(%run_scoped3A_74 : memref<!tpu.dma_semaphore, #tpu.memory_space<semaphore_mem>>) src(%arg5 : memref<8x512xbf16, #tpu.memory_space<hbm>>) dst(%dma_wait3A_76 : memref<8x512xbf16, #tpu.memory_space<vmem_shared>>)
        tpu.yield
      }) : () -> ()
      %mul3A_35 = arith.constant 64 : i32
      %mul3A_36 = arith.muli %arg1, %mul3A_35 : i32
      %add3A_37 = arith.constant 16 : i32
      %add3A_38 = arith.addi %mul3A_36, %add3A_37 : i32
      "tpu.region"() ({
        %run_scoped3A_74 = tpu.sem_alloc : memref<!tpu.dma_semaphore, #tpu.memory_space<semaphore_mem>>
        %dma_start3A = arith.constant 0 : i32
        %dma_start3A_75 = tpu.memref_slice %arg16[%add3A_38, %dma_start3A] : memref<1024x512xbf16, #tpu.memory_space<vmem_shared>> -> memref<8x512xbf16, #tpu.memory_space<vmem_shared>>
        tpu.enqueue_dma source(%arg5 : memref<8x512xbf16, #tpu.memory_space<hbm>>) target(%dma_start3A_75 : memref<8x512xbf16, #tpu.memory_space<vmem_shared>>) target_semaphore(%run_scoped3A_74 : memref<!tpu.dma_semaphore, #tpu.memory_space<semaphore_mem>>)
        %dma_wait3A = arith.constant 0 : i32
        %dma_wait3A_76 = tpu.memref_slice %arg16[%add3A_38, %dma_wait3A] : memref<1024x512xbf16, #tpu.memory_space<vmem_shared>> -> memref<8x512xbf16, #tpu.memory_space<vmem_shared>>
        tpu.wait_dma2 semaphore(%run_scoped3A_74 : memref<!tpu.dma_semaphore, #tpu.memory_space<semaphore_mem>>) src(%arg5 : memref<8x512xbf16, #tpu.memory_space<hbm>>) dst(%dma_wait3A_76 : memref<8x512xbf16, #tpu.memory_space<vmem_shared>>)
        tpu.yield
      }) : () -> ()
      %mul3A_39 = arith.constant 64 : i32
      %mul3A_40 = arith.muli %arg1, %mul3A_39 : i32
      %add3A_41 = arith.constant 24 : i32
      %add3A_42 = arith.addi %mul3A_40, %add3A_41 : i32
      "tpu.region"() ({
        %run_scoped3A_74 = tpu.sem_alloc : memref<!tpu.dma_semaphore, #tpu.memory_space<semaphore_mem>>
        %dma_start3A = arith.constant 0 : i32
        %dma_start3A_75 = tpu.memref_slice %arg16[%add3A_42, %dma_start3A] : memref<1024x512xbf16, #tpu.memory_space<vmem_shared>> -> memref<8x512xbf16, #tpu.memory_space<vmem_shared>>
        tpu.enqueue_dma source(%arg5 : memref<8x512xbf16, #tpu.memory_space<hbm>>) target(%dma_start3A_75 : memref<8x512xbf16, #tpu.memory_space<vmem_shared>>) target_semaphore(%run_scoped3A_74 : memref<!tpu.dma_semaphore, #tpu.memory_space<semaphore_mem>>)
        %dma_wait3A = arith.constant 0 : i32
        %dma_wait3A_76 = tpu.memref_slice %arg16[%add3A_42, %dma_wait3A] : memref<1024x512xbf16, #tpu.memory_space<vmem_shared>> -> memref<8x512xbf16, #tpu.memory_space<vmem_shared>>
        tpu.wait_dma2 semaphore(%run_scoped3A_74 : memref<!tpu.dma_semaphore, #tpu.memory_space<semaphore_mem>>) src(%arg5 : memref<8x512xbf16, #tpu.memory_space<hbm>>) dst(%dma_wait3A_76 : memref<8x512xbf16, #tpu.memory_space<vmem_shared>>)
        tpu.yield
      }) : () -> ()
      %mul3A_43 = arith.constant 64 : i32
      %mul3A_44 = arith.muli %arg1, %mul3A_43 : i32
      %add3A_45 = arith.constant 32 : i32
      %add3A_46 = arith.addi %mul3A_44, %add3A_45 : i32
      "tpu.region"() ({
        %run_scoped3A_74 = tpu.sem_alloc : memref<!tpu.dma_semaphore, #tpu.memory_space<semaphore_mem>>
        %dma_start3A = arith.constant 0 : i32
        %dma_start3A_75 = tpu.memref_slice %arg16[%add3A_46, %dma_start3A] : memref<1024x512xbf16, #tpu.memory_space<vmem_shared>> -> memref<8x512xbf16, #tpu.memory_space<vmem_shared>>
        tpu.enqueue_dma source(%arg5 : memref<8x512xbf16, #tpu.memory_space<hbm>>) target(%dma_start3A_75 : memref<8x512xbf16, #tpu.memory_space<vmem_shared>>) target_semaphore(%run_scoped3A_74 : memref<!tpu.dma_semaphore, #tpu.memory_space<semaphore_mem>>)
        %dma_wait3A = arith.constant 0 : i32
        %dma_wait3A_76 = tpu.memref_slice %arg16[%add3A_46, %dma_wait3A] : memref<1024x512xbf16, #tpu.memory_space<vmem_shared>> -> memref<8x512xbf16, #tpu.memory_space<vmem_shared>>
        tpu.wait_dma2 semaphore(%run_scoped3A_74 : memref<!tpu.dma_semaphore, #tpu.memory_space<semaphore_mem>>) src(%arg5 : memref<8x512xbf16, #tpu.memory_space<hbm>>) dst(%dma_wait3A_76 : memref<8x512xbf16, #tpu.memory_space<vmem_shared>>)
        tpu.yield
      }) : () -> ()
      %mul3A_47 = arith.constant 64 : i32
      %mul3A_48 = arith.muli %arg1, %mul3A_47 : i32
      %add3A_49 = arith.constant 40 : i32
      %add3A_50 = arith.addi %mul3A_48, %add3A_49 : i32
      "tpu.region"() ({
        %run_scoped3A_74 = tpu.sem_alloc : memref<!tpu.dma_semaphore, #tpu.memory_space<semaphore_mem>>
        %dma_start3A = arith.constant 0 : i32
        %dma_start3A_75 = tpu.memref_slice %arg16[%add3A_50, %dma_start3A] : memref<1024x512xbf16, #tpu.memory_space<vmem_shared>> -> memref<8x512xbf16, #tpu.memory_space<vmem_shared>>
        tpu.enqueue_dma source(%arg5 : memref<8x512xbf16, #tpu.memory_space<hbm>>) target(%dma_start3A_75 : memref<8x512xbf16, #tpu.memory_space<vmem_shared>>) target_semaphore(%run_scoped3A_74 : memref<!tpu.dma_semaphore, #tpu.memory_space<semaphore_mem>>)
        %dma_wait3A = arith.constant 0 : i32
        %dma_wait3A_76 = tpu.memref_slice %arg16[%add3A_50, %dma_wait3A] : memref<1024x512xbf16, #tpu.memory_space<vmem_shared>> -> memref<8x512xbf16, #tpu.memory_space<vmem_shared>>
        tpu.wait_dma2 semaphore(%run_scoped3A_74 : memref<!tpu.dma_semaphore, #tpu.memory_space<semaphore_mem>>) src(%arg5 : memref<8x512xbf16, #tpu.memory_space<hbm>>) dst(%dma_wait3A_76 : memref<8x512xbf16, #tpu.memory_space<vmem_shared>>)
        tpu.yield
      }) : () -> ()
      %mul3A_51 = arith.constant 64 : i32
      %mul3A_52 = arith.muli %arg1, %mul3A_51 : i32
      %add3A_53 = arith.constant 48 : i32
      %add3A_54 = arith.addi %mul3A_52, %add3A_53 : i32
      "tpu.region"() ({
        %run_scoped3A_74 = tpu.sem_alloc : memref<!tpu.dma_semaphore, #tpu.memory_space<semaphore_mem>>
        %dma_start3A = arith.constant 0 : i32
        %dma_start3A_75 = tpu.memref_slice %arg16[%add3A_54, %dma_start3A] : memref<1024x512xbf16, #tpu.memory_space<vmem_shared>> -> memref<8x512xbf16, #tpu.memory_space<vmem_shared>>
        tpu.enqueue_dma source(%arg5 : memref<8x512xbf16, #tpu.memory_space<hbm>>) target(%dma_start3A_75 : memref<8x512xbf16, #tpu.memory_space<vmem_shared>>) target_semaphore(%run_scoped3A_74 : memref<!tpu.dma_semaphore, #tpu.memory_space<semaphore_mem>>)
        %dma_wait3A = arith.constant 0 : i32
        %dma_wait3A_76 = tpu.memref_slice %arg16[%add3A_54, %dma_wait3A] : memref<1024x512xbf16, #tpu.memory_space<vmem_shared>> -> memref<8x512xbf16, #tpu.memory_space<vmem_shared>>
        tpu.wait_dma2 semaphore(%run_scoped3A_74 : memref<!tpu.dma_semaphore, #tpu.memory_space<semaphore_mem>>) src(%arg5 : memref<8x512xbf16, #tpu.memory_space<hbm>>) dst(%dma_wait3A_76 : memref<8x512xbf16, #tpu.memory_space<vmem_shared>>)
        tpu.yield
      }) : () -> ()
      %mul3A_55 = arith.constant 64 : i32
      %mul3A_56 = arith.muli %arg1, %mul3A_55 : i32
      %add3A_57 = arith.constant 56 : i32
      %add3A_58 = arith.addi %mul3A_56, %add3A_57 : i32
      "tpu.region"() ({
        %run_scoped3A_74 = tpu.sem_alloc : memref<!tpu.dma_semaphore, #tpu.memory_space<semaphore_mem>>
        %dma_start3A = arith.constant 0 : i32
        %dma_start3A_75 = tpu.memref_slice %arg16[%add3A_58, %dma_start3A] : memref<1024x512xbf16, #tpu.memory_space<vmem_shared>> -> memref<8x512xbf16, #tpu.memory_space<vmem_shared>>
        tpu.enqueue_dma source(%arg5 : memref<8x512xbf16, #tpu.memory_space<hbm>>) target(%dma_start3A_75 : memref<8x512xbf16, #tpu.memory_space<vmem_shared>>) target_semaphore(%run_scoped3A_74 : memref<!tpu.dma_semaphore, #tpu.memory_space<semaphore_mem>>)
        %dma_wait3A = arith.constant 0 : i32
        %dma_wait3A_76 = tpu.memref_slice %arg16[%add3A_58, %dma_wait3A] : memref<1024x512xbf16, #tpu.memory_space<vmem_shared>> -> memref<8x512xbf16, #tpu.memory_space<vmem_shared>>
        tpu.wait_dma2 semaphore(%run_scoped3A_74 : memref<!tpu.dma_semaphore, #tpu.memory_space<semaphore_mem>>) src(%arg5 : memref<8x512xbf16, #tpu.memory_space<hbm>>) dst(%dma_wait3A_76 : memref<8x512xbf16, #tpu.memory_space<vmem_shared>>)
        tpu.yield
      }) : () -> ()
      %barrier3A = arith.constant 0 : index
      tpu.barrier barrier_id(%barrier3A)
      %scan3A_59 = arith.constant 0 : i32
      %scan3A_60 = arith.constant 0 : i32
      %scan3A_61 = arith.constant 5 : i32
      %scan3A_62 = arith.addi %scan3A_60, %scan3A_61 : i32
      %scan3A_63 = arith.constant 1 : i32
      scf.for %scan3A_74 = %scan3A_60 to %scan3A_62 step %scan3A_63  : i32 {
        %lt3A_75 = arith.constant 15 : i32
        %lt3A_76 = arith.cmpi slt, %arg1, %lt3A_75 : i32
        %convert_element_type3A_77 = arith.extui %lt3A_76 : i1 to i32
        %cond3A_78 = arith.constant 0 : i32
        %cond3A_79 = arith.cmpi ne, %convert_element_type3A_77, %cond3A_78 : i32
        scf.if %cond3A_79 {
          %mul3A_207 = arith.constant 2000 : i32
          %mul3A_208 = arith.muli %scan3A_74, %mul3A_207 : i32
          %mul3A_209 = arith.constant 128 : i32
          %mul3A_210 = arith.muli %arg1, %mul3A_209 : i32
          %add3A_211 = arith.addi %mul3A_208, %mul3A_210 : i32
          %mul3A_212 = arith.constant 128 : i32
          %mul3A_213 = arith.muli %arg1, %mul3A_212 : i32
          "tpu.region"() ({
            %run_scoped3A_214 = tpu.sem_alloc : memref<!tpu.dma_semaphore, #tpu.memory_space<semaphore_mem>>
            %dma_start3A = arith.constant 0 : i32
            %dma_start3A_215 = tpu.memref_slice %arg15[%mul3A_213, %dma_start3A] : memref<2000x512xbf16, #tpu.memory_space<vmem_shared>> -> memref<128x512xbf16, #tpu.memory_space<vmem_shared>>
            %dma_start3A_216 = arith.constant 0 : i32
            %dma_start3A_217 = tpu.memref_slice %arg2[%add3A_211, %dma_start3A_216] : memref<10000x512xbf16, #tpu.memory_space<hbm>> -> memref<128x512xbf16, #tpu.memory_space<hbm>>
            tpu.enqueue_dma source(%dma_start3A_217 : memref<128x512xbf16, #tpu.memory_space<hbm>>) target(%dma_start3A_215 : memref<128x512xbf16, #tpu.memory_space<vmem_shared>>) target_semaphore(%run_scoped3A_214 : memref<!tpu.dma_semaphore, #tpu.memory_space<semaphore_mem>>)
            %dma_wait3A = arith.constant 0 : i32
            %dma_wait3A_218 = tpu.memref_slice %arg15[%mul3A_213, %dma_wait3A] : memref<2000x512xbf16, #tpu.memory_space<vmem_shared>> -> memref<128x512xbf16, #tpu.memory_space<vmem_shared>>
            %dma_wait3A_219 = arith.constant 0 : i32
            %dma_wait3A_220 = tpu.memref_slice %arg2[%add3A_211, %dma_wait3A_219] : memref<10000x512xbf16, #tpu.memory_space<hbm>> -> memref<128x512xbf16, #tpu.memory_space<hbm>>
            tpu.wait_dma2 semaphore(%run_scoped3A_214 : memref<!tpu.dma_semaphore, #tpu.memory_space<semaphore_mem>>) src(%dma_wait3A_220 : memref<128x512xbf16, #tpu.memory_space<hbm>>) dst(%dma_wait3A_218 : memref<128x512xbf16, #tpu.memory_space<vmem_shared>>)
            tpu.yield
          }) : () -> ()
        } else {
        }
        %eq3A_80 = arith.constant 15 : i32
        %eq3A_81 = arith.cmpi eq, %arg1, %eq3A_80 : i32
        %convert_element_type3A_82 = arith.extui %eq3A_81 : i1 to i32
        %cond3A_83 = arith.constant 0 : i32
        %cond3A_84 = arith.cmpi ne, %convert_element_type3A_82, %cond3A_83 : i32
        scf.if %cond3A_84 {
          %mul3A_207 = arith.constant 2000 : i32
          %mul3A_208 = arith.muli %scan3A_74, %mul3A_207 : i32
          %add3A_209 = arith.constant 1920 : i32
          %add3A_210 = arith.addi %mul3A_208, %add3A_209 : i32
          "tpu.region"() ({
            %run_scoped3A_211 = tpu.sem_alloc : memref<!tpu.dma_semaphore, #tpu.memory_space<semaphore_mem>>
            %dma_start3A = arith.constant 1920 : i32
            %dma_start3A_212 = arith.constant 0 : i32
            %dma_start3A_213 = tpu.memref_slice %arg15[%dma_start3A, %dma_start3A_212] : memref<2000x512xbf16, #tpu.memory_space<vmem_shared>> -> memref<80x512xbf16, #tpu.memory_space<vmem_shared>>
            %dma_start3A_214 = arith.constant 0 : i32
            %dma_start3A_215 = tpu.memref_slice %arg2[%add3A_210, %dma_start3A_214] : memref<10000x512xbf16, #tpu.memory_space<hbm>> -> memref<80x512xbf16, #tpu.memory_space<hbm>>
            tpu.enqueue_dma source(%dma_start3A_215 : memref<80x512xbf16, #tpu.memory_space<hbm>>) target(%dma_start3A_213 : memref<80x512xbf16, #tpu.memory_space<vmem_shared>>) target_semaphore(%run_scoped3A_211 : memref<!tpu.dma_semaphore, #tpu.memory_space<semaphore_mem>>)
            %dma_wait3A = arith.constant 1920 : i32
            %dma_wait3A_216 = arith.constant 0 : i32
            %dma_wait3A_217 = tpu.memref_slice %arg15[%dma_wait3A, %dma_wait3A_216] : memref<2000x512xbf16, #tpu.memory_space<vmem_shared>> -> memref<80x512xbf16, #tpu.memory_space<vmem_shared>>
            %dma_wait3A_218 = arith.constant 0 : i32
            %dma_wait3A_219 = tpu.memref_slice %arg2[%add3A_210, %dma_wait3A_218] : memref<10000x512xbf16, #tpu.memory_space<hbm>> -> memref<80x512xbf16, #tpu.memory_space<hbm>>
            tpu.wait_dma2 semaphore(%run_scoped3A_211 : memref<!tpu.dma_semaphore, #tpu.memory_space<semaphore_mem>>) src(%dma_wait3A_219 : memref<80x512xbf16, #tpu.memory_space<hbm>>) dst(%dma_wait3A_217 : memref<80x512xbf16, #tpu.memory_space<vmem_shared>>)
            tpu.yield
          }) : () -> ()
        } else {
        }
        %barrier3A_85 = arith.constant 0 : index
        tpu.barrier barrier_id(%barrier3A_85)
        %mul3A_86 = arith.constant 16 : i32
        %mul3A_87 = arith.muli %add3A_17, %mul3A_86 : i32
        %add3A_88 = arith.constant 0 : i32
        %add3A_89 = arith.addi %add3A_88, %mul3A_87 : i32
        %get3A = arith.index_cast %add3A_89 : i32 to index
        %get3A_90 = tpu.vector_load %arg14[%get3A] {strides = array<i32>} : memref<320xi32, #tpu.memory_space<vmem>>, vector<16xi32>,
        %mul3A_91 = arith.muli %get3A_90, %convert_element_type3A : vector<16xi32>
        %reduce_sum3A = arith.constant true
        %reduce_sum3A_92 = vector.broadcast %reduce_sum3A : i1 to vector<16xi1>
        %reduce_sum3A_93 = tpu.scan <sum>, %mul3A_91 masked %reduce_sum3A_92 : vector<16xi32>, vector<16xi1> -> vector<16xi32>
        %reduce_sum3A_94 = vector.extract %reduce_sum3A_93[15] : i32 from vector<16xi32>
        %while3A = arith.constant 0 : i32
        %while3A_95 = arith.constant 0 : i32
        %while3A_96 = arith.subi %reduce_sum3A_94, %while3A : i32
        %while3A_97 = arith.addi %while3A, %while3A_96 : i32
        %while3A_98 = arith.constant 1 : i32
        %while3A_99 = arith.divsi %while3A_96, %while3A_98 : i32
        %while3A_100 = arith.muli %while3A_99, %while3A_98 : i32
        %while3A_101 = arith.addi %while3A, %while3A_100 : i32
        %while3A_102 = arith.constant 1 : i32
        %while3A_103 = scf.for %while3A_207 = %while3A to %while3A_101 step %while3A_102 iter_args(%while3A_208 = %while3A_95) -> (i32)  : i32 {
          %mul3A_209 = arith.constant 16 : i32
          %mul3A_210 = arith.muli %while3A_207, %mul3A_209 : i32
          %get3A_211 = arith.constant 0 : i32
          %get3A_212 = arith.constant 0 : i32
          %get3A_213 = arith.index_cast %get3A_211 : i32 to index
          %get3A_214 = arith.index_cast %get3A_212 : i32 to index
          %get3A_215 = arith.index_cast %mul3A_210 : i32 to index
          %get3A_216 = tpu.vector_load %arg7[%get3A_213, %get3A_214, %get3A_215] {strides = array<i32>} : memref<2x2x5120xi32, #tpu.memory_space<vmem>>, vector<16xi32>,
          %mul3A_217 = arith.constant 16 : i32
          %mul3A_218 = arith.muli %while3A_207, %mul3A_217 : i32
          %get3A_219 = arith.constant 0 : i32
          %get3A_220 = arith.constant 1 : i32
          %get3A_221 = arith.index_cast %get3A_219 : i32 to index
          %get3A_222 = arith.index_cast %get3A_220 : i32 to index
          %get3A_223 = arith.index_cast %mul3A_218 : i32 to index
          %get3A_224 = tpu.vector_load %arg7[%get3A_221, %get3A_222, %get3A_223] {strides = array<i32>} : memref<2x2x5120xi32, #tpu.memory_space<vmem>>, vector<16xi32>,
          %mul3A_225 = arith.constant 2000 : i32
          %mul3A_226 = arith.muli %scan3A_74, %mul3A_225 : i32
          %ge3A = vector.broadcast %mul3A_226 : i32 to vector<16xi32>
          %ge3A_227 = arith.cmpi sge, %get3A_216, %ge3A : vector<16xi32>
          %add3A_228 = arith.constant 1 : i32
          %add3A_229 = arith.addi %scan3A_74, %add3A_228 : i32
          %mul3A_230 = arith.constant 2000 : i32
          %mul3A_231 = arith.muli %add3A_229, %mul3A_230 : i32
          %lt3A_232 = vector.broadcast %mul3A_231 : i32 to vector<16xi32>
          %lt3A_233 = arith.cmpi slt, %get3A_216, %lt3A_232 : vector<16xi32>
          %and3A_234 = arith.andi %ge3A_227, %lt3A_233 : vector<16xi1>
          %mul3A_235 = arith.constant 2000 : i32
          %mul3A_236 = arith.muli %scan3A_74, %mul3A_235 : i32
          %sub3A_237 = vector.broadcast %mul3A_236 : i32 to vector<16xi32>
          %sub3A_238 = arith.subi %get3A_216, %sub3A_237 : vector<16xi32>
          %swap3A_239 = arith.index_cast %while3A_208 : i32 to index
          %swap3A_240 = tpu.vector_load %arg8[%swap3A_239] masked %and3A_234 {strides = array<i32>} : memref<10176xi32, #tpu.memory_space<vmem>>, vector<16xi32>, vector<16xi1>
          tpu.vector_store %arg8[%swap3A_239], %sub3A_238 masked %and3A_234 {strides = array<i32>} : memref<10176xi32, #tpu.memory_space<vmem>>, vector<16xi32>, vector<16xi1>
          %swap3A_241 = arith.index_cast %while3A_208 : i32 to index
          %swap3A_242 = tpu.vector_load %arg9[%swap3A_241] masked %and3A_234 {strides = array<i32>} : memref<10176xi32, #tpu.memory_space<vmem>>, vector<16xi32>, vector<16xi1>
          tpu.vector_store %arg9[%swap3A_241], %get3A_224 masked %and3A_234 {strides = array<i32>} : memref<10176xi32, #tpu.memory_space<vmem>>, vector<16xi32>, vector<16xi1>
          %convert_element_type3A_243 = arith.extui %and3A_234 : vector<16xi1> to vector<16xi32>
          %reduce_sum3A_244 = arith.constant true
          %reduce_sum3A_245 = vector.broadcast %reduce_sum3A_244 : i1 to vector<16xi1>
          %reduce_sum3A_246 = tpu.scan <sum>, %convert_element_type3A_243 masked %reduce_sum3A_245 : vector<16xi32>, vector<16xi1> -> vector<16xi32>
          %reduce_sum3A_247 = vector.extract %reduce_sum3A_246[15] : i32 from vector<16xi32>
          %add3A_248 = arith.addi %while3A_208, %reduce_sum3A_247 : i32
          scf.yield %add3A_248 : i32
        }
        %while3A_104 = arith.constant 1 : i32
        %while3A_105 = scf.for %while3A_207 = %while3A_101 to %while3A_97 step %while3A_104 iter_args(%while3A_208 = %while3A_103) -> (i32)  : i32 {
          %mul3A_209 = arith.constant 16 : i32
          %mul3A_210 = arith.muli %while3A_207, %mul3A_209 : i32
          %get3A_211 = arith.constant 0 : i32
          %get3A_212 = arith.constant 0 : i32
          %get3A_213 = arith.index_cast %get3A_211 : i32 to index
          %get3A_214 = arith.index_cast %get3A_212 : i32 to index
          %get3A_215 = arith.index_cast %mul3A_210 : i32 to index
          %get3A_216 = tpu.vector_load %arg7[%get3A_213, %get3A_214, %get3A_215] {strides = array<i32>} : memref<2x2x5120xi32, #tpu.memory_space<vmem>>, vector<16xi32>,
          %mul3A_217 = arith.constant 16 : i32
          %mul3A_218 = arith.muli %while3A_207, %mul3A_217 : i32
          %get3A_219 = arith.constant 0 : i32
          %get3A_220 = arith.constant 1 : i32
          %get3A_221 = arith.index_cast %get3A_219 : i32 to index
          %get3A_222 = arith.index_cast %get3A_220 : i32 to index
          %get3A_223 = arith.index_cast %mul3A_218 : i32 to index
          %get3A_224 = tpu.vector_load %arg7[%get3A_221, %get3A_222, %get3A_223] {strides = array<i32>} : memref<2x2x5120xi32, #tpu.memory_space<vmem>>, vector<16xi32>,
          %mul3A_225 = arith.constant 2000 : i32
          %mul3A_226 = arith.muli %scan3A_74, %mul3A_225 : i32
          %ge3A = vector.broadcast %mul3A_226 : i32 to vector<16xi32>
          %ge3A_227 = arith.cmpi sge, %get3A_216, %ge3A : vector<16xi32>
          %add3A_228 = arith.constant 1 : i32
          %add3A_229 = arith.addi %scan3A_74, %add3A_228 : i32
          %mul3A_230 = arith.constant 2000 : i32
          %mul3A_231 = arith.muli %add3A_229, %mul3A_230 : i32
          %lt3A_232 = vector.broadcast %mul3A_231 : i32 to vector<16xi32>
          %lt3A_233 = arith.cmpi slt, %get3A_216, %lt3A_232 : vector<16xi32>
          %and3A_234 = arith.andi %ge3A_227, %lt3A_233 : vector<16xi1>
          %mul3A_235 = arith.constant 2000 : i32
          %mul3A_236 = arith.muli %scan3A_74, %mul3A_235 : i32
          %sub3A_237 = vector.broadcast %mul3A_236 : i32 to vector<16xi32>
          %sub3A_238 = arith.subi %get3A_216, %sub3A_237 : vector<16xi32>
          %swap3A_239 = arith.index_cast %while3A_208 : i32 to index
          %swap3A_240 = tpu.vector_load %arg8[%swap3A_239] masked %and3A_234 {strides = array<i32>} : memref<10176xi32, #tpu.memory_space<vmem>>, vector<16xi32>, vector<16xi1>
          tpu.vector_store %arg8[%swap3A_239], %sub3A_238 masked %and3A_234 {strides = array<i32>} : memref<10176xi32, #tpu.memory_space<vmem>>, vector<16xi32>, vector<16xi1>
          %swap3A_241 = arith.index_cast %while3A_208 : i32 to index
          %swap3A_242 = tpu.vector_load %arg9[%swap3A_241] masked %and3A_234 {strides = array<i32>} : memref<10176xi32, #tpu.memory_space<vmem>>, vector<16xi32>, vector<16xi1>
          tpu.vector_store %arg9[%swap3A_241], %get3A_224 masked %and3A_234 {strides = array<i32>} : memref<10176xi32, #tpu.memory_space<vmem>>, vector<16xi32>, vector<16xi1>
          %convert_element_type3A_243 = arith.extui %and3A_234 : vector<16xi1> to vector<16xi32>
          %reduce_sum3A_244 = arith.constant true
          %reduce_sum3A_245 = vector.broadcast %reduce_sum3A_244 : i1 to vector<16xi1>
          %reduce_sum3A_246 = tpu.scan <sum>, %convert_element_type3A_243 masked %reduce_sum3A_245 : vector<16xi32>, vector<16xi1> -> vector<16xi32>
          %reduce_sum3A_247 = vector.extract %reduce_sum3A_246[15] : i32 from vector<16xi32>
          %add3A_248 = arith.addi %while3A_208, %reduce_sum3A_247 : i32
          scf.yield %add3A_248 : i32
        }
        %mul3A_106 = arith.constant 16 : i32
        %mul3A_107 = arith.muli %add3A_17, %mul3A_106 : i32
        %add3A_108 = arith.constant 160 : i32
        %add3A_109 = arith.addi %add3A_108, %mul3A_107 : i32
        %get3A_110 = arith.index_cast %add3A_109 : i32 to index
        %get3A_111 = tpu.vector_load %arg14[%get3A_110] {strides = array<i32>} : memref<320xi32, #tpu.memory_space<vmem>>, vector<16xi32>,
        %mul3A_112 = arith.muli %get3A_111, %convert_element_type3A : vector<16xi32>
        %reduce_sum3A_113 = arith.constant true
        %reduce_sum3A_114 = vector.broadcast %reduce_sum3A_113 : i1 to vector<16xi1>
        %reduce_sum3A_115 = tpu.scan <sum>, %mul3A_112 masked %reduce_sum3A_114 : vector<16xi32>, vector<16xi1> -> vector<16xi32>
        %reduce_sum3A_116 = vector.extract %reduce_sum3A_115[15] : i32 from vector<16xi32>
        %while3A_117 = arith.constant 0 : i32
        %while3A_118 = arith.subi %reduce_sum3A_116, %while3A_117 : i32
        %while3A_119 = arith.addi %while3A_117, %while3A_118 : i32
        %while3A_120 = arith.constant 1 : i32
        %while3A_121 = arith.divsi %while3A_118, %while3A_120 : i32
        %while3A_122 = arith.muli %while3A_121, %while3A_120 : i32
        %while3A_123 = arith.addi %while3A_117, %while3A_122 : i32
        %while3A_124 = arith.constant 1 : i32
        %while3A_125 = scf.for %while3A_207 = %while3A_117 to %while3A_123 step %while3A_124 iter_args(%while3A_208 = %while3A_105) -> (i32)  : i32 {
          %mul3A_209 = arith.constant 16 : i32
          %mul3A_210 = arith.muli %while3A_207, %mul3A_209 : i32
          %get3A_211 = arith.constant 1 : i32
          %get3A_212 = arith.constant 0 : i32
          %get3A_213 = arith.index_cast %get3A_211 : i32 to index
          %get3A_214 = arith.index_cast %get3A_212 : i32 to index
          %get3A_215 = arith.index_cast %mul3A_210 : i32 to index
          %get3A_216 = tpu.vector_load %arg7[%get3A_213, %get3A_214, %get3A_215] {strides = array<i32>} : memref<2x2x5120xi32, #tpu.memory_space<vmem>>, vector<16xi32>,
          %mul3A_217 = arith.constant 16 : i32
          %mul3A_218 = arith.muli %while3A_207, %mul3A_217 : i32
          %get3A_219 = arith.constant 1 : i32
          %get3A_220 = arith.constant 1 : i32
          %get3A_221 = arith.index_cast %get3A_219 : i32 to index
          %get3A_222 = arith.index_cast %get3A_220 : i32 to index
          %get3A_223 = arith.index_cast %mul3A_218 : i32 to index
          %get3A_224 = tpu.vector_load %arg7[%get3A_221, %get3A_222, %get3A_223] {strides = array<i32>} : memref<2x2x5120xi32, #tpu.memory_space<vmem>>, vector<16xi32>,
          %mul3A_225 = arith.constant 2000 : i32
          %mul3A_226 = arith.muli %scan3A_74, %mul3A_225 : i32
          %ge3A = vector.broadcast %mul3A_226 : i32 to vector<16xi32>
          %ge3A_227 = arith.cmpi sge, %get3A_216, %ge3A : vector<16xi32>
          %add3A_228 = arith.constant 1 : i32
          %add3A_229 = arith.addi %scan3A_74, %add3A_228 : i32
          %mul3A_230 = arith.constant 2000 : i32
          %mul3A_231 = arith.muli %add3A_229, %mul3A_230 : i32
          %lt3A_232 = vector.broadcast %mul3A_231 : i32 to vector<16xi32>
          %lt3A_233 = arith.cmpi slt, %get3A_216, %lt3A_232 : vector<16xi32>
          %and3A_234 = arith.andi %ge3A_227, %lt3A_233 : vector<16xi1>
          %mul3A_235 = arith.constant 2000 : i32
          %mul3A_236 = arith.muli %scan3A_74, %mul3A_235 : i32
          %sub3A_237 = vector.broadcast %mul3A_236 : i32 to vector<16xi32>
          %sub3A_238 = arith.subi %get3A_216, %sub3A_237 : vector<16xi32>
          %swap3A_239 = arith.index_cast %while3A_208 : i32 to index
          %swap3A_240 = tpu.vector_load %arg8[%swap3A_239] masked %and3A_234 {strides = array<i32>} : memref<10176xi32, #tpu.memory_space<vmem>>, vector<16xi32>, vector<16xi1>
          tpu.vector_store %arg8[%swap3A_239], %sub3A_238 masked %and3A_234 {strides = array<i32>} : memref<10176xi32, #tpu.memory_space<vmem>>, vector<16xi32>, vector<16xi1>
          %swap3A_241 = arith.index_cast %while3A_208 : i32 to index
          %swap3A_242 = tpu.vector_load %arg9[%swap3A_241] masked %and3A_234 {strides = array<i32>} : memref<10176xi32, #tpu.memory_space<vmem>>, vector<16xi32>, vector<16xi1>
          tpu.vector_store %arg9[%swap3A_241], %get3A_224 masked %and3A_234 {strides = array<i32>} : memref<10176xi32, #tpu.memory_space<vmem>>, vector<16xi32>, vector<16xi1>
          %convert_element_type3A_243 = arith.extui %and3A_234 : vector<16xi1> to vector<16xi32>
          %reduce_sum3A_244 = arith.constant true
          %reduce_sum3A_245 = vector.broadcast %reduce_sum3A_244 : i1 to vector<16xi1>
          %reduce_sum3A_246 = tpu.scan <sum>, %convert_element_type3A_243 masked %reduce_sum3A_245 : vector<16xi32>, vector<16xi1> -> vector<16xi32>
          %reduce_sum3A_247 = vector.extract %reduce_sum3A_246[15] : i32 from vector<16xi32>
          %add3A_248 = arith.addi %while3A_208, %reduce_sum3A_247 : i32
          scf.yield %add3A_248 : i32
        }
        %while3A_126 = arith.constant 1 : i32
        %while3A_127 = scf.for %while3A_207 = %while3A_123 to %while3A_119 step %while3A_126 iter_args(%while3A_208 = %while3A_125) -> (i32)  : i32 {
          %mul3A_209 = arith.constant 16 : i32
          %mul3A_210 = arith.muli %while3A_207, %mul3A_209 : i32
          %get3A_211 = arith.constant 1 : i32
          %get3A_212 = arith.constant 0 : i32
          %get3A_213 = arith.index_cast %get3A_211 : i32 to index
          %get3A_214 = arith.index_cast %get3A_212 : i32 to index
          %get3A_215 = arith.index_cast %mul3A_210 : i32 to index
          %get3A_216 = tpu.vector_load %arg7[%get3A_213, %get3A_214, %get3A_215] {strides = array<i32>} : memref<2x2x5120xi32, #tpu.memory_space<vmem>>, vector<16xi32>,
          %mul3A_217 = arith.constant 16 : i32
          %mul3A_218 = arith.muli %while3A_207, %mul3A_217 : i32
          %get3A_219 = arith.constant 1 : i32
          %get3A_220 = arith.constant 1 : i32
          %get3A_221 = arith.index_cast %get3A_219 : i32 to index
          %get3A_222 = arith.index_cast %get3A_220 : i32 to index
          %get3A_223 = arith.index_cast %mul3A_218 : i32 to index
          %get3A_224 = tpu.vector_load %arg7[%get3A_221, %get3A_222, %get3A_223] {strides = array<i32>} : memref<2x2x5120xi32, #tpu.memory_space<vmem>>, vector<16xi32>,
          %mul3A_225 = arith.constant 2000 : i32
          %mul3A_226 = arith.muli %scan3A_74, %mul3A_225 : i32
          %ge3A = vector.broadcast %mul3A_226 : i32 to vector<16xi32>
          %ge3A_227 = arith.cmpi sge, %get3A_216, %ge3A : vector<16xi32>
          %add3A_228 = arith.constant 1 : i32
          %add3A_229 = arith.addi %scan3A_74, %add3A_228 : i32
          %mul3A_230 = arith.constant 2000 : i32
          %mul3A_231 = arith.muli %add3A_229, %mul3A_230 : i32
          %lt3A_232 = vector.broadcast %mul3A_231 : i32 to vector<16xi32>
          %lt3A_233 = arith.cmpi slt, %get3A_216, %lt3A_232 : vector<16xi32>
          %and3A_234 = arith.andi %ge3A_227, %lt3A_233 : vector<16xi1>
          %mul3A_235 = arith.constant 2000 : i32
          %mul3A_236 = arith.muli %scan3A_74, %mul3A_235 : i32
          %sub3A_237 = vector.broadcast %mul3A_236 : i32 to vector<16xi32>
          %sub3A_238 = arith.subi %get3A_216, %sub3A_237 : vector<16xi32>
          %swap3A_239 = arith.index_cast %while3A_208 : i32 to index
          %swap3A_240 = tpu.vector_load %arg8[%swap3A_239] masked %and3A_234 {strides = array<i32>} : memref<10176xi32, #tpu.memory_space<vmem>>, vector<16xi32>, vector<16xi1>
          tpu.vector_store %arg8[%swap3A_239], %sub3A_238 masked %and3A_234 {strides = array<i32>} : memref<10176xi32, #tpu.memory_space<vmem>>, vector<16xi32>, vector<16xi1>
          %swap3A_241 = arith.index_cast %while3A_208 : i32 to index
          %swap3A_242 = tpu.vector_load %arg9[%swap3A_241] masked %and3A_234 {strides = array<i32>} : memref<10176xi32, #tpu.memory_space<vmem>>, vector<16xi32>, vector<16xi1>
          tpu.vector_store %arg9[%swap3A_241], %get3A_224 masked %and3A_234 {strides = array<i32>} : memref<10176xi32, #tpu.memory_space<vmem>>, vector<16xi32>, vector<16xi1>
          %convert_element_type3A_243 = arith.extui %and3A_234 : vector<16xi1> to vector<16xi32>
          %reduce_sum3A_244 = arith.constant true
          %reduce_sum3A_245 = vector.broadcast %reduce_sum3A_244 : i1 to vector<16xi1>
          %reduce_sum3A_246 = tpu.scan <sum>, %convert_element_type3A_243 masked %reduce_sum3A_245 : vector<16xi32>, vector<16xi1> -> vector<16xi32>
          %reduce_sum3A_247 = vector.extract %reduce_sum3A_246[15] : i32 from vector<16xi32>
          %add3A_248 = arith.addi %while3A_208, %reduce_sum3A_247 : i32
          scf.yield %add3A_248 : i32
        }
        %add3A_128 = arith.constant 0 : i32
        %add3A_129 = arith.addi %while3A_127, %add3A_128 : i32
        %swap3A = arith.index_cast %add3A_129 : i32 to index
        %swap3A_130 = tpu.vector_load %arg8[%swap3A] {strides = array<i32>} : memref<10176xi32, #tpu.memory_space<vmem>>, vector<16xi32>,
        tpu.vector_store %arg8[%swap3A], %broadcast_in_dim3A_8 {strides = array<i32>} : memref<10176xi32, #tpu.memory_space<vmem>>, vector<16xi32>,
        %add3A_131 = arith.constant 0 : i32
        %add3A_132 = arith.addi %while3A_127, %add3A_131 : i32
        %swap3A_133 = arith.index_cast %add3A_132 : i32 to index
        %swap3A_134 = tpu.vector_load %arg9[%swap3A_133] {strides = array<i32>} : memref<10176xi32, #tpu.memory_space<vmem>>, vector<16xi32>,
        tpu.vector_store %arg9[%swap3A_133], %broadcast_in_dim3A_6 {strides = array<i32>} : memref<10176xi32, #tpu.memory_space<vmem>>, vector<16xi32>,
        %add3A_135 = arith.constant 16 : i32
        %add3A_136 = arith.addi %while3A_127, %add3A_135 : i32
        %swap3A_137 = arith.index_cast %add3A_136 : i32 to index
        %swap3A_138 = tpu.vector_load %arg8[%swap3A_137] {strides = array<i32>} : memref<10176xi32, #tpu.memory_space<vmem>>, vector<16xi32>,
        tpu.vector_store %arg8[%swap3A_137], %broadcast_in_dim3A_8 {strides = array<i32>} : memref<10176xi32, #tpu.memory_space<vmem>>, vector<16xi32>,
        %add3A_139 = arith.constant 16 : i32
        %add3A_140 = arith.addi %while3A_127, %add3A_139 : i32
        %swap3A_141 = arith.index_cast %add3A_140 : i32 to index
        %swap3A_142 = tpu.vector_load %arg9[%swap3A_141] {strides = array<i32>} : memref<10176xi32, #tpu.memory_space<vmem>>, vector<16xi32>,
        tpu.vector_store %arg9[%swap3A_141], %broadcast_in_dim3A_6 {strides = array<i32>} : memref<10176xi32, #tpu.memory_space<vmem>>, vector<16xi32>,
        %add3A_143 = arith.constant 32 : i32
        %add3A_144 = arith.addi %while3A_127, %add3A_143 : i32
        %swap3A_145 = arith.index_cast %add3A_144 : i32 to index
        %swap3A_146 = tpu.vector_load %arg8[%swap3A_145] {strides = array<i32>} : memref<10176xi32, #tpu.memory_space<vmem>>, vector<16xi32>,
        tpu.vector_store %arg8[%swap3A_145], %broadcast_in_dim3A_8 {strides = array<i32>} : memref<10176xi32, #tpu.memory_space<vmem>>, vector<16xi32>,
        %add3A_147 = arith.constant 32 : i32
        %add3A_148 = arith.addi %while3A_127, %add3A_147 : i32
        %swap3A_149 = arith.index_cast %add3A_148 : i32 to index
        %swap3A_150 = tpu.vector_load %arg9[%swap3A_149] {strides = array<i32>} : memref<10176xi32, #tpu.memory_space<vmem>>, vector<16xi32>,
        tpu.vector_store %arg9[%swap3A_149], %broadcast_in_dim3A_6 {strides = array<i32>} : memref<10176xi32, #tpu.memory_space<vmem>>, vector<16xi32>,
        %add3A_151 = arith.constant 48 : i32
        %add3A_152 = arith.addi %while3A_127, %add3A_151 : i32
        %swap3A_153 = arith.index_cast %add3A_152 : i32 to index
        %swap3A_154 = tpu.vector_load %arg8[%swap3A_153] {strides = array<i32>} : memref<10176xi32, #tpu.memory_space<vmem>>, vector<16xi32>,
        tpu.vector_store %arg8[%swap3A_153], %broadcast_in_dim3A_8 {strides = array<i32>} : memref<10176xi32, #tpu.memory_space<vmem>>, vector<16xi32>,
        %add3A_155 = arith.constant 48 : i32
        %add3A_156 = arith.addi %while3A_127, %add3A_155 : i32
        %swap3A_157 = arith.index_cast %add3A_156 : i32 to index
        %swap3A_158 = tpu.vector_load %arg9[%swap3A_157] {strides = array<i32>} : memref<10176xi32, #tpu.memory_space<vmem>>, vector<16xi32>,
        tpu.vector_store %arg9[%swap3A_157], %broadcast_in_dim3A_6 {strides = array<i32>} : memref<10176xi32, #tpu.memory_space<vmem>>, vector<16xi32>,
        %add3A_159 = arith.constant 64 : i32
        %add3A_160 = arith.addi %while3A_127, %add3A_159 : i32
        %swap3A_161 = arith.index_cast %add3A_160 : i32 to index
        %swap3A_162 = tpu.vector_load %arg8[%swap3A_161] {strides = array<i32>} : memref<10176xi32, #tpu.memory_space<vmem>>, vector<16xi32>,
        tpu.vector_store %arg8[%swap3A_161], %broadcast_in_dim3A_8 {strides = array<i32>} : memref<10176xi32, #tpu.memory_space<vmem>>, vector<16xi32>,
        %add3A_163 = arith.constant 64 : i32
        %add3A_164 = arith.addi %while3A_127, %add3A_163 : i32
        %swap3A_165 = arith.index_cast %add3A_164 : i32 to index
        %swap3A_166 = tpu.vector_load %arg9[%swap3A_165] {strides = array<i32>} : memref<10176xi32, #tpu.memory_space<vmem>>, vector<16xi32>,
        tpu.vector_store %arg9[%swap3A_165], %broadcast_in_dim3A_6 {strides = array<i32>} : memref<10176xi32, #tpu.memory_space<vmem>>, vector<16xi32>,
        %add3A_167 = arith.constant 64 : i32
        %add3A_168 = arith.addi %while3A_127, %add3A_167 : i32
        %sub3A = arith.constant 1 : i32
        %sub3A_169 = arith.subi %add3A_168, %sub3A : i32
        %jit3A = arith.constant 64 : i32
        %div3A = arith.divsi %sub3A_169, %jit3A : i32
        %sign3A = arith.constant 0 : i32
        %sign3A_170 = arith.cmpi sgt, %sub3A_169, %sign3A : i32
        %sign3A_171 = arith.extui %sign3A_170 : i1 to i32
        %sign3A_172 = arith.constant 0 : i32
        %sign3A_173 = arith.cmpi slt, %sub3A_169, %sign3A_172 : i32
        %sign3A_174 = arith.extui %sign3A_173 : i1 to i32
        %sign3A_175 = arith.subi %sign3A_171, %sign3A_174 : i32
        %sign3A_176 = arith.constant 0 : i32
        %sign3A_177 = arith.cmpi sgt, %jit3A, %sign3A_176 : i32
        %sign3A_178 = arith.extui %sign3A_177 : i1 to i32
        %sign3A_179 = arith.constant 0 : i32
        %sign3A_180 = arith.cmpi slt, %jit3A, %sign3A_179 : i32
        %sign3A_181 = arith.extui %sign3A_180 : i1 to i32
        %sign3A_182 = arith.subi %sign3A_178, %sign3A_181 : i32
        %ne3A = arith.cmpi ne, %sign3A_175, %sign3A_182 : i32
        %rem3A = arith.remsi %sub3A_169, %jit3A : i32
        %ne3A_183 = arith.constant 0 : i32
        %ne3A_184 = arith.cmpi ne, %rem3A, %ne3A_183 : i32
        %and3A = arith.andi %ne3A, %ne3A_184 : i1
        %sub3A_185 = arith.constant 1 : i32
        %sub3A_186 = arith.subi %div3A, %sub3A_185 : i32
        %select_n3A = arith.select %and3A, %sub3A_186, %div3A : i32
        %gt3A = arith.constant 0 : i32
        %gt3A_187 = arith.cmpi sgt, %select_n3A, %gt3A : i32
        %convert_element_type3A_188 = arith.extui %gt3A_187 : i1 to i32
        %cond3A_189 = arith.constant 0 : i32
        %cond3A_190 = arith.cmpi ne, %convert_element_type3A_188, %cond3A_189 : i32
        scf.if %cond3A_190 {
          %dma_start3A = arith.constant 0 : i32
          %dma_start3A_207 = tpu.memref_slice %arg8[%dma_start3A] : memref<10176xi32, #tpu.memory_space<vmem>> -> memref<64xi32, #tpu.memory_space<vmem>>
          %dma_start3A_208 = arith.constant 0 : i32
          %dma_start3A_209 = arith.constant 0 : i32
          %dma_start3A_210 = tpu.memref_slice %arg15[%dma_start3A_208, %dma_start3A_209] : memref<2000x512xbf16, #tpu.memory_space<vmem_shared>> -> memref<2000x512xbf16, #tpu.memory_space<vmem_shared>>
          tpu.enqueue_indirect_dma source(%dma_start3A_210 : memref<2000x512xbf16, #tpu.memory_space<vmem_shared>>) target(%arg10 : memref<64x512xbf16, #tpu.memory_space<vmem>>) offsets(%dma_start3A_207 : memref<64xi32, #tpu.memory_space<vmem>>) semaphore(%arg17 : memref<!tpu.dma_semaphore, #tpu.memory_space<semaphore_mem>>)
        } else {
        }
        %gt3A_191 = arith.constant 1 : i32
        %gt3A_192 = arith.cmpi sgt, %select_n3A, %gt3A_191 : i32
        %convert_element_type3A_193 = arith.extui %gt3A_192 : i1 to i32
        %cond3A_194 = arith.constant 0 : i32
        %cond3A_195 = arith.cmpi ne, %convert_element_type3A_193, %cond3A_194 : i32
        scf.if %cond3A_195 {
          %dma_start3A = arith.constant 64 : i32
          %dma_start3A_207 = tpu.memref_slice %arg8[%dma_start3A] : memref<10176xi32, #tpu.memory_space<vmem>> -> memref<64xi32, #tpu.memory_space<vmem>>
          %dma_start3A_208 = arith.constant 0 : i32
          %dma_start3A_209 = arith.constant 0 : i32
          %dma_start3A_210 = tpu.memref_slice %arg15[%dma_start3A_208, %dma_start3A_209] : memref<2000x512xbf16, #tpu.memory_space<vmem_shared>> -> memref<2000x512xbf16, #tpu.memory_space<vmem_shared>>
          tpu.enqueue_indirect_dma source(%dma_start3A_210 : memref<2000x512xbf16, #tpu.memory_space<vmem_shared>>) target(%arg11 : memref<64x512xbf16, #tpu.memory_space<vmem>>) offsets(%dma_start3A_207 : memref<64xi32, #tpu.memory_space<vmem>>) semaphore(%arg18 : memref<!tpu.dma_semaphore, #tpu.memory_space<semaphore_mem>>)
        } else {
        }
        %while3A_196 = arith.constant 0 : i32
        %while3A_197 = arith.constant 0 : i32
        %while3A_198 = arith.subi %select_n3A, %while3A_197 : i32
        %while3A_199 = arith.addi %while3A_197, %while3A_198 : i32
        %while3A_200 = arith.constant 1 : i32
        %while3A_201 = arith.divsi %while3A_198, %while3A_200 : i32
        %while3A_202 = arith.muli %while3A_201, %while3A_200 : i32
        %while3A_203 = arith.addi %while3A_197, %while3A_202 : i32
        %while3A_204 = arith.constant 1 : i32
        scf.for %while3A_207 = %while3A_197 to %while3A_203 step %while3A_204  : i32 {
          %add3A_208 = arith.constant 2 : i32
          %add3A_209 = arith.addi %while3A_207, %add3A_208 : i32
          %jit3A_210 = arith.constant 2 : i32
          %eq3A_211 = arith.constant 0 : i32
          %eq3A_212 = arith.cmpi eq, %jit3A_210, %eq3A_211 : i32
          %jit3A_213 = arith.constant 1 : i32
          %select_n3A_214 = arith.select %eq3A_212, %jit3A_213, %jit3A_210 : i32
          %rem3A_215 = arith.remsi %while3A_207, %select_n3A_214 : i32
          %ne3A_216 = arith.constant 0 : i32
          %ne3A_217 = arith.cmpi ne, %rem3A_215, %ne3A_216 : i32
          %lt3A_218 = arith.constant 0 : i32
          %lt3A_219 = arith.cmpi slt, %rem3A_215, %lt3A_218 : i32
          %lt3A_220 = arith.constant 0 : i32
          %lt3A_221 = arith.cmpi slt, %select_n3A_214, %lt3A_220 : i32
          %ne3A_222 = arith.xori %lt3A_219, %lt3A_221 : i1
          %and3A_223 = arith.andi %ne3A_222, %ne3A_217 : i1
          %add3A_224 = arith.addi %rem3A_215, %select_n3A_214 : i32
          %select_n3A_225 = arith.select %and3A_223, %add3A_224, %rem3A_215 : i32
          %eq3A_226 = arith.constant 0 : i32
          %eq3A_227 = arith.cmpi eq, %select_n3A_225, %eq3A_226 : i32
          %convert_element_type3A_228 = arith.extui %eq3A_227 : i1 to i32
          %cond3A_229 = arith.constant 0 : i32
          %cond3A_230 = arith.cmpi ne, %convert_element_type3A_228, %cond3A_229 : i32
          scf.if %cond3A_230 {
            %mul3A_252 = arith.constant 64 : i32
            %mul3A_253 = arith.muli %while3A_207, %mul3A_252 : i32
            %dma_wait3A = tpu.memref_slice %arg8[%mul3A_253] : memref<10176xi32, #tpu.memory_space<vmem>> -> memref<64xi32, #tpu.memory_space<vmem>>
            %dma_wait3A_254 = arith.constant 0 : i32
            %dma_wait3A_255 = arith.constant 0 : i32
            %dma_wait3A_256 = tpu.memref_slice %arg15[%dma_wait3A_254, %dma_wait3A_255] : memref<2000x512xbf16, #tpu.memory_space<vmem_shared>> -> memref<2000x512xbf16, #tpu.memory_space<vmem_shared>>
            tpu.wait_indirect_dma semaphore(%arg17 : memref<!tpu.dma_semaphore, #tpu.memory_space<semaphore_mem>>) src(%dma_wait3A_256 : memref<2000x512xbf16, #tpu.memory_space<vmem_shared>>) dst(%arg10 : memref<64x512xbf16, #tpu.memory_space<vmem>>)
            %mul3A_257 = arith.constant 64 : i32
            %mul3A_258 = arith.muli %while3A_207, %mul3A_257 : i32
            %add3A_259 = arith.constant 0 : i32
            %add3A_260 = arith.addi %mul3A_258, %add3A_259 : i32
            %get3A_261 = arith.index_cast %add3A_260 : i32 to index
            %get3A_262 = tpu.vector_load %arg9[%get3A_261] {strides = array<i32>} : memref<10176xi32, #tpu.memory_space<vmem>>, vector<16xi32>,
            %swap3A_263 = arith.constant 0 : index
            %swap3A_264 = tpu.vector_load %arg12[%swap3A_263] {strides = array<i32>} : memref<64xi32, #tpu.memory_space<vmem>>, vector<16xi32>,
            tpu.vector_store %arg12[%swap3A_263], %get3A_262 {strides = array<i32>} : memref<64xi32, #tpu.memory_space<vmem>>, vector<16xi32>,
            %mul3A_265 = arith.constant 64 : i32
            %mul3A_266 = arith.muli %while3A_207, %mul3A_265 : i32
            %add3A_267 = arith.constant 16 : i32
            %add3A_268 = arith.addi %mul3A_266, %add3A_267 : i32
            %get3A_269 = arith.index_cast %add3A_268 : i32 to index
            %get3A_270 = tpu.vector_load %arg9[%get3A_269] {strides = array<i32>} : memref<10176xi32, #tpu.memory_space<vmem>>, vector<16xi32>,
            %swap3A_271 = arith.constant 16 : index
            %swap3A_272 = tpu.vector_load %arg12[%swap3A_271] {strides = array<i32>} : memref<64xi32, #tpu.memory_space<vmem>>, vector<16xi32>,
            tpu.vector_store %arg12[%swap3A_271], %get3A_270 {strides = array<i32>} : memref<64xi32, #tpu.memory_space<vmem>>, vector<16xi32>,
            %mul3A_273 = arith.constant 64 : i32
            %mul3A_274 = arith.muli %while3A_207, %mul3A_273 : i32
            %add3A_275 = arith.constant 32 : i32
            %add3A_276 = arith.addi %mul3A_274, %add3A_275 : i32
            %get3A_277 = arith.index_cast %add3A_276 : i32 to index
            %get3A_278 = tpu.vector_load %arg9[%get3A_277] {strides = array<i32>} : memref<10176xi32, #tpu.memory_space<vmem>>, vector<16xi32>,
            %swap3A_279 = arith.constant 32 : index
            %swap3A_280 = tpu.vector_load %arg12[%swap3A_279] {strides = array<i32>} : memref<64xi32, #tpu.memory_space<vmem>>, vector<16xi32>,
            tpu.vector_store %arg12[%swap3A_279], %get3A_278 {strides = array<i32>} : memref<64xi32, #tpu.memory_space<vmem>>, vector<16xi32>,
            %mul3A_281 = arith.constant 64 : i32
            %mul3A_282 = arith.muli %while3A_207, %mul3A_281 : i32
            %add3A_283 = arith.constant 48 : i32
            %add3A_284 = arith.addi %mul3A_282, %add3A_283 : i32
            %get3A_285 = arith.index_cast %add3A_284 : i32 to index
            %get3A_286 = tpu.vector_load %arg9[%get3A_285] {strides = array<i32>} : memref<10176xi32, #tpu.memory_space<vmem>>, vector<16xi32>,
            %swap3A_287 = arith.constant 48 : index
            %swap3A_288 = tpu.vector_load %arg12[%swap3A_287] {strides = array<i32>} : memref<64xi32, #tpu.memory_space<vmem>>, vector<16xi32>,
            tpu.vector_store %arg12[%swap3A_287], %get3A_286 {strides = array<i32>} : memref<64xi32, #tpu.memory_space<vmem>>, vector<16xi32>,
            "tpu.region"() ({
              %run_scoped3A_293 = tpu.sem_alloc : memref<!tpu.dma_semaphore, #tpu.memory_space<semaphore_mem>>
              %dma_start3A = arith.constant 0 : i32
              %dma_start3A_294 = arith.constant 0 : i32
              %dma_start3A_295 = tpu.memref_slice %arg16[%dma_start3A, %dma_start3A_294] : memref<1024x512xbf16, #tpu.memory_space<vmem_shared>> -> memref<1024x512xbf16, #tpu.memory_space<vmem_shared>>
              tpu.enqueue_indirect_dma source(%arg10 : memref<64x512xbf16, #tpu.memory_space<vmem>>) target(%dma_start3A_295 : memref<1024x512xbf16, #tpu.memory_space<vmem_shared>>) offsets(%arg12 : memref<64xi32, #tpu.memory_space<vmem>>) semaphore(%run_scoped3A_293 : memref<!tpu.dma_semaphore, #tpu.memory_space<semaphore_mem>>) {add = true}
              %dma_wait3A_296 = arith.constant 0 : i32
              %dma_wait3A_297 = arith.constant 0 : i32
              %dma_wait3A_298 = tpu.memref_slice %arg16[%dma_wait3A_296, %dma_wait3A_297] : memref<1024x512xbf16, #tpu.memory_space<vmem_shared>> -> memref<1024x512xbf16, #tpu.memory_space<vmem_shared>>
              tpu.wait_indirect_dma semaphore(%run_scoped3A_293 : memref<!tpu.dma_semaphore, #tpu.memory_space<semaphore_mem>>) src(%arg10 : memref<64x512xbf16, #tpu.memory_space<vmem>>) dst(%dma_wait3A_298 : memref<1024x512xbf16, #tpu.memory_space<vmem_shared>>)
              tpu.yield
            }) : () -> ()
            %lt3A_289 = arith.cmpi slt, %add3A_209, %select_n3A : i32
            %convert_element_type3A_290 = arith.extui %lt3A_289 : i1 to i32
            %cond3A_291 = arith.constant 0 : i32
            %cond3A_292 = arith.cmpi ne, %convert_element_type3A_290, %cond3A_291 : i32
            scf.if %cond3A_292 {
              %mul3A_293 = arith.constant 64 : i32
              %mul3A_294 = arith.muli %add3A_209, %mul3A_293 : i32
              %dma_start3A = tpu.memref_slice %arg8[%mul3A_294] : memref<10176xi32, #tpu.memory_space<vmem>> -> memref<64xi32, #tpu.memory_space<vmem>>
              %dma_start3A_295 = arith.constant 0 : i32
              %dma_start3A_296 = arith.constant 0 : i32
              %dma_start3A_297 = tpu.memref_slice %arg15[%dma_start3A_295, %dma_start3A_296] : memref<2000x512xbf16, #tpu.memory_space<vmem_shared>> -> memref<2000x512xbf16, #tpu.memory_space<vmem_shared>>
              tpu.enqueue_indirect_dma source(%dma_start3A_297 : memref<2000x512xbf16, #tpu.memory_space<vmem_shared>>) target(%arg10 : memref<64x512xbf16, #tpu.memory_space<vmem>>) offsets(%dma_start3A : memref<64xi32, #tpu.memory_space<vmem>>) semaphore(%arg17 : memref<!tpu.dma_semaphore, #tpu.memory_space<semaphore_mem>>)
            } else {
            }
          } else {
          }
          %jit3A_231 = arith.constant 2 : i32
          %eq3A_232 = arith.constant 0 : i32
          %eq3A_233 = arith.cmpi eq, %jit3A_231, %eq3A_232 : i32
          %jit3A_234 = arith.constant 1 : i32
          %select_n3A_235 = arith.select %eq3A_233, %jit3A_234, %jit3A_231 : i32
          %rem3A_236 = arith.remsi %while3A_207, %select_n3A_235 : i32
          %ne3A_237 = arith.constant 0 : i32
          %ne3A_238 = arith.cmpi ne, %rem3A_236, %ne3A_237 : i32
          %lt3A_239 = arith.constant 0 : i32
          %lt3A_240 = arith.cmpi slt, %rem3A_236, %lt3A_239 : i32
          %lt3A_241 = arith.constant 0 : i32
          %lt3A_242 = arith.cmpi slt, %select_n3A_235, %lt3A_241 : i32
          %ne3A_243 = arith.xori %lt3A_240, %lt3A_242 : i1
          %and3A_244 = arith.andi %ne3A_243, %ne3A_238 : i1
          %add3A_245 = arith.addi %rem3A_236, %select_n3A_235 : i32
          %select_n3A_246 = arith.select %and3A_244, %add3A_245, %rem3A_236 : i32
          %eq3A_247 = arith.constant 1 : i32
          %eq3A_248 = arith.cmpi eq, %select_n3A_246, %eq3A_247 : i32
          %convert_element_type3A_249 = arith.extui %eq3A_248 : i1 to i32
          %cond3A_250 = arith.constant 0 : i32
          %cond3A_251 = arith.cmpi ne, %convert_element_type3A_249, %cond3A_250 : i32
          scf.if %cond3A_251 {
            %mul3A_252 = arith.constant 64 : i32
            %mul3A_253 = arith.muli %while3A_207, %mul3A_252 : i32
            %dma_wait3A = tpu.memref_slice %arg8[%mul3A_253] : memref<10176xi32, #tpu.memory_space<vmem>> -> memref<64xi32, #tpu.memory_space<vmem>>
            %dma_wait3A_254 = arith.constant 0 : i32
            %dma_wait3A_255 = arith.constant 0 : i32
            %dma_wait3A_256 = tpu.memref_slice %arg15[%dma_wait3A_254, %dma_wait3A_255] : memref<2000x512xbf16, #tpu.memory_space<vmem_shared>> -> memref<2000x512xbf16, #tpu.memory_space<vmem_shared>>
            tpu.wait_indirect_dma semaphore(%arg18 : memref<!tpu.dma_semaphore, #tpu.memory_space<semaphore_mem>>) src(%dma_wait3A_256 : memref<2000x512xbf16, #tpu.memory_space<vmem_shared>>) dst(%arg11 : memref<64x512xbf16, #tpu.memory_space<vmem>>)
            %mul3A_257 = arith.constant 64 : i32
            %mul3A_258 = arith.muli %while3A_207, %mul3A_257 : i32
            %add3A_259 = arith.constant 0 : i32
            %add3A_260 = arith.addi %mul3A_258, %add3A_259 : i32
            %get3A_261 = arith.index_cast %add3A_260 : i32 to index
            %get3A_262 = tpu.vector_load %arg9[%get3A_261] {strides = array<i32>} : memref<10176xi32, #tpu.memory_space<vmem>>, vector<16xi32>,
            %swap3A_263 = arith.constant 0 : index
            %swap3A_264 = tpu.vector_load %arg13[%swap3A_263] {strides = array<i32>} : memref<64xi32, #tpu.memory_space<vmem>>, vector<16xi32>,
            tpu.vector_store %arg13[%swap3A_263], %get3A_262 {strides = array<i32>} : memref<64xi32, #tpu.memory_space<vmem>>, vector<16xi32>,
            %mul3A_265 = arith.constant 64 : i32
            %mul3A_266 = arith.muli %while3A_207, %mul3A_265 : i32
            %add3A_267 = arith.constant 16 : i32
            %add3A_268 = arith.addi %mul3A_266, %add3A_267 : i32
            %get3A_269 = arith.index_cast %add3A_268 : i32 to index
            %get3A_270 = tpu.vector_load %arg9[%get3A_269] {strides = array<i32>} : memref<10176xi32, #tpu.memory_space<vmem>>, vector<16xi32>,
            %swap3A_271 = arith.constant 16 : index
            %swap3A_272 = tpu.vector_load %arg13[%swap3A_271] {strides = array<i32>} : memref<64xi32, #tpu.memory_space<vmem>>, vector<16xi32>,
            tpu.vector_store %arg13[%swap3A_271], %get3A_270 {strides = array<i32>} : memref<64xi32, #tpu.memory_space<vmem>>, vector<16xi32>,
            %mul3A_273 = arith.constant 64 : i32
            %mul3A_274 = arith.muli %while3A_207, %mul3A_273 : i32
            %add3A_275 = arith.constant 32 : i32
            %add3A_276 = arith.addi %mul3A_274, %add3A_275 : i32
            %get3A_277 = arith.index_cast %add3A_276 : i32 to index
            %get3A_278 = tpu.vector_load %arg9[%get3A_277] {strides = array<i32>} : memref<10176xi32, #tpu.memory_space<vmem>>, vector<16xi32>,
            %swap3A_279 = arith.constant 32 : index
            %swap3A_280 = tpu.vector_load %arg13[%swap3A_279] {strides = array<i32>} : memref<64xi32, #tpu.memory_space<vmem>>, vector<16xi32>,
            tpu.vector_store %arg13[%swap3A_279], %get3A_278 {strides = array<i32>} : memref<64xi32, #tpu.memory_space<vmem>>, vector<16xi32>,
            %mul3A_281 = arith.constant 64 : i32
            %mul3A_282 = arith.muli %while3A_207, %mul3A_281 : i32
            %add3A_283 = arith.constant 48 : i32
            %add3A_284 = arith.addi %mul3A_282, %add3A_283 : i32
            %get3A_285 = arith.index_cast %add3A_284 : i32 to index
            %get3A_286 = tpu.vector_load %arg9[%get3A_285] {strides = array<i32>} : memref<10176xi32, #tpu.memory_space<vmem>>, vector<16xi32>,
            %swap3A_287 = arith.constant 48 : index
            %swap3A_288 = tpu.vector_load %arg13[%swap3A_287] {strides = array<i32>} : memref<64xi32, #tpu.memory_space<vmem>>, vector<16xi32>,
            tpu.vector_store %arg13[%swap3A_287], %get3A_286 {strides = array<i32>} : memref<64xi32, #tpu.memory_space<vmem>>, vector<16xi32>,
            "tpu.region"() ({
              %run_scoped3A_293 = tpu.sem_alloc : memref<!tpu.dma_semaphore, #tpu.memory_space<semaphore_mem>>
              %dma_start3A = arith.constant 0 : i32
              %dma_start3A_294 = arith.constant 0 : i32
              %dma_start3A_295 = tpu.memref_slice %arg16[%dma_start3A, %dma_start3A_294] : memref<1024x512xbf16, #tpu.memory_space<vmem_shared>> -> memref<1024x512xbf16, #tpu.memory_space<vmem_shared>>
              tpu.enqueue_indirect_dma source(%arg11 : memref<64x512xbf16, #tpu.memory_space<vmem>>) target(%dma_start3A_295 : memref<1024x512xbf16, #tpu.memory_space<vmem_shared>>) offsets(%arg13 : memref<64xi32, #tpu.memory_space<vmem>>) semaphore(%run_scoped3A_293 : memref<!tpu.dma_semaphore, #tpu.memory_space<semaphore_mem>>) {add = true}
              %dma_wait3A_296 = arith.constant 0 : i32
              %dma_wait3A_297 = arith.constant 0 : i32
              %dma_wait3A_298 = tpu.memref_slice %arg16[%dma_wait3A_296, %dma_wait3A_297] : memref<1024x512xbf16, #tpu.memory_space<vmem_shared>> -> memref<1024x512xbf16, #tpu.memory_space<vmem_shared>>
              tpu.wait_indirect_dma semaphore(%run_scoped3A_293 : memref<!tpu.dma_semaphore, #tpu.memory_space<semaphore_mem>>) src(%arg11 : memref<64x512xbf16, #tpu.memory_space<vmem>>) dst(%dma_wait3A_298 : memref<1024x512xbf16, #tpu.memory_space<vmem_shared>>)
              tpu.yield
            }) : () -> ()
            %lt3A_289 = arith.cmpi slt, %add3A_209, %select_n3A : i32
            %convert_element_type3A_290 = arith.extui %lt3A_289 : i1 to i32
            %cond3A_291 = arith.constant 0 : i32
            %cond3A_292 = arith.cmpi ne, %convert_element_type3A_290, %cond3A_291 : i32
            scf.if %cond3A_292 {
              %mul3A_293 = arith.constant 64 : i32
              %mul3A_294 = arith.muli %add3A_209, %mul3A_293 : i32
              %dma_start3A = tpu.memref_slice %arg8[%mul3A_294] : memref<10176xi32, #tpu.memory_space<vmem>> -> memref<64xi32, #tpu.memory_space<vmem>>
              %dma_start3A_295 = arith.constant 0 : i32
              %dma_start3A_296 = arith.constant 0 : i32
              %dma_start3A_297 = tpu.memref_slice %arg15[%dma_start3A_295, %dma_start3A_296] : memref<2000x512xbf16, #tpu.memory_space<vmem_shared>> -> memref<2000x512xbf16, #tpu.memory_space<vmem_shared>>
              tpu.enqueue_indirect_dma source(%dma_start3A_297 : memref<2000x512xbf16, #tpu.memory_space<vmem_shared>>) target(%arg11 : memref<64x512xbf16, #tpu.memory_space<vmem>>) offsets(%dma_start3A : memref<64xi32, #tpu.memory_space<vmem>>) semaphore(%arg18 : memref<!tpu.dma_semaphore, #tpu.memory_space<semaphore_mem>>)
            } else {
            }
          } else {
          }
        }
        %while3A_205 = arith.constant 1 : i32
        scf.for %while3A_207 = %while3A_203 to %while3A_199 step %while3A_205  : i32 {
          %add3A_208 = arith.constant 2 : i32
          %add3A_209 = arith.addi %while3A_207, %add3A_208 : i32
          %jit3A_210 = arith.constant 2 : i32
          %eq3A_211 = arith.constant 0 : i32
          %eq3A_212 = arith.cmpi eq, %jit3A_210, %eq3A_211 : i32
          %jit3A_213 = arith.constant 1 : i32
          %select_n3A_214 = arith.select %eq3A_212, %jit3A_213, %jit3A_210 : i32
          %rem3A_215 = arith.remsi %while3A_207, %select_n3A_214 : i32
          %ne3A_216 = arith.constant 0 : i32
          %ne3A_217 = arith.cmpi ne, %rem3A_215, %ne3A_216 : i32
          %lt3A_218 = arith.constant 0 : i32
          %lt3A_219 = arith.cmpi slt, %rem3A_215, %lt3A_218 : i32
          %lt3A_220 = arith.constant 0 : i32
          %lt3A_221 = arith.cmpi slt, %select_n3A_214, %lt3A_220 : i32
          %ne3A_222 = arith.xori %lt3A_219, %lt3A_221 : i1
          %and3A_223 = arith.andi %ne3A_222, %ne3A_217 : i1
          %add3A_224 = arith.addi %rem3A_215, %select_n3A_214 : i32
          %select_n3A_225 = arith.select %and3A_223, %add3A_224, %rem3A_215 : i32
          %eq3A_226 = arith.constant 0 : i32
          %eq3A_227 = arith.cmpi eq, %select_n3A_225, %eq3A_226 : i32
          %convert_element_type3A_228 = arith.extui %eq3A_227 : i1 to i32
          %cond3A_229 = arith.constant 0 : i32
          %cond3A_230 = arith.cmpi ne, %convert_element_type3A_228, %cond3A_229 : i32
          scf.if %cond3A_230 {
            %mul3A_252 = arith.constant 64 : i32
            %mul3A_253 = arith.muli %while3A_207, %mul3A_252 : i32
            %dma_wait3A = tpu.memref_slice %arg8[%mul3A_253] : memref<10176xi32, #tpu.memory_space<vmem>> -> memref<64xi32, #tpu.memory_space<vmem>>
            %dma_wait3A_254 = arith.constant 0 : i32
            %dma_wait3A_255 = arith.constant 0 : i32
            %dma_wait3A_256 = tpu.memref_slice %arg15[%dma_wait3A_254, %dma_wait3A_255] : memref<2000x512xbf16, #tpu.memory_space<vmem_shared>> -> memref<2000x512xbf16, #tpu.memory_space<vmem_shared>>
            tpu.wait_indirect_dma semaphore(%arg17 : memref<!tpu.dma_semaphore, #tpu.memory_space<semaphore_mem>>) src(%dma_wait3A_256 : memref<2000x512xbf16, #tpu.memory_space<vmem_shared>>) dst(%arg10 : memref<64x512xbf16, #tpu.memory_space<vmem>>)
            %mul3A_257 = arith.constant 64 : i32
            %mul3A_258 = arith.muli %while3A_207, %mul3A_257 : i32
            %add3A_259 = arith.constant 0 : i32
            %add3A_260 = arith.addi %mul3A_258, %add3A_259 : i32
            %get3A_261 = arith.index_cast %add3A_260 : i32 to index
            %get3A_262 = tpu.vector_load %arg9[%get3A_261] {strides = array<i32>} : memref<10176xi32, #tpu.memory_space<vmem>>, vector<16xi32>,
            %swap3A_263 = arith.constant 0 : index
            %swap3A_264 = tpu.vector_load %arg12[%swap3A_263] {strides = array<i32>} : memref<64xi32, #tpu.memory_space<vmem>>, vector<16xi32>,
            tpu.vector_store %arg12[%swap3A_263], %get3A_262 {strides = array<i32>} : memref<64xi32, #tpu.memory_space<vmem>>, vector<16xi32>,
            %mul3A_265 = arith.constant 64 : i32
            %mul3A_266 = arith.muli %while3A_207, %mul3A_265 : i32
            %add3A_267 = arith.constant 16 : i32
            %add3A_268 = arith.addi %mul3A_266, %add3A_267 : i32
            %get3A_269 = arith.index_cast %add3A_268 : i32 to index
            %get3A_270 = tpu.vector_load %arg9[%get3A_269] {strides = array<i32>} : memref<10176xi32, #tpu.memory_space<vmem>>, vector<16xi32>,
            %swap3A_271 = arith.constant 16 : index
            %swap3A_272 = tpu.vector_load %arg12[%swap3A_271] {strides = array<i32>} : memref<64xi32, #tpu.memory_space<vmem>>, vector<16xi32>,
            tpu.vector_store %arg12[%swap3A_271], %get3A_270 {strides = array<i32>} : memref<64xi32, #tpu.memory_space<vmem>>, vector<16xi32>,
            %mul3A_273 = arith.constant 64 : i32
            %mul3A_274 = arith.muli %while3A_207, %mul3A_273 : i32
            %add3A_275 = arith.constant 32 : i32
            %add3A_276 = arith.addi %mul3A_274, %add3A_275 : i32
            %get3A_277 = arith.index_cast %add3A_276 : i32 to index
            %get3A_278 = tpu.vector_load %arg9[%get3A_277] {strides = array<i32>} : memref<10176xi32, #tpu.memory_space<vmem>>, vector<16xi32>,
            %swap3A_279 = arith.constant 32 : index
            %swap3A_280 = tpu.vector_load %arg12[%swap3A_279] {strides = array<i32>} : memref<64xi32, #tpu.memory_space<vmem>>, vector<16xi32>,
            tpu.vector_store %arg12[%swap3A_279], %get3A_278 {strides = array<i32>} : memref<64xi32, #tpu.memory_space<vmem>>, vector<16xi32>,
            %mul3A_281 = arith.constant 64 : i32
            %mul3A_282 = arith.muli %while3A_207, %mul3A_281 : i32
            %add3A_283 = arith.constant 48 : i32
            %add3A_284 = arith.addi %mul3A_282, %add3A_283 : i32
            %get3A_285 = arith.index_cast %add3A_284 : i32 to index
            %get3A_286 = tpu.vector_load %arg9[%get3A_285] {strides = array<i32>} : memref<10176xi32, #tpu.memory_space<vmem>>, vector<16xi32>,
            %swap3A_287 = arith.constant 48 : index
            %swap3A_288 = tpu.vector_load %arg12[%swap3A_287] {strides = array<i32>} : memref<64xi32, #tpu.memory_space<vmem>>, vector<16xi32>,
            tpu.vector_store %arg12[%swap3A_287], %get3A_286 {strides = array<i32>} : memref<64xi32, #tpu.memory_space<vmem>>, vector<16xi32>,
            "tpu.region"() ({
              %run_scoped3A_293 = tpu.sem_alloc : memref<!tpu.dma_semaphore, #tpu.memory_space<semaphore_mem>>
              %dma_start3A = arith.constant 0 : i32
              %dma_start3A_294 = arith.constant 0 : i32
              %dma_start3A_295 = tpu.memref_slice %arg16[%dma_start3A, %dma_start3A_294] : memref<1024x512xbf16, #tpu.memory_space<vmem_shared>> -> memref<1024x512xbf16, #tpu.memory_space<vmem_shared>>
              tpu.enqueue_indirect_dma source(%arg10 : memref<64x512xbf16, #tpu.memory_space<vmem>>) target(%dma_start3A_295 : memref<1024x512xbf16, #tpu.memory_space<vmem_shared>>) offsets(%arg12 : memref<64xi32, #tpu.memory_space<vmem>>) semaphore(%run_scoped3A_293 : memref<!tpu.dma_semaphore, #tpu.memory_space<semaphore_mem>>) {add = true}
              %dma_wait3A_296 = arith.constant 0 : i32
              %dma_wait3A_297 = arith.constant 0 : i32
              %dma_wait3A_298 = tpu.memref_slice %arg16[%dma_wait3A_296, %dma_wait3A_297] : memref<1024x512xbf16, #tpu.memory_space<vmem_shared>> -> memref<1024x512xbf16, #tpu.memory_space<vmem_shared>>
              tpu.wait_indirect_dma semaphore(%run_scoped3A_293 : memref<!tpu.dma_semaphore, #tpu.memory_space<semaphore_mem>>) src(%arg10 : memref<64x512xbf16, #tpu.memory_space<vmem>>) dst(%dma_wait3A_298 : memref<1024x512xbf16, #tpu.memory_space<vmem_shared>>)
              tpu.yield
            }) : () -> ()
            %lt3A_289 = arith.cmpi slt, %add3A_209, %select_n3A : i32
            %convert_element_type3A_290 = arith.extui %lt3A_289 : i1 to i32
            %cond3A_291 = arith.constant 0 : i32
            %cond3A_292 = arith.cmpi ne, %convert_element_type3A_290, %cond3A_291 : i32
            scf.if %cond3A_292 {
              %mul3A_293 = arith.constant 64 : i32
              %mul3A_294 = arith.muli %add3A_209, %mul3A_293 : i32
              %dma_start3A = tpu.memref_slice %arg8[%mul3A_294] : memref<10176xi32, #tpu.memory_space<vmem>> -> memref<64xi32, #tpu.memory_space<vmem>>
              %dma_start3A_295 = arith.constant 0 : i32
              %dma_start3A_296 = arith.constant 0 : i32
              %dma_start3A_297 = tpu.memref_slice %arg15[%dma_start3A_295, %dma_start3A_296] : memref<2000x512xbf16, #tpu.memory_space<vmem_shared>> -> memref<2000x512xbf16, #tpu.memory_space<vmem_shared>>
              tpu.enqueue_indirect_dma source(%dma_start3A_297 : memref<2000x512xbf16, #tpu.memory_space<vmem_shared>>) target(%arg10 : memref<64x512xbf16, #tpu.memory_space<vmem>>) offsets(%dma_start3A : memref<64xi32, #tpu.memory_space<vmem>>) semaphore(%arg17 : memref<!tpu.dma_semaphore, #tpu.memory_space<semaphore_mem>>)
            } else {
            }
          } else {
          }
          %jit3A_231 = arith.constant 2 : i32
          %eq3A_232 = arith.constant 0 : i32
          %eq3A_233 = arith.cmpi eq, %jit3A_231, %eq3A_232 : i32
          %jit3A_234 = arith.constant 1 : i32
          %select_n3A_235 = arith.select %eq3A_233, %jit3A_234, %jit3A_231 : i32
          %rem3A_236 = arith.remsi %while3A_207, %select_n3A_235 : i32
          %ne3A_237 = arith.constant 0 : i32
          %ne3A_238 = arith.cmpi ne, %rem3A_236, %ne3A_237 : i32
          %lt3A_239 = arith.constant 0 : i32
          %lt3A_240 = arith.cmpi slt, %rem3A_236, %lt3A_239 : i32
          %lt3A_241 = arith.constant 0 : i32
          %lt3A_242 = arith.cmpi slt, %select_n3A_235, %lt3A_241 : i32
          %ne3A_243 = arith.xori %lt3A_240, %lt3A_242 : i1
          %and3A_244 = arith.andi %ne3A_243, %ne3A_238 : i1
          %add3A_245 = arith.addi %rem3A_236, %select_n3A_235 : i32
          %select_n3A_246 = arith.select %and3A_244, %add3A_245, %rem3A_236 : i32
          %eq3A_247 = arith.constant 1 : i32
          %eq3A_248 = arith.cmpi eq, %select_n3A_246, %eq3A_247 : i32
          %convert_element_type3A_249 = arith.extui %eq3A_248 : i1 to i32
          %cond3A_250 = arith.constant 0 : i32
          %cond3A_251 = arith.cmpi ne, %convert_element_type3A_249, %cond3A_250 : i32
          scf.if %cond3A_251 {
            %mul3A_252 = arith.constant 64 : i32
            %mul3A_253 = arith.muli %while3A_207, %mul3A_252 : i32
            %dma_wait3A = tpu.memref_slice %arg8[%mul3A_253] : memref<10176xi32, #tpu.memory_space<vmem>> -> memref<64xi32, #tpu.memory_space<vmem>>
            %dma_wait3A_254 = arith.constant 0 : i32
            %dma_wait3A_255 = arith.constant 0 : i32
            %dma_wait3A_256 = tpu.memref_slice %arg15[%dma_wait3A_254, %dma_wait3A_255] : memref<2000x512xbf16, #tpu.memory_space<vmem_shared>> -> memref<2000x512xbf16, #tpu.memory_space<vmem_shared>>
            tpu.wait_indirect_dma semaphore(%arg18 : memref<!tpu.dma_semaphore, #tpu.memory_space<semaphore_mem>>) src(%dma_wait3A_256 : memref<2000x512xbf16, #tpu.memory_space<vmem_shared>>) dst(%arg11 : memref<64x512xbf16, #tpu.memory_space<vmem>>)
            %mul3A_257 = arith.constant 64 : i32
            %mul3A_258 = arith.muli %while3A_207, %mul3A_257 : i32
            %add3A_259 = arith.constant 0 : i32
            %add3A_260 = arith.addi %mul3A_258, %add3A_259 : i32
            %get3A_261 = arith.index_cast %add3A_260 : i32 to index
            %get3A_262 = tpu.vector_load %arg9[%get3A_261] {strides = array<i32>} : memref<10176xi32, #tpu.memory_space<vmem>>, vector<16xi32>,
            %swap3A_263 = arith.constant 0 : index
            %swap3A_264 = tpu.vector_load %arg13[%swap3A_263] {strides = array<i32>} : memref<64xi32, #tpu.memory_space<vmem>>, vector<16xi32>,
            tpu.vector_store %arg13[%swap3A_263], %get3A_262 {strides = array<i32>} : memref<64xi32, #tpu.memory_space<vmem>>, vector<16xi32>,
            %mul3A_265 = arith.constant 64 : i32
            %mul3A_266 = arith.muli %while3A_207, %mul3A_265 : i32
            %add3A_267 = arith.constant 16 : i32
            %add3A_268 = arith.addi %mul3A_266, %add3A_267 : i32
            %get3A_269 = arith.index_cast %add3A_268 : i32 to index
            %get3A_270 = tpu.vector_load %arg9[%get3A_269] {strides = array<i32>} : memref<10176xi32, #tpu.memory_space<vmem>>, vector<16xi32>,
            %swap3A_271 = arith.constant 16 : index
            %swap3A_272 = tpu.vector_load %arg13[%swap3A_271] {strides = array<i32>} : memref<64xi32, #tpu.memory_space<vmem>>, vector<16xi32>,
            tpu.vector_store %arg13[%swap3A_271], %get3A_270 {strides = array<i32>} : memref<64xi32, #tpu.memory_space<vmem>>, vector<16xi32>,
            %mul3A_273 = arith.constant 64 : i32
            %mul3A_274 = arith.muli %while3A_207, %mul3A_273 : i32
            %add3A_275 = arith.constant 32 : i32
            %add3A_276 = arith.addi %mul3A_274, %add3A_275 : i32
            %get3A_277 = arith.index_cast %add3A_276 : i32 to index
            %get3A_278 = tpu.vector_load %arg9[%get3A_277] {strides = array<i32>} : memref<10176xi32, #tpu.memory_space<vmem>>, vector<16xi32>,
            %swap3A_279 = arith.constant 32 : index
            %swap3A_280 = tpu.vector_load %arg13[%swap3A_279] {strides = array<i32>} : memref<64xi32, #tpu.memory_space<vmem>>, vector<16xi32>,
            tpu.vector_store %arg13[%swap3A_279], %get3A_278 {strides = array<i32>} : memref<64xi32, #tpu.memory_space<vmem>>, vector<16xi32>,
            %mul3A_281 = arith.constant 64 : i32
            %mul3A_282 = arith.muli %while3A_207, %mul3A_281 : i32
            %add3A_283 = arith.constant 48 : i32
            %add3A_284 = arith.addi %mul3A_282, %add3A_283 : i32
            %get3A_285 = arith.index_cast %add3A_284 : i32 to index
            %get3A_286 = tpu.vector_load %arg9[%get3A_285] {strides = array<i32>} : memref<10176xi32, #tpu.memory_space<vmem>>, vector<16xi32>,
            %swap3A_287 = arith.constant 48 : index
            %swap3A_288 = tpu.vector_load %arg13[%swap3A_287] {strides = array<i32>} : memref<64xi32, #tpu.memory_space<vmem>>, vector<16xi32>,
            tpu.vector_store %arg13[%swap3A_287], %get3A_286 {strides = array<i32>} : memref<64xi32, #tpu.memory_space<vmem>>, vector<16xi32>,
            "tpu.region"() ({
              %run_scoped3A_293 = tpu.sem_alloc : memref<!tpu.dma_semaphore, #tpu.memory_space<semaphore_mem>>
              %dma_start3A = arith.constant 0 : i32
              %dma_start3A_294 = arith.constant 0 : i32
              %dma_start3A_295 = tpu.memref_slice %arg16[%dma_start3A, %dma_start3A_294] : memref<1024x512xbf16, #tpu.memory_space<vmem_shared>> -> memref<1024x512xbf16, #tpu.memory_space<vmem_shared>>
              tpu.enqueue_indirect_dma source(%arg11 : memref<64x512xbf16, #tpu.memory_space<vmem>>) target(%dma_start3A_295 : memref<1024x512xbf16, #tpu.memory_space<vmem_shared>>) offsets(%arg13 : memref<64xi32, #tpu.memory_space<vmem>>) semaphore(%run_scoped3A_293 : memref<!tpu.dma_semaphore, #tpu.memory_space<semaphore_mem>>) {add = true}
              %dma_wait3A_296 = arith.constant 0 : i32
              %dma_wait3A_297 = arith.constant 0 : i32
              %dma_wait3A_298 = tpu.memref_slice %arg16[%dma_wait3A_296, %dma_wait3A_297] : memref<1024x512xbf16, #tpu.memory_space<vmem_shared>> -> memref<1024x512xbf16, #tpu.memory_space<vmem_shared>>
              tpu.wait_indirect_dma semaphore(%run_scoped3A_293 : memref<!tpu.dma_semaphore, #tpu.memory_space<semaphore_mem>>) src(%arg11 : memref<64x512xbf16, #tpu.memory_space<vmem>>) dst(%dma_wait3A_298 : memref<1024x512xbf16, #tpu.memory_space<vmem_shared>>)
              tpu.yield
            }) : () -> ()
            %lt3A_289 = arith.cmpi slt, %add3A_209, %select_n3A : i32
            %convert_element_type3A_290 = arith.extui %lt3A_289 : i1 to i32
            %cond3A_291 = arith.constant 0 : i32
            %cond3A_292 = arith.cmpi ne, %convert_element_type3A_290, %cond3A_291 : i32
            scf.if %cond3A_292 {
              %mul3A_293 = arith.constant 64 : i32
              %mul3A_294 = arith.muli %add3A_209, %mul3A_293 : i32
              %dma_start3A = tpu.memref_slice %arg8[%mul3A_294] : memref<10176xi32, #tpu.memory_space<vmem>> -> memref<64xi32, #tpu.memory_space<vmem>>
              %dma_start3A_295 = arith.constant 0 : i32
              %dma_start3A_296 = arith.constant 0 : i32
              %dma_start3A_297 = tpu.memref_slice %arg15[%dma_start3A_295, %dma_start3A_296] : memref<2000x512xbf16, #tpu.memory_space<vmem_shared>> -> memref<2000x512xbf16, #tpu.memory_space<vmem_shared>>
              tpu.enqueue_indirect_dma source(%dma_start3A_297 : memref<2000x512xbf16, #tpu.memory_space<vmem_shared>>) target(%arg11 : memref<64x512xbf16, #tpu.memory_space<vmem>>) offsets(%dma_start3A : memref<64xi32, #tpu.memory_space<vmem>>) semaphore(%arg18 : memref<!tpu.dma_semaphore, #tpu.memory_space<semaphore_mem>>)
            } else {
            }
          } else {
          }
        }
        %barrier3A_206 = arith.constant 0 : index
        tpu.barrier barrier_id(%barrier3A_206)
      }
      %scan3A_64 = arith.constant 5 : i32
      %lt3A = arith.constant 15 : i32
      %lt3A_65 = arith.cmpi slt, %arg1, %lt3A : i32
      %convert_element_type3A_66 = arith.extui %lt3A_65 : i1 to i32
      %cond3A = arith.constant 0 : i32
      %cond3A_67 = arith.cmpi ne, %convert_element_type3A_66, %cond3A : i32
      scf.if %cond3A_67 {
        %mul3A_74 = arith.constant 64 : i32
        %mul3A_75 = arith.muli %arg1, %mul3A_74 : i32
        %mul3A_76 = arith.constant 64 : i32
        %mul3A_77 = arith.muli %arg1, %mul3A_76 : i32
        %add3A_78 = arith.addi %mul3A_19, %mul3A_77 : i32
        "tpu.region"() ({
          %run_scoped3A_79 = tpu.sem_alloc : memref<!tpu.dma_semaphore, #tpu.memory_space<semaphore_mem>>
          %dma_start3A = arith.constant 0 : i32
          %dma_start3A_80 = tpu.memref_slice %arg6[%add3A_78, %dma_start3A] : memref<10000x512xbf16, #tpu.memory_space<hbm>> -> memref<64x512xbf16, #tpu.memory_space<hbm>>
          %dma_start3A_81 = arith.constant 0 : i32
          %dma_start3A_82 = tpu.memref_slice %arg16[%mul3A_75, %dma_start3A_81] : memref<1024x512xbf16, #tpu.memory_space<vmem_shared>> -> memref<64x512xbf16, #tpu.memory_space<vmem_shared>>
          tpu.enqueue_dma source(%dma_start3A_82 : memref<64x512xbf16, #tpu.memory_space<vmem_shared>>) target(%dma_start3A_80 : memref<64x512xbf16, #tpu.memory_space<hbm>>) target_semaphore(%run_scoped3A_79 : memref<!tpu.dma_semaphore, #tpu.memory_space<semaphore_mem>>)
          %dma_wait3A = arith.constant 0 : i32
          %dma_wait3A_83 = tpu.memref_slice %arg6[%add3A_78, %dma_wait3A] : memref<10000x512xbf16, #tpu.memory_space<hbm>> -> memref<64x512xbf16, #tpu.memory_space<hbm>>
          %dma_wait3A_84 = arith.constant 0 : i32
          %dma_wait3A_85 = tpu.memref_slice %arg16[%mul3A_75, %dma_wait3A_84] : memref<1024x512xbf16, #tpu.memory_space<vmem_shared>> -> memref<64x512xbf16, #tpu.memory_space<vmem_shared>>
          tpu.wait_dma2 semaphore(%run_scoped3A_79 : memref<!tpu.dma_semaphore, #tpu.memory_space<semaphore_mem>>) src(%dma_wait3A_85 : memref<64x512xbf16, #tpu.memory_space<vmem_shared>>) dst(%dma_wait3A_83 : memref<64x512xbf16, #tpu.memory_space<hbm>>)
          tpu.yield
        }) : () -> ()
      } else {
      }
      %eq3A_68 = arith.constant 15 : i32
      %eq3A_69 = arith.cmpi eq, %arg1, %eq3A_68 : i32
      %convert_element_type3A_70 = arith.extui %eq3A_69 : i1 to i32
      %cond3A_71 = arith.constant 0 : i32
      %cond3A_72 = arith.cmpi ne, %convert_element_type3A_70, %cond3A_71 : i32
      scf.if %cond3A_72 {
        %add3A_74 = arith.constant 960 : i32
        %add3A_75 = arith.addi %mul3A_19, %add3A_74 : i32
        "tpu.region"() ({
          %run_scoped3A_76 = tpu.sem_alloc : memref<!tpu.dma_semaphore, #tpu.memory_space<semaphore_mem>>
          %dma_start3A = arith.constant 0 : i32
          %dma_start3A_77 = tpu.memref_slice %arg6[%add3A_75, %dma_start3A] : memref<10000x512xbf16, #tpu.memory_space<hbm>> -> memref<40x512xbf16, #tpu.memory_space<hbm>>
          %dma_start3A_78 = arith.constant 960 : i32
          %dma_start3A_79 = arith.constant 0 : i32
          %dma_start3A_80 = tpu.memref_slice %arg16[%dma_start3A_78, %dma_start3A_79] : memref<1024x512xbf16, #tpu.memory_space<vmem_shared>> -> memref<40x512xbf16, #tpu.memory_space<vmem_shared>>
          tpu.enqueue_dma source(%dma_start3A_80 : memref<40x512xbf16, #tpu.memory_space<vmem_shared>>) target(%dma_start3A_77 : memref<40x512xbf16, #tpu.memory_space<hbm>>) target_semaphore(%run_scoped3A_76 : memref<!tpu.dma_semaphore, #tpu.memory_space<semaphore_mem>>)
          %dma_wait3A = arith.constant 0 : i32
          %dma_wait3A_81 = tpu.memref_slice %arg6[%add3A_75, %dma_wait3A] : memref<10000x512xbf16, #tpu.memory_space<hbm>> -> memref<40x512xbf16, #tpu.memory_space<hbm>>
          %dma_wait3A_82 = arith.constant 960 : i32
          %dma_wait3A_83 = arith.constant 0 : i32
          %dma_wait3A_84 = tpu.memref_slice %arg16[%dma_wait3A_82, %dma_wait3A_83] : memref<1024x512xbf16, #tpu.memory_space<vmem_shared>> -> memref<40x512xbf16, #tpu.memory_space<vmem_shared>>
          tpu.wait_dma2 semaphore(%run_scoped3A_76 : memref<!tpu.dma_semaphore, #tpu.memory_space<semaphore_mem>>) src(%dma_wait3A_84 : memref<40x512xbf16, #tpu.memory_space<vmem_shared>>) dst(%dma_wait3A_81 : memref<40x512xbf16, #tpu.memory_space<hbm>>)
          tpu.yield
        }) : () -> ()
      } else {
      }
      %barrier3A_73 = arith.constant 0 : index
      tpu.barrier barrier_id(%barrier3A_73)
    }
    %scan3A_13 = arith.constant 5 : i32
    return
  }
}

module attributes {stable_mosaic.version = 14 : i64} {
  func.func @_k1_body(%arg0: i32, %arg1: memref<1x1x2000xi32, #tpu.memory_space<vmem>>, %arg2: memref<256x512xbf16, #tpu.memory_space<vmem>>, %arg3: memref<512x512xbf16, #tpu.memory_space<vmem>>, %arg4: memref<1x512xf32, #tpu.memory_space<vmem>>, %arg5: memref<512x512xbf16, #tpu.memory_space<vmem>>, %arg6: memref<1x512xf32, #tpu.memory_space<vmem>>, %arg7: memref<512x512xbf16, #tpu.memory_space<vmem>>, %arg8: memref<2000x512xbf16, #tpu.memory_space<vmem>>, %arg9: memref<2000x512xf32, #tpu.memory_space<vmem>>) attributes {dimension_semantics = [#tpu.dimension_semantics<arbitrary>], iteration_bounds = array<i64: 5>, scalar_prefetch = 0 : i64, scratch_operands = 0 : i64, tpu.core_type = #tpu.core_type<tc>, window_params = [{transform_indices = @transform_0, window_bounds = array<i64: 1, 1, 2000>}, {pipeline_mode = #tpu.pipeline_mode<synchronous>, transform_indices = @transform_1, window_bounds = array<i64: 256, 512>}, {pipeline_mode = #tpu.pipeline_mode<synchronous>, transform_indices = @transform_2, window_bounds = array<i64: 512, 512>}, {pipeline_mode = #tpu.pipeline_mode<synchronous>, transform_indices = @transform_3, window_bounds = array<i64: 1, 512>}, {pipeline_mode = #tpu.pipeline_mode<synchronous>, transform_indices = @transform_4, window_bounds = array<i64: 512, 512>}, {pipeline_mode = #tpu.pipeline_mode<synchronous>, transform_indices = @transform_5, window_bounds = array<i64: 1, 512>}, {pipeline_mode = #tpu.pipeline_mode<synchronous>, transform_indices = @transform_6, window_bounds = array<i64: 512, 512>}, {transform_indices = @transform_7, window_bounds = array<i64: 2000, 512>}, {transform_indices = @transform_8, window_bounds = array<i64: 2000, 512>}]} {
    %get3A = arith.constant 0 : index
    %get3A_0 = arith.constant 0 : index
    %get3A_1 = arith.constant 0 : index
    %get3A_2 = vector.load %arg1[%get3A, %get3A_0, %get3A_1] : memref<1x1x2000xi32, #tpu.memory_space<vmem>>, vector<1x1x2000xi32>
    %get3A_3 = vector.shape_cast %get3A_2 : vector<1x1x2000xi32> to vector<2000xi32>
    %broadcast_in_dim3A = vector.shape_cast %get3A_3 : vector<2000xi32> to vector<2000x1xi32>
    %iota3A = tpu.iota {dimensions = array<i32: 1>} : vector<2000x256xi32>
    %eq3A = vector.broadcast %broadcast_in_dim3A : vector<2000x1xi32> to vector<2000x256xi32>
    %eq3A_4 = arith.cmpi eq, %eq3A, %iota3A : vector<2000x256xi32>
    %convert_element_type3A = arith.extui %eq3A_4 : vector<2000x256xi1> to vector<2000x256xi32>
    %convert_element_type3A_5 = arith.sitofp %convert_element_type3A : vector<2000x256xi32> to vector<2000x256xf32>
    %convert_element_type3A_6 = arith.truncf %convert_element_type3A_5 : vector<2000x256xf32> to vector<2000x256xbf16>
    %get3A_7 = arith.constant 0 : index
    %get3A_8 = arith.constant 0 : index
    %get3A_9 = vector.load %arg2[%get3A_7, %get3A_8] : memref<256x512xbf16, #tpu.memory_space<vmem>>, vector<256x512xbf16>
    %dot_general3A = arith.constant dense<0.000000e+00> : vector<2000x512xf32>
    %dot_general3A_10 = tpu.matmul %convert_element_type3A_6, %get3A_9, %dot_general3A {dimension_numbers = #tpu.dot_dimension_numbers<[1], [0], [0], [1], [0, 0, 1, 1], [], []>, transpose_lhs_hint = false} : vector<2000x256xbf16>, vector<256x512xbf16>, vector<2000x512xf32> -> vector<2000x512xf32>
    %convert_element_type3A_11 = arith.truncf %dot_general3A_10 : vector<2000x512xf32> to vector<2000x512xbf16>
    %get3A_12 = arith.constant 0 : index
    %get3A_13 = arith.constant 0 : index
    %get3A_14 = vector.load %arg3[%get3A_12, %get3A_13] : memref<512x512xbf16, #tpu.memory_space<vmem>>, vector<512x512xbf16>
    %dot_general3A_15 = arith.constant dense<0.000000e+00> : vector<2000x512xf32>
    %dot_general3A_16 = tpu.matmul %convert_element_type3A_11, %get3A_14, %dot_general3A_15 {dimension_numbers = #tpu.dot_dimension_numbers<[1], [0], [0], [1], [0, 0, 1, 1], [], []>, transpose_lhs_hint = false} : vector<2000x512xbf16>, vector<512x512xbf16>, vector<2000x512xf32> -> vector<2000x512xf32>
    %get3A_17 = arith.constant 0 : index
    %get3A_18 = arith.constant 0 : index
    %get3A_19 = vector.load %arg4[%get3A_17, %get3A_18] : memref<1x512xf32, #tpu.memory_space<vmem>>, vector<1x512xf32>
    %add3A = vector.broadcast %get3A_19 : vector<1x512xf32> to vector<2000x512xf32>
    %add3A_20 = arith.addf %dot_general3A_16, %add3A : vector<2000x512xf32>
    %convert_element_type3A_21 = arith.truncf %add3A_20 : vector<2000x512xf32> to vector<2000x512xbf16>
    %get3A_22 = arith.constant 0 : index
    %get3A_23 = arith.constant 0 : index
    %get3A_24 = vector.load %arg5[%get3A_22, %get3A_23] : memref<512x512xbf16, #tpu.memory_space<vmem>>, vector<512x512xbf16>
    %dot_general3A_25 = arith.constant dense<0.000000e+00> : vector<2000x512xf32>
    %dot_general3A_26 = tpu.matmul %convert_element_type3A_21, %get3A_24, %dot_general3A_25 {dimension_numbers = #tpu.dot_dimension_numbers<[1], [0], [0], [1], [0, 0, 1, 1], [], []>, transpose_lhs_hint = false} : vector<2000x512xbf16>, vector<512x512xbf16>, vector<2000x512xf32> -> vector<2000x512xf32>
    %get3A_27 = arith.constant 0 : index
    %get3A_28 = arith.constant 0 : index
    %get3A_29 = vector.load %arg6[%get3A_27, %get3A_28] : memref<1x512xf32, #tpu.memory_space<vmem>>, vector<1x512xf32>
    %add3A_30 = vector.broadcast %get3A_29 : vector<1x512xf32> to vector<2000x512xf32>
    %add3A_31 = arith.addf %dot_general3A_26, %add3A_30 : vector<2000x512xf32>
    %max3A = arith.constant 0.000000e+00 : f32
    %max3A_32 = vector.broadcast %max3A : f32 to vector<2000x512xf32>
    %max3A_33 = arith.maximumf %add3A_31, %max3A_32 : vector<2000x512xf32>
    %convert_element_type3A_34 = arith.truncf %max3A_33 : vector<2000x512xf32> to vector<2000x512xbf16>
    %swap3A = arith.constant 0 : index
    %swap3A_35 = arith.constant 0 : index
    %swap3A_36 = vector.load %arg8[%swap3A, %swap3A_35] : memref<2000x512xbf16, #tpu.memory_space<vmem>>, vector<2000x512xbf16>
    tpu.vector_store %arg8[%swap3A, %swap3A_35], %convert_element_type3A_34 {strides = array<i32>} : memref<2000x512xbf16, #tpu.memory_space<vmem>>, vector<2000x512xbf16>,
    %get3A_37 = arith.constant 0 : index
    %get3A_38 = arith.constant 0 : index
    %get3A_39 = vector.load %arg7[%get3A_37, %get3A_38] : memref<512x512xbf16, #tpu.memory_space<vmem>>, vector<512x512xbf16>
    %dot_general3A_40 = arith.constant dense<0.000000e+00> : vector<2000x512xf32>
    %dot_general3A_41 = tpu.matmul %convert_element_type3A_34, %get3A_39, %dot_general3A_40 {dimension_numbers = #tpu.dot_dimension_numbers<[1], [0], [0], [1], [0, 0, 1, 1], [], []>, transpose_lhs_hint = false} : vector<2000x512xbf16>, vector<512x512xbf16>, vector<2000x512xf32> -> vector<2000x512xf32>
    %swap3A_42 = arith.constant 0 : index
    %swap3A_43 = arith.constant 0 : index
    %swap3A_44 = vector.load %arg9[%swap3A_42, %swap3A_43] : memref<2000x512xf32, #tpu.memory_space<vmem>>, vector<2000x512xf32>
    tpu.vector_store %arg9[%swap3A_42, %swap3A_43], %dot_general3A_41 {strides = array<i32>} : memref<2000x512xf32, #tpu.memory_space<vmem>>, vector<2000x512xf32>,
    return
  }
  func.func @transform_0(%arg0: i32) -> (i32, i32, i32) {
    %c0_i32 = arith.constant 0 : i32
    %c0_i32_0 = arith.constant 0 : i32
    %c0_i32_1 = arith.constant 0 : i32
    return %arg0, %c0_i32, %c0_i32_0 : i32, i32, i32
  }
  func.func @transform_1(%arg0: i32) -> (i32, i32) {
    %c0_i32 = arith.constant 0 : i32
    %c0_i32_0 = arith.constant 0 : i32
    %c0_i32_1 = arith.constant 0 : i32
    return %c0_i32, %c0_i32_0 : i32, i32
  }
  func.func @transform_2(%arg0: i32) -> (i32, i32) {
    %c0_i32 = arith.constant 0 : i32
    %c0_i32_0 = arith.constant 0 : i32
    %c0_i32_1 = arith.constant 0 : i32
    return %c0_i32, %c0_i32_0 : i32, i32
  }
  func.func @transform_3(%arg0: i32) -> (i32, i32) {
    %c0_i32 = arith.constant 0 : i32
    %c0_i32_0 = arith.constant 0 : i32
    %c0_i32_1 = arith.constant 0 : i32
    return %c0_i32, %c0_i32_0 : i32, i32
  }
  func.func @transform_4(%arg0: i32) -> (i32, i32) {
    %c0_i32 = arith.constant 0 : i32
    %c0_i32_0 = arith.constant 0 : i32
    %c0_i32_1 = arith.constant 0 : i32
    return %c0_i32, %c0_i32_0 : i32, i32
  }
  func.func @transform_5(%arg0: i32) -> (i32, i32) {
    %c0_i32 = arith.constant 0 : i32
    %c0_i32_0 = arith.constant 0 : i32
    %c0_i32_1 = arith.constant 0 : i32
    return %c0_i32, %c0_i32_0 : i32, i32
  }
  func.func @transform_6(%arg0: i32) -> (i32, i32) {
    %c0_i32 = arith.constant 0 : i32
    %c0_i32_0 = arith.constant 0 : i32
    %c0_i32_1 = arith.constant 0 : i32
    return %c0_i32, %c0_i32_0 : i32, i32
  }
  func.func @transform_7(%arg0: i32) -> (i32, i32) {
    %c0_i32 = arith.constant 0 : i32
    %c0_i32_0 = arith.constant 0 : i32
    return %arg0, %c0_i32 : i32, i32
  }
  func.func @transform_8(%arg0: i32) -> (i32, i32) {
    %c0_i32 = arith.constant 0 : i32
    %c0_i32_0 = arith.constant 0 : i32
    return %arg0, %c0_i32 : i32, i32
  }
}

module attributes {stable_mosaic.version = 14 : i64} {
  func.func @_k2_body(%arg0: i32, %arg1: memref<2000x512xbf16, #tpu.memory_space<vmem>>, %arg2: memref<2000x1xf32, #tpu.memory_space<vmem>>, %arg3: memref<2000x512xf32, #tpu.memory_space<vmem>>, %arg4: memref<512x512xbf16, #tpu.memory_space<vmem>>, %arg5: memref<1x512xf32, #tpu.memory_space<vmem>>, %arg6: memref<512x512xbf16, #tpu.memory_space<vmem>>, %arg7: memref<1x512xf32, #tpu.memory_space<vmem>>, %arg8: memref<512x512xbf16, #tpu.memory_space<vmem>>, %arg9: memref<2000x512xbf16, #tpu.memory_space<vmem>>, %arg10: memref<2000x512xf32, #tpu.memory_space<vmem>>) attributes {dimension_semantics = [#tpu.dimension_semantics<arbitrary>], iteration_bounds = array<i64: 5>, scalar_prefetch = 0 : i64, scratch_operands = 0 : i64, tpu.core_type = #tpu.core_type<tc>, window_params = [{transform_indices = @transform_0, window_bounds = array<i64: 2000, 512>}, {transform_indices = @transform_1, window_bounds = array<i64: 2000, 1>}, {transform_indices = @transform_2, window_bounds = array<i64: 2000, 512>}, {pipeline_mode = #tpu.pipeline_mode<synchronous>, transform_indices = @transform_3, window_bounds = array<i64: 512, 512>}, {pipeline_mode = #tpu.pipeline_mode<synchronous>, transform_indices = @transform_4, window_bounds = array<i64: 1, 512>}, {pipeline_mode = #tpu.pipeline_mode<synchronous>, transform_indices = @transform_5, window_bounds = array<i64: 512, 512>}, {pipeline_mode = #tpu.pipeline_mode<synchronous>, transform_indices = @transform_6, window_bounds = array<i64: 1, 512>}, {pipeline_mode = #tpu.pipeline_mode<synchronous>, transform_indices = @transform_7, window_bounds = array<i64: 512, 512>}, {transform_indices = @transform_8, window_bounds = array<i64: 2000, 512>}, {transform_indices = @transform_9, window_bounds = array<i64: 2000, 512>}]} {
    %get3A = arith.constant 0 : index
    %get3A_0 = arith.constant 0 : index
    %get3A_1 = vector.load %arg1[%get3A, %get3A_0] : memref<2000x512xbf16, #tpu.memory_space<vmem>>, vector<2000x512xbf16>
    %convert_element_type3A = arith.extf %get3A_1 : vector<2000x512xbf16> to vector<2000x512xf32>
    %get3A_2 = arith.constant 0 : index
    %get3A_3 = arith.constant 0 : index
    %get3A_4 = vector.load %arg2[%get3A_2, %get3A_3] : memref<2000x1xf32, #tpu.memory_space<vmem>>, vector<2000x1xf32>
    %mul3A = vector.broadcast %get3A_4 : vector<2000x1xf32> to vector<2000x512xf32>
    %mul3A_5 = arith.mulf %convert_element_type3A, %mul3A : vector<2000x512xf32>
    %convert_element_type3A_6 = arith.truncf %mul3A_5 : vector<2000x512xf32> to vector<2000x512xbf16>
    %get3A_7 = arith.constant 0 : index
    %get3A_8 = arith.constant 0 : index
    %get3A_9 = vector.load %arg4[%get3A_7, %get3A_8] : memref<512x512xbf16, #tpu.memory_space<vmem>>, vector<512x512xbf16>
    %dot_general3A = arith.constant dense<0.000000e+00> : vector<2000x512xf32>
    %dot_general3A_10 = tpu.matmul %convert_element_type3A_6, %get3A_9, %dot_general3A {dimension_numbers = #tpu.dot_dimension_numbers<[1], [0], [0], [1], [0, 0, 1, 1], [], []>, transpose_lhs_hint = false} : vector<2000x512xbf16>, vector<512x512xbf16>, vector<2000x512xf32> -> vector<2000x512xf32>
    %get3A_11 = arith.constant 0 : index
    %get3A_12 = arith.constant 0 : index
    %get3A_13 = vector.load %arg5[%get3A_11, %get3A_12] : memref<1x512xf32, #tpu.memory_space<vmem>>, vector<1x512xf32>
    %add3A = vector.broadcast %get3A_13 : vector<1x512xf32> to vector<2000x512xf32>
    %add3A_14 = arith.addf %dot_general3A_10, %add3A : vector<2000x512xf32>
    %get3A_15 = arith.constant 0 : index
    %get3A_16 = arith.constant 0 : index
    %get3A_17 = vector.load %arg3[%get3A_15, %get3A_16] : memref<2000x512xf32, #tpu.memory_space<vmem>>, vector<2000x512xf32>
    %add3A_18 = arith.addf %add3A_14, %get3A_17 : vector<2000x512xf32>
    %mul3A_19 = arith.mulf %add3A_18, %add3A_18 : vector<2000x512xf32>
    %reduce_sum3A = arith.constant dense<0.000000e+00> : vector<2000xf32>
    %reduce_sum3A_20 = vector.multi_reduction <add>, %mul3A_19, %reduce_sum3A [1] : vector<2000x512xf32> to vector<2000xf32>
    %broadcast_in_dim3A = vector.shape_cast %reduce_sum3A_20 : vector<2000xf32> to vector<2000x1xf32>
    %sqrt3A = math.sqrt %broadcast_in_dim3A : vector<2000x1xf32>
    %max3A = arith.constant 9.99999996E-13 : f32
    %max3A_21 = vector.broadcast %max3A : f32 to vector<2000x1xf32>
    %max3A_22 = arith.maximumf %sqrt3A, %max3A_21 : vector<2000x1xf32>
    %div3A = vector.broadcast %max3A_22 : vector<2000x1xf32> to vector<2000x512xf32>
    %div3A_23 = arith.divf %add3A_18, %div3A : vector<2000x512xf32>
    %convert_element_type3A_24 = arith.truncf %div3A_23 : vector<2000x512xf32> to vector<2000x512xbf16>
    %get3A_25 = arith.constant 0 : index
    %get3A_26 = arith.constant 0 : index
    %get3A_27 = vector.load %arg6[%get3A_25, %get3A_26] : memref<512x512xbf16, #tpu.memory_space<vmem>>, vector<512x512xbf16>
    %dot_general3A_28 = arith.constant dense<0.000000e+00> : vector<2000x512xf32>
    %dot_general3A_29 = tpu.matmul %convert_element_type3A_24, %get3A_27, %dot_general3A_28 {dimension_numbers = #tpu.dot_dimension_numbers<[1], [0], [0], [1], [0, 0, 1, 1], [], []>, transpose_lhs_hint = false} : vector<2000x512xbf16>, vector<512x512xbf16>, vector<2000x512xf32> -> vector<2000x512xf32>
    %get3A_30 = arith.constant 0 : index
    %get3A_31 = arith.constant 0 : index
    %get3A_32 = vector.load %arg7[%get3A_30, %get3A_31] : memref<1x512xf32, #tpu.memory_space<vmem>>, vector<1x512xf32>
    %add3A_33 = vector.broadcast %get3A_32 : vector<1x512xf32> to vector<2000x512xf32>
    %add3A_34 = arith.addf %dot_general3A_29, %add3A_33 : vector<2000x512xf32>
    %max3A_35 = arith.constant 0.000000e+00 : f32
    %max3A_36 = vector.broadcast %max3A_35 : f32 to vector<2000x512xf32>
    %max3A_37 = arith.maximumf %add3A_34, %max3A_36 : vector<2000x512xf32>
    %convert_element_type3A_38 = arith.truncf %max3A_37 : vector<2000x512xf32> to vector<2000x512xbf16>
    %swap3A = arith.constant 0 : index
    %swap3A_39 = arith.constant 0 : index
    %swap3A_40 = vector.load %arg9[%swap3A, %swap3A_39] : memref<2000x512xbf16, #tpu.memory_space<vmem>>, vector<2000x512xbf16>
    tpu.vector_store %arg9[%swap3A, %swap3A_39], %convert_element_type3A_38 {strides = array<i32>} : memref<2000x512xbf16, #tpu.memory_space<vmem>>, vector<2000x512xbf16>,
    %get3A_41 = arith.constant 0 : index
    %get3A_42 = arith.constant 0 : index
    %get3A_43 = vector.load %arg8[%get3A_41, %get3A_42] : memref<512x512xbf16, #tpu.memory_space<vmem>>, vector<512x512xbf16>
    %dot_general3A_44 = arith.constant dense<0.000000e+00> : vector<2000x512xf32>
    %dot_general3A_45 = tpu.matmul %convert_element_type3A_38, %get3A_43, %dot_general3A_44 {dimension_numbers = #tpu.dot_dimension_numbers<[1], [0], [0], [1], [0, 0, 1, 1], [], []>, transpose_lhs_hint = false} : vector<2000x512xbf16>, vector<512x512xbf16>, vector<2000x512xf32> -> vector<2000x512xf32>
    %swap3A_46 = arith.constant 0 : index
    %swap3A_47 = arith.constant 0 : index
    %swap3A_48 = vector.load %arg10[%swap3A_46, %swap3A_47] : memref<2000x512xf32, #tpu.memory_space<vmem>>, vector<2000x512xf32>
    tpu.vector_store %arg10[%swap3A_46, %swap3A_47], %dot_general3A_45 {strides = array<i32>} : memref<2000x512xf32, #tpu.memory_space<vmem>>, vector<2000x512xf32>,
    return
  }
  func.func @transform_0(%arg0: i32) -> (i32, i32) {
    %c0_i32 = arith.constant 0 : i32
    %c0_i32_0 = arith.constant 0 : i32
    return %arg0, %c0_i32 : i32, i32
  }
  func.func @transform_1(%arg0: i32) -> (i32, i32) {
    %c0_i32 = arith.constant 0 : i32
    %c0_i32_0 = arith.constant 0 : i32
    return %arg0, %c0_i32 : i32, i32
  }
  func.func @transform_2(%arg0: i32) -> (i32, i32) {
    %c0_i32 = arith.constant 0 : i32
    %c0_i32_0 = arith.constant 0 : i32
    return %arg0, %c0_i32 : i32, i32
  }
  func.func @transform_3(%arg0: i32) -> (i32, i32) {
    %c0_i32 = arith.constant 0 : i32
    %c0_i32_0 = arith.constant 0 : i32
    %c0_i32_1 = arith.constant 0 : i32
    return %c0_i32, %c0_i32_0 : i32, i32
  }
  func.func @transform_4(%arg0: i32) -> (i32, i32) {
    %c0_i32 = arith.constant 0 : i32
    %c0_i32_0 = arith.constant 0 : i32
    %c0_i32_1 = arith.constant 0 : i32
    return %c0_i32, %c0_i32_0 : i32, i32
  }
  func.func @transform_5(%arg0: i32) -> (i32, i32) {
    %c0_i32 = arith.constant 0 : i32
    %c0_i32_0 = arith.constant 0 : i32
    %c0_i32_1 = arith.constant 0 : i32
    return %c0_i32, %c0_i32_0 : i32, i32
  }
  func.func @transform_6(%arg0: i32) -> (i32, i32) {
    %c0_i32 = arith.constant 0 : i32
    %c0_i32_0 = arith.constant 0 : i32
    %c0_i32_1 = arith.constant 0 : i32
    return %c0_i32, %c0_i32_0 : i32, i32
  }
  func.func @transform_7(%arg0: i32) -> (i32, i32) {
    %c0_i32 = arith.constant 0 : i32
    %c0_i32_0 = arith.constant 0 : i32
    %c0_i32_1 = arith.constant 0 : i32
    return %c0_i32, %c0_i32_0 : i32, i32
  }
  func.func @transform_8(%arg0: i32) -> (i32, i32) {
    %c0_i32 = arith.constant 0 : i32
    %c0_i32_0 = arith.constant 0 : i32
    return %arg0, %c0_i32 : i32, i32
  }
  func.func @transform_9(%arg0: i32) -> (i32, i32) {
    %c0_i32 = arith.constant 0 : i32
    %c0_i32_0 = arith.constant 0 : i32
    return %arg0, %c0_i32 : i32, i32
  }
}

module attributes {stable_mosaic.version = 14 : i64} {
  func.func @_k3_body(%arg0: i32, %arg1: memref<2000x512xbf16, #tpu.memory_space<vmem>>, %arg2: memref<2000x1xf32, #tpu.memory_space<vmem>>, %arg3: memref<2000x512xf32, #tpu.memory_space<vmem>>, %arg4: memref<512x512xbf16, #tpu.memory_space<vmem>>, %arg5: memref<1x512xf32, #tpu.memory_space<vmem>>, %arg6: memref<2000x512xf32, #tpu.memory_space<vmem>>) attributes {dimension_semantics = [#tpu.dimension_semantics<arbitrary>], iteration_bounds = array<i64: 5>, scalar_prefetch = 0 : i64, scratch_operands = 0 : i64, tpu.core_type = #tpu.core_type<tc>, window_params = [{transform_indices = @transform_0, window_bounds = array<i64: 2000, 512>}, {transform_indices = @transform_1, window_bounds = array<i64: 2000, 1>}, {transform_indices = @transform_2, window_bounds = array<i64: 2000, 512>}, {pipeline_mode = #tpu.pipeline_mode<synchronous>, transform_indices = @transform_3, window_bounds = array<i64: 512, 512>}, {pipeline_mode = #tpu.pipeline_mode<synchronous>, transform_indices = @transform_4, window_bounds = array<i64: 1, 512>}, {transform_indices = @transform_5, window_bounds = array<i64: 2000, 512>}]} {
    %get3A = arith.constant 0 : index
    %get3A_0 = arith.constant 0 : index
    %get3A_1 = vector.load %arg1[%get3A, %get3A_0] : memref<2000x512xbf16, #tpu.memory_space<vmem>>, vector<2000x512xbf16>
    %convert_element_type3A = arith.extf %get3A_1 : vector<2000x512xbf16> to vector<2000x512xf32>
    %get3A_2 = arith.constant 0 : index
    %get3A_3 = arith.constant 0 : index
    %get3A_4 = vector.load %arg2[%get3A_2, %get3A_3] : memref<2000x1xf32, #tpu.memory_space<vmem>>, vector<2000x1xf32>
    %mul3A = vector.broadcast %get3A_4 : vector<2000x1xf32> to vector<2000x512xf32>
    %mul3A_5 = arith.mulf %convert_element_type3A, %mul3A : vector<2000x512xf32>
    %convert_element_type3A_6 = arith.truncf %mul3A_5 : vector<2000x512xf32> to vector<2000x512xbf16>
    %get3A_7 = arith.constant 0 : index
    %get3A_8 = arith.constant 0 : index
    %get3A_9 = vector.load %arg4[%get3A_7, %get3A_8] : memref<512x512xbf16, #tpu.memory_space<vmem>>, vector<512x512xbf16>
    %dot_general3A = arith.constant dense<0.000000e+00> : vector<2000x512xf32>
    %dot_general3A_10 = tpu.matmul %convert_element_type3A_6, %get3A_9, %dot_general3A {dimension_numbers = #tpu.dot_dimension_numbers<[1], [0], [0], [1], [0, 0, 1, 1], [], []>, transpose_lhs_hint = false} : vector<2000x512xbf16>, vector<512x512xbf16>, vector<2000x512xf32> -> vector<2000x512xf32>
    %get3A_11 = arith.constant 0 : index
    %get3A_12 = arith.constant 0 : index
    %get3A_13 = vector.load %arg5[%get3A_11, %get3A_12] : memref<1x512xf32, #tpu.memory_space<vmem>>, vector<1x512xf32>
    %add3A = vector.broadcast %get3A_13 : vector<1x512xf32> to vector<2000x512xf32>
    %add3A_14 = arith.addf %dot_general3A_10, %add3A : vector<2000x512xf32>
    %get3A_15 = arith.constant 0 : index
    %get3A_16 = arith.constant 0 : index
    %get3A_17 = vector.load %arg3[%get3A_15, %get3A_16] : memref<2000x512xf32, #tpu.memory_space<vmem>>, vector<2000x512xf32>
    %add3A_18 = arith.addf %add3A_14, %get3A_17 : vector<2000x512xf32>
    %mul3A_19 = arith.mulf %add3A_18, %add3A_18 : vector<2000x512xf32>
    %reduce_sum3A = arith.constant dense<0.000000e+00> : vector<2000xf32>
    %reduce_sum3A_20 = vector.multi_reduction <add>, %mul3A_19, %reduce_sum3A [1] : vector<2000x512xf32> to vector<2000xf32>
    %broadcast_in_dim3A = vector.shape_cast %reduce_sum3A_20 : vector<2000xf32> to vector<2000x1xf32>
    %sqrt3A = math.sqrt %broadcast_in_dim3A : vector<2000x1xf32>
    %max3A = arith.constant 9.99999996E-13 : f32
    %max3A_21 = vector.broadcast %max3A : f32 to vector<2000x1xf32>
    %max3A_22 = arith.maximumf %sqrt3A, %max3A_21 : vector<2000x1xf32>
    %div3A = vector.broadcast %max3A_22 : vector<2000x1xf32> to vector<2000x512xf32>
    %div3A_23 = arith.divf %add3A_18, %div3A : vector<2000x512xf32>
    %swap3A = arith.constant 0 : index
    %swap3A_24 = arith.constant 0 : index
    %swap3A_25 = vector.load %arg6[%swap3A, %swap3A_24] : memref<2000x512xf32, #tpu.memory_space<vmem>>, vector<2000x512xf32>
    tpu.vector_store %arg6[%swap3A, %swap3A_24], %div3A_23 {strides = array<i32>} : memref<2000x512xf32, #tpu.memory_space<vmem>>, vector<2000x512xf32>,
    return
  }
  func.func @transform_0(%arg0: i32) -> (i32, i32) {
    %c0_i32 = arith.constant 0 : i32
    %c0_i32_0 = arith.constant 0 : i32
    return %arg0, %c0_i32 : i32, i32
  }
  func.func @transform_1(%arg0: i32) -> (i32, i32) {
    %c0_i32 = arith.constant 0 : i32
    %c0_i32_0 = arith.constant 0 : i32
    return %arg0, %c0_i32 : i32, i32
  }
  func.func @transform_2(%arg0: i32) -> (i32, i32) {
    %c0_i32 = arith.constant 0 : i32
    %c0_i32_0 = arith.constant 0 : i32
    return %arg0, %c0_i32 : i32, i32
  }
  func.func @transform_3(%arg0: i32) -> (i32, i32) {
    %c0_i32 = arith.constant 0 : i32
    %c0_i32_0 = arith.constant 0 : i32
    %c0_i32_1 = arith.constant 0 : i32
    return %c0_i32, %c0_i32_0 : i32, i32
  }
  func.func @transform_4(%arg0: i32) -> (i32, i32) {
    %c0_i32 = arith.constant 0 : i32
    %c0_i32_0 = arith.constant 0 : i32
    %c0_i32_1 = arith.constant 0 : i32
    return %c0_i32, %c0_i32_0 : i32, i32
  }
  func.func @transform_5(%arg0: i32) -> (i32, i32) {
    %c0_i32 = arith.constant 0 : i32
    %c0_i32_0 = arith.constant 0 : i32
    return %arg0, %c0_i32 : i32, i32
  }
}

</mosaic_0001>

<sc_bundles>
// kernel: kernel.11.cloned.1.call-start
scs
__scs_entry_jumppad:
0x0: {  	(pc) =	sbr.rel $0x88, $3  }
0x1: {  	(tag) =	ssettag $0x0;
	lr =	simm.s32 $0x1  }
0x2: {  	[smem:$0x3F90] =	sst lr;
	_ =	strace $0xD0000000  }
0x3: {  	_ = 	snop  }
0x4: {  	_ = 	snop  }
0x5: {  	_ = 	snop  }
0x6: {  	_ = 	snop  }
0x7: {  	_ = 	snop  }
__scs_overlays_trampoline_lowered:
0x8: {  	[smem:$0x3F9F] =	sst s0  }
0x9: {  	[smem:$0x3FA0] =	sst s1  }
0xa: {  	[smem:$0x3FA1] =	sst s2  }
0xb: {  	[smem:$0x3FA2] =	sst s3  }
0xc: {  	[smem:$0x3FA3] =	sst s4  }
0xd: {  	[smem:$0x3FA4] =	sst s5  }
0xe: {  	[smem:$0x3FA5] =	sst s6  }
0xf: {  	[smem:$0x3FA6] =	sst s7  }
0x10: {  	[smem:$0x3FA7] =	sst s8  }
0x11: {  	[smem:$0x3FA8] =	sst s9;
	s0 =	simm.s32 @!p0 $0x0  }
0x12: {  	s1 =	sld [smem:$0x3F8E];
	s0 =	simm.s32 @p0 $0x1  }
0x13: {  	[smem:$0x3FA9] =	sst s0;
	s0 =	simm.s32 @!p1 $0x0  }
0x14: {  	s2 =	sld [smem:$0x3F8D];
	s0 =	simm.s32 @p1 $0x1  }
0x15: {  	[smem:$0x3FAA] =	sst s0;
	s0 =	simm.s32 @!p2 $0x0  }
0x16: {  	s3 =	sld [smem:$0x3FDB];
	s0 =	simm.s32 @p2 $0x1  }
0x17: {  	s4 =	simm.s32 $0x1BF5;
	[smem:$0x3FAC] =	sst s0  }
0x18: {  	s0 =	sld [smem:$0x3F8F];
	_ =	swait.ge [sflag:s4], $0x0  }
0x19: {  	s7 =	sld [smem:$0x3F90]  }
0x1a: {  	s8 =	sadd.s32 $0xFFFFE003, lr  }
0x1b: {  	s9 =	sadd.s32 $0xFFFFFEF7, lr;
	s5 =	simm.s32 $0xFFFFFFFF;
	p2 =	slt.u32 s8, $0xFFFFF086  }
0x1c: {  	p1 =	slt.u32 s9, $0xF7A;
	s5 =	simm.s32 @!p2 $0x0  }
0x1d: {  	s5 =	simm.s32 @p1 $0x1;
	p0 =	seq.s32 s7, s2  }
0x1e: {  	s7 =	smul.u32 @!p0 $0xF7A, s2;
	p2 =	seq.s32 @!p0 s5, $0x0  }
0x1f: {  	s9 =	smul.u32 $0xF7A, s1;
	s8 =	simm.s32 @!p0 $0x1BF5;
	p2 =	por !p2, p0  }
0x20: {  	[sflag:s8] =	ssyncset.s32 @!p0 $0xFFFFF086;
	s6 =	sadd.s32 @!p0 s3, s7;
	s7 =	simm.s32 @!p0 $0x108  }
0x21: {  	s3 =	sadd.s32 s3, s9;
	s6 =	sadd.s32 @!p0 $0x88, s6;
	s7 =	simm.s32 @p2 $0x1082  }
0x22: {  	[simem:s7], [sflag:s8] =	dma.local @!p0 [hbm:s6], $0xF7A  }
0x23: {  	s9 =	sor.u32 $0xD0000000, s2;
	s6 =	simm.s32 $0x108;
	_ =	swait.ge @!p0 [sflag:s8], $0x0  }
0x24: {  	s3 =	sadd.s32 $0x88, s3;
	s6 =	simm.s32 @!p1 $0x1082;
	[sflag:s4] =	ssyncset.s32 $0xFFFFF086  }
0x25: {  	[simem:s6], [sflag:s4] =	dma.local [hbm:s3], $0xF7A  }
0x26: {  	[smem:$0x3F90] =	sst s1;
	(tag) =	ssettag s2;
	_ =	strace s9  }
0x27: {  	s1 =	sld [smem:$0x3FA0]  }
0x28: {  	s2 =	sld [smem:$0x3FA1]  }
0x29: {  	s4 =	sld [smem:$0x3FA3]  }
0x2a: {  	p0 =	seq.s32 s5, $0x0;
	s5 =	sld [smem:$0x3FA4]  }
0x2b: {  	s6 =	sld [smem:$0x3FA5]  }
0x2c: {  	s7 =	sld [smem:$0x3FA6]  }
0x2d: {  	s3 =	simm.s32 $0x108;
	s8 =	sld [smem:$0x3FA7]  }
0x2e: {  	s3 =	simm.s32 @!p0 $0x1082;
	s9 =	sld [smem:$0x3FA8]  }
0x2f: {  	lr =	sadd.s32 s0, s3;
	s0 =	sld [smem:$0x3F9F]  }
0x30: {  	s3 =	sld [smem:$0x3FA2]  }
0x31: {  	[smem:$0x3FAB] =	sst s10  }
0x32: {  	s10 =	sld [smem:$0x3FA9];
	_ =	sdelay $0x3  }
0x33: {  	p0 =	seq.s32 s10, $0x1;
	s10 =	sld [smem:$0x3FAB];
	_ =	sdelay $0x3  }
0x34: {  	[smem:$0x3FAB] =	sst s10  }
0x35: {  	s10 =	sld [smem:$0x3FAA];
	_ =	sdelay $0x3  }
0x36: {  	p1 =	seq.s32 s10, $0x1;
	s10 =	sld [smem:$0x3FAB];
	_ =	sdelay $0x3  }
0x37: {  	[smem:$0x3FAB] =	sst s10  }
0x38: {  	s10 =	sld [smem:$0x3FAC]  }
0x39: {  	_ = 	snop;
	(pc) =	sbr.ind lr, $3  }
0x3a: {  	_ = 	snop  }
0x3b: {  	_ = 	snop  }
0x3c: {  	p2 =	seq.s32 s10, $0x1;
	s10 =	sld [smem:$0x3FAB]  }
0x3d: {  	_ =	shalt  }
0x3e: {  	_ =	shalt  }
0x3f: {  	_ =	shalt  }
0x40: {  	_ =	shalt  }
0x41: {  	_ =	shalt  }
0x42: {  	_ =	shalt  }
0x43: {  	_ =	shalt  }
0x44: {  	_ =	shalt  }
0x45: {  	_ =	shalt  }
0x46: {  	_ =	shalt  }
0x47: {  	_ =	shalt  }
0x48: {  	_ =	shalt  }
0x49: {  	_ =	shalt  }
0x4a: {  	_ =	shalt  }
0x4b: {  	_ =	shalt  }
0x4c: {  	_ =	shalt  }
0x4d: {  	_ =	shalt  }
0x4e: {  	_ =	shalt  }
0x4f: {  	_ =	shalt  }
0x50: {  	_ =	shalt  }
0x51: {  	_ =	shalt  }
0x52: {  	_ =	shalt  }
0x53: {  	_ =	shalt  }
0x54: {  	_ =	shalt  }
0x55: {  	_ =	shalt  }
0x56: {  	_ =	shalt  }
0x57: {  	_ =	shalt  }
0x58: {  	_ =	shalt  }
0x59: {  	_ =	shalt  }
0x5a: {  	_ =	shalt  }
0x5b: {  	_ =	shalt  }
0x5c: {  	_ =	shalt  }
0x5d: {  	_ =	shalt  }
0x5e: {  	_ =	shalt  }
0x5f: {  	_ =	shalt  }
0x60: {  	_ =	shalt  }
0x61: {  	_ =	shalt  }
0x62: {  	_ =	shalt  }
0x63: {  	_ =	shalt  }
0x64: {  	_ =	shalt  }
0x65: {  	_ =	shalt  }
0x66: {  	_ =	shalt  }
0x67: {  	_ =	shalt  }
0x68: {  	_ =	shalt  }
0x69: {  	_ =	shalt  }
0x6a: {  	_ =	shalt  }
0x6b: {  	_ =	shalt  }
0x6c: {  	_ =	shalt  }
0x6d: {  	_ =	shalt  }
0x6e: {  	_ =	shalt  }
0x6f: {  	_ =	shalt  }
0x70: {  	_ =	shalt  }
0x71: {  	_ =	shalt  }
0x72: {  	_ =	shalt  }
0x73: {  	_ =	shalt  }
0x74: {  	_ =	shalt  }
0x75: {  	_ =	shalt  }
0x76: {  	_ =	shalt  }
0x77: {  	_ =	shalt  }
0x78: {  	_ =	shalt  }
0x79: {  	_ =	shalt  }
0x7a: {  	_ =	shalt  }
0x7b: {  	_ =	shalt  }
0x7c: {  	_ =	shalt  }
0x7d: {  	_ =	shalt  }
0x7e: {  	_ =	shalt  }
0x7f: {  	_ =	shalt  }
0x80: {  	_ =	shalt  }
0x81: {  	_ =	shalt  }
0x82: {  	_ =	shalt  }
0x83: {  	_ =	shalt  }
0x84: {  	_ =	shalt  }
0x85: {  	_ =	shalt  }
0x86: {  	_ =	shalt  }
0x87: {  	_ =	shalt  }
.Lfunc_end0:
.L_simem_size_0:
called_computation.1_lowered:
.L_overlay_start_0:
0x88: {  	s2 =	sld [smem:$0x3FD9]  }
0x89: {  	s3 =	sld [smem:$0x3FFE];
	_ =	sdelay $0x1  }
0x8a: {  	s1 =	srdreg.scid  }
0x8b: {  	s0 =	sand.u32 $0x1, s1  }
0x8c: {  	s16 =	sshll.u32 s0, $0xA;
	s2 =	sadd.s32 s3, s2  }
0x8d: {  	s2 =	sadd.s32 s2, s16  }
0x8e: {  	[smem:$0x3FB7] =	sst s2  }
0x8f: {  	_ = 	snop  }
0x90: {  	(tm) =	ssettm $0x1  }
0x91: {  	s17 =	sld [smem:$0x3FFB];
	_ =	sdelay $0x3  }
0x92: {  	_ =	strace s17  }
0x93: {  	s2 =	sld [smem:$0x3FFC];
	_ =	sdelay $0x3  }
0x94: {  	_ =	strace s2  }
0x95: {  	s2 =	sld [smem:$0x3FFD];
	_ =	sdelay $0x3  }
0x96: {  	_ =	strace s2  }
0x97: {  	_ =	strace $0x8FFFFFFF  }
0x98: {  	s18 =	sld [smem:$0x3FDB];
	_ =	sdelay $0x1  }
0x99: {  	s19 =	simm.s32 $_scs_section_size  }
0x9a: {  	s4 =	simm.s32 $_size__tile_overlayer_lowered;
	s5 =	simm.s32 $_tile_overlayer_lowered  }
0x9b: {  	s22 =	simm.s32 $0x1BFF;
	s21 =	sshll.u32 s5, $0x1;
	s2 =	sadd.s32 s19, s18  }
0x9c: {  	s6 =	simm.s32 $0x0;
	s20 =	sshll.u32 s4, $0x1;
	s4 =	sadd.s32 s21, s2  }
0x9d: {  	[timem:s6], [sflag:s22] =	dma.local [hbm:s4], s20  }
0x9e: {  	_ =	swait.ge [sflag:s22], s20  }
0x9f: {  	s3 =	ssub.s32 $0x0, s20;
	[sflag:s22] =	ssyncset.done $0x0  }
0xa0: {  	[sflag:s22] =	ssyncadd.s32 s3;
	_ =	sdelay $0x1  }
0xa1: {  	s23 =	simm.s32 $0x1B8B  }
0xa2: {  	_ =	swait.ge [sflag:s23], $0x1  }
0xa3: {  	[sflag:s23] =	ssyncset.done $0x0  }
0xa4: {  	s25 =	simm.s32 $0x1B8E;
	s24 =	sld [smem:$0x3FFE];
	[sflag:s23] =	ssyncadd.s32 $0xFFFFFFFF  }
0xa5: {  	s26 =	simm.s32 $execute0_lowered;
	[smem:$0x3FD2] =	sst s25  }
0xa6: {  	s4 =	sshll.u32 s26, $0x1;
	_ =	strace $0x80000049;
	[dreg:$0x1] =	wrdreg $0xFFFFFFFF  }
0xa7: {  	s28 =	simm.s32 $_size_execute0_lowered;
	s2 =	sadd.s32 s2, s4;
	[dreg:$0x0] =	wrdreg $0x0  }
0xa8: {  	s4 =	sshll.u32 s28, $0x1;
	[dreg:$0x2] =	wrdreg s2  }
0xa9: {  	[dreg:$0x3] =	wrdreg s4  }
0xaa: {  	[dreg:$0x4] =	wrdreg $0xC0  }
0xab: {  	_ =	task [dreg:s6], $0x5FFFF  }
0xac: {  	[dreg:$0x1] =	wrdreg $0xFFFFFFFF  }
0xad: {  	[dreg:$0x0] =	wrdreg $0x60  }
0xae: {  	[dreg:$0x2] =	wrdreg s24  }
0xaf: {  	[dreg:$0x3] =	wrdreg $0x19E400  }
0xb0: {  	[dreg:$0x4] =	wrdreg $0x121400  }
0xb1: {  	[dreg:$0x5] =	wrdreg $0x9  }
0xb2: {  	_ =	task.clear_ibuf [dreg:s6], $0x6FFFF;
	_ =	strace $0x90000049  }
0xb3: {  	s29 =	simm.s32 $0x9;
	_ =	strace $0x8000004B  }
0xb4: {  	_ =	swait.ge [sflag:s29], $0x1  }
0xb5: {  	[sflag:s29] =	ssyncadd.s32 $0xFFFFFFFF  }
0xb6: {  	_ =	strace $0x9000004B  }
0xb7: {  	_ =	sfence  }
0xb8: {  	s30 =	sld [smem:$0x0];
	_ =	sdelay $0x2  }
0xb9: {  	s31 =	sshll.u32 s1, $0xD;
	s1 =	sshrl.u32 s1, $0x2  }
0xba: {  	s3 =	sand.u32 $0x4000, s31;
	s1 =	sadd.s32 s1, s30  }
0xbb: {  	s0 =	sor.u32 s3, s0;
	s1 =	sshll.u32 s1, $0x11  }
0xbc: {  	s0 =	sor.u32 s1, s0  }
0xbd: {  	s0 =	sadd.s32 $0x8F2B, s0  }
0xbe: {  	[sflag:s0] =	ssyncadd.remote.s32 $0x1  }
0xbf: {  	_ =	sfence.sel $0xFFFF  }
0xc0: {  	[dreg:$0x0] =	wrdreg $0xFFFFFFFF;
	(pc) =	sbr.abs _section_cstart, $3  }
0xc1: {  	[dreg:$0x1] =	wrdreg $0xFFFFFFFF  }
0xc2: {  	_ =	task.clear_ibuf [dreg:s6], $0x2FFFF;
	_ =	strace $0x9FFFFFFF  }
0xc3: {  	(tm) =	ssettm $0x7FFFFFFF  }
tec
execute0_lowered:
.L_overlay_start_1:
0x0: {  	(tag) =	ssettag $0x1  }
0x1: {  	s0 =	rddreg [dreg:$0x0]  }
0x2: {  	s1 =	rddreg [dreg:$0x1]  }
0x3: {  	s2 =	rddreg [dreg:$0x2];
	s3 =	simm.s32 $0x0;
	s6 =	srdreg.scid  }
0x4: {  	s18 =	stileid.u32;
	s30 =	simm.s32 $0x3;
	s29 =	simm.s32 $0x40  }
0x5: {  	s31 =	simm.s32 $0x5000;
	[smem:$0x7FF] =	sst s3;
	s4 =	sadd.s32 $0x71600, s0  }
0x6: {  	s5 =	sadd.s32 $0xD200, s0;
	s24 =	sadd.s32 $0x71200, s0;
	s7 =	sadd.s32 $0xBF800, s0  }
0x7: {  	s8 =	sadd.s32 $0xBFA00, s0;
	s25 =	sand.u32 $0x1, s6;
	s10 =	smul.u32 $0x28, s18  }
0x8: {  	s11 =	sshllo.u32 s18, $0x1;
	s9 =	sshll.u32 s18, $0x10;
	s16 =	sshll.u32 s18, $0xF  }
0x9: {  	s17 =	sadd.s32 $0x78000, s2;
	p0 =	seq.s32 s18, $0xF;
	s28 =	smul.u32 $0x32000, s18  }
0xa: {  	_ =	strace $0x8000004A;
	s6 =	ssub.s32 $0x2, s25;
	s13 =	smul.u32 $0x14, s11  }
0xb: {  	s26 =	sshrl.u32 s9, $0x2;
	s0 =	smul.u32 $0x5, s25;
	[dreg:$0x8] =	wrdreg s16  }
0xc: {  	s16 =	sadd.s32 s16, s2;
	s12 =	sshrl.u32 s6, $0x1;
	s10 =	sadd.s32 s24, s10  }
0xd: {  	s6 =	ssub.s32 s6, s12;
	[dreg:$0x4] =	wrdreg s10;
	s3 =	sadd.s32 s24, s13  }
0xe: {  	[dreg:$0x6] =	wrdreg s0;
	s13 =	sadd.s32 s26, s1;
	s10 =	smul.u32 $0x19000, s11  }
0xf: {  	[dreg:$0x5] =	wrdreg s3;
	s11 =	sadd.s32 $0x800, s13;
	s12 =	sadd.s32 $0x1000, s13  }
0x10: {  	s19 =	sadd.s32 $0x2000, s13;
	s20 =	sadd.s32 $0x2800, s13;
	s14 =	sadd.s32 $0x3000, s13  }
0x11: {  	s15 =	sadd.s32 $0x3800, s13;
	s6 =	smax.u32 s6, $0x1;
	[dreg:$0x7] =	wrdreg s10  }
0x12: {  	s3 =	simm.s32 $0x9F80;
	[dreg:$0x9] =	wrdreg s6;
	s0 =	sshrl.u32 s11, $0x3  }
0x13: {  	s10 =	sadd.s32 $0x1800, s13;
	s21 =	sshrl.u32 s12, $0x3;
	[dreg:$0xa] =	wrdreg s0  }
0x14: {  	s23 =	sshrl.u32 s19, $0x3;
	s24 =	sshrl.u32 s20, $0x3;
	[dreg:$0xb] =	wrdreg s21  }
0x15: {  	s25 =	sshrl.u32 s14, $0x3;
	s26 =	sshrl.u32 s15, $0x3;
	[dreg:$0xd] =	wrdreg s23  }
.Ltmp0:
0x16: {  	s11 =	simm.s32 $0x11FC0;
	[dreg:$0xe] =	wrdreg s24;
	(pc) =	sbr.rel .LBB2_1-.Ltmp0, $4  }
0x17: {  	s6 =	simm.s32 $0x0;
	s22 =	sshrl.u32 s10, $0x3;
	[dreg:$0xf] =	wrdreg s25  }
0x18: {  	[dreg:$0x10] =	wrdreg s26;
	s0 =	sadd.s32 $0x3C000, s1;
	s24 =	sshrl.u32 @p0 s17, $0x3  }
0x19: {  	v0 =	vimm.s32 $0x0;
	vm0 =	vcmask $0x300;
	s25 =	sshrl.u32 @!p0 s16, $0x3;
	[dreg:$0xc] =	wrdreg s22;
	s0 =	sshrl.u32 @p0 s0, $0x3  }
0x1a: {  	v2 =	vimm.s32 $0x3F8;
	v1 =	vsel vm0, $0xFFFFFFFF, v0;
	s10 =	simm.s32 $0x2;
	s16 =	simm.s32 $0xDF80;
	[dreg:$0x11] =	wrdreg s0  }
.LBB2_24:
0x1b: {  	s6 =	rddreg [dreg:$0x12]  }
0x1c: {  	s0 =	rddreg [dreg:$0x9];
	s6 =	sadd.s32 $0x1, s6  }
0x1d: {  	p1 =	sne.s32 s6, s0  }
.Ltmp1:
0x1e: {  	_ = 	snop;
	(pc) =	sbr.rel @!p1 .LBB2_25-.Ltmp1, $1  }
0x1f: {  	_ =	sdelay $0x3  }
.LBB2_1:
0x20: {  	[dreg:$0x12] =	wrdreg s6  }
0x21: {  	s0 =	simm.s32 $0x0;
	s22 =	rddreg [dreg:$0x4];
	s12 =	simm.s32 $0x12000  }
0x22: {  	[tilespmem:s12], [sflag:$0x3] =	stream.linear.gather [hbm4b:s22+s0], $0xA0, $0x38;
	[tilespmem:$0x1DE40] =	vst v63  }
0x23: {  	_ =	swait.ge [sflag:s30], $0xA0  }
0x24: {  	s26 =	simm.s32 $0x120A0;
	[sflag:s30] =	ssyncset.done $0x0  }
.Ltmp2:
0x25: {  	s23 =	rddreg [dreg:$0x5];
	[sflag:s30] =	ssyncadd.s32 $0xFFFFFF60;
	(pc) =	sbr.rel .LBB2_2-.Ltmp2, $4  }
0x26: {  	[tilespmem:s26], [sflag:$0x3] =	stream.linear.gather [hbm4b:s23+s0], $0xA0, $0x38;
	[tilespmem:$0x1DE40] =	vst v63  }
0x27: {  	_ =	swait.ge [sflag:s30], $0xA0  }
0x28: {  	[sflag:s30] =	ssyncset.done $0x0  }
0x29: {  	s6 =	simm.s32 $0x0;
	[sflag:s30] =	ssyncadd.s32 $0xFFFFFF60  }
.LBB2_23:
0x2a: {  	s0 =	smul.u32 $0x7D000, s0;
	_ =	sdelay $0x1  }
0x2b: {  	s14 =	sshrl.u32 @p0 s0, $0x4  }
0x2c: {  	s14 =	sadd.s32 @p0 s8, s14  }
0x2d: {  	s15 =	rddreg [dreg:$0x11];
	s14 =	sadd.s32 @p0 $0x7800, s14  }
0x2e: {  	[hbm:s14], [sflag:s12] =	dma.local @p0 [spmem:s15], $0x500  }
0x2f: {  	s14 =	simm.s32 @p0 $0x3  }
0x30: {  	_ =	swait.ge @p0 [sflag:s14], $0x500  }
0x31: {  	s15 =	rddreg [dreg:$0x8]  }
0x32: {  	s0 =	sadd.s32 @!p0 s15, s0  }
0x33: {  	s6 =	sadd.s32 $0x1, s6;
	[sflag:s14] =	ssyncset.done @p0 $0x0;
	s0 =	sshrl.u32 @!p0 s0, $0x4  }
0x34: {  	[sflag:s14] =	ssyncadd.s32 @p0 $0xFFFFFB00;
	s14 =	sshrl.u32 @!p0 s13, $0x3;
	s0 =	sadd.s32 @!p0 s8, s0  }
0x35: {  	[hbm:s0], [sflag:s12] =	dma.local @!p0 [spmem:s14], $0x800  }
0x36: {  	p1 =	sne.s32 s6, $0x5;
	s0 =	simm.s32 @!p0 $0x3  }
.Ltmp3:
0x37: {  	_ =	swait.ge @!p0 [sflag:s0], $0x800;
	(pc) =	sbr.rel @!p1 .LBB2_24-.Ltmp3, $3  }
0x38: {  	[sflag:s0] =	ssyncset.done @!p0 $0x0  }
0x39: {  	[sflag:s0] =	ssyncadd.s32 @!p0 $0xFFFFF800  }
0x3a: {  	[bflag:$0x0] =	sbarrier.arrive $0xFFFF;
	_ =	sdelay $0x1  }
.LBB2_2:
0x3b: {  	s0 =	rddreg [dreg:$0x6]  }
0x3c: {  	s0 =	sadd.s32 s0, s6  }
0x3d: {  	s12 =	smul.u32 $0x2800, s0;
	_ =	sdelay $0x1  }
0x3e: {  	s14 =	sadd.s32 s28, s12  }
0x3f: {  	s14 =	sshrl.u32 s14, $0x3  }
0x40: {  	s15 =	sadd.s32 s5, s14;
	s14 =	simm.s32 $0x0  }
0x41: {  	[tilespmem:s14], [sflag:$0x3] =	stream.linear.gather [hbm4b:s15+s14], $0x2800, $0x38;
	[tilespmem:$0x1DE40] =	vst v63  }
0x42: {  	_ =	swait.ge [sflag:s30], $0x2800  }
0x43: {  	s21 =	rddreg [dreg:$0x7]  }
0x44: {  	s12 =	sadd.s32 s21, s12  }
0x45: {  	[sflag:s30] =	ssyncset.done $0x0;
	s12 =	sshrl.u32 s12, $0x3  }
0x46: {  	s22 =	simm.s32 $0x2800;
	[sflag:s30] =	ssyncadd.s32 $0xFFFFD800;
	s12 =	sadd.s32 s5, s12  }
0x47: {  	[tilespmem:s22], [sflag:$0x3] =	stream.linear.gather [hbm4b:s12+s14], $0x2800, $0x38;
	[tilespmem:$0x1DE40] =	vst v63  }
0x48: {  	s23 =	stileid.u32;
	_ =	swait.ge [sflag:s30], $0x2800  }
0x49: {  	s12 =	sshll.u32 s23, $0x6;
	[sflag:s30] =	ssyncset.done $0x0  }
0x4a: {  	s26 =	sshrl.u32 s13, $0x3;
	s12 =	sor.u32 $0x1C03, s12;
	[sflag:s30] =	ssyncadd.s32 $0xFFFFD800  }
0x4b: {  	[spmem:s26], [sflag:s12] =	dma.local [hbm:s7], $0x100  }
0x4c: {  	_ =	swait.ge [sflag:s30], $0x100  }
0x4d: {  	[sflag:s30] =	ssyncset.done $0x0  }
0x4e: {  	s17 =	rddreg [dreg:$0xa];
	[sflag:s30] =	ssyncadd.s32 $0xFFFFFF00  }
0x4f: {  	[spmem:s17], [sflag:s12] =	dma.local [hbm:s7], $0x100  }
0x50: {  	_ =	swait.ge [sflag:s30], $0x100  }
0x51: {  	[sflag:s30] =	ssyncset.done $0x0  }
0x52: {  	s18 =	rddreg [dreg:$0xb];
	[sflag:s30] =	ssyncadd.s32 $0xFFFFFF00  }
0x53: {  	[spmem:s18], [sflag:s12] =	dma.local [hbm:s7], $0x100  }
0x54: {  	_ =	swait.ge [sflag:s30], $0x100  }
0x55: {  	[sflag:s30] =	ssyncset.done $0x0  }
0x56: {  	s19 =	rddreg [dreg:$0xc];
	[sflag:s30] =	ssyncadd.s32 $0xFFFFFF00  }
0x57: {  	[spmem:s19], [sflag:s12] =	dma.local [hbm:s7], $0x100  }
0x58: {  	_ =	swait.ge [sflag:s30], $0x100  }
0x59: {  	[sflag:s30] =	ssyncset.done $0x0  }
0x5a: {  	s20 =	rddreg [dreg:$0xd];
	[sflag:s30] =	ssyncadd.s32 $0xFFFFFF00  }
0x5b: {  	[spmem:s20], [sflag:s12] =	dma.local [hbm:s7], $0x100  }
0x5c: {  	_ =	swait.ge [sflag:s30], $0x100  }
0x5d: {  	[sflag:s30] =	ssyncset.done $0x0  }
0x5e: {  	s21 =	rddreg [dreg:$0xe];
	[sflag:s30] =	ssyncadd.s32 $0xFFFFFF00  }
0x5f: {  	[spmem:s21], [sflag:s12] =	dma.local [hbm:s7], $0x100  }
0x60: {  	_ =	swait.ge [sflag:s30], $0x100  }
0x61: {  	[sflag:s30] =	ssyncset.done $0x0  }
0x62: {  	s22 =	rddreg [dreg:$0xf];
	[sflag:s30] =	ssyncadd.s32 $0xFFFFFF00  }
0x63: {  	[spmem:s22], [sflag:s12] =	dma.local [hbm:s7], $0x100  }
0x64: {  	_ =	swait.ge [sflag:s30], $0x100  }
0x65: {  	[sflag:s30] =	ssyncset.done $0x0  }
0x66: {  	s23 =	rddreg [dreg:$0x10];
	[sflag:s30] =	ssyncadd.s32 $0xFFFFFF00  }
0x67: {  	[spmem:s23], [sflag:s12] =	dma.local [hbm:s7], $0x100  }
.Ltmp4:
0x68: {  	_ =	swait.ge [sflag:s30], $0x100;
	(pc) =	sbr.rel .LBB2_3-.Ltmp4, $4  }
0x69: {  	[sflag:s30] =	ssyncset.done $0x0  }
0x6a: {  	[sflag:s30] =	ssyncadd.s32 $0xFFFFFF00  }
0x6b: {  	s26 =	sshll.u32 s0, $0x4;
	[bflag:$0x0] =	sbarrier.arrive $0xFFFF  }
0x6c: {  	s15 =	sand.u32 $0x3FFFFFF0, s26  }
.LBB2_22:
0x6d: {  	s14 =	sadd.s32 $0x1, s14  }
0x6e: {  	p1 =	sne.s32 s14, $0x5  }
.Ltmp5:
0x6f: {  	_ = 	snop;
	(pc) =	sbr.rel @!p1 .LBB2_23-.Ltmp5, $2  }
0x70: {  	_ =	sdelay $0x1  }
0x71: {  	[bflag:$0x0] =	sbarrier.arrive $0xFFFF;
	_ =	sdelay $0x1  }
.LBB2_3:
0x72: {  	s17 =	smul.u32 $0xFA000, s14;
	_ =	sdelay $0x1  }
0x73: {  	s18 =	sshrl.u32 @p0 s17, $0x4  }
0x74: {  	s18 =	sadd.s32 @p0 s4, s18  }
0x75: {  	s18 =	sadd.s32 @p0 $0xF000, s18  }
0x76: {  	[spmem:s24], [sflag:s12] =	dma.local @p0 [hbm:s18], $0xA00  }
0x77: {  	s18 =	simm.s32 @p0 $0x3  }
0x78: {  	s17 =	sadd.s32 @!p0 s9, s17;
	_ =	swait.ge @p0 [sflag:s18], $0xA00  }
0x79: {  	s17 =	sshrl.u32 @!p0 s17, $0x4;
	[sflag:s18] =	ssyncset.done @p0 $0x0  }
0x7a: {  	s17 =	sadd.s32 @!p0 s4, s17;
	[sflag:s18] =	ssyncadd.s32 @p0 $0xFFFFF600  }
0x7b: {  	[spmem:s25], [sflag:s12] =	dma.local @!p0 [hbm:s17], $0x1000  }
0x7c: {  	s17 =	simm.s32 @!p0 $0x3  }
0x7d: {  	_ =	swait.ge @!p0 [sflag:s17], $0x1000  }
0x7e: {  	[sflag:s17] =	ssyncset.done @!p0 $0x0  }
0x7f: {  	[sflag:s17] =	ssyncadd.s32 @!p0 $0xFFFFF000  }
0x80: {  	[bflag:$0x0] =	sbarrier.arrive $0xFFFF  }
0x81: {  	v3 =	vld [tilespmem:s15+$0x12000];
	_ =	sdelay $0x4  }
0x82: {  	v3 =	vand.u32 v1, v3  }
0x83: {  	(xrf0) =	vadd.scan.msk.s32 $0xffff, v3;
	_ =	sdelay $0x5  }
0x84: {  	v3, _, _ =	vpop (xrf0)  }
0x85: {  	(v2sf) =	vpush v3, $0xF;
	_ =	sdelay $0xe  }
0x86: {  	s19 =	spop (v2sf)  }
0x87: {  	p1 =	slt.s32 s19, $0x1  }
.Ltmp6:
0x88: {  	_ = 	snop;
	(pc) =	sbr.rel @p1 .LBB2_10-.Ltmp6, $3  }
0x89: {  	_ = 	snop  }
0x8a: {  	s26 =	smul.u32 $0x7D0, s14;
	_ =	sdelay $0x1  }
0x8b: {  	s18 =	sadd.s32 $0x7D0, s26;
	s17 =	simm.s32 $0x0;
	v3 =	vmov s26  }
0x8c: {  	p2 =	sne.s32 s19, $0x1  }
.Ltmp7:
0x8d: {  	_ = 	snop;
	(pc) =	sbr.rel @!p2 .LBB2_5-.Ltmp7, $3  }
0x8e: {  	_ =	sdelay $0x1  }
0x8f: {  	s17 =	simm.s32 $0x0  }
0x90: {  	v4 =	vmov s18;
	s20 =	sadd.s32 $0xFFFFFFFF, s19;
	p1 =	por $0x0, $0x0;
	v5 =	vld [tilespmem:s17+$0x0]  }
0x91: {  	_ =	sdelay $0x3  }
0x92: {  	vm0 =	vge.s32 v5, v3;
	vm1 =	vlt.s32 v5, v4  }
0x93: {  	vm0 =	vmand vm0, vm1  }
0x94: {  	v6 =	vsel vm0, $0x1, v0  }
0x95: {  	(xrf0) =	vadd.scan.msk.s32 $0xffff, v6;
	_ =	sdelay $0x2  }
0x96: {  	v5 =	vsub.s32 v5, v3;
	v6 =	vld [tilespmem:s17+$0x1400]  }
0x97: {  	p2 =	sne.s32 s20, $0x1  }
.Ltmp8:
0x98: {  	_ = 	snop;
	(pc) =	sbr.rel @!p2 .LBB2_7-.Ltmp8, $4  }
0x99: {  	[tilespmem:s17+$0x5000] =	vst.msk vm0, v5;
	v5, _, _ =	vpop (xrf0)  }
0x9a: {  	(v2sf) =	vpush v5, $0xF  }
0x9b: {  	s19 =	simm.s32 $0x10;
	[tilespmem:s17+$0x77C0] =	vst.msk vm0, v6  }
0x9c: {  	s21 =	sadd.s32 $0xFFFFFFFF, s20;
	p1 =	por $0x1, $0x1;
	s20 =	simm.s32 $0x0;
	v5 =	vld [tilespmem:s19+$0x0]  }
.LBB2_8:
0x9d: {  	p2 =	sne.s32 s21, $0x1;
	_ =	sdelay $0x3  }
0x9e: {  	vm0 =	vge.s32 v5, v3;
	vm1 =	vlt.s32 v5, v4;
	v5 =	vsub.s32 v5, v3  }
0x9f: {  	vm0 =	vmand vm0, vm1  }
0xa0: {  	v6 =	vsel vm0, $0x1, v0  }
0xa1: {  	(xrf0) =	vadd.scan.msk.s32 $0xffff, v6;
	_ =	sdelay $0x2  }
0xa2: {  	v6 =	vld [tilespmem:s19+$0x1400];
	_ =	sdelay $0x1  }
.Ltmp9:
0xa3: {  	s22 =	spop (v2sf);
	(pc) =	sbr.rel @p2 .LBB2_8-.Ltmp9, $4  }
0xa4: {  	v7, _, _ =	vpop (xrf0);
	s20 =	sadd.s32 s20, s22  }
0xa5: {  	[tilespmem:s20+$0x5000] =	vst.msk vm0, v5;
	(v2sf) =	vpush v7, $0xF  }
0xa6: {  	s19 =	sadd.s32 $0x10, s19;
	[tilespmem:s20+$0x77C0] =	vst.msk vm0, v6  }
0xa7: {  	s21 =	sadd.s32 $0xFFFFFFFF, s21;
	v5 =	vld [tilespmem:s19+$0x0]  }
.LBB2_9:
0xa8: {  	_ =	sdelay $0x3  }
0xa9: {  	vm0 =	vge.s32 v5, v3;
	vm1 =	vlt.s32 v5, v4  }
0xaa: {  	vm0 =	vmand vm0, vm1  }
0xab: {  	v4 =	vsel vm0, $0x1, v0  }
0xac: {  	(xrf0) =	vadd.scan.msk.s32 $0xffff, v4;
	_ =	sdelay $0x5  }
0xad: {  	v4, _, _ =	vpop (xrf0)  }
0xae: {  	(v2sf) =	vpush v4, $0xF;
	_ =	sdelay $0xa  }
0xaf: {  	v4 =	vld [tilespmem:s19+$0x1400]  }
0xb0: {  	s19 =	spop @p1 (v2sf)  }
0xb1: {  	s19 =	sadd.s32 @p1 s20, s19  }
0xb2: {  	v5 =	vsub.s32 v5, v3;
	s17 =	smov.u32 @p1 s19  }
0xb3: {  	[tilespmem:s17+$0x5000] =	vst.msk vm0, v5;
	s26 =	spop (v2sf)  }
0xb4: {  	[tilespmem:s17+$0x77C0] =	vst.msk vm0, v4;
	s17 =	sadd.s32 s17, s26  }
.LBB2_10:
0xb5: {  	v4 =	vld [tilespmem:s15+$0x120A0];
	_ =	sdelay $0x4  }
0xb6: {  	v4 =	vand.u32 v1, v4  }
0xb7: {  	(xrf0) =	vadd.scan.msk.s32 $0xffff, v4;
	_ =	sdelay $0x5  }
0xb8: {  	v4, _, _ =	vpop (xrf0)  }
0xb9: {  	(v2sf) =	vpush v4, $0xF;
	_ =	sdelay $0xe  }
0xba: {  	s20 =	spop (v2sf)  }
0xbb: {  	p1 =	slt.s32 s20, $0x1  }
.Ltmp10:
0xbc: {  	_ = 	snop;
	(pc) =	sbr.rel @p1 .LBB2_17-.Ltmp10, $1  }
0xbd: {  	_ =	sdelay $0x3  }
0xbe: {  	p2 =	sne.s32 s20, $0x1  }
.Ltmp11:
0xbf: {  	_ = 	snop;
	(pc) =	sbr.rel @!p2 .LBB2_12-.Ltmp11, $3  }
0xc0: {  	_ =	sdelay $0x1  }
0xc1: {  	s19 =	simm.s32 $0x2800  }
0xc2: {  	v4 =	vmov s18;
	s18 =	sadd.s32 $0xFFFFFFFF, s20;
	p1 =	por $0x0, $0x0;
	v5 =	vld [tilespmem:s19+$0x0]  }
0xc3: {  	_ =	sdelay $0x3  }
0xc4: {  	vm0 =	vge.s32 v5, v3;
	vm1 =	vlt.s32 v5, v4  }
0xc5: {  	vm0 =	vmand vm0, vm1  }
0xc6: {  	v6 =	vsel vm0, $0x1, v0  }
0xc7: {  	(xrf0) =	vadd.scan.msk.s32 $0xffff, v6;
	_ =	sdelay $0x2  }
0xc8: {  	v5 =	vsub.s32 v5, v3;
	v6 =	vld [tilespmem:s19+$0x1400]  }
0xc9: {  	p2 =	sne.s32 s18, $0x1  }
.Ltmp12:
0xca: {  	_ = 	snop;
	(pc) =	sbr.rel @!p2 .LBB2_14-.Ltmp12, $4  }
0xcb: {  	[tilespmem:s17+$0x5000] =	vst.msk vm0, v5;
	v5, _, _ =	vpop (xrf0)  }
0xcc: {  	(v2sf) =	vpush v5, $0xF  }
0xcd: {  	s19 =	simm.s32 $0x2810;
	[tilespmem:s17+$0x77C0] =	vst.msk vm0, v6  }
0xce: {  	s20 =	sadd.s32 $0xFFFFFFFF, s18;
	p1 =	por $0x1, $0x1;
	s18 =	smov.u32 s17;
	v5 =	vld [tilespmem:s19+$0x0]  }
.LBB2_15:
0xcf: {  	p2 =	sne.s32 s20, $0x1;
	_ =	sdelay $0x3  }
0xd0: {  	vm0 =	vge.s32 v5, v3;
	vm1 =	vlt.s32 v5, v4;
	v5 =	vsub.s32 v5, v3  }
0xd1: {  	vm0 =	vmand vm0, vm1  }
0xd2: {  	v6 =	vsel vm0, $0x1, v0  }
0xd3: {  	(xrf0) =	vadd.scan.msk.s32 $0xffff, v6;
	_ =	sdelay $0x2  }
0xd4: {  	v6 =	vld [tilespmem:s19+$0x1400];
	_ =	sdelay $0x1  }
.Ltmp13:
0xd5: {  	s21 =	spop (v2sf);
	(pc) =	sbr.rel @p2 .LBB2_15-.Ltmp13, $4  }
0xd6: {  	v7, _, _ =	vpop (xrf0);
	s18 =	sadd.s32 s18, s21  }
0xd7: {  	[tilespmem:s18+$0x5000] =	vst.msk vm0, v5;
	(v2sf) =	vpush v7, $0xF  }
0xd8: {  	s19 =	sadd.s32 $0x10, s19;
	[tilespmem:s18+$0x77C0] =	vst.msk vm0, v6  }
0xd9: {  	s20 =	sadd.s32 $0xFFFFFFFF, s20;
	v5 =	vld [tilespmem:s19+$0x0]  }
.LBB2_16:
0xda: {  	_ =	sdelay $0x3  }
0xdb: {  	vm0 =	vge.s32 v5, v3;
	vm1 =	vlt.s32 v5, v4  }
0xdc: {  	vm0 =	vmand vm0, vm1  }
0xdd: {  	v62 =	vsel vm0, $0x1, v0  }
0xde: {  	(xrf0) =	vadd.scan.msk.s32 $0xffff, v62;
	_ =	sdelay $0x5  }
0xdf: {  	v4, _, _ =	vpop (xrf0)  }
0xe0: {  	(v2sf) =	vpush v4, $0xF;
	_ =	sdelay $0xa  }
0xe1: {  	v63 =	vld [tilespmem:s19+$0x1400]  }
0xe2: {  	s19 =	spop @p1 (v2sf)  }
0xe3: {  	s18 =	sadd.s32 @p1 s18, s19  }
0xe4: {  	v3 =	vsub.s32 v5, v3;
	s17 =	smov.u32 @p1 s18  }
0xe5: {  	[tilespmem:s17+$0x5000] =	vst.msk vm0, v3;
	s26 =	spop (v2sf)  }
0xe6: {  	[tilespmem:s17+$0x77C0] =	vst.msk vm0, v63;
	s17 =	sadd.s32 s17, s26  }
.LBB2_17:
0xe7: {  	s18 =	sadd.s32 $0x3F, s17  }
0xe8: {  	s19 =	sand.u32 $0x3F, s18  }
0xe9: {  	s26 =	sshra.s32 s18, $0x1F;
	p2 =	slt.s32 s18, $0x1;
	p1 =	sne.s32 s19, $0x0  }
0xea: {  	[tilespmem:s17+$0x5000] =	vst v0;
	s19 =	sshrl.u32 s26, $0x1A;
	p1 =	por !p2, !p1  }
0xeb: {  	[tilespmem:s17+$0x77C0] =	vst v2;
	s18 =	sadd.s32 s19, s18;
	s19 =	simm.s32 $0x1;
	p1 =	por !p1, !p1  }
0xec: {  	[tilespmem:s17+$0x5010] =	vst v0;
	s18 =	sshra.s32 s18, $0x6;
	s19 =	simm.s32 @!p1 $0x0  }
0xed: {  	[tilespmem:s17+$0x77D0] =	vst v2;
	s18 =	ssub.s32 s18, s19  }
0xee: {  	[tilespmem:s17+$0x5020] =	vst v0;
	p1 =	slt.s32 s18, $0x1  }
.Ltmp14:
0xef: {  	[tilespmem:s17+$0x77E0] =	vst v2;
	(pc) =	sbr.rel @p1 .LBB2_22-.Ltmp14, $4  }
0xf0: {  	[tilespmem:s17+$0x5030] =	vst v0  }
0xf1: {  	[tilespmem:s17+$0x77F0] =	vst v2  }
0xf2: {  	[tilespmem:s17+$0x5040] =	vst v0  }
0xf3: {  	[tilespmem:s17+$0x7800] =	vst v2  }
0xf4: {  	[tilespmem:s3], [sflag:$0x1] =	stream.indirect.gather [spmem:s2], $0x100, s31, s29, $0xb8;
	[tilespmem:$0x1DE40] =	vst v63  }
.Ltmp15:
0xf5: {  	_ = 	snop;
	(pc) =	sbr.rel .LBB2_19-.Ltmp15, $4  }
0xf6: {  	p1 =	seq.s32 s18, $0x1  }
0xf7: {  	s17 =	simm.s32 @!p1 $0x40;
	s19 =	simm.s32 @!p1 $0x5040;
	s20 =	simm.s32 @!p1 $0xDF80  }
0xf8: {  	[tilespmem:s20], [sflag:$0x2] =	stream.indirect.gather @!p1 [spmem:s2], $0x100, s19, s17, $0xb8;
	[tilespmem:$0x1DE40] =	vst v63  }
0xf9: {  	s17 =	simm.s32 $0x0;
	s19 =	simm.s32 $0x5080;
	s20 =	simm.s32 $0x77E0  }
.LBB2_21:
0xfa: {  	s17 =	sadd.s32 $0x1, s17  }
0xfb: {  	p1 =	sne.s32 s18, s17  }
.Ltmp16:
0xfc: {  	_ = 	snop;
	(pc) =	sbr.rel @!p1 .LBB2_22-.Ltmp16, $2  }
0xfd: {  	_ =	sdelay $0x2  }
0xfe: {  	s19 =	sadd.s32 $0x40, s19;
	s20 =	sadd.s32 $0x40, s20  }
.LBB2_19:
0xff: {  	s22 =	sand.u32 $0x1, s17  }
0x100: {  	p1 =	seq.s32 s22, $0x1  }
0x101: {  	s21 =	simm.s32 @!p1 $0x1  }
0x102: {  	_ =	swait.ge @!p1 [sflag:s21], $0x4000  }
0x103: {  	[sflag:s21] =	ssyncset.done @!p1 $0x0  }
0x104: {  	[sflag:s21] =	ssyncadd.s32 @!p1 $0xFFFFC000  }
0x105: {  	v3 =	vld @!p1 [tilespmem:s20+$0xFFFFFFE0];
	_ =	sdelay $0x4  }
0x106: {  	[tilespmem:$0x11F80] =	vst @!p1 v3  }
0x107: {  	v3 =	vld @!p1 [tilespmem:s20+$0xFFFFFFF0];
	_ =	sdelay $0x4  }
0x108: {  	[tilespmem:$0x11F90] =	vst @!p1 v3  }
0x109: {  	v3 =	vld @!p1 [tilespmem:s20+$0x0];
	_ =	sdelay $0x4  }
0x10a: {  	[tilespmem:$0x11FA0] =	vst @!p1 v3  }
0x10b: {  	v3 =	vld @!p1 [tilespmem:s20+$0x10];
	_ =	sdelay $0x4  }
0x10c: {  	s23 =	simm.s32 @!p1 $0x11F80;
	s26 =	simm.s32 @!p1 $0x9F80;
	s21 =	simm.s32 @!p1 $0x40;
	[tilespmem:$0x11FB0] =	vst @!p1 v3  }
0x10d: {  	[spmem:s1] =	stream.indirect.scatter.add.bf16 @!p1 [tilespmem:s26], [sflag:$0x3], $0x100, s23, s21, $0xb8;
	[tilespmem:$0x1DE40] =	vst v63  }
0x10e: {  	s21 =	sadd.s32 $0x2, s17;
	s23 =	simm.s32 @!p1 $0x3  }
0x10f: {  	_ =	swait.ge @!p1 [sflag:s23], $0x4000;
	p2 =	sge.s32 @!p1 s21, s18  }
0x110: {  	[sflag:s23] =	ssyncset.done @!p1 $0x0;
	p2 =	por p2, p1  }
0x111: {  	[sflag:s23] =	ssyncadd.s32 @!p1 $0xFFFFC000;
	s23 =	simm.s32 @!p2 $0x40;
	s26 =	simm.s32 @!p2 $0x9F80  }
0x112: {  	[tilespmem:s26], [sflag:$0x1] =	stream.indirect.gather @!p2 [spmem:s2], $0x100, s19, s23, $0xb8;
	[tilespmem:$0x1DE40] =	vst v63  }
0x113: {  	p2 =	seq.s32 @!p1 s22, $0x0  }
0x114: {  	p1 =	por p1, !p2  }
.Ltmp17:
0x115: {  	_ = 	snop;
	(pc) =	sbr.rel @!p1 .LBB2_21-.Ltmp17, $1  }
0x116: {  	_ =	sdelay $0x3  }
0x117: {  	_ =	swait.ge [sflag:s10], $0x4000  }
0x118: {  	[sflag:s10] =	ssyncset.done $0x0  }
0x119: {  	[sflag:s10] =	ssyncadd.s32 $0xFFFFC000  }
0x11a: {  	v3 =	vld [tilespmem:s20+$0xFFFFFFE0];
	_ =	sdelay $0x4  }
0x11b: {  	[tilespmem:$0x11FC0] =	vst v3  }
0x11c: {  	v3 =	vld [tilespmem:s20+$0xFFFFFFF0];
	_ =	sdelay $0x4  }
0x11d: {  	[tilespmem:$0x11FD0] =	vst v3  }
0x11e: {  	v3 =	vld [tilespmem:s20+$0x0];
	_ =	sdelay $0x4  }
0x11f: {  	[tilespmem:$0x11FE0] =	vst v3  }
0x120: {  	v3 =	vld [tilespmem:s20+$0x10];
	_ =	sdelay $0x4  }
0x121: {  	[tilespmem:$0x11FF0] =	vst v3  }
0x122: {  	[spmem:s1] =	stream.indirect.scatter.add.bf16 [tilespmem:s16], [sflag:$0x3], $0x100, s11, s29, $0xb8;
	[tilespmem:$0x1DE40] =	vst v63  }
.Ltmp18:
0x123: {  	_ = 	snop;
	(pc) =	sbr.rel .LBB2_21-.Ltmp18, $4  }
0x124: {  	_ =	swait.ge [sflag:s30], $0x4000  }
0x125: {  	p1 =	sge.s32 s21, s18;
	[sflag:s30] =	ssyncset.done $0x0  }
0x126: {  	s21 =	simm.s32 @!p1 $0x40;
	s22 =	simm.s32 @!p1 $0xDF80;
	[sflag:s30] =	ssyncadd.s32 $0xFFFFC000  }
0x127: {  	[tilespmem:s22], [sflag:$0x2] =	stream.indirect.gather @!p1 [spmem:s2], $0x100, s19, s21, $0xb8;
	[tilespmem:$0x1DE40] =	vst v63  }
.LBB2_5:
.Ltmp19:
0x128: {  	(pc) =	sbr.rel .LBB2_9-.Ltmp19, $2  }
0x129: {  	_ =	sdelay $0x2  }
0x12a: {  	s19 =	simm.s32 $0x0;
	s20 =	simm.s32 $0x0  }
.LBB2_12:
.Ltmp20:
0x12b: {  	(pc) =	sbr.rel .LBB2_16-.Ltmp20, $2  }
0x12c: {  	_ =	sdelay $0x2  }
0x12d: {  	s18 =	smov.u32 s17  }
.LBB2_7:
.Ltmp21:
0x12e: {  	(pc) =	sbr.rel .LBB2_9-.Ltmp21, $2  }
0x12f: {  	_ =	sdelay $0x2  }
0x130: {  	s20 =	simm.s32 $0x0  }
.LBB2_14:
.Ltmp22:
0x131: {  	(pc) =	sbr.rel .LBB2_16-.Ltmp22, $2  }
0x132: {  	_ =	sdelay $0x2  }
0x133: {  	s18 =	smov.u32 s17  }
.LBB2_25:
0x134: {  	_ =	sfence.sel $0x180000  }
0x135: {  	[bflag:$0x0] =	sbarrier.arrive $0xFFFF  }
0x136: {  	_ =	strace $0x9000004A  }
0x137: {  	s0 =	stileid.u32;
	[bflag:$0x2] =	sbarrier.arrive $0xFFFF  }
0x138: {  	p0 =	sne.s32 s0, $0x0;
	s0 =	rddreg [dreg:$0x3]  }
0x139: {  	s0 =	sadd.s32 @!p0 $0x100000, s0  }
0x13a: {  	[sflag:s0] =	ssyncadd.tile.s32 @!p0 $0x1;
	_ =	shalt  }
.Lfunc_end2:
_tile_overlayer_lowered:
.L_overlay_start_2:
0x13b: {  	(tag) =	ssettag $0x2  }
0x13c: {  	s0 =	rddreg [dreg:$0x0];
	s2 =	stileid.u32  }
0x13d: {  	s1 =	rddreg [dreg:$0x1];
	p0 =	sne.s32 s2, $0x0  }
0x13e: {  	s3 =	rddreg [dreg:$0x2];
	[bflag:$0x3] =	sbarrier.arrive $0xFFFF;
	s2 =	simm.s32 @!p0 $0x1C03  }
0x13f: {  	[timem:s3], [sflag:s2] =	dma.local @!p0 [hbm:s0], s1  }
0x140: {  	s0 =	simm.s32 @!p0 $0x3  }
0x141: {  	_ =	swait.ge @!p0 [sflag:s0], s1  }
0x142: {  	s1 =	ssub.s32 @!p0 $0x0, s1;
	[sflag:s0] =	ssyncset.done @!p0 $0x0  }
0x143: {  	[sflag:s0] =	ssyncadd.s32 @!p0 s1  }
0x144: {  	[bflag:$0x3] =	sbarrier.arrive $0xFFFF  }
0x145: {  	_ =	shalt  }

// kernel: kernel.14.cloned.1.call-start
scs
__scs_entry_jumppad:
0x0: {  	(pc) =	sbr.rel $0x88, $3  }
0x1: {  	(tag) =	ssettag $0x0;
	lr =	simm.s32 $0x1  }
0x2: {  	[smem:$0x3F90] =	sst lr;
	_ =	strace $0xD0000000  }
0x3: {  	_ = 	snop  }
0x4: {  	_ = 	snop  }
0x5: {  	_ = 	snop  }
0x6: {  	_ = 	snop  }
0x7: {  	_ = 	snop  }
__scs_overlays_trampoline_lowered:
0x8: {  	[smem:$0x3F9F] =	sst s0  }
0x9: {  	[smem:$0x3FA0] =	sst s1  }
0xa: {  	[smem:$0x3FA1] =	sst s2  }
0xb: {  	[smem:$0x3FA2] =	sst s3  }
0xc: {  	[smem:$0x3FA3] =	sst s4  }
0xd: {  	[smem:$0x3FA4] =	sst s5  }
0xe: {  	[smem:$0x3FA5] =	sst s6  }
0xf: {  	[smem:$0x3FA6] =	sst s7  }
0x10: {  	[smem:$0x3FA7] =	sst s8  }
0x11: {  	[smem:$0x3FA8] =	sst s9;
	s0 =	simm.s32 @!p0 $0x0  }
0x12: {  	s1 =	sld [smem:$0x3F8E];
	s0 =	simm.s32 @p0 $0x1  }
0x13: {  	[smem:$0x3FA9] =	sst s0;
	s0 =	simm.s32 @!p1 $0x0  }
0x14: {  	s2 =	sld [smem:$0x3F8D];
	s0 =	simm.s32 @p1 $0x1  }
0x15: {  	[smem:$0x3FAA] =	sst s0;
	s0 =	simm.s32 @!p2 $0x0  }
0x16: {  	s3 =	sld [smem:$0x3FDB];
	s0 =	simm.s32 @p2 $0x1  }
0x17: {  	s4 =	simm.s32 $0x1BF5;
	[smem:$0x3FAC] =	sst s0  }
0x18: {  	s0 =	sld [smem:$0x3F8F];
	_ =	swait.ge [sflag:s4], $0x0  }
0x19: {  	s7 =	sld [smem:$0x3F90]  }
0x1a: {  	s8 =	sadd.s32 $0xFFFFE003, lr  }
0x1b: {  	s9 =	sadd.s32 $0xFFFFFEF7, lr;
	s5 =	simm.s32 $0xFFFFFFFF;
	p2 =	slt.u32 s8, $0xFFFFF086  }
0x1c: {  	p1 =	slt.u32 s9, $0xF7A;
	s5 =	simm.s32 @!p2 $0x0  }
0x1d: {  	s5 =	simm.s32 @p1 $0x1;
	p0 =	seq.s32 s7, s2  }
0x1e: {  	s7 =	smul.u32 @!p0 $0xF7A, s2;
	p2 =	seq.s32 @!p0 s5, $0x0  }
0x1f: {  	s9 =	smul.u32 $0xF7A, s1;
	s8 =	simm.s32 @!p0 $0x1BF5;
	p2 =	por !p2, p0  }
0x20: {  	[sflag:s8] =	ssyncset.s32 @!p0 $0xFFFFF086;
	s6 =	sadd.s32 @!p0 s3, s7;
	s7 =	simm.s32 @!p0 $0x108  }
0x21: {  	s3 =	sadd.s32 s3, s9;
	s6 =	sadd.s32 @!p0 $0x88, s6;
	s7 =	simm.s32 @p2 $0x1082  }
0x22: {  	[simem:s7], [sflag:s8] =	dma.local @!p0 [hbm:s6], $0xF7A  }
0x23: {  	s9 =	sor.u32 $0xD0000000, s2;
	s6 =	simm.s32 $0x108;
	_ =	swait.ge @!p0 [sflag:s8], $0x0  }
0x24: {  	s3 =	sadd.s32 $0x88, s3;
	s6 =	simm.s32 @!p1 $0x1082;
	[sflag:s4] =	ssyncset.s32 $0xFFFFF086  }
0x25: {  	[simem:s6], [sflag:s4] =	dma.local [hbm:s3], $0xF7A  }
0x26: {  	[smem:$0x3F90] =	sst s1;
	(tag) =	ssettag s2;
	_ =	strace s9  }
0x27: {  	s1 =	sld [smem:$0x3FA0]  }
0x28: {  	s2 =	sld [smem:$0x3FA1]  }
0x29: {  	s4 =	sld [smem:$0x3FA3]  }
0x2a: {  	p0 =	seq.s32 s5, $0x0;
	s5 =	sld [smem:$0x3FA4]  }
0x2b: {  	s6 =	sld [smem:$0x3FA5]  }
0x2c: {  	s7 =	sld [smem:$0x3FA6]  }
0x2d: {  	s3 =	simm.s32 $0x108;
	s8 =	sld [smem:$0x3FA7]  }
0x2e: {  	s3 =	simm.s32 @!p0 $0x1082;
	s9 =	sld [smem:$0x3FA8]  }
0x2f: {  	lr =	sadd.s32 s0, s3;
	s0 =	sld [smem:$0x3F9F]  }
0x30: {  	s3 =	sld [smem:$0x3FA2]  }
0x31: {  	[smem:$0x3FAB] =	sst s10  }
0x32: {  	s10 =	sld [smem:$0x3FA9];
	_ =	sdelay $0x3  }
0x33: {  	p0 =	seq.s32 s10, $0x1;
	s10 =	sld [smem:$0x3FAB];
	_ =	sdelay $0x3  }
0x34: {  	[smem:$0x3FAB] =	sst s10  }
0x35: {  	s10 =	sld [smem:$0x3FAA];
	_ =	sdelay $0x3  }
0x36: {  	p1 =	seq.s32 s10, $0x1;
	s10 =	sld [smem:$0x3FAB];
	_ =	sdelay $0x3  }
0x37: {  	[smem:$0x3FAB] =	sst s10  }
0x38: {  	s10 =	sld [smem:$0x3FAC]  }
0x39: {  	_ = 	snop;
	(pc) =	sbr.ind lr, $3  }
0x3a: {  	_ = 	snop  }
0x3b: {  	_ = 	snop  }
0x3c: {  	p2 =	seq.s32 s10, $0x1;
	s10 =	sld [smem:$0x3FAB]  }
0x3d: {  	_ =	shalt  }
0x3e: {  	_ =	shalt  }
0x3f: {  	_ =	shalt  }
0x40: {  	_ =	shalt  }
0x41: {  	_ =	shalt  }
0x42: {  	_ =	shalt  }
0x43: {  	_ =	shalt  }
0x44: {  	_ =	shalt  }
0x45: {  	_ =	shalt  }
0x46: {  	_ =	shalt  }
0x47: {  	_ =	shalt  }
0x48: {  	_ =	shalt  }
0x49: {  	_ =	shalt  }
0x4a: {  	_ =	shalt  }
0x4b: {  	_ =	shalt  }
0x4c: {  	_ =	shalt  }
0x4d: {  	_ =	shalt  }
0x4e: {  	_ =	shalt  }
0x4f: {  	_ =	shalt  }
0x50: {  	_ =	shalt  }
0x51: {  	_ =	shalt  }
0x52: {  	_ =	shalt  }
0x53: {  	_ =	shalt  }
0x54: {  	_ =	shalt  }
0x55: {  	_ =	shalt  }
0x56: {  	_ =	shalt  }
0x57: {  	_ =	shalt  }
0x58: {  	_ =	shalt  }
0x59: {  	_ =	shalt  }
0x5a: {  	_ =	shalt  }
0x5b: {  	_ =	shalt  }
0x5c: {  	_ =	shalt  }
0x5d: {  	_ =	shalt  }
0x5e: {  	_ =	shalt  }
0x5f: {  	_ =	shalt  }
0x60: {  	_ =	shalt  }
0x61: {  	_ =	shalt  }
0x62: {  	_ =	shalt  }
0x63: {  	_ =	shalt  }
0x64: {  	_ =	shalt  }
0x65: {  	_ =	shalt  }
0x66: {  	_ =	shalt  }
0x67: {  	_ =	shalt  }
0x68: {  	_ =	shalt  }
0x69: {  	_ =	shalt  }
0x6a: {  	_ =	shalt  }
0x6b: {  	_ =	shalt  }
0x6c: {  	_ =	shalt  }
0x6d: {  	_ =	shalt  }
0x6e: {  	_ =	shalt  }
0x6f: {  	_ =	shalt  }
0x70: {  	_ =	shalt  }
0x71: {  	_ =	shalt  }
0x72: {  	_ =	shalt  }
0x73: {  	_ =	shalt  }
0x74: {  	_ =	shalt  }
0x75: {  	_ =	shalt  }
0x76: {  	_ =	shalt  }
0x77: {  	_ =	shalt  }
0x78: {  	_ =	shalt  }
0x79: {  	_ =	shalt  }
0x7a: {  	_ =	shalt  }
0x7b: {  	_ =	shalt  }
0x7c: {  	_ =	shalt  }
0x7d: {  	_ =	shalt  }
0x7e: {  	_ =	shalt  }
0x7f: {  	_ =	shalt  }
0x80: {  	_ =	shalt  }
0x81: {  	_ =	shalt  }
0x82: {  	_ =	shalt  }
0x83: {  	_ =	shalt  }
0x84: {  	_ =	shalt  }
0x85: {  	_ =	shalt  }
0x86: {  	_ =	shalt  }
0x87: {  	_ =	shalt  }
.Lfunc_end0:
.L_simem_size_0:
called_computation.2_lowered:
.L_overlay_start_0:
0x88: {  	s2 =	sld [smem:$0x3FD9]  }
0x89: {  	s3 =	sld [smem:$0x3FFE];
	_ =	sdelay $0x1  }
0x8a: {  	s1 =	srdreg.scid  }
0x8b: {  	s0 =	sand.u32 $0x1, s1  }
0x8c: {  	s17 =	sshll.u32 s0, $0xA;
	s2 =	sadd.s32 s3, s2  }
0x8d: {  	s2 =	sadd.s32 s2, s17  }
0x8e: {  	[smem:$0x3FB7] =	sst s2  }
0x8f: {  	_ = 	snop  }
0x90: {  	s2 =	sld [smem:$0x3FD0];
	(tm) =	ssettm $0x1  }
0x91: {  	s18 =	sld [smem:$0x3FFB];
	_ =	sdelay $0x3  }
0x92: {  	_ =	strace s18  }
0x93: {  	s3 =	sld [smem:$0x3FFC];
	_ =	sdelay $0x3  }
0x94: {  	_ =	strace s3  }
0x95: {  	s3 =	sld [smem:$0x3FFD];
	_ =	sdelay $0x3  }
0x96: {  	_ =	strace s3  }
0x97: {  	_ =	strace $0x8FFFFFFF  }
0x98: {  	s19 =	sld [smem:$0x3FDB];
	_ =	sdelay $0x1  }
0x99: {  	s4 =	simm.s32 $_scs_section_size  }
0x9a: {  	s5 =	simm.s32 $_size__tile_overlayer_lowered;
	s6 =	simm.s32 $_tile_overlayer_lowered  }
0x9b: {  	s22 =	simm.s32 $0x1BFF;
	s21 =	sshll.u32 s6, $0x1;
	s3 =	sadd.s32 s4, s19  }
0x9c: {  	s7 =	simm.s32 $0x0;
	s20 =	sshll.u32 s5, $0x1;
	s5 =	sadd.s32 s21, s3  }
0x9d: {  	[timem:s7], [sflag:s22] =	dma.local [hbm:s5], s20  }
0x9e: {  	_ =	swait.ge [sflag:s22], s20  }
0x9f: {  	s4 =	ssub.s32 $0x0, s20;
	[sflag:s22] =	ssyncset.done $0x0  }
0xa0: {  	[sflag:s22] =	ssyncadd.s32 s4;
	_ =	sdelay $0x1  }
0xa1: {  	s23 =	simm.s32 $0x1B8B  }
0xa2: {  	_ =	swait.ge [sflag:s23], $0x1  }
0xa3: {  	[sflag:s23] =	ssyncset.done $0x0  }
0xa4: {  	s25 =	simm.s32 $0x1B8E;
	s24 =	sld [smem:$0x3FFE];
	[sflag:s23] =	ssyncadd.s32 $0xFFFFFFFF  }
0xa5: {  	s26 =	simm.s32 $execute0_lowered;
	[smem:$0x3FD2] =	sst s25  }
0xa6: {  	s5 =	sshll.u32 s26, $0x1;
	_ =	strace $0x8000004C;
	[dreg:$0x1] =	wrdreg $0xFFFFFFFF  }
0xa7: {  	s28 =	simm.s32 $_size_execute0_lowered;
	s3 =	sadd.s32 s3, s5;
	[dreg:$0x0] =	wrdreg $0x0  }
0xa8: {  	s5 =	sshll.u32 s28, $0x1;
	[dreg:$0x2] =	wrdreg s3  }
0xa9: {  	[dreg:$0x3] =	wrdreg s5  }
0xaa: {  	[dreg:$0x4] =	wrdreg $0xC0  }
0xab: {  	_ =	task [dreg:s7], $0x5FFFF  }
0xac: {  	[dreg:$0x1] =	wrdreg $0xFFFFFFFF  }
0xad: {  	[dreg:$0x0] =	wrdreg $0x60  }
0xae: {  	[dreg:$0x2] =	wrdreg s2  }
0xaf: {  	[dreg:$0x3] =	wrdreg s24  }
0xb0: {  	[dreg:$0x4] =	wrdreg $0x19E400  }
0xb1: {  	[dreg:$0x5] =	wrdreg $0x121400  }
0xb2: {  	[dreg:$0x6] =	wrdreg $0x9  }
0xb3: {  	_ =	task.clear_ibuf [dreg:s7], $0x7FFFF;
	_ =	strace $0x9000004C  }
0xb4: {  	s29 =	simm.s32 $0x9;
	_ =	strace $0x8000004E  }
0xb5: {  	_ =	swait.ge [sflag:s29], $0x1  }
0xb6: {  	[sflag:s29] =	ssyncadd.s32 $0xFFFFFFFF  }
0xb7: {  	_ =	strace $0x9000004E  }
0xb8: {  	_ =	sfence  }
0xb9: {  	s30 =	sld [smem:$0x0];
	_ =	sdelay $0x2  }
0xba: {  	s31 =	sshll.u32 s1, $0xD;
	s1 =	sshrl.u32 s1, $0x2  }
0xbb: {  	s3 =	sand.u32 $0x4000, s31;
	s1 =	sadd.s32 s1, s30  }
0xbc: {  	s0 =	sor.u32 s3, s0;
	s1 =	sshll.u32 s1, $0x11  }
0xbd: {  	s0 =	sor.u32 s1, s0  }
0xbe: {  	s0 =	sadd.s32 $0x8F2B, s0  }
0xbf: {  	[sflag:s0] =	ssyncadd.remote.s32 $0x1  }
0xc0: {  	_ =	sfence.sel $0xFFFF  }
0xc1: {  	[dreg:$0x0] =	wrdreg $0xFFFFFFFF;
	(pc) =	sbr.abs _section_cstart, $3  }
0xc2: {  	[dreg:$0x1] =	wrdreg $0xFFFFFFFF  }
0xc3: {  	_ =	task.clear_ibuf [dreg:s7], $0x2FFFF;
	_ =	strace $0x9FFFFFFF  }
0xc4: {  	(tm) =	ssettm $0x7FFFFFFF  }
0xc5: {  	_ =	shalt  }
tec
execute0_lowered:
.L_overlay_start_1:
0x0: {  	(tag) =	ssettag $0x1  }
0x1: {  	s1 =	rddreg [dreg:$0x0]  }
0x2: {  	s0 =	rddreg [dreg:$0x1]  }
0x3: {  	s2 =	rddreg [dreg:$0x2]  }
0x4: {  	s3 =	rddreg [dreg:$0x3];
	s4 =	simm.s32 $0x0  }
0x5: {  	s6 =	srdreg.scid;
	s18 =	stileid.u32;
	s30 =	simm.s32 $0x3  }
0x6: {  	s29 =	simm.s32 $0x40;
	s31 =	simm.s32 $0x5000;
	[smem:$0x7FF] =	sst s4  }
0x7: {  	s5 =	sadd.s32 $0xD200, s0;
	s24 =	sadd.s32 $0x71200, s0;
	s7 =	sadd.s32 $0xBF800, s0  }
0x8: {  	s8 =	sadd.s32 $0x71600, s0;
	s25 =	sand.u32 $0x1, s6;
	s10 =	smul.u32 $0x28, s18  }
0x9: {  	s11 =	sshllo.u32 s18, $0x1;
	s9 =	sshll.u32 s18, $0x10;
	s16 =	sshll.u32 s18, $0xF  }
0xa: {  	s17 =	sadd.s32 $0x78000, s3;
	p0 =	seq.s32 s18, $0xF;
	s28 =	smul.u32 $0x32000, s18  }
0xb: {  	_ =	strace $0x8000004D;
	s6 =	ssub.s32 $0x2, s25;
	s13 =	smul.u32 $0x14, s11  }
0xc: {  	s26 =	sshrl.u32 s9, $0x2;
	s0 =	smul.u32 $0x5, s25;
	[dreg:$0x9] =	wrdreg s16  }
0xd: {  	s16 =	sadd.s32 s16, s3;
	s12 =	sshrl.u32 s6, $0x1;
	s10 =	sadd.s32 s24, s10  }
0xe: {  	s6 =	ssub.s32 s6, s12;
	[dreg:$0x5] =	wrdreg s10;
	s4 =	sadd.s32 s24, s13  }
0xf: {  	[dreg:$0x7] =	wrdreg s0;
	s13 =	sadd.s32 s26, s2;
	s10 =	smul.u32 $0x19000, s11  }
0x10: {  	[dreg:$0x6] =	wrdreg s4;
	s11 =	sadd.s32 $0x800, s13;
	s12 =	sadd.s32 $0x1000, s13  }
0x11: {  	s19 =	sadd.s32 $0x2000, s13;
	s20 =	sadd.s32 $0x2800, s13;
	s14 =	sadd.s32 $0x3000, s13  }
0x12: {  	s15 =	sadd.s32 $0x3800, s13;
	s6 =	smax.u32 s6, $0x1;
	[dreg:$0x8] =	wrdreg s10  }
0x13: {  	s4 =	simm.s32 $0x9F80;
	[dreg:$0xa] =	wrdreg s6;
	s0 =	sshrl.u32 s11, $0x3  }
0x14: {  	s10 =	sadd.s32 $0x1800, s13;
	s21 =	sshrl.u32 s12, $0x3;
	[dreg:$0xb] =	wrdreg s0  }
0x15: {  	s23 =	sshrl.u32 s19, $0x3;
	s24 =	sshrl.u32 s20, $0x3;
	[dreg:$0xc] =	wrdreg s21  }
0x16: {  	s25 =	sshrl.u32 s14, $0x3;
	s26 =	sshrl.u32 s15, $0x3;
	[dreg:$0xe] =	wrdreg s23  }
.Ltmp0:
0x17: {  	s11 =	simm.s32 $0x11FC0;
	[dreg:$0xf] =	wrdreg s24;
	(pc) =	sbr.rel .LBB2_1-.Ltmp0, $4  }
0x18: {  	s6 =	simm.s32 $0x0;
	s22 =	sshrl.u32 s10, $0x3;
	[dreg:$0x10] =	wrdreg s25  }
0x19: {  	[dreg:$0x11] =	wrdreg s26;
	s0 =	sadd.s32 $0x3C000, s2;
	s24 =	sshrl.u32 @p0 s17, $0x3  }
0x1a: {  	v0 =	vimm.s32 $0x0;
	vm0 =	vcmask $0x300;
	s25 =	sshrl.u32 @!p0 s16, $0x3;
	[dreg:$0xd] =	wrdreg s22;
	s0 =	sshrl.u32 @p0 s0, $0x3  }
0x1b: {  	v2 =	vimm.s32 $0x3F8;
	v1 =	vsel vm0, $0xFFFFFFFF, v0;
	s10 =	simm.s32 $0x2;
	s16 =	simm.s32 $0xDF80;
	[dreg:$0x12] =	wrdreg s0  }
.LBB2_24:
0x1c: {  	s6 =	rddreg [dreg:$0x13]  }
0x1d: {  	s0 =	rddreg [dreg:$0xa];
	s6 =	sadd.s32 $0x1, s6  }
0x1e: {  	p1 =	sne.s32 s6, s0  }
.Ltmp1:
0x1f: {  	_ = 	snop;
	(pc) =	sbr.rel @!p1 .LBB2_25-.Ltmp1, $1  }
0x20: {  	_ =	sdelay $0x3  }
.LBB2_1:
0x21: {  	[dreg:$0x13] =	wrdreg s6  }
0x22: {  	s0 =	simm.s32 $0x0;
	s22 =	rddreg [dreg:$0x5];
	s12 =	simm.s32 $0x12000  }
0x23: {  	[tilespmem:s12], [sflag:$0x3] =	stream.linear.gather [hbm4b:s22+s0], $0xA0, $0x38;
	[tilespmem:$0x1DE40] =	vst v63  }
0x24: {  	_ =	swait.ge [sflag:s30], $0xA0  }
0x25: {  	s26 =	simm.s32 $0x120A0;
	[sflag:s30] =	ssyncset.done $0x0  }
.Ltmp2:
0x26: {  	s23 =	rddreg [dreg:$0x6];
	[sflag:s30] =	ssyncadd.s32 $0xFFFFFF60;
	(pc) =	sbr.rel .LBB2_2-.Ltmp2, $4  }
0x27: {  	[tilespmem:s26], [sflag:$0x3] =	stream.linear.gather [hbm4b:s23+s0], $0xA0, $0x38;
	[tilespmem:$0x1DE40] =	vst v63  }
0x28: {  	_ =	swait.ge [sflag:s30], $0xA0  }
0x29: {  	[sflag:s30] =	ssyncset.done $0x0  }
0x2a: {  	s6 =	simm.s32 $0x0;
	[sflag:s30] =	ssyncadd.s32 $0xFFFFFF60  }
.LBB2_23:
0x2b: {  	s0 =	smul.u32 $0x7D000, s0;
	_ =	sdelay $0x1  }
0x2c: {  	s14 =	sshrl.u32 @p0 s0, $0x4  }
0x2d: {  	s14 =	sadd.s32 @p0 s8, s14  }
0x2e: {  	s15 =	rddreg [dreg:$0x12];
	s14 =	sadd.s32 @p0 $0x7800, s14  }
0x2f: {  	[hbm:s14], [sflag:s12] =	dma.local @p0 [spmem:s15], $0x500  }
0x30: {  	s14 =	simm.s32 @p0 $0x3  }
0x31: {  	_ =	swait.ge @p0 [sflag:s14], $0x500  }
0x32: {  	s15 =	rddreg [dreg:$0x9]  }
0x33: {  	s0 =	sadd.s32 @!p0 s15, s0  }
0x34: {  	s6 =	sadd.s32 $0x1, s6;
	[sflag:s14] =	ssyncset.done @p0 $0x0;
	s0 =	sshrl.u32 @!p0 s0, $0x4  }
0x35: {  	[sflag:s14] =	ssyncadd.s32 @p0 $0xFFFFFB00;
	s14 =	sshrl.u32 @!p0 s13, $0x3;
	s0 =	sadd.s32 @!p0 s8, s0  }
0x36: {  	[hbm:s0], [sflag:s12] =	dma.local @!p0 [spmem:s14], $0x800  }
0x37: {  	p1 =	sne.s32 s6, $0x5;
	s0 =	simm.s32 @!p0 $0x3  }
.Ltmp3:
0x38: {  	_ =	swait.ge @!p0 [sflag:s0], $0x800;
	(pc) =	sbr.rel @!p1 .LBB2_24-.Ltmp3, $3  }
0x39: {  	[sflag:s0] =	ssyncset.done @!p0 $0x0  }
0x3a: {  	[sflag:s0] =	ssyncadd.s32 @!p0 $0xFFFFF800  }
0x3b: {  	[bflag:$0x0] =	sbarrier.arrive $0xFFFF;
	_ =	sdelay $0x1  }
.LBB2_2:
0x3c: {  	s0 =	rddreg [dreg:$0x7]  }
0x3d: {  	s0 =	sadd.s32 s0, s6  }
0x3e: {  	s12 =	smul.u32 $0x2800, s0;
	_ =	sdelay $0x1  }
0x3f: {  	s14 =	sadd.s32 s28, s12  }
0x40: {  	s14 =	sshrl.u32 s14, $0x3  }
0x41: {  	s15 =	sadd.s32 s5, s14;
	s14 =	simm.s32 $0x0  }
0x42: {  	[tilespmem:s14], [sflag:$0x3] =	stream.linear.gather [hbm4b:s15+s14], $0x2800, $0x38;
	[tilespmem:$0x1DE40] =	vst v63  }
0x43: {  	_ =	swait.ge [sflag:s30], $0x2800  }
0x44: {  	s21 =	rddreg [dreg:$0x8]  }
0x45: {  	s12 =	sadd.s32 s21, s12  }
0x46: {  	[sflag:s30] =	ssyncset.done $0x0;
	s12 =	sshrl.u32 s12, $0x3  }
0x47: {  	s22 =	simm.s32 $0x2800;
	[sflag:s30] =	ssyncadd.s32 $0xFFFFD800;
	s12 =	sadd.s32 s5, s12  }
0x48: {  	[tilespmem:s22], [sflag:$0x3] =	stream.linear.gather [hbm4b:s12+s14], $0x2800, $0x38;
	[tilespmem:$0x1DE40] =	vst v63  }
0x49: {  	s23 =	stileid.u32;
	_ =	swait.ge [sflag:s30], $0x2800  }
0x4a: {  	s12 =	sshll.u32 s23, $0x6;
	[sflag:s30] =	ssyncset.done $0x0  }
0x4b: {  	s26 =	sshrl.u32 s13, $0x3;
	s12 =	sor.u32 $0x1C03, s12;
	[sflag:s30] =	ssyncadd.s32 $0xFFFFD800  }
0x4c: {  	[spmem:s26], [sflag:s12] =	dma.local [hbm:s7], $0x100  }
0x4d: {  	_ =	swait.ge [sflag:s30], $0x100  }
0x4e: {  	[sflag:s30] =	ssyncset.done $0x0  }
0x4f: {  	s17 =	rddreg [dreg:$0xb];
	[sflag:s30] =	ssyncadd.s32 $0xFFFFFF00  }
0x50: {  	[spmem:s17], [sflag:s12] =	dma.local [hbm:s7], $0x100  }
0x51: {  	_ =	swait.ge [sflag:s30], $0x100  }
0x52: {  	[sflag:s30] =	ssyncset.done $0x0  }
0x53: {  	s18 =	rddreg [dreg:$0xc];
	[sflag:s30] =	ssyncadd.s32 $0xFFFFFF00  }
0x54: {  	[spmem:s18], [sflag:s12] =	dma.local [hbm:s7], $0x100  }
0x55: {  	_ =	swait.ge [sflag:s30], $0x100  }
0x56: {  	[sflag:s30] =	ssyncset.done $0x0  }
0x57: {  	s19 =	rddreg [dreg:$0xd];
	[sflag:s30] =	ssyncadd.s32 $0xFFFFFF00  }
0x58: {  	[spmem:s19], [sflag:s12] =	dma.local [hbm:s7], $0x100  }
0x59: {  	_ =	swait.ge [sflag:s30], $0x100  }
0x5a: {  	[sflag:s30] =	ssyncset.done $0x0  }
0x5b: {  	s20 =	rddreg [dreg:$0xe];
	[sflag:s30] =	ssyncadd.s32 $0xFFFFFF00  }
0x5c: {  	[spmem:s20], [sflag:s12] =	dma.local [hbm:s7], $0x100  }
0x5d: {  	_ =	swait.ge [sflag:s30], $0x100  }
0x5e: {  	[sflag:s30] =	ssyncset.done $0x0  }
0x5f: {  	s21 =	rddreg [dreg:$0xf];
	[sflag:s30] =	ssyncadd.s32 $0xFFFFFF00  }
0x60: {  	[spmem:s21], [sflag:s12] =	dma.local [hbm:s7], $0x100  }
0x61: {  	_ =	swait.ge [sflag:s30], $0x100  }
0x62: {  	[sflag:s30] =	ssyncset.done $0x0  }
0x63: {  	s22 =	rddreg [dreg:$0x10];
	[sflag:s30] =	ssyncadd.s32 $0xFFFFFF00  }
0x64: {  	[spmem:s22], [sflag:s12] =	dma.local [hbm:s7], $0x100  }
0x65: {  	_ =	swait.ge [sflag:s30], $0x100  }
0x66: {  	[sflag:s30] =	ssyncset.done $0x0  }
0x67: {  	s23 =	rddreg [dreg:$0x11];
	[sflag:s30] =	ssyncadd.s32 $0xFFFFFF00  }
0x68: {  	[spmem:s23], [sflag:s12] =	dma.local [hbm:s7], $0x100  }
.Ltmp4:
0x69: {  	_ =	swait.ge [sflag:s30], $0x100;
	(pc) =	sbr.rel .LBB2_3-.Ltmp4, $4  }
0x6a: {  	[sflag:s30] =	ssyncset.done $0x0  }
0x6b: {  	[sflag:s30] =	ssyncadd.s32 $0xFFFFFF00  }
0x6c: {  	s26 =	sshll.u32 s0, $0x4;
	[bflag:$0x0] =	sbarrier.arrive $0xFFFF  }
0x6d: {  	s15 =	sand.u32 $0x3FFFFFF0, s26  }
.LBB2_22:
0x6e: {  	s14 =	sadd.s32 $0x1, s14  }
0x6f: {  	p1 =	sne.s32 s14, $0x5  }
.Ltmp5:
0x70: {  	_ = 	snop;
	(pc) =	sbr.rel @!p1 .LBB2_23-.Ltmp5, $2  }
0x71: {  	_ =	sdelay $0x1  }
0x72: {  	[bflag:$0x0] =	sbarrier.arrive $0xFFFF;
	_ =	sdelay $0x1  }
.LBB2_3:
0x73: {  	s17 =	smul.u32 $0xFA000, s14;
	_ =	sdelay $0x1  }
0x74: {  	s18 =	sshrl.u32 @p0 s17, $0x4  }
0x75: {  	s18 =	sadd.s32 @p0 s1, s18  }
0x76: {  	s18 =	sadd.s32 @p0 $0xF000, s18  }
0x77: {  	[spmem:s24], [sflag:s12] =	dma.local @p0 [hbm:s18], $0xA00  }
0x78: {  	s18 =	simm.s32 @p0 $0x3  }
0x79: {  	s17 =	sadd.s32 @!p0 s9, s17;
	_ =	swait.ge @p0 [sflag:s18], $0xA00  }
0x7a: {  	s17 =	sshrl.u32 @!p0 s17, $0x4;
	[sflag:s18] =	ssyncset.done @p0 $0x0  }
0x7b: {  	s17 =	sadd.s32 @!p0 s1, s17;
	[sflag:s18] =	ssyncadd.s32 @p0 $0xFFFFF600  }
0x7c: {  	[spmem:s25], [sflag:s12] =	dma.local @!p0 [hbm:s17], $0x1000  }
0x7d: {  	s17 =	simm.s32 @!p0 $0x3  }
0x7e: {  	_ =	swait.ge @!p0 [sflag:s17], $0x1000  }
0x7f: {  	[sflag:s17] =	ssyncset.done @!p0 $0x0  }
0x80: {  	[sflag:s17] =	ssyncadd.s32 @!p0 $0xFFFFF000  }
0x81: {  	[bflag:$0x0] =	sbarrier.arrive $0xFFFF  }
0x82: {  	v3 =	vld [tilespmem:s15+$0x12000];
	_ =	sdelay $0x4  }
0x83: {  	v3 =	vand.u32 v1, v3  }
0x84: {  	(xrf0) =	vadd.scan.msk.s32 $0xffff, v3;
	_ =	sdelay $0x5  }
0x85: {  	v3, _, _ =	vpop (xrf0)  }
0x86: {  	(v2sf) =	vpush v3, $0xF;
	_ =	sdelay $0xe  }
0x87: {  	s19 =	spop (v2sf)  }
0x88: {  	p1 =	slt.s32 s19, $0x1  }
.Ltmp6:
0x89: {  	_ = 	snop;
	(pc) =	sbr.rel @p1 .LBB2_10-.Ltmp6, $3  }
0x8a: {  	_ = 	snop  }
0x8b: {  	s26 =	smul.u32 $0x7D0, s14;
	_ =	sdelay $0x1  }
0x8c: {  	s18 =	sadd.s32 $0x7D0, s26;
	s17 =	simm.s32 $0x0;
	v3 =	vmov s26  }
0x8d: {  	p2 =	sne.s32 s19, $0x1  }
.Ltmp7:
0x8e: {  	_ = 	snop;
	(pc) =	sbr.rel @!p2 .LBB2_5-.Ltmp7, $3  }
0x8f: {  	_ =	sdelay $0x1  }
0x90: {  	s17 =	simm.s32 $0x0  }
0x91: {  	v4 =	vmov s18;
	s20 =	sadd.s32 $0xFFFFFFFF, s19;
	p1 =	por $0x0, $0x0;
	v5 =	vld [tilespmem:s17+$0x0]  }
0x92: {  	_ =	sdelay $0x3  }
0x93: {  	vm0 =	vge.s32 v5, v3;
	vm1 =	vlt.s32 v5, v4  }
0x94: {  	vm0 =	vmand vm0, vm1  }
0x95: {  	v6 =	vsel vm0, $0x1, v0  }
0x96: {  	(xrf0) =	vadd.scan.msk.s32 $0xffff, v6;
	_ =	sdelay $0x2  }
0x97: {  	v5 =	vsub.s32 v5, v3;
	v6 =	vld [tilespmem:s17+$0x1400]  }
0x98: {  	p2 =	sne.s32 s20, $0x1  }
.Ltmp8:
0x99: {  	_ = 	snop;
	(pc) =	sbr.rel @!p2 .LBB2_7-.Ltmp8, $4  }
0x9a: {  	[tilespmem:s17+$0x5000] =	vst.msk vm0, v5;
	v5, _, _ =	vpop (xrf0)  }
0x9b: {  	(v2sf) =	vpush v5, $0xF  }
0x9c: {  	s19 =	simm.s32 $0x10;
	[tilespmem:s17+$0x77C0] =	vst.msk vm0, v6  }
0x9d: {  	s21 =	sadd.s32 $0xFFFFFFFF, s20;
	p1 =	por $0x1, $0x1;
	s20 =	simm.s32 $0x0;
	v5 =	vld [tilespmem:s19+$0x0]  }
.LBB2_8:
0x9e: {  	p2 =	sne.s32 s21, $0x1;
	_ =	sdelay $0x3  }
0x9f: {  	vm0 =	vge.s32 v5, v3;
	vm1 =	vlt.s32 v5, v4;
	v5 =	vsub.s32 v5, v3  }
0xa0: {  	vm0 =	vmand vm0, vm1  }
0xa1: {  	v6 =	vsel vm0, $0x1, v0  }
0xa2: {  	(xrf0) =	vadd.scan.msk.s32 $0xffff, v6;
	_ =	sdelay $0x2  }
0xa3: {  	v6 =	vld [tilespmem:s19+$0x1400];
	_ =	sdelay $0x1  }
.Ltmp9:
0xa4: {  	s22 =	spop (v2sf);
	(pc) =	sbr.rel @p2 .LBB2_8-.Ltmp9, $4  }
0xa5: {  	v7, _, _ =	vpop (xrf0);
	s20 =	sadd.s32 s20, s22  }
0xa6: {  	[tilespmem:s20+$0x5000] =	vst.msk vm0, v5;
	(v2sf) =	vpush v7, $0xF  }
0xa7: {  	s19 =	sadd.s32 $0x10, s19;
	[tilespmem:s20+$0x77C0] =	vst.msk vm0, v6  }
0xa8: {  	s21 =	sadd.s32 $0xFFFFFFFF, s21;
	v5 =	vld [tilespmem:s19+$0x0]  }
.LBB2_9:
0xa9: {  	_ =	sdelay $0x3  }
0xaa: {  	vm0 =	vge.s32 v5, v3;
	vm1 =	vlt.s32 v5, v4  }
0xab: {  	vm0 =	vmand vm0, vm1  }
0xac: {  	v4 =	vsel vm0, $0x1, v0  }
0xad: {  	(xrf0) =	vadd.scan.msk.s32 $0xffff, v4;
	_ =	sdelay $0x5  }
0xae: {  	v4, _, _ =	vpop (xrf0)  }
0xaf: {  	(v2sf) =	vpush v4, $0xF;
	_ =	sdelay $0xa  }
0xb0: {  	v4 =	vld [tilespmem:s19+$0x1400]  }
0xb1: {  	s19 =	spop @p1 (v2sf)  }
0xb2: {  	s19 =	sadd.s32 @p1 s20, s19  }
0xb3: {  	v5 =	vsub.s32 v5, v3;
	s17 =	smov.u32 @p1 s19  }
0xb4: {  	[tilespmem:s17+$0x5000] =	vst.msk vm0, v5;
	s26 =	spop (v2sf)  }
0xb5: {  	[tilespmem:s17+$0x77C0] =	vst.msk vm0, v4;
	s17 =	sadd.s32 s17, s26  }
.LBB2_10:
0xb6: {  	v4 =	vld [tilespmem:s15+$0x120A0];
	_ =	sdelay $0x4  }
0xb7: {  	v4 =	vand.u32 v1, v4  }
0xb8: {  	(xrf0) =	vadd.scan.msk.s32 $0xffff, v4;
	_ =	sdelay $0x5  }
0xb9: {  	v4, _, _ =	vpop (xrf0)  }
0xba: {  	(v2sf) =	vpush v4, $0xF;
	_ =	sdelay $0xe  }
0xbb: {  	s20 =	spop (v2sf)  }
0xbc: {  	p1 =	slt.s32 s20, $0x1  }
.Ltmp10:
0xbd: {  	_ = 	snop;
	(pc) =	sbr.rel @p1 .LBB2_17-.Ltmp10, $1  }
0xbe: {  	_ =	sdelay $0x3  }
0xbf: {  	p2 =	sne.s32 s20, $0x1  }
.Ltmp11:
0xc0: {  	_ = 	snop;
	(pc) =	sbr.rel @!p2 .LBB2_12-.Ltmp11, $3  }
0xc1: {  	_ =	sdelay $0x1  }
0xc2: {  	s19 =	simm.s32 $0x2800  }
0xc3: {  	v4 =	vmov s18;
	s18 =	sadd.s32 $0xFFFFFFFF, s20;
	p1 =	por $0x0, $0x0;
	v5 =	vld [tilespmem:s19+$0x0]  }
0xc4: {  	_ =	sdelay $0x3  }
0xc5: {  	vm0 =	vge.s32 v5, v3;
	vm1 =	vlt.s32 v5, v4  }
0xc6: {  	vm0 =	vmand vm0, vm1  }
0xc7: {  	v6 =	vsel vm0, $0x1, v0  }
0xc8: {  	(xrf0) =	vadd.scan.msk.s32 $0xffff, v6;
	_ =	sdelay $0x2  }
0xc9: {  	v5 =	vsub.s32 v5, v3;
	v6 =	vld [tilespmem:s19+$0x1400]  }
0xca: {  	p2 =	sne.s32 s18, $0x1  }
.Ltmp12:
0xcb: {  	_ = 	snop;
	(pc) =	sbr.rel @!p2 .LBB2_14-.Ltmp12, $4  }
0xcc: {  	[tilespmem:s17+$0x5000] =	vst.msk vm0, v5;
	v5, _, _ =	vpop (xrf0)  }
0xcd: {  	(v2sf) =	vpush v5, $0xF  }
0xce: {  	s19 =	simm.s32 $0x2810;
	[tilespmem:s17+$0x77C0] =	vst.msk vm0, v6  }
0xcf: {  	s20 =	sadd.s32 $0xFFFFFFFF, s18;
	p1 =	por $0x1, $0x1;
	s18 =	smov.u32 s17;
	v5 =	vld [tilespmem:s19+$0x0]  }
.LBB2_15:
0xd0: {  	p2 =	sne.s32 s20, $0x1;
	_ =	sdelay $0x3  }
0xd1: {  	vm0 =	vge.s32 v5, v3;
	vm1 =	vlt.s32 v5, v4;
	v5 =	vsub.s32 v5, v3  }
0xd2: {  	vm0 =	vmand vm0, vm1  }
0xd3: {  	v6 =	vsel vm0, $0x1, v0  }
0xd4: {  	(xrf0) =	vadd.scan.msk.s32 $0xffff, v6;
	_ =	sdelay $0x2  }
0xd5: {  	v6 =	vld [tilespmem:s19+$0x1400];
	_ =	sdelay $0x1  }
.Ltmp13:
0xd6: {  	s21 =	spop (v2sf);
	(pc) =	sbr.rel @p2 .LBB2_15-.Ltmp13, $4  }
0xd7: {  	v7, _, _ =	vpop (xrf0);
	s18 =	sadd.s32 s18, s21  }
0xd8: {  	[tilespmem:s18+$0x5000] =	vst.msk vm0, v5;
	(v2sf) =	vpush v7, $0xF  }
0xd9: {  	s19 =	sadd.s32 $0x10, s19;
	[tilespmem:s18+$0x77C0] =	vst.msk vm0, v6  }
0xda: {  	s20 =	sadd.s32 $0xFFFFFFFF, s20;
	v5 =	vld [tilespmem:s19+$0x0]  }
.LBB2_16:
0xdb: {  	_ =	sdelay $0x3  }
0xdc: {  	vm0 =	vge.s32 v5, v3;
	vm1 =	vlt.s32 v5, v4  }
0xdd: {  	vm0 =	vmand vm0, vm1  }
0xde: {  	v62 =	vsel vm0, $0x1, v0  }
0xdf: {  	(xrf0) =	vadd.scan.msk.s32 $0xffff, v62;
	_ =	sdelay $0x5  }
0xe0: {  	v4, _, _ =	vpop (xrf0)  }
0xe1: {  	(v2sf) =	vpush v4, $0xF;
	_ =	sdelay $0xa  }
0xe2: {  	v63 =	vld [tilespmem:s19+$0x1400]  }
0xe3: {  	s19 =	spop @p1 (v2sf)  }
0xe4: {  	s18 =	sadd.s32 @p1 s18, s19  }
0xe5: {  	v3 =	vsub.s32 v5, v3;
	s17 =	smov.u32 @p1 s18  }
0xe6: {  	[tilespmem:s17+$0x5000] =	vst.msk vm0, v3;
	s26 =	spop (v2sf)  }
0xe7: {  	[tilespmem:s17+$0x77C0] =	vst.msk vm0, v63;
	s17 =	sadd.s32 s17, s26  }
.LBB2_17:
0xe8: {  	s18 =	sadd.s32 $0x3F, s17  }
0xe9: {  	s19 =	sand.u32 $0x3F, s18  }
0xea: {  	s26 =	sshra.s32 s18, $0x1F;
	p2 =	slt.s32 s18, $0x1;
	p1 =	sne.s32 s19, $0x0  }
0xeb: {  	[tilespmem:s17+$0x5000] =	vst v0;
	s19 =	sshrl.u32 s26, $0x1A;
	p1 =	por !p2, !p1  }
0xec: {  	[tilespmem:s17+$0x77C0] =	vst v2;
	s18 =	sadd.s32 s19, s18;
	s19 =	simm.s32 $0x1;
	p1 =	por !p1, !p1  }
0xed: {  	[tilespmem:s17+$0x5010] =	vst v0;
	s18 =	sshra.s32 s18, $0x6;
	s19 =	simm.s32 @!p1 $0x0  }
0xee: {  	[tilespmem:s17+$0x77D0] =	vst v2;
	s18 =	ssub.s32 s18, s19  }
0xef: {  	[tilespmem:s17+$0x5020] =	vst v0;
	p1 =	slt.s32 s18, $0x1  }
.Ltmp14:
0xf0: {  	[tilespmem:s17+$0x77E0] =	vst v2;
	(pc) =	sbr.rel @p1 .LBB2_22-.Ltmp14, $4  }
0xf1: {  	[tilespmem:s17+$0x5030] =	vst v0  }
0xf2: {  	[tilespmem:s17+$0x77F0] =	vst v2  }
0xf3: {  	[tilespmem:s17+$0x5040] =	vst v0  }
0xf4: {  	[tilespmem:s17+$0x7800] =	vst v2  }
0xf5: {  	[tilespmem:s4], [sflag:$0x1] =	stream.indirect.gather [spmem:s3], $0x100, s31, s29, $0xb8;
	[tilespmem:$0x1DE40] =	vst v63  }
.Ltmp15:
0xf6: {  	_ = 	snop;
	(pc) =	sbr.rel .LBB2_19-.Ltmp15, $4  }
0xf7: {  	p1 =	seq.s32 s18, $0x1  }
0xf8: {  	s17 =	simm.s32 @!p1 $0x40;
	s19 =	simm.s32 @!p1 $0x5040;
	s20 =	simm.s32 @!p1 $0xDF80  }
0xf9: {  	[tilespmem:s20], [sflag:$0x2] =	stream.indirect.gather @!p1 [spmem:s3], $0x100, s19, s17, $0xb8;
	[tilespmem:$0x1DE40] =	vst v63  }
0xfa: {  	s17 =	simm.s32 $0x0;
	s19 =	simm.s32 $0x5080;
	s20 =	simm.s32 $0x77E0  }
.LBB2_21:
0xfb: {  	s17 =	sadd.s32 $0x1, s17  }
0xfc: {  	p1 =	sne.s32 s18, s17  }
.Ltmp16:
0xfd: {  	_ = 	snop;
	(pc) =	sbr.rel @!p1 .LBB2_22-.Ltmp16, $2  }
0xfe: {  	_ =	sdelay $0x2  }
0xff: {  	s19 =	sadd.s32 $0x40, s19;
	s20 =	sadd.s32 $0x40, s20  }
.LBB2_19:
0x100: {  	s22 =	sand.u32 $0x1, s17  }
0x101: {  	p1 =	seq.s32 s22, $0x1  }
0x102: {  	s21 =	simm.s32 @!p1 $0x1  }
0x103: {  	_ =	swait.ge @!p1 [sflag:s21], $0x4000  }
0x104: {  	[sflag:s21] =	ssyncset.done @!p1 $0x0  }
0x105: {  	[sflag:s21] =	ssyncadd.s32 @!p1 $0xFFFFC000  }
0x106: {  	v3 =	vld @!p1 [tilespmem:s20+$0xFFFFFFE0];
	_ =	sdelay $0x4  }
0x107: {  	[tilespmem:$0x11F80] =	vst @!p1 v3  }
0x108: {  	v3 =	vld @!p1 [tilespmem:s20+$0xFFFFFFF0];
	_ =	sdelay $0x4  }
0x109: {  	[tilespmem:$0x11F90] =	vst @!p1 v3  }
0x10a: {  	v3 =	vld @!p1 [tilespmem:s20+$0x0];
	_ =	sdelay $0x4  }
0x10b: {  	[tilespmem:$0x11FA0] =	vst @!p1 v3  }
0x10c: {  	v3 =	vld @!p1 [tilespmem:s20+$0x10];
	_ =	sdelay $0x4  }
0x10d: {  	s23 =	simm.s32 @!p1 $0x11F80;
	s26 =	simm.s32 @!p1 $0x9F80;
	s21 =	simm.s32 @!p1 $0x40;
	[tilespmem:$0x11FB0] =	vst @!p1 v3  }
0x10e: {  	[spmem:s2] =	stream.indirect.scatter.add.bf16 @!p1 [tilespmem:s26], [sflag:$0x3], $0x100, s23, s21, $0xb8;
	[tilespmem:$0x1DE40] =	vst v63  }
0x10f: {  	s21 =	sadd.s32 $0x2, s17;
	s23 =	simm.s32 @!p1 $0x3  }
0x110: {  	_ =	swait.ge @!p1 [sflag:s23], $0x4000;
	p2 =	sge.s32 @!p1 s21, s18  }
0x111: {  	[sflag:s23] =	ssyncset.done @!p1 $0x0;
	p2 =	por p2, p1  }
0x112: {  	[sflag:s23] =	ssyncadd.s32 @!p1 $0xFFFFC000;
	s23 =	simm.s32 @!p2 $0x40;
	s26 =	simm.s32 @!p2 $0x9F80  }
0x113: {  	[tilespmem:s26], [sflag:$0x1] =	stream.indirect.gather @!p2 [spmem:s3], $0x100, s19, s23, $0xb8;
	[tilespmem:$0x1DE40] =	vst v63  }
0x114: {  	p2 =	seq.s32 @!p1 s22, $0x0  }
0x115: {  	p1 =	por p1, !p2  }
.Ltmp17:
0x116: {  	_ = 	snop;
	(pc) =	sbr.rel @!p1 .LBB2_21-.Ltmp17, $1  }
0x117: {  	_ =	sdelay $0x3  }
0x118: {  	_ =	swait.ge [sflag:s10], $0x4000  }
0x119: {  	[sflag:s10] =	ssyncset.done $0x0  }
0x11a: {  	[sflag:s10] =	ssyncadd.s32 $0xFFFFC000  }
0x11b: {  	v3 =	vld [tilespmem:s20+$0xFFFFFFE0];
	_ =	sdelay $0x4  }
0x11c: {  	[tilespmem:$0x11FC0] =	vst v3  }
0x11d: {  	v3 =	vld [tilespmem:s20+$0xFFFFFFF0];
	_ =	sdelay $0x4  }
0x11e: {  	[tilespmem:$0x11FD0] =	vst v3  }
0x11f: {  	v3 =	vld [tilespmem:s20+$0x0];
	_ =	sdelay $0x4  }
0x120: {  	[tilespmem:$0x11FE0] =	vst v3  }
0x121: {  	v3 =	vld [tilespmem:s20+$0x10];
	_ =	sdelay $0x4  }
0x122: {  	[tilespmem:$0x11FF0] =	vst v3  }
0x123: {  	[spmem:s2] =	stream.indirect.scatter.add.bf16 [tilespmem:s16], [sflag:$0x3], $0x100, s11, s29, $0xb8;
	[tilespmem:$0x1DE40] =	vst v63  }
.Ltmp18:
0x124: {  	_ = 	snop;
	(pc) =	sbr.rel .LBB2_21-.Ltmp18, $4  }
0x125: {  	_ =	swait.ge [sflag:s30], $0x4000  }
0x126: {  	p1 =	sge.s32 s21, s18;
	[sflag:s30] =	ssyncset.done $0x0  }
0x127: {  	s21 =	simm.s32 @!p1 $0x40;
	s22 =	simm.s32 @!p1 $0xDF80;
	[sflag:s30] =	ssyncadd.s32 $0xFFFFC000  }
0x128: {  	[tilespmem:s22], [sflag:$0x2] =	stream.indirect.gather @!p1 [spmem:s3], $0x100, s19, s21, $0xb8;
	[tilespmem:$0x1DE40] =	vst v63  }
.LBB2_5:
.Ltmp19:
0x129: {  	(pc) =	sbr.rel .LBB2_9-.Ltmp19, $2  }
0x12a: {  	_ =	sdelay $0x2  }
0x12b: {  	s19 =	simm.s32 $0x0;
	s20 =	simm.s32 $0x0  }
.LBB2_12:
.Ltmp20:
0x12c: {  	(pc) =	sbr.rel .LBB2_16-.Ltmp20, $2  }
0x12d: {  	_ =	sdelay $0x2  }
0x12e: {  	s18 =	smov.u32 s17  }
.LBB2_7:
.Ltmp21:
0x12f: {  	(pc) =	sbr.rel .LBB2_9-.Ltmp21, $2  }
0x130: {  	_ =	sdelay $0x2  }
0x131: {  	s20 =	simm.s32 $0x0  }
.LBB2_14:
.Ltmp22:
0x132: {  	(pc) =	sbr.rel .LBB2_16-.Ltmp22, $2  }
0x133: {  	_ =	sdelay $0x2  }
0x134: {  	s18 =	smov.u32 s17  }
.LBB2_25:
0x135: {  	_ =	sfence.sel $0x180000  }
0x136: {  	[bflag:$0x0] =	sbarrier.arrive $0xFFFF  }
0x137: {  	_ =	strace $0x9000004D  }
0x138: {  	s0 =	stileid.u32;
	[bflag:$0x2] =	sbarrier.arrive $0xFFFF  }
0x139: {  	p0 =	sne.s32 s0, $0x0;
	s0 =	rddreg [dreg:$0x4]  }
0x13a: {  	s0 =	sadd.s32 @!p0 $0x100000, s0  }
0x13b: {  	[sflag:s0] =	ssyncadd.tile.s32 @!p0 $0x1;
	_ =	shalt  }
.Lfunc_end2:
_tile_overlayer_lowered:
.L_overlay_start_2:
0x13c: {  	(tag) =	ssettag $0x2  }
0x13d: {  	s0 =	rddreg [dreg:$0x0];
	s2 =	stileid.u32  }
0x13e: {  	s1 =	rddreg [dreg:$0x1];
	p0 =	sne.s32 s2, $0x0  }
0x13f: {  	s3 =	rddreg [dreg:$0x2];
	[bflag:$0x3] =	sbarrier.arrive $0xFFFF;
	s2 =	simm.s32 @!p0 $0x1C03  }
0x140: {  	[timem:s3], [sflag:s2] =	dma.local @!p0 [hbm:s0], s1  }
0x141: {  	s0 =	simm.s32 @!p0 $0x3  }
0x142: {  	_ =	swait.ge @!p0 [sflag:s0], s1  }
0x143: {  	s1 =	ssub.s32 @!p0 $0x0, s1;
	[sflag:s0] =	ssyncset.done @!p0 $0x0  }
0x144: {  	[sflag:s0] =	ssyncadd.s32 @!p0 s1  }
0x145: {  	[bflag:$0x3] =	sbarrier.arrive $0xFFFF  }
0x146: {  	_ =	shalt  }

// kernel: kernel.8.cloned.1.call-start
scs
__scs_entry_jumppad:
0x0: {  	(pc) =	sbr.rel $0x88, $3  }
0x1: {  	(tag) =	ssettag $0x0;
	lr =	simm.s32 $0x1  }
0x2: {  	[smem:$0x3F90] =	sst lr;
	_ =	strace $0xD0000000  }
0x3: {  	_ = 	snop  }
0x4: {  	_ = 	snop  }
0x5: {  	_ = 	snop  }
0x6: {  	_ = 	snop  }
0x7: {  	_ = 	snop  }
__scs_overlays_trampoline_lowered:
0x8: {  	[smem:$0x3F9F] =	sst s0  }
0x9: {  	[smem:$0x3FA0] =	sst s1  }
0xa: {  	[smem:$0x3FA1] =	sst s2  }
0xb: {  	[smem:$0x3FA2] =	sst s3  }
0xc: {  	[smem:$0x3FA3] =	sst s4  }
0xd: {  	[smem:$0x3FA4] =	sst s5  }
0xe: {  	[smem:$0x3FA5] =	sst s6  }
0xf: {  	[smem:$0x3FA6] =	sst s7  }
0x10: {  	[smem:$0x3FA7] =	sst s8  }
0x11: {  	[smem:$0x3FA8] =	sst s9;
	s0 =	simm.s32 @!p0 $0x0  }
0x12: {  	s1 =	sld [smem:$0x3F8E];
	s0 =	simm.s32 @p0 $0x1  }
0x13: {  	[smem:$0x3FA9] =	sst s0;
	s0 =	simm.s32 @!p1 $0x0  }
0x14: {  	s2 =	sld [smem:$0x3F8D];
	s0 =	simm.s32 @p1 $0x1  }
0x15: {  	[smem:$0x3FAA] =	sst s0;
	s0 =	simm.s32 @!p2 $0x0  }
0x16: {  	s3 =	sld [smem:$0x3FDB];
	s0 =	simm.s32 @p2 $0x1  }
0x17: {  	s4 =	simm.s32 $0x1BF5;
	[smem:$0x3FAC] =	sst s0  }
0x18: {  	s0 =	sld [smem:$0x3F8F];
	_ =	swait.ge [sflag:s4], $0x0  }
0x19: {  	s7 =	sld [smem:$0x3F90]  }
0x1a: {  	s8 =	sadd.s32 $0xFFFFE003, lr  }
0x1b: {  	s9 =	sadd.s32 $0xFFFFFEF7, lr;
	s5 =	simm.s32 $0xFFFFFFFF;
	p2 =	slt.u32 s8, $0xFFFFF086  }
0x1c: {  	p1 =	slt.u32 s9, $0xF7A;
	s5 =	simm.s32 @!p2 $0x0  }
0x1d: {  	s5 =	simm.s32 @p1 $0x1;
	p0 =	seq.s32 s7, s2  }
0x1e: {  	s7 =	smul.u32 @!p0 $0xF7A, s2;
	p2 =	seq.s32 @!p0 s5, $0x0  }
0x1f: {  	s9 =	smul.u32 $0xF7A, s1;
	s8 =	simm.s32 @!p0 $0x1BF5;
	p2 =	por !p2, p0  }
0x20: {  	[sflag:s8] =	ssyncset.s32 @!p0 $0xFFFFF086;
	s6 =	sadd.s32 @!p0 s3, s7;
	s7 =	simm.s32 @!p0 $0x108  }
0x21: {  	s3 =	sadd.s32 s3, s9;
	s6 =	sadd.s32 @!p0 $0x88, s6;
	s7 =	simm.s32 @p2 $0x1082  }
0x22: {  	[simem:s7], [sflag:s8] =	dma.local @!p0 [hbm:s6], $0xF7A  }
0x23: {  	s9 =	sor.u32 $0xD0000000, s2;
	s6 =	simm.s32 $0x108;
	_ =	swait.ge @!p0 [sflag:s8], $0x0  }
0x24: {  	s3 =	sadd.s32 $0x88, s3;
	s6 =	simm.s32 @!p1 $0x1082;
	[sflag:s4] =	ssyncset.s32 $0xFFFFF086  }
0x25: {  	[simem:s6], [sflag:s4] =	dma.local [hbm:s3], $0xF7A  }
0x26: {  	[smem:$0x3F90] =	sst s1;
	(tag) =	ssettag s2;
	_ =	strace s9  }
0x27: {  	s1 =	sld [smem:$0x3FA0]  }
0x28: {  	s2 =	sld [smem:$0x3FA1]  }
0x29: {  	s4 =	sld [smem:$0x3FA3]  }
0x2a: {  	p0 =	seq.s32 s5, $0x0;
	s5 =	sld [smem:$0x3FA4]  }
0x2b: {  	s6 =	sld [smem:$0x3FA5]  }
0x2c: {  	s7 =	sld [smem:$0x3FA6]  }
0x2d: {  	s3 =	simm.s32 $0x108;
	s8 =	sld [smem:$0x3FA7]  }
0x2e: {  	s3 =	simm.s32 @!p0 $0x1082;
	s9 =	sld [smem:$0x3FA8]  }
0x2f: {  	lr =	sadd.s32 s0, s3;
	s0 =	sld [smem:$0x3F9F]  }
0x30: {  	s3 =	sld [smem:$0x3FA2]  }
0x31: {  	[smem:$0x3FAB] =	sst s10  }
0x32: {  	s10 =	sld [smem:$0x3FA9];
	_ =	sdelay $0x3  }
0x33: {  	p0 =	seq.s32 s10, $0x1;
	s10 =	sld [smem:$0x3FAB];
	_ =	sdelay $0x3  }
0x34: {  	[smem:$0x3FAB] =	sst s10  }
0x35: {  	s10 =	sld [smem:$0x3FAA];
	_ =	sdelay $0x3  }
0x36: {  	p1 =	seq.s32 s10, $0x1;
	s10 =	sld [smem:$0x3FAB];
	_ =	sdelay $0x3  }
0x37: {  	[smem:$0x3FAB] =	sst s10  }
0x38: {  	s10 =	sld [smem:$0x3FAC]  }
0x39: {  	_ = 	snop;
	(pc) =	sbr.ind lr, $3  }
0x3a: {  	_ = 	snop  }
0x3b: {  	_ = 	snop  }
0x3c: {  	p2 =	seq.s32 s10, $0x1;
	s10 =	sld [smem:$0x3FAB]  }
0x3d: {  	_ =	shalt  }
0x3e: {  	_ =	shalt  }
0x3f: {  	_ =	shalt  }
0x40: {  	_ =	shalt  }
0x41: {  	_ =	shalt  }
0x42: {  	_ =	shalt  }
0x43: {  	_ =	shalt  }
0x44: {  	_ =	shalt  }
0x45: {  	_ =	shalt  }
0x46: {  	_ =	shalt  }
0x47: {  	_ =	shalt  }
0x48: {  	_ =	shalt  }
0x49: {  	_ =	shalt  }
0x4a: {  	_ =	shalt  }
0x4b: {  	_ =	shalt  }
0x4c: {  	_ =	shalt  }
0x4d: {  	_ =	shalt  }
0x4e: {  	_ =	shalt  }
0x4f: {  	_ =	shalt  }
0x50: {  	_ =	shalt  }
0x51: {  	_ =	shalt  }
0x52: {  	_ =	shalt  }
0x53: {  	_ =	shalt  }
0x54: {  	_ =	shalt  }
0x55: {  	_ =	shalt  }
0x56: {  	_ =	shalt  }
0x57: {  	_ =	shalt  }
0x58: {  	_ =	shalt  }
0x59: {  	_ =	shalt  }
0x5a: {  	_ =	shalt  }
0x5b: {  	_ =	shalt  }
0x5c: {  	_ =	shalt  }
0x5d: {  	_ =	shalt  }
0x5e: {  	_ =	shalt  }
0x5f: {  	_ =	shalt  }
0x60: {  	_ =	shalt  }
0x61: {  	_ =	shalt  }
0x62: {  	_ =	shalt  }
0x63: {  	_ =	shalt  }
0x64: {  	_ =	shalt  }
0x65: {  	_ =	shalt  }
0x66: {  	_ =	shalt  }
0x67: {  	_ =	shalt  }
0x68: {  	_ =	shalt  }
0x69: {  	_ =	shalt  }
0x6a: {  	_ =	shalt  }
0x6b: {  	_ =	shalt  }
0x6c: {  	_ =	shalt  }
0x6d: {  	_ =	shalt  }
0x6e: {  	_ =	shalt  }
0x6f: {  	_ =	shalt  }
0x70: {  	_ =	shalt  }
0x71: {  	_ =	shalt  }
0x72: {  	_ =	shalt  }
0x73: {  	_ =	shalt  }
0x74: {  	_ =	shalt  }
0x75: {  	_ =	shalt  }
0x76: {  	_ =	shalt  }
0x77: {  	_ =	shalt  }
0x78: {  	_ =	shalt  }
0x79: {  	_ =	shalt  }
0x7a: {  	_ =	shalt  }
0x7b: {  	_ =	shalt  }
0x7c: {  	_ =	shalt  }
0x7d: {  	_ =	shalt  }
0x7e: {  	_ =	shalt  }
0x7f: {  	_ =	shalt  }
0x80: {  	_ =	shalt  }
0x81: {  	_ =	shalt  }
0x82: {  	_ =	shalt  }
0x83: {  	_ =	shalt  }
0x84: {  	_ =	shalt  }
0x85: {  	_ =	shalt  }
0x86: {  	_ =	shalt  }
0x87: {  	_ =	shalt  }
.Lfunc_end0:
.L_simem_size_0:
called_computation_lowered:
.L_overlay_start_0:
0x88: {  	s2 =	sld [smem:$0x3FD9]  }
0x89: {  	s3 =	sld [smem:$0x3FFE];
	_ =	sdelay $0x1  }
0x8a: {  	s1 =	srdreg.scid  }
0x8b: {  	s0 =	sand.u32 $0x1, s1  }
0x8c: {  	s16 =	sshll.u32 s0, $0xA;
	s2 =	sadd.s32 s3, s2  }
0x8d: {  	s2 =	sadd.s32 s2, s16  }
0x8e: {  	[smem:$0x3FB7] =	sst s2  }
0x8f: {  	_ = 	snop  }
0x90: {  	(tm) =	ssettm $0x1  }
0x91: {  	s17 =	sld [smem:$0x3FFB];
	_ =	sdelay $0x3  }
0x92: {  	_ =	strace s17  }
0x93: {  	s2 =	sld [smem:$0x3FFC];
	_ =	sdelay $0x3  }
0x94: {  	_ =	strace s2  }
0x95: {  	s2 =	sld [smem:$0x3FFD];
	_ =	sdelay $0x3  }
0x96: {  	_ =	strace s2  }
0x97: {  	_ =	strace $0x8FFFFFFF  }
0x98: {  	s18 =	sld [smem:$0x3FDB];
	_ =	sdelay $0x1  }
0x99: {  	s19 =	simm.s32 $_scs_section_size  }
0x9a: {  	s4 =	simm.s32 $_size__tile_overlayer_lowered;
	s5 =	simm.s32 $_tile_overlayer_lowered  }
0x9b: {  	s22 =	simm.s32 $0x1BFF;
	s21 =	sshll.u32 s5, $0x1;
	s2 =	sadd.s32 s19, s18  }
0x9c: {  	s6 =	simm.s32 $0x0;
	s20 =	sshll.u32 s4, $0x1;
	s4 =	sadd.s32 s21, s2  }
0x9d: {  	[timem:s6], [sflag:s22] =	dma.local [hbm:s4], s20  }
0x9e: {  	_ =	swait.ge [sflag:s22], s20  }
0x9f: {  	s3 =	ssub.s32 $0x0, s20;
	[sflag:s22] =	ssyncset.done $0x0  }
0xa0: {  	[sflag:s22] =	ssyncadd.s32 s3;
	_ =	sdelay $0x1  }
0xa1: {  	s23 =	simm.s32 $0x1B8B  }
0xa2: {  	_ =	swait.ge [sflag:s23], $0x1  }
0xa3: {  	[sflag:s23] =	ssyncset.done $0x0  }
0xa4: {  	s25 =	simm.s32 $0x1B8E;
	s24 =	sld [smem:$0x3FFE];
	[sflag:s23] =	ssyncadd.s32 $0xFFFFFFFF  }
0xa5: {  	s26 =	simm.s32 $execute0_lowered;
	[smem:$0x3FD2] =	sst s25  }
0xa6: {  	s4 =	sshll.u32 s26, $0x1;
	_ =	strace $0x80000046;
	[dreg:$0x1] =	wrdreg $0xFFFFFFFF  }
0xa7: {  	s28 =	simm.s32 $_size_execute0_lowered;
	s2 =	sadd.s32 s2, s4;
	[dreg:$0x0] =	wrdreg $0x0  }
0xa8: {  	s4 =	sshll.u32 s28, $0x1;
	[dreg:$0x2] =	wrdreg s2  }
0xa9: {  	[dreg:$0x3] =	wrdreg s4  }
0xaa: {  	[dreg:$0x4] =	wrdreg $0xC0  }
0xab: {  	_ =	task [dreg:s6], $0x5FFFF  }
0xac: {  	[dreg:$0x1] =	wrdreg $0xFFFFFFFF  }
0xad: {  	[dreg:$0x0] =	wrdreg $0x60  }
0xae: {  	[dreg:$0x2] =	wrdreg s24  }
0xaf: {  	[dreg:$0x3] =	wrdreg $0x1DFD00  }
0xb0: {  	[dreg:$0x4] =	wrdreg $0x9  }
0xb1: {  	_ =	task.clear_ibuf [dreg:s6], $0x5FFFF;
	_ =	strace $0x90000046  }
0xb2: {  	s29 =	simm.s32 $0x9;
	_ =	strace $0x80000048  }
0xb3: {  	_ =	swait.ge [sflag:s29], $0x1  }
0xb4: {  	[sflag:s29] =	ssyncadd.s32 $0xFFFFFFFF  }
0xb5: {  	_ =	strace $0x90000048  }
0xb6: {  	_ =	sfence  }
0xb7: {  	s30 =	sld [smem:$0x0];
	_ =	sdelay $0x2  }
0xb8: {  	s31 =	sshll.u32 s1, $0xD;
	s1 =	sshrl.u32 s1, $0x2  }
0xb9: {  	s3 =	sand.u32 $0x4000, s31;
	s1 =	sadd.s32 s1, s30  }
0xba: {  	s0 =	sor.u32 s3, s0;
	s1 =	sshll.u32 s1, $0x11  }
0xbb: {  	s0 =	sor.u32 s1, s0  }
0xbc: {  	s0 =	sadd.s32 $0x8F2B, s0  }
0xbd: {  	[sflag:s0] =	ssyncadd.remote.s32 $0x1  }
0xbe: {  	_ =	sfence.sel $0xFFFF  }
0xbf: {  	[dreg:$0x0] =	wrdreg $0xFFFFFFFF;
	(pc) =	sbr.abs _section_cstart, $3  }
0xc0: {  	[dreg:$0x1] =	wrdreg $0xFFFFFFFF  }
0xc1: {  	_ =	task.clear_ibuf [dreg:s6], $0x2FFFF;
	_ =	strace $0x9FFFFFFF  }
0xc2: {  	(tm) =	ssettm $0x7FFFFFFF  }
0xc3: {  	_ =	shalt  }
tec
execute0_lowered:
.L_overlay_start_1:
0x0: {  	(tag) =	ssettag $0x1  }
0x1: {  	s0 =	rddreg [dreg:$0x0]  }
0x2: {  	s2 =	rddreg [dreg:$0x1]  }
0x3: {  	s1 =	srdreg.scid;
	s9 =	stileid.u32;
	s3 =	simm.s32 $0x0  }
0x4: {  	s20 =	simm.s32 $0x8;
	s1 =	sand.u32 $0x1, s1;
	s4 =	sshll.u32 s9, $0x1  }
0x5: {  	[smem:$0x7FF] =	sst s3;
	s4 =	sor.u32 s1, s4;
	s5 =	smul.u32 $0x2800, s1  }
0x6: {  	s7 =	sshll.u32 s9, $0xA;
	_ =	strace $0x80000047;
	s6 =	smul.u32 $0x271, s4  }
0x7: {  	s26 =	sadd.s32 $0x2730, s7;
	[dreg:$0x3] =	wrdreg s20;
	s8 =	smul.u32 $0x19000, s4  }
0x8: {  	[dreg:$0x6] =	wrdreg s26;
	s5 =	sadd.s32 s7, s5;
	s6 =	sadd.s32 s6, s0  }
0x9: {  	s5 =	sshrl.u32 s5, $0x3;
	s8 =	sshrl.u32 s8, $0x3;
	s24 =	sadd.s32 $0x7800, s6  }
0xa: {  	s5 =	sadd.s32 s5, s0;
	s25 =	sadd.s32 $0x2800, s6;
	[dreg:$0x4] =	wrdreg s24  }
0xb: {  	s8 =	sadd.s32 s8, s0;
	[dreg:$0x5] =	wrdreg s25;
	s5 =	sadd.s32 $0xC800, s5  }
0xc: {  	s6 =	sadd.s32 s7, s2;
	s7 =	sadd.s32 $0xD200, s8;
	[dreg:$0x7] =	wrdreg s5  }
0xd: {  	s10 =	sadd.s32 $0xD480, s8;
	[dreg:$0x8] =	wrdreg s7  }
0xe: {  	s11 =	sadd.s32 $0xD700, s8;
	[dreg:$0x9] =	wrdreg s10  }
0xf: {  	s12 =	sadd.s32 $0xD980, s8;
	[dreg:$0xa] =	wrdreg s11  }
0x10: {  	p0 =	sgt.u32 s9, $0x9;
	s13 =	sadd.s32 $0xDC00, s8;
	[dreg:$0xb] =	wrdreg s12  }
0x11: {  	s1 =	ssub.s32 $0x2, s1;
	s14 =	sadd.s32 $0xDE80, s8;
	[dreg:$0xc] =	wrdreg s13  }
0x12: {  	s4 =	smul.u32 $0x14, s4;
	s15 =	sadd.s32 $0xE100, s8;
	[dreg:$0xd] =	wrdreg s14  }
0x13: {  	s23 =	sshrl.u32 s1, $0x1;
	s16 =	sadd.s32 $0xE380, s8;
	[dreg:$0xe] =	wrdreg s15  }
0x14: {  	s1 =	ssub.s32 s1, s23;
	s17 =	sadd.s32 $0xE600, s8;
	[dreg:$0xf] =	wrdreg s16  }
0x15: {  	s31 =	smax.u32 s1, $0x1;
	s18 =	sadd.s32 $0xE880, s8;
	[dreg:$0x10] =	wrdreg s17  }
0x16: {  	s1 =	simm.s32 $0x2730;
	s19 =	sadd.s32 $0xEB00, s8;
	[dreg:$0x11] =	wrdreg s18  }
0x17: {  	s0 =	sadd.s32 s4, s0;
	s21 =	sadd.s32 $0xED80, s8;
	[dreg:$0x12] =	wrdreg s19  }
0x18: {  	s4 =	simm.s32 $0x0;
	s22 =	sadd.s32 $0xF000, s8;
	[dreg:$0x13] =	wrdreg s21  }
0x19: {  	s23 =	sadd.s32 $0xF280, s8;
	s24 =	sadd.s32 $0xF500, s8;
	[dreg:$0x14] =	wrdreg s22  }
0x1a: {  	v0 =	vimm.f32 $0.0e+00;
	v1 =	vlaneseq.u32;
	s25 =	sadd.s32 $0xF780, s8;
	s26 =	sadd.s32 $0xFA00, s8;
	[dreg:$0x15] =	wrdreg s23  }
0x1b: {  	v2 =	vimm.f32 $1.000000000e+00;
	vm0 =	vmmov $0xffff;
	v7 =	vimm.s32 $0x0;
	s28 =	sadd.s32 $0xFF00, s8;
	s29 =	sadd.s32 $0x10180, s8;
	[dreg:$0x16] =	wrdreg s24  }
0x1c: {  	v8 =	vimm.s32 $0x100000;
	v9 =	vimm.s32 $0x3F8;
	v3 =	vor.u32 $0x10, v1;
	s30 =	sadd.s32 $0x71200, s0;
	s0 =	simm.s32 $0x1;
	[dreg:$0x17] =	wrdreg s25  }
0x1d: {  	v4 =	vor.u32 $0x20, v1;
	v5 =	vor.u32 $0x30, v1;
	v6 =	vor.u32 $0x40, v1;
	[dreg:$0x18] =	wrdreg s26;
	s26 =	sadd.s32 $0xFC80, s8;
	s25 =	simm.s32 $0x4F30  }
.LBB2_1:
0x1e: {  	s5 =	rddreg [dreg:$0x4]  }
0x1f: {  	[tilespmem:s3], [sflag:$0x1] =	stream.linear.gather [hbm4b:s5+s3], $0x1388, $0x38;
	[tilespmem:$0x1E250] =	vst v63  }
0x20: {  	_ =	swait.ge [sflag:s0], $0x1388  }
0x21: {  	[sflag:s0] =	ssyncset.done $0x0  }
0x22: {  	s7 =	simm.s32 $0x1398;
	s22 =	rddreg [dreg:$0x5];
	[sflag:s0] =	ssyncadd.s32 $0xFFFFEC78  }
0x23: {  	[tilespmem:s7], [sflag:$0x1] =	stream.linear.gather [hbm4b:s22+s3], $0x1388, $0x38;
	[tilespmem:$0x1E250] =	vst v63  }
0x24: {  	s23 =	sand.u32 $0xFE00, s3;
	s24 =	sand.u32 $0x70, s3;
	_ =	swait.ge [sflag:s0], $0x1388  }
0x25: {  	s8 =	sshrl.u32 s23, $0x2;
	s5 =	simm.s32 $0x40;
	[sflag:s0] =	ssyncset.done $0x0  }
0x26: {  	s8 =	sor.u32 s24, s8;
	s7 =	simm.s32 $0x0;
	[sflag:s0] =	ssyncadd.s32 $0xFFFFEC78  }
.LBB2_2:
0x27: {  	p1 =	sne.s32 s5, $0x9FC0  }
0x28: {  	[tilespmem:s8+$0x2730] =	vst v0;
	s7 =	sadd.s32 $0x10, s7;
	s8 =	smov.u32 s5;
	s5 =	sadd.s32 $0x40, s5  }
.Ltmp0:
0x29: {  	(pc) =	sbr.rel @p1 .LBB2_2-.Ltmp0, $4  }
0x2a: {  	_ = 	snop  }
0x2b: {  	s8 =	sand.u32 $0xFE00, s8  }
0x2c: {  	s9 =	sand.u32 $0x70, s7;
	s8 =	sshrl.u32 s8, $0x2  }
0x2d: {  	s8 =	sor.u32 s9, s8  }
0x2e: {  	[tilespmem:s8+$0x2730] =	vst v0;
	s5 =	rddreg [dreg:$0x6]  }
0x2f: {  	[spmem:s6] =	stream.linear.scatter @!p0 [tilespmem:s5], [sflag:$0x1], $0x400, $0x38;
	[tilespmem:$0x1E250] =	vst v63  }
0x30: {  	s5 =	simm.s32 @!p0 $0x1  }
0x31: {  	_ =	swait.ge @!p0 [sflag:s5], $0x400  }
0x32: {  	[sflag:s5] =	ssyncset.done @!p0 $0x0  }
0x33: {  	[sflag:s5] =	ssyncadd.s32 @!p0 $0xFFFFFC00  }
0x34: {  	s7 =	simm.s32 $0x0;
	s5 =	simm.s32 $0x40;
	[bflag:$0x0] =	sbarrier.arrive $0xFFFF  }
.LBB2_4:
0x35: {  	p1 =	sne.s32 s5, $0x4DC0;
	v10 =	vld [tilespmem:s7+$0x1398];
	_ =	sdelay $0x3  }
.Ltmp1:
0x36: {  	(pc) =	sbr.rel @p1 .LBB2_4-.Ltmp1, $2  }
0x37: {  	_ =	sdelay $0x2  }
0x38: {  	s7 =	sshra.s32 s5, $0x2;
	s5 =	sadd.s32 $0x40, s5;
	[tilespmem:v10+s1+$0x0] =	vst.idx.add.f32.msk $0xffff, v2  }
0x39: {  	v10 =	vld [tilespmem:s7+$0x1398];
	_ =	sdelay $0x7  }
0x3a: {  	[tilespmem:v10+s1+$0x0] =	vst.idx.add.f32.msk $0xffff, v2  }
0x3b: {  	v10 =	vld [tilespmem:$0x2718];
	_ =	sdelay $0x7  }
0x3c: {  	[tilespmem:v10+s1+$0x0] =	vst.idx.add.f32.msk $0xff, v2  }
0x3d: {  	[spmem:s2] =	stream.indirect_vreg.scatter.add.f32 [tilespmem:s1], [sflag:$0x1], $0x80, v1, vm0, $0xb8;
	[tilespmem:$0x1E250] =	vst v63  }
0x3e: {  	_ =	swait.ge [sflag:s0], $0x800  }
0x3f: {  	[sflag:s0] =	ssyncset.done $0x0  }
0x40: {  	s5 =	simm.s32 $0x2F30;
	[sflag:s0] =	ssyncadd.s32 $0xFFFFF800  }
0x41: {  	[spmem:s2] =	stream.indirect_vreg.scatter.add.f32 [tilespmem:s5], [sflag:$0x1], $0x80, v3, vm0, $0xb8;
	[tilespmem:$0x1E250] =	vst v63  }
0x42: {  	_ =	swait.ge [sflag:s0], $0x800  }
0x43: {  	[sflag:s0] =	ssyncset.done $0x0  }
0x44: {  	s21 =	simm.s32 $0x3730;
	[sflag:s0] =	ssyncadd.s32 $0xFFFFF800  }
0x45: {  	[spmem:s2] =	stream.indirect_vreg.scatter.add.f32 [tilespmem:s21], [sflag:$0x1], $0x80, v4, vm0, $0xb8;
	[tilespmem:$0x1E250] =	vst v63  }
0x46: {  	_ =	swait.ge [sflag:s0], $0x800  }
0x47: {  	[sflag:s0] =	ssyncset.done $0x0  }
0x48: {  	s22 =	simm.s32 $0x3F30;
	[sflag:s0] =	ssyncadd.s32 $0xFFFFF800  }
0x49: {  	[spmem:s2] =	stream.indirect_vreg.scatter.add.f32 [tilespmem:s22], [sflag:$0x1], $0x80, v5, vm0, $0xb8;
	[tilespmem:$0x1E250] =	vst v63  }
0x4a: {  	_ =	swait.ge [sflag:s0], $0x800  }
0x4b: {  	[sflag:s0] =	ssyncset.done $0x0  }
0x4c: {  	s23 =	simm.s32 $0x4730;
	[sflag:s0] =	ssyncadd.s32 $0xFFFFF800  }
0x4d: {  	[spmem:s2] =	stream.indirect_vreg.scatter.add.f32 [tilespmem:s23], [sflag:$0x1], $0x80, v6, vm0, $0xb8;
	[tilespmem:$0x1E250] =	vst v63  }
0x4e: {  	_ =	swait.ge [sflag:s0], $0x800  }
0x4f: {  	[sflag:s0] =	ssyncset.done $0x0  }
0x50: {  	s5 =	stileid.u32;
	[sflag:s0] =	ssyncadd.s32 $0xFFFFF800  }
0x51: {  	s5 =	sshll.u32 @!p0 s5, $0x6;
	[bflag:$0x0] =	sbarrier.arrive $0xFFFF  }
0x52: {  	s7 =	sshrl.u32 @!p0 s6, $0x3;
	s5 =	sor.u32 @!p0 $0x1C01, s5;
	s8 =	rddreg [dreg:$0x7]  }
0x53: {  	[hbm:s8], [sflag:s5] =	dma.local @!p0 [spmem:s7], $0x80  }
0x54: {  	s5 =	simm.s32 @!p0 $0x1  }
0x55: {  	_ =	swait.ge @!p0 [sflag:s5], $0x80  }
0x56: {  	[sflag:s5] =	ssyncset.done @!p0 $0x0  }
0x57: {  	s24 =	simm.s32 $0x0;
	[sflag:s5] =	ssyncadd.s32 @!p0 $0xFFFFFF80  }
0x58: {  	v14 =	vld [tilespmem:s24+$0x1398];
	_ =	sdelay $0x1  }
0x59: {  	p1 =	por $0x0, $0x0;
	s7 =	rddreg [dreg:$0x3];
	v10 =	vld [tilespmem:s24+$0x0]  }
0x5a: {  	s7 =	simm.s32 @!p1 $0x10  }
0x5b: {  	v11 =	vmov s7  }
0x5c: {  	vm1 =	vgt.u32 v11, v1;
	vm2 =	vlt.u32 v14, $0x3E8  }
0x5d: {  	s5 =	simm.s32 $0x0;
	v15 =	vadd.s32 $0xFFFFF060, v14;
	v16 =	vadd.s32 $0xFFFFFC18, v14;
	vm3 =	vmand vm1, vm2  }
0x5e: {  	v17 =	vadd.s32 $0xFFFFEC78, v14;
	v11 =	vadd.s32 $0xFFFFDCD8, v14;
	vm2 =	vlt.u32 v16, $0x3E8;
	[tilespmem:s5+$0x4F30] =	vst.msk vm3, v10  }
0x5f: {  	v18 =	vadd.s32 $0xFFFFF830, v14;
	v19 =	vadd.s32 $0xFFFFF448, v14;
	vm5 =	vmand vm1, vm2;
	[tilespmem:s5+$0x11730] =	vst.msk vm3, v14  }
0x60: {  	v13 =	vadd.s32 $0xFFFFE4A8, v14;
	v20 =	vsel vm3, $0x1, v7;
	vm3 =	vlt.u32 v18, $0x3E8;
	[tilespmem:s5+$0x6330] =	vst.msk vm5, v10  }
0x61: {  	v12 =	vadd.s32 $0xFFFFE0C0, v14;
	vm4 =	vlt.u32 v19, $0x3E8;
	vm3 =	vmand vm1, vm3;
	[tilespmem:s5+$0x12B30] =	vst.msk vm5, v16  }
0x62: {  	vm6 =	vlt.u32 v11, $0x3E8;
	vm7 =	vlt.u32 v17, $0x3E8;
	vm8 =	vlt.u32 v12, $0x3E8;
	[tilespmem:s5+$0x7730] =	vst.msk vm3, v10  }
0x63: {  	vm4 =	vmand vm1, vm4;
	(xrf0) =	vadd.scan.msk.s32 $0xffff, v20;
	v16 =	vsel vm5, $0x1, v7;
	[tilespmem:s5+$0x13F30] =	vst.msk vm3, v18  }
0x64: {  	vm5 =	vlt.u32 v15, $0x3E8;
	(xrf0) =	vadd.scan.msk.s32 $0xffff, v16;
	v18 =	vsel vm3, $0x1, v7;
	[tilespmem:s5+$0x8B30] =	vst.msk vm4, v10  }
0x65: {  	v16 =	vsel vm4, $0x1, v7;
	vm5 =	vmand vm1, vm5;
	(xrf0) =	vadd.scan.msk.s32 $0xffff, v18;
	[tilespmem:s5+$0x15330] =	vst.msk vm4, v19  }
0x66: {  	vm2 =	vlt.u32 v13, $0x3E8;
	(xrf0) =	vadd.scan.msk.s32 $0xffff, v16;
	v16 =	vsel vm5, $0x1, v7;
	[tilespmem:s5+$0x9F30] =	vst.msk vm5, v10  }
0x67: {  	v14 =	vadd.s32 $0xFFFFE890, v14;
	vm3 =	vmand vm1, vm8;
	[tilespmem:s5+$0x16730] =	vst.msk vm5, v15;
	vm5 =	vmand vm1, vm7  }
0x68: {  	s16 =	simm.s32 $0x40;
	s17 =	simm.s32 $0x80;
	s18 =	simm.s32 $0x10;
	v18 =	vsel vm3, $0x1, v7;
	vm4 =	vmand vm1, vm6;
	(xrf0) =	vadd.scan.msk.s32 $0xffff, v16;
	v15 =	vsel vm5, $0x1, v7  }
0x69: {  	s9 =	simm.s32 $0x0;
	s15 =	simm.s32 $0x0;
	s14 =	simm.s32 $0x0;
	vm6 =	vlt.u32 v14, $0x3E8;
	v19 =	vsel vm4, $0x1, v7;
	[tilespmem:s5+$0xB330] =	vst.msk vm5, v10;
	v16, _, _ =	vpop (xrf0);
	(xrf0) =	vadd.scan.msk.s32 $0xffff, v18  }
0x6a: {  	s11 =	simm.s32 $0x0;
	s13 =	simm.s32 $0x0;
	s12 =	simm.s32 $0x0;
	[tilespmem:s5+$0x17B30] =	vst.msk vm5, v17;
	vm5 =	vmand vm1, vm6;
	(v2sf) =	vpush v16, $0xF;
	v17, _, _ =	vpop (xrf0);
	(xrf0) =	vadd.scan.msk.s32 $0xffff, v15  }
0x6b: {  	s10 =	simm.s32 $0x0;
	s8 =	simm.s32 $0x0;
	s7 =	simm.s32 $0x0;
	[tilespmem:s5+$0xC730] =	vst.msk vm5, v10;
	v16 =	vsel vm5, $0x1, v7;
	(v2sf) =	vpush v17, $0xF;
	v15, _, _ =	vpop (xrf0);
	(xrf0) =	vadd.scan.msk.s32 $0xffff, v19  }
.LBB2_6:
0x6c: {  	_ = 	snop  }
0x6d: {  	[tilespmem:s5+$0x18F30] =	vst.msk vm5, v14;
	vm1 =	vmand vm1, vm2;
	v14, _, _ =	vpop (xrf0)  }
0x6e: {  	[tilespmem:s9+$0xDB30] =	vst.msk vm1, v10;
	(v2sf) =	vpush v14, $0xF  }
0x6f: {  	[tilespmem:s9+$0x1A330] =	vst.msk vm1, v13;
	(v2sf) =	vpush v15, $0xF  }
0x70: {  	v17 =	vsel vm1, $0x1, v7;
	(xrf0) =	vadd.scan.msk.s32 $0xffff, v16;
	[tilespmem:s8+$0xEF30] =	vst.msk vm3, v10  }
0x71: {  	v13, _, _ =	vpop (xrf0);
	(xrf0) =	vadd.scan.msk.s32 $0xffff, v17;
	[tilespmem:s8+$0x1B730] =	vst.msk vm3, v12  }
0x72: {  	[tilespmem:s7+$0x10330] =	vst.msk vm4, v10  }
0x73: {  	(v2sf) =	vpush v13, $0xF;
	v13, _, _ =	vpop (xrf0);
	[tilespmem:s7+$0x1CB30] =	vst.msk vm4, v11  }
0x74: {  	v12, _, _ =	vpop (xrf0);
	(v2sf) =	vpush v13, $0xF;
	v14 =	vld [tilespmem:s18+$0x1398]  }
0x75: {  	(v2sf) =	vpush v12, $0xF;
	v10, _, _ =	vpop (xrf0)  }
0x76: {  	s20 =	rddreg [dreg:$0x3];
	p2 =	seq.s32 s16, $0x4E00;
	(v2sf) =	vpush v10, $0xF;
	v10, _, _ =	vpop (xrf0)  }
0x77: {  	s20 =	simm.s32 @!p2 $0x10;
	(v2sf) =	vpush v10, $0xF;
	v11, _, _ =	vpop (xrf0);
	v10 =	vld [tilespmem:s18+$0x0]  }
0x78: {  	(v2sf) =	vpush v11, $0xF;
	v11 =	vmov s20  }
0x79: {  	vm1 =	vgt.u32 v11, v1;
	vm2 =	vlt.u32 v14, $0x3E8;
	v15 =	vadd.s32 $0xFFFFF060, v14  }
0x7a: {  	v16 =	vadd.s32 $0xFFFFFC18, v14;
	v17 =	vadd.s32 $0xFFFFEC78, v14;
	v11 =	vadd.s32 $0xFFFFDCD8, v14;
	s21 =	spop (v2sf)  }
0x7b: {  	v18 =	vadd.s32 $0xFFFFF830, v14;
	v19 =	vadd.s32 $0xFFFFF448, v14;
	vm4 =	vmand vm1, vm2;
	s15 =	sadd.s32 s15, s21  }
0x7c: {  	v13 =	vadd.s32 $0xFFFFE4A8, v14;
	v12 =	vadd.s32 $0xFFFFE0C0, v14;
	vm2 =	vlt.u32 v16, $0x3E8;
	s22 =	spop (v2sf);
	[tilespmem:s15+$0x4F30] =	vst.msk vm4, v10  }
0x7d: {  	vm3 =	vlt.u32 v19, $0x3E8;
	vm5 =	vlt.u32 v18, $0x3E8;
	vm6 =	vmand vm1, vm2;
	s14 =	sadd.s32 s14, s22;
	[tilespmem:s15+$0x11730] =	vst.msk vm4, v14;
	s23 =	spop (v2sf)  }
0x7e: {  	vm8 =	vlt.u32 v12, $0x3E8;
	vm2 =	vlt.u32 v13, $0x3E8;
	v20 =	vsel vm4, $0x1, v7;
	[tilespmem:s14+$0x6330] =	vst.msk vm6, v10;
	s24 =	spop (v2sf)  }
0x7f: {  	vm7 =	vmand vm1, vm5;
	vm5 =	vlt.u32 v17, $0x3E8;
	(xrf0) =	vadd.scan.msk.s32 $0xffff, v20;
	[tilespmem:s14+$0x12B30] =	vst.msk vm6, v16;
	s13 =	sadd.s32 s13, s24  }
0x80: {  	vm5 =	vmand vm1, vm5;
	vm4 =	vlt.u32 v11, $0x3E8;
	v16 =	vsel vm6, $0x1, v7;
	[tilespmem:s13+$0x7730] =	vst.msk vm7, v10  }
0x81: {  	s19 =	smov.u32 s17;
	s11 =	sadd.s32 s11, s23;
	(xrf0) =	vadd.scan.msk.s32 $0xffff, v16;
	[tilespmem:s13+$0x13F30] =	vst.msk vm7, v18;
	v18 =	vsel vm7, $0x1, v7;
	vm7 =	vmand vm1, vm3  }
0x82: {  	s16 =	smov.u32 s19;
	v14 =	vadd.s32 $0xFFFFE890, v14;
	vm6 =	vlt.u32 v15, $0x3E8;
	s19 =	spop (v2sf);
	[tilespmem:s11+$0x8B30] =	vst.msk vm7, v10;
	(xrf0) =	vadd.scan.msk.s32 $0xffff, v18  }
0x83: {  	p1 =	sne.s32 s17, $0x4E00;
	v63 =	vsel vm5, $0x1, v7;
	vm6 =	vmand vm1, vm6;
	s12 =	sadd.s32 s12, s19;
	s20 =	spop (v2sf);
	v16 =	vsel vm7, $0x1, v7;
	[tilespmem:s11+$0x15330] =	vst.msk vm7, v19  }
.Ltmp2:
0x84: {  	v62 =	vsel vm6, $0x1, v7;
	s21 =	spop (v2sf);
	vm3 =	vmand vm1, vm8;
	(xrf0) =	vadd.scan.msk.s32 $0xffff, v16;
	[tilespmem:s12+$0x9F30] =	vst.msk vm6, v10;
	(pc) =	sbr.rel @p1 .LBB2_6-.Ltmp2, $4  }
0x85: {  	vm4 =	vmand vm1, vm4;
	s10 =	sadd.s32 s10, s21;
	s22 =	spop (v2sf);
	v18 =	vsel vm3, $0x1, v7;
	(xrf0) =	vadd.scan.msk.s32 $0xffff, v62;
	[tilespmem:s12+$0x16730] =	vst.msk vm6, v15  }
0x86: {  	s17 =	sadd.s32 $0x40, s17;
	s23 =	spop (v2sf);
	v19 =	vsel vm4, $0x1, v7;
	vm6 =	vlt.u32 v14, $0x3E8;
	v16, _, _ =	vpop (xrf0);
	(xrf0) =	vadd.scan.msk.s32 $0xffff, v18;
	[tilespmem:s10+$0xB330] =	vst.msk vm5, v10  }
0x87: {  	s18 =	sshra.s32 s16, $0x2;
	s24 =	spop (v2sf);
	s5 =	sadd.s32 s5, s23;
	(v2sf) =	vpush v16, $0xF;
	[tilespmem:s10+$0x17B30] =	vst.msk vm5, v17;
	vm5 =	vmand vm1, vm6;
	v17, _, _ =	vpop (xrf0);
	(xrf0) =	vadd.scan.msk.s32 $0xffff, v63  }
0x88: {  	s8 =	sadd.s32 s8, s20;
	s7 =	sadd.s32 s7, s22;
	s9 =	sadd.s32 s9, s24;
	[tilespmem:s5+$0xC730] =	vst.msk vm5, v10;
	v16 =	vsel vm5, $0x1, v7;
	(v2sf) =	vpush v17, $0xF;
	v15, _, _ =	vpop (xrf0);
	(xrf0) =	vadd.scan.msk.s32 $0xffff, v19  }
0x89: {  	[tilespmem:s5+$0x18F30] =	vst.msk vm5, v14;
	vm1 =	vmand vm1, vm2  }
0x8a: {  	[tilespmem:s9+$0xDB30] =	vst.msk vm1, v10  }
0x8b: {  	[tilespmem:s9+$0x1A330] =	vst.msk vm1, v13  }
0x8c: {  	[tilespmem:s8+$0xEF30] =	vst.msk vm3, v10  }
0x8d: {  	v44, _, _ =	vpop (xrf0);
	v45 =	vsel vm1, $0x1, v7;
	(xrf0) =	vadd.scan.msk.s32 $0xffff, v16;
	[tilespmem:s8+$0x1B730] =	vst.msk vm3, v12  }
0x8e: {  	(v2sf) =	vpush v44, $0xF;
	(xrf0) =	vadd.scan.msk.s32 $0xffff, v45;
	[tilespmem:s7+$0x10330] =	vst.msk vm4, v10  }
0x8f: {  	(v2sf) =	vpush v15, $0xF;
	v10, _, _ =	vpop (xrf0);
	[tilespmem:s7+$0x1CB30] =	vst.msk vm4, v11  }
0x90: {  	(v2sf) =	vpush v10, $0xF;
	v10, _, _ =	vpop (xrf0);
	v11 =	vld [tilespmem:s18+$0x1398]  }
0x91: {  	s17 =	rddreg [dreg:$0x3];
	p1 =	seq.s32 s16, $0x4E00;
	v46, _, _ =	vpop (xrf0);
	(v2sf) =	vpush v10, $0xF  }
0x92: {  	s17 =	simm.s32 @!p1 $0x10;
	(v2sf) =	vpush v46, $0xF;
	v10, _, _ =	vpop (xrf0)  }
0x93: {  	v47 =	vmov s17;
	(v2sf) =	vpush v10, $0xF;
	v10, _, _ =	vpop (xrf0)  }
0x94: {  	vm7 =	vgt.u32 v47, v1;
	(v2sf) =	vpush v10, $0xF;
	v10, _, _ =	vpop (xrf0)  }
0x95: {  	(v2sf) =	vpush v10, $0xF;
	vm1 =	vlt.u32 v11, $0x3E8;
	v10 =	vadd.s32 $0xFFFFFC18, v11  }
0x96: {  	v48 =	vadd.s32 $0xFFFFF830, v11;
	v49 =	vadd.s32 $0xFFFFF448, v11;
	v52 =	vadd.s32 $0xFFFFF060, v11  }
0x97: {  	v54 =	vadd.s32 $0xFFFFEC78, v11;
	vm10 =	vmand vm7, vm1;
	vm1 =	vlt.u32 v10, $0x3E8  }
0x98: {  	vm6 =	vmand vm7, vm1;
	v50 =	vsel vm10, $0x1, v7;
	vm1 =	vlt.u32 v48, $0x3E8  }
0x99: {  	vm2 =	vlt.u32 v49, $0x3E8;
	vm12 =	vmand vm7, vm1;
	v51 =	vsel vm6, $0x1, v7;
	(xrf0) =	vadd.scan.msk.s32 $0xffff, v50  }
0x9a: {  	v55 =	vadd.s32 $0xFFFFDCD8, v11;
	vm13 =	vmand vm7, vm2;
	v53 =	vsel vm12, $0x1, v7;
	(xrf0) =	vadd.scan.msk.s32 $0xffff, v51  }
0x9b: {  	v18 =	vadd.s32 $0xFFFFE0C0, v11;
	vm1 =	vlt.u32 v52, $0x3E8;
	v17 =	vsel vm13, $0x1, v7;
	(xrf0) =	vadd.scan.msk.s32 $0xffff, v53  }
0x9c: {  	v20 =	vld [tilespmem:s18+$0x0];
	v56 =	vadd.s32 $0xFFFFE4A8, v11;
	v57 =	vadd.s32 $0xFFFFE890, v11;
	vm3 =	vmand vm7, vm1;
	(xrf0) =	vadd.scan.msk.s32 $0xffff, v17  }
0x9d: {  	vm11 =	vlt.u32 v56, $0x3E8;
	vm1 =	vlt.u32 v18, $0x3E8;
	v19 =	vsel vm3, $0x1, v7  }
0x9e: {  	vm8 =	vlt.u32 v55, $0x3E8;
	vm9 =	vlt.u32 v54, $0x3E8;
	vm2 =	vmand vm7, vm1;
	(xrf0) =	vadd.scan.msk.s32 $0xffff, v19  }
0x9f: {  	vm15 =	vlt.u32 v57, $0x3E8;
	s22 =	spop (v2sf);
	vm14 =	vmand vm7, vm9;
	v21 =	vsel vm2, $0x1, v7;
	v22, _, _ =	vpop (xrf0)  }
0xa0: {  	vm9 =	vmand vm7, vm15;
	s16 =	sadd.s32 s15, s22;
	v23 =	vsel vm14, $0x1, v7;
	vm1 =	vmand vm7, vm8;
	(xrf0) =	vadd.scan.msk.s32 $0xffff, v21;
	v58, _, _ =	vpop (xrf0)  }
0xa1: {  	[tilespmem:s16+$0x4F30] =	vst.msk vm10, v20;
	v60 =	vsel vm1, $0x1, v7;
	(v2sf) =	vpush v22, $0xF;
	(xrf0) =	vadd.scan.msk.s32 $0xffff, v23;
	v59, _, _ =	vpop (xrf0)  }
0xa2: {  	s23 =	spop (v2sf);
	v62 =	vsel vm9, $0x1, v7;
	vm7 =	vmand vm7, vm11;
	(v2sf) =	vpush v58, $0xF;
	(xrf0) =	vadd.scan.msk.s32 $0xffff, v60;
	v61, _, _ =	vpop (xrf0)  }
0xa3: {  	s21 =	sadd.s32 s14, s23;
	[tilespmem:s16+$0x11730] =	vst.msk vm10, v11;
	s24 =	spop (v2sf);
	v11 =	vsel vm7, $0x1, v7;
	(xrf0) =	vadd.scan.msk.s32 $0xffff, v62;
	(v2sf) =	vpush v61, $0xF  }
0xa4: {  	[tilespmem:s21+$0x6330] =	vst.msk vm6, v20;
	s17 =	spop (v2sf);
	v63, _, _ =	vpop (xrf0);
	(xrf0) =	vadd.scan.msk.s32 $0xffff, v11  }
0xa5: {  	[tilespmem:s21+$0x12B30] =	vst.msk vm6, v10;
	s19 =	sadd.s32 s13, s17;
	(v2sf) =	vpush v59, $0xF  }
0xa6: {  	[tilespmem:s19+$0x7730] =	vst.msk vm12, v20;
	(v2sf) =	vpush v63, $0xF;
	v10, _, _ =	vpop (xrf0)  }
0xa7: {  	s17 =	sadd.s32 s11, s24;
	[tilespmem:s19+$0x13F30] =	vst.msk vm12, v48;
	(v2sf) =	vpush v10, $0xF;
	v10, _, _ =	vpop (xrf0)  }
0xa8: {  	s18 =	spop (v2sf);
	[tilespmem:s17+$0x8B30] =	vst.msk vm13, v20;
	(v2sf) =	vpush v10, $0xF;
	v10, _, _ =	vpop (xrf0)  }
0xa9: {  	s15 =	sadd.s32 s12, s18;
	s20 =	spop (v2sf);
	[tilespmem:s17+$0x15330] =	vst.msk vm13, v49;
	(v2sf) =	vpush v10, $0xF;
	v10, _, _ =	vpop (xrf0)  }
0xaa: {  	s14 =	spop (v2sf);
	[tilespmem:s15+$0x9F30] =	vst.msk vm3, v20;
	(v2sf) =	vpush v10, $0xF;
	v10, _, _ =	vpop (xrf0)  }
0xab: {  	s13 =	sadd.s32 s10, s14;
	s18 =	spop (v2sf);
	[tilespmem:s15+$0x16730] =	vst.msk vm3, v52;
	(v2sf) =	vpush v10, $0xF  }
0xac: {  	s23 =	spop (v2sf);
	[tilespmem:s13+$0xB330] =	vst.msk vm14, v20  }
0xad: {  	s11 =	sadd.s32 s5, s23;
	[tilespmem:s13+$0x17B30] =	vst.msk vm14, v54  }
0xae: {  	s24 =	spop (v2sf);
	[tilespmem:s11+$0xC730] =	vst.msk vm9, v20  }
0xaf: {  	s10 =	sadd.s32 s9, s24;
	[tilespmem:s11+$0x18F30] =	vst.msk vm9, v57  }
0xb0: {  	[tilespmem:s10+$0xDB30] =	vst.msk vm7, v20;
	s9 =	spop (v2sf)  }
0xb1: {  	s8 =	sadd.s32 s8, s20;
	[tilespmem:s10+$0x1A330] =	vst.msk vm7, v56;
	s22 =	spop (v2sf);
	s12 =	sadd.s32 s16, s9  }
0xb2: {  	s5 =	sadd.s32 s7, s18;
	[tilespmem:s8+$0xEF30] =	vst.msk vm2, v20;
	s16 =	sadd.s32 $0xF, s12;
	s20 =	spop (v2sf)  }
0xb3: {  	[tilespmem:s8+$0x1B730] =	vst.msk vm2, v18;
	s14 =	sand.u32 $0xF, s16;
	s24 =	sshra.s32 s16, $0x1F;
	p4 =	slt.s32 s16, $0x1  }
0xb4: {  	[tilespmem:s5+$0x10330] =	vst.msk vm1, v20;
	s23 =	spop (v2sf);
	p2 =	sne.s32 s14, $0x0;
	s14 =	sshrl.u32 s24, $0x1C  }
0xb5: {  	[tilespmem:s5+$0x1CB30] =	vst.msk vm1, v55;
	s18 =	spop (v2sf);
	p1 =	por !p4, !p2;
	s7 =	sadd.s32 s14, s16  }
0xb6: {  	[tilespmem:s12+$0x4F30] =	vst v8;
	s14 =	simm.s32 $0x1;
	s9 =	spop (v2sf);
	p1 =	por !p1, !p1  }
0xb7: {  	[tilespmem:s12+$0x11730] =	vst v9;
	s24 =	sshra.s32 s7, $0x4;
	s16 =	spop (v2sf);
	s14 =	simm.s32 @!p1 $0x0  }
0xb8: {  	[tilespmem:s12+$0x4F40] =	vst v8;
	s7 =	spop (v2sf);
	s24 =	ssub.s32 s24, s14  }
0xb9: {  	[tilespmem:s12+$0x11740] =	vst v9;
	s14 =	spop (v2sf);
	v10 =	vmov s24  }
0xba: {  	s24 =	rddreg [dreg:$0x8];
	s12 =	spop (v2sf);
	[tilespmem:$0x1DF30] =	vst v10  }
0xbb: {  	[hbm4b:s24+s3] =	stream.linear.scatter [tilespmem:s25], [sflag:$0x1], $0x1400, $0x38;
	[tilespmem:$0x1E250] =	vst v63  }
0xbc: {  	_ =	swait.ge [sflag:s0], $0x1400  }
0xbd: {  	s21 =	sadd.s32 s21, s22;
	[sflag:s0] =	ssyncset.done $0x0  }
0xbe: {  	s24 =	simm.s32 $0x11730;
	s22 =	rddreg [dreg:$0x9];
	[sflag:s0] =	ssyncadd.s32 $0xFFFFEC00  }
0xbf: {  	[hbm4b:s22+s3] =	stream.linear.scatter [tilespmem:s24], [sflag:$0x1], $0x1400, $0x38;
	[tilespmem:$0x1E250] =	vst v63  }
0xc0: {  	s22 =	sadd.s32 $0xF, s21  }
0xc1: {  	_ =	swait.ge [sflag:s0], $0x1400;
	s24 =	sand.u32 $0xF, s22;
	p6 =	slt.s32 s22, $0x1  }
0xc2: {  	[sflag:s0] =	ssyncset.done $0x0;
	p5 =	sne.s32 s24, $0x0;
	s24 =	sshra.s32 s22, $0x1F  }
0xc3: {  	[sflag:s0] =	ssyncadd.s32 $0xFFFFEC00;
	s24 =	sshrl.u32 s24, $0x1C;
	p1 =	por !p6, !p5  }
0xc4: {  	[tilespmem:s21+$0x6330] =	vst v8;
	s22 =	sadd.s32 s24, s22;
	p1 =	por !p1, !p1;
	s24 =	simm.s32 $0x1  }
0xc5: {  	[tilespmem:s21+$0x12B30] =	vst v9;
	s22 =	sshra.s32 s22, $0x4;
	s24 =	simm.s32 @!p1 $0x0  }
0xc6: {  	[tilespmem:s21+$0x6340] =	vst v8;
	s22 =	ssub.s32 s22, s24  }
0xc7: {  	[tilespmem:s21+$0x12B40] =	vst v9;
	v10 =	vmov s22  }
0xc8: {  	s24 =	simm.s32 $0x6330;
	s22 =	rddreg [dreg:$0xa];
	[tilespmem:$0x1DF40] =	vst v10  }
0xc9: {  	[hbm4b:s22+s3] =	stream.linear.scatter [tilespmem:s24], [sflag:$0x1], $0x1400, $0x38;
	[tilespmem:$0x1E250] =	vst v63  }
0xca: {  	s19 =	sadd.s32 s19, s23;
	_ =	swait.ge [sflag:s0], $0x1400  }
0xcb: {  	s21 =	sadd.s32 $0xF, s19;
	[sflag:s0] =	ssyncset.done $0x0  }
0xcc: {  	s24 =	simm.s32 $0x12B30;
	s23 =	rddreg [dreg:$0xb];
	[sflag:s0] =	ssyncadd.s32 $0xFFFFEC00  }
0xcd: {  	[hbm4b:s23+s3] =	stream.linear.scatter [tilespmem:s24], [sflag:$0x1], $0x1400, $0x38;
	[tilespmem:$0x1E250] =	vst v63  }
0xce: {  	p4 =	slt.s32 s21, $0x1;
	s23 =	sand.u32 $0xF, s21;
	_ =	swait.ge [sflag:s0], $0x1400  }
0xcf: {  	s24 =	sshra.s32 s21, $0x1F;
	p3 =	sne.s32 s23, $0x0;
	[sflag:s0] =	ssyncset.done $0x0  }
0xd0: {  	s22 =	sshrl.u32 s24, $0x1C;
	p1 =	por !p4, !p3;
	[sflag:s0] =	ssyncadd.s32 $0xFFFFEC00  }
0xd1: {  	s21 =	sadd.s32 s22, s21;
	s22 =	simm.s32 $0x1;
	p1 =	por !p1, !p1;
	[tilespmem:s19+$0x7730] =	vst v8  }
0xd2: {  	s21 =	sshra.s32 s21, $0x4;
	[tilespmem:s19+$0x13F30] =	vst v9;
	s22 =	simm.s32 @!p1 $0x0  }
0xd3: {  	[tilespmem:s19+$0x7740] =	vst v8;
	s21 =	ssub.s32 s21, s22  }
0xd4: {  	[tilespmem:s19+$0x13F40] =	vst v9;
	v10 =	vmov s21  }
0xd5: {  	s24 =	simm.s32 $0x7730;
	s23 =	rddreg [dreg:$0xc];
	[tilespmem:$0x1DF50] =	vst v10  }
0xd6: {  	[hbm4b:s23+s3] =	stream.linear.scatter [tilespmem:s24], [sflag:$0x1], $0x1400, $0x38;
	[tilespmem:$0x1E250] =	vst v63  }
0xd7: {  	s17 =	sadd.s32 s17, s20;
	_ =	swait.ge [sflag:s0], $0x1400  }
0xd8: {  	s22 =	sadd.s32 $0xF, s17;
	[sflag:s0] =	ssyncset.done $0x0  }
0xd9: {  	s21 =	simm.s32 $0x13F30;
	s20 =	rddreg [dreg:$0xd];
	[sflag:s0] =	ssyncadd.s32 $0xFFFFEC00  }
0xda: {  	[hbm4b:s20+s3] =	stream.linear.scatter [tilespmem:s21], [sflag:$0x1], $0x1400, $0x38;
	[tilespmem:$0x1E250] =	vst v63  }
0xdb: {  	p6 =	slt.s32 s22, $0x1;
	s23 =	sand.u32 $0xF, s22;
	_ =	swait.ge [sflag:s0], $0x1400  }
0xdc: {  	s24 =	sshra.s32 s22, $0x1F;
	p5 =	sne.s32 s23, $0x0;
	[sflag:s0] =	ssyncset.done $0x0  }
0xdd: {  	p1 =	por !p6, !p5;
	s20 =	sshrl.u32 s24, $0x1C;
	[sflag:s0] =	ssyncadd.s32 $0xFFFFEC00  }
0xde: {  	p1 =	por !p1, !p1;
	s19 =	sadd.s32 s20, s22;
	s20 =	simm.s32 $0x1;
	[tilespmem:s17+$0x8B30] =	vst v8  }
0xdf: {  	s19 =	sshra.s32 s19, $0x4;
	s20 =	simm.s32 @!p1 $0x0;
	[tilespmem:s17+$0x15330] =	vst v9  }
0xe0: {  	s19 =	ssub.s32 s19, s20;
	[tilespmem:s17+$0x8B40] =	vst v8  }
0xe1: {  	[tilespmem:s17+$0x15340] =	vst v9;
	v10 =	vmov s19  }
0xe2: {  	s20 =	simm.s32 $0x8B30;
	s19 =	rddreg [dreg:$0xe];
	[tilespmem:$0x1DF60] =	vst v10  }
0xe3: {  	[hbm4b:s19+s3] =	stream.linear.scatter [tilespmem:s20], [sflag:$0x1], $0x1400, $0x38;
	[tilespmem:$0x1E250] =	vst v63  }
0xe4: {  	s15 =	sadd.s32 s15, s18;
	_ =	swait.ge [sflag:s0], $0x1400  }
0xe5: {  	s23 =	sadd.s32 $0xF, s15;
	[sflag:s0] =	ssyncset.done $0x0  }
0xe6: {  	s22 =	simm.s32 $0x15330;
	s21 =	rddreg [dreg:$0xf];
	[sflag:s0] =	ssyncadd.s32 $0xFFFFEC00  }
0xe7: {  	[hbm4b:s21+s3] =	stream.linear.scatter [tilespmem:s22], [sflag:$0x1], $0x1400, $0x38;
	[tilespmem:$0x1E250] =	vst v63  }
0xe8: {  	p4 =	slt.s32 s23, $0x1;
	s24 =	sand.u32 $0xF, s23;
	_ =	swait.ge [sflag:s0], $0x1400  }
0xe9: {  	p3 =	sne.s32 s24, $0x0;
	s19 =	sshra.s32 s23, $0x1F;
	[sflag:s0] =	ssyncset.done $0x0  }
0xea: {  	p1 =	por !p4, !p3;
	s18 =	sshrl.u32 s19, $0x1C;
	[sflag:s0] =	ssyncadd.s32 $0xFFFFEC00  }
0xeb: {  	p1 =	por !p1, !p1;
	s17 =	sadd.s32 s18, s23;
	s18 =	simm.s32 $0x1;
	[tilespmem:s15+$0x9F30] =	vst v8  }
0xec: {  	s17 =	sshra.s32 s17, $0x4;
	s18 =	simm.s32 @!p1 $0x0;
	[tilespmem:s15+$0x16730] =	vst v9  }
0xed: {  	s17 =	ssub.s32 s17, s18;
	[tilespmem:s15+$0x9F40] =	vst v8  }
0xee: {  	v10 =	vmov s17;
	[tilespmem:s15+$0x16740] =	vst v9  }
0xef: {  	s21 =	simm.s32 $0x9F30;
	s20 =	rddreg [dreg:$0x10];
	[tilespmem:$0x1DF70] =	vst v10  }
0xf0: {  	[hbm4b:s20+s3] =	stream.linear.scatter [tilespmem:s21], [sflag:$0x1], $0x1400, $0x38;
	[tilespmem:$0x1E250] =	vst v63  }
0xf1: {  	s13 =	sadd.s32 s13, s16;
	_ =	swait.ge [sflag:s0], $0x1400  }
0xf2: {  	s24 =	sadd.s32 $0xF, s13;
	[sflag:s0] =	ssyncset.done $0x0  }
0xf3: {  	s23 =	simm.s32 $0x16730;
	s22 =	rddreg [dreg:$0x11];
	[sflag:s0] =	ssyncadd.s32 $0xFFFFEC00  }
0xf4: {  	[hbm4b:s22+s3] =	stream.linear.scatter [tilespmem:s23], [sflag:$0x1], $0x1400, $0x38;
	[tilespmem:$0x1E250] =	vst v63  }
0xf5: {  	p6 =	slt.s32 s24, $0x1;
	s17 =	sand.u32 $0xF, s24;
	_ =	swait.ge [sflag:s0], $0x1400  }
0xf6: {  	s18 =	sshra.s32 s24, $0x1F;
	p5 =	sne.s32 s17, $0x0;
	[sflag:s0] =	ssyncset.done $0x0  }
0xf7: {  	s16 =	sshrl.u32 s18, $0x1C;
	p1 =	por !p6, !p5;
	[sflag:s0] =	ssyncadd.s32 $0xFFFFEC00  }
0xf8: {  	s15 =	sadd.s32 s16, s24;
	p1 =	por !p1, !p1;
	s16 =	simm.s32 $0x1;
	[tilespmem:s13+$0xB330] =	vst v8  }
0xf9: {  	s15 =	sshra.s32 s15, $0x4;
	s16 =	simm.s32 @!p1 $0x0;
	[tilespmem:s13+$0x17B30] =	vst v9  }
0xfa: {  	s15 =	ssub.s32 s15, s16;
	[tilespmem:s13+$0xB340] =	vst v8  }
0xfb: {  	v10 =	vmov s15;
	[tilespmem:s13+$0x17B40] =	vst v9  }
0xfc: {  	s20 =	simm.s32 $0xB330;
	s19 =	rddreg [dreg:$0x12];
	[tilespmem:$0x1DF80] =	vst v10  }
0xfd: {  	[hbm4b:s19+s3] =	stream.linear.scatter [tilespmem:s20], [sflag:$0x1], $0x1400, $0x38;
	[tilespmem:$0x1E250] =	vst v63  }
0xfe: {  	_ =	swait.ge [sflag:s0], $0x1400  }
0xff: {  	s11 =	sadd.s32 s11, s14;
	s22 =	simm.s32 $0x17B30;
	[sflag:s0] =	ssyncset.done $0x0  }
0x100: {  	s23 =	sadd.s32 $0xF, s11;
	s21 =	rddreg [dreg:$0x13];
	[sflag:s0] =	ssyncadd.s32 $0xFFFFEC00  }
0x101: {  	[hbm4b:s21+s3] =	stream.linear.scatter [tilespmem:s22], [sflag:$0x1], $0x1400, $0x38;
	[tilespmem:$0x1E250] =	vst v63  }
0x102: {  	s24 =	sand.u32 $0xF, s23;
	s15 =	sshra.s32 s23, $0x1F;
	_ =	swait.ge [sflag:s0], $0x1400  }
0x103: {  	p4 =	slt.s32 s23, $0x1;
	p3 =	sne.s32 s24, $0x0;
	[sflag:s0] =	ssyncset.done $0x0  }
0x104: {  	s14 =	sshrl.u32 s15, $0x1C;
	p1 =	por !p4, !p3;
	[sflag:s0] =	ssyncadd.s32 $0xFFFFEC00  }
0x105: {  	s13 =	sadd.s32 s14, s23;
	p1 =	por !p1, !p1;
	s14 =	simm.s32 $0x1;
	[tilespmem:s11+$0xC730] =	vst v8  }
0x106: {  	s13 =	sshra.s32 s13, $0x4;
	s14 =	simm.s32 @!p1 $0x0;
	[tilespmem:s11+$0x18F30] =	vst v9  }
0x107: {  	s13 =	ssub.s32 s13, s14;
	[tilespmem:s11+$0xC740] =	vst v8  }
0x108: {  	v10 =	vmov s13;
	[tilespmem:s11+$0x18F40] =	vst v9  }
0x109: {  	s17 =	simm.s32 $0xC730;
	s16 =	rddreg [dreg:$0x14];
	[tilespmem:$0x1DF90] =	vst v10  }
0x10a: {  	[hbm4b:s16+s3] =	stream.linear.scatter [tilespmem:s17], [sflag:$0x1], $0x1400, $0x38;
	[tilespmem:$0x1E250] =	vst v63  }
0x10b: {  	_ =	swait.ge [sflag:s0], $0x1400  }
0x10c: {  	s10 =	sadd.s32 s10, s12;
	s19 =	simm.s32 $0x18F30;
	[sflag:s0] =	ssyncset.done $0x0  }
0x10d: {  	s20 =	sadd.s32 $0xF, s10;
	s18 =	rddreg [dreg:$0x15];
	[sflag:s0] =	ssyncadd.s32 $0xFFFFEC00  }
0x10e: {  	[hbm4b:s18+s3] =	stream.linear.scatter [tilespmem:s19], [sflag:$0x1], $0x1400, $0x38;
	[tilespmem:$0x1E250] =	vst v63  }
0x10f: {  	p6 =	slt.s32 s20, $0x1;
	s21 =	sand.u32 $0xF, s20;
	_ =	swait.ge [sflag:s0], $0x1400  }
0x110: {  	s22 =	sshra.s32 s20, $0x1F;
	p5 =	sne.s32 s21, $0x0;
	[sflag:s0] =	ssyncset.done $0x0  }
0x111: {  	s12 =	sshrl.u32 s22, $0x1C;
	p1 =	por !p6, !p5;
	[sflag:s0] =	ssyncadd.s32 $0xFFFFEC00  }
0x112: {  	p1 =	por !p1, !p1;
	s11 =	sadd.s32 s12, s20;
	s12 =	simm.s32 $0x1;
	[tilespmem:s10+$0xDB30] =	vst v8  }
0x113: {  	s11 =	sshra.s32 s11, $0x4;
	s12 =	simm.s32 @!p1 $0x0;
	[tilespmem:s10+$0x1A330] =	vst v9  }
0x114: {  	s11 =	ssub.s32 s11, s12;
	[tilespmem:s10+$0xDB40] =	vst v8  }
0x115: {  	v10 =	vmov s11;
	[tilespmem:s10+$0x1A340] =	vst v9  }
0x116: {  	s24 =	simm.s32 $0xDB30;
	s23 =	rddreg [dreg:$0x16];
	[tilespmem:$0x1DFA0] =	vst v10  }
0x117: {  	[hbm4b:s23+s3] =	stream.linear.scatter [tilespmem:s24], [sflag:$0x1], $0x1400, $0x38;
	[tilespmem:$0x1E250] =	vst v63  }
0x118: {  	s8 =	sadd.s32 s8, s9;
	_ =	swait.ge [sflag:s0], $0x1400  }
0x119: {  	s13 =	sadd.s32 $0xF, s8;
	[sflag:s0] =	ssyncset.done $0x0  }
0x11a: {  	s12 =	simm.s32 $0x1A330;
	s11 =	rddreg [dreg:$0x17];
	[sflag:s0] =	ssyncadd.s32 $0xFFFFEC00  }
0x11b: {  	[hbm4b:s11+s3] =	stream.linear.scatter [tilespmem:s12], [sflag:$0x1], $0x1400, $0x38;
	[tilespmem:$0x1E250] =	vst v63  }
0x11c: {  	s14 =	sand.u32 $0xF, s13;
	s15 =	sshra.s32 s13, $0x1F;
	_ =	swait.ge [sflag:s0], $0x1400  }
0x11d: {  	p4 =	slt.s32 s13, $0x1;
	p3 =	sne.s32 s14, $0x0;
	[sflag:s0] =	ssyncset.done $0x0  }
0x11e: {  	p1 =	por !p4, !p3;
	s10 =	sshrl.u32 s15, $0x1C;
	[sflag:s0] =	ssyncadd.s32 $0xFFFFEC00  }
0x11f: {  	p1 =	por !p1, !p1;
	s9 =	sadd.s32 s10, s13;
	s10 =	simm.s32 $0x1;
	[tilespmem:s8+$0xEF30] =	vst v8  }
0x120: {  	s9 =	sshra.s32 s9, $0x4;
	s10 =	simm.s32 @!p1 $0x0;
	[tilespmem:s8+$0x1B730] =	vst v9  }
0x121: {  	s9 =	ssub.s32 s9, s10;
	[tilespmem:s8+$0xEF40] =	vst v8  }
0x122: {  	v10 =	vmov s9;
	[tilespmem:s8+$0x1B740] =	vst v9  }
0x123: {  	s17 =	simm.s32 $0xEF30;
	s16 =	rddreg [dreg:$0x18];
	[tilespmem:$0x1DFB0] =	vst v10  }
0x124: {  	[hbm4b:s16+s3] =	stream.linear.scatter [tilespmem:s17], [sflag:$0x1], $0x1400, $0x38;
	[tilespmem:$0x1E250] =	vst v63  }
0x125: {  	_ =	swait.ge [sflag:s0], $0x1400  }
0x126: {  	s5 =	sadd.s32 s5, s7;
	[sflag:s0] =	ssyncset.done $0x0  }
0x127: {  	s18 =	simm.s32 $0x1B730;
	s19 =	sadd.s32 $0xF, s5;
	[sflag:s0] =	ssyncadd.s32 $0xFFFFEC00  }
0x128: {  	[hbm4b:s26+s3] =	stream.linear.scatter [tilespmem:s18], [sflag:$0x1], $0x1400, $0x38;
	[tilespmem:$0x1E250] =	vst v63  }
0x129: {  	s20 =	sand.u32 $0xF, s19;
	s21 =	sshra.s32 s19, $0x1F;
	_ =	swait.ge [sflag:s0], $0x1400  }
0x12a: {  	p6 =	slt.s32 s19, $0x1;
	p5 =	sne.s32 s20, $0x0;
	[sflag:s0] =	ssyncset.done $0x0  }
0x12b: {  	p1 =	por !p6, !p5;
	s8 =	sshrl.u32 s21, $0x1C;
	[sflag:s0] =	ssyncadd.s32 $0xFFFFEC00  }
0x12c: {  	p1 =	por !p1, !p1;
	s7 =	sadd.s32 s8, s19;
	s8 =	simm.s32 $0x1;
	[tilespmem:s5+$0x10330] =	vst v8  }
0x12d: {  	s7 =	sshra.s32 s7, $0x4;
	s8 =	simm.s32 @!p1 $0x0;
	[tilespmem:s5+$0x1CB30] =	vst v9  }
0x12e: {  	s7 =	ssub.s32 s7, s8;
	[tilespmem:s5+$0x10340] =	vst v8  }
0x12f: {  	v10 =	vmov s7;
	[tilespmem:s5+$0x1CB40] =	vst v9  }
0x130: {  	s22 =	simm.s32 $0x10330;
	[tilespmem:$0x1DFC0] =	vst v10  }
0x131: {  	[hbm4b:s28+s3] =	stream.linear.scatter [tilespmem:s22], [sflag:$0x1], $0x1400, $0x38;
	[tilespmem:$0x1E250] =	vst v63  }
0x132: {  	_ =	swait.ge [sflag:s0], $0x1400  }
0x133: {  	[sflag:s0] =	ssyncset.done $0x0  }
0x134: {  	s23 =	simm.s32 $0x1CB30;
	[sflag:s0] =	ssyncadd.s32 $0xFFFFEC00  }
0x135: {  	[hbm4b:s29+s3] =	stream.linear.scatter [tilespmem:s23], [sflag:$0x1], $0x1400, $0x38;
	[tilespmem:$0x1E250] =	vst v63  }
0x136: {  	s4 =	sadd.s32 $0x1, s4;
	_ =	swait.ge [sflag:s0], $0x1400  }
0x137: {  	p1 =	sne.s32 s4, s31;
	[sflag:s0] =	ssyncset.done $0x0  }
.Ltmp3:
0x138: {  	s24 =	simm.s32 $0x1DF30;
	[sflag:s0] =	ssyncadd.s32 $0xFFFFEC00;
	(pc) =	sbr.rel @p1 .LBB2_1-.Ltmp3, $4  }
0x139: {  	[hbm4b:s30+s3] =	stream.linear.scatter [tilespmem:s24], [sflag:$0x1], $0xA0, $0x38;
	[tilespmem:$0x1E250] =	vst v63  }
0x13a: {  	_ =	swait.ge [sflag:s0], $0xA0  }
0x13b: {  	[sflag:s0] =	ssyncset.done $0x0  }
0x13c: {  	[sflag:s0] =	ssyncadd.s32 $0xFFFFFF60  }
0x13d: {  	_ =	sfence.sel $0x180000  }
0x13e: {  	[bflag:$0x0] =	sbarrier.arrive $0xFFFF  }
0x13f: {  	_ =	strace $0x90000047  }
0x140: {  	s0 =	stileid.u32;
	[bflag:$0x2] =	sbarrier.arrive $0xFFFF  }
0x141: {  	p0 =	sne.s32 s0, $0x0;
	s0 =	rddreg [dreg:$0x2]  }
0x142: {  	s0 =	sadd.s32 @!p0 $0x100000, s0  }
0x143: {  	[sflag:s0] =	ssyncadd.tile.s32 @!p0 $0x1;
	_ =	shalt  }
.Lfunc_end2:
_tile_overlayer_lowered:
.L_overlay_start_2:
0x144: {  	(tag) =	ssettag $0x2  }
0x145: {  	s0 =	rddreg [dreg:$0x0];
	s2 =	stileid.u32  }
0x146: {  	s1 =	rddreg [dreg:$0x1];
	p0 =	sne.s32 s2, $0x0  }
0x147: {  	s3 =	rddreg [dreg:$0x2];
	[bflag:$0x3] =	sbarrier.arrive $0xFFFF;
	s2 =	simm.s32 @!p0 $0x1C01  }
0x148: {  	[timem:s3], [sflag:s2] =	dma.local @!p0 [hbm:s0], s1  }
0x149: {  	s0 =	simm.s32 @!p0 $0x1  }
0x14a: {  	_ =	swait.ge @!p0 [sflag:s0], s1  }
0x14b: {  	s1 =	ssub.s32 @!p0 $0x0, s1;
	[sflag:s0] =	ssyncset.done @!p0 $0x0  }
0x14c: {  	[sflag:s0] =	ssyncadd.s32 @!p0 s1  }
0x14d: {  	[bflag:$0x3] =	sbarrier.arrive $0xFFFF  }
0x14e: {  	_ =	shalt  }

</sc_bundles>
